<compile_context>
chip_gen: v7x
topology: tpu7x:2x2x1
jax: 0.10.2.dev20260603
libtpu: 0.0.44.dev20260713+nightly
codegen_flags: <defaults>
</compile_context>

<pallas_src>
import functools

import jax
import jax.numpy as jnp
from jax import lax
from jax.experimental import pallas as pl
from jax.experimental.pallas import tpu as pltpu
from jax.experimental.pallas import tpu_sc as plsc

NC = 2
NS = 16
NW = NC * NS
LANES = 16
CHUNK = 128
NG = 2
NO = 2


def _make_sc_kernel(n_rows, max_len, emb_dim):
    assert n_rows % (NW * CHUNK) == 0
    assert emb_dim % LANES == 0 and 128 % emb_dim == 0
    per_row = 128 // emb_dim
    rows_per_w = n_rows // NW
    chunks_per_w = rows_per_w // CHUNK
    assert chunks_per_w % NG == 0 and chunks_per_w % NO == 0
    n_slices = emb_dim // LANES
    opair_per_chunk = CHUNK // per_row
    pe_pairs = max_len // per_row
    mesh = plsc.VectorSubcoreMesh(core_axis_name="c", subcore_axis_name="s")

    @functools.partial(
        pl.kernel,
        mesh=mesh,
        out_type=jax.ShapeDtypeStruct((n_rows // per_row, 128), jnp.float32),
        scratch_types=[
            pltpu.VMEM((chunks_per_w, CHUNK), jnp.int32),
            [pltpu.VMEM((CHUNK,), jnp.int32) for _ in range(NG)],
            [pltpu.VMEM((CHUNK, 128), jnp.float32) for _ in range(NG)],
            [pltpu.VMEM((opair_per_chunk, 128), jnp.float32) for _ in range(NO)],
            pltpu.VMEM((2 * pe_pairs, 128), jnp.float32),
            [pltpu.SemaphoreType.DMA for _ in range(NG)],
            [pltpu.SemaphoreType.DMA for _ in range(NO)],
        ],
        compiler_params=pltpu.CompilerParams(use_tc_tiling_on_sc=True),
    )
    def k(x_hbm, table_hbm, pe_hbm, out_hbm, idx_v, hidx, gbufs, obufs, pe_v,
          gsems, ssems):
        wid = lax.axis_index("s") * NC + lax.axis_index("c")
        obase = wid * (rows_per_w // per_row)
        pltpu.sync_copy(x_hbm.at[pl.ds(wid * chunks_per_w, chunks_per_w)], idx_v)
        pltpu.sync_copy(pe_hbm, pe_v.at[pl.ds(0, pe_pairs)])
        pltpu.sync_copy(pe_hbm, pe_v.at[pl.ds(pe_pairs, pe_pairs)])

        def start_gather(c, g):
            @plsc.parallel_loop(0, CHUNK // LANES, step=1, unroll=2)
            def _(i):
                sl = pl.ds(i * LANES, LANES)
                hidx[g][sl] = jax.lax.shift_right_logical(idx_v[c, sl], 1)

            pltpu.async_copy(table_hbm.at[hidx[g]], gbufs[g], gsems[g])

        def out_slice(c):
            return out_hbm.at[pl.ds(obase + c * opair_per_chunk, opair_per_chunk)]

        for g in range(NG - 1):
            start_gather(g, g)

        def chunk_step(c, g, o):
            @pl.when(c + NG - 1 < chunks_per_w)
            def _():
                start_gather(c + NG - 1, (g + NG - 1) % NG)

            gbuf, obuf = gbufs[g], obufs[o]
            pltpu.make_async_copy(table_hbm.at[hidx[g]], gbuf, gsems[g]).wait()

            @pl.when(c >= NO)
            def _():
                pltpu.make_async_copy(obuf, out_slice(c - NO), ssems[o]).wait()

            pstart = lax.rem(c * opair_per_chunk, pe_pairs)

            @plsc.parallel_loop(0, CHUNK // LANES, step=1, unroll=2)
            def _(rg):
                r0 = rg * LANES
                vec = idx_v[c, pl.ds(r0, LANES)]
                for l in range(LANES):
                    rp = jax.lax.shift_right_logical(r0, 1) + (l >> 1)
                    half = (l & 1) * emb_dim
                    src_half = (vec[l] & (per_row - 1)) * emb_dim
                    p = pstart + rp
                    for j in range(n_slices):
                        obuf[rp, pl.ds(half + j * LANES, LANES)] = (
                            gbuf[r0 + l, pl.ds(src_half + j * LANES, LANES)]
                            + pe_v[p, pl.ds(half + j * LANES, LANES)]
                        )

            pltpu.async_copy(obuf, out_slice(c), ssems[o])

        def group_body(q, carry):
            c0 = q * NG
            for b in range(NG):
                chunk_step(c0 + b, b, b % NO)
            return carry

        lax.fori_loop(0, chunks_per_w // NG, group_body, 0)

        for b in range(NO):
            c = chunks_per_w - NO + b
            pltpu.make_async_copy(obufs[c % NO], out_slice(c), ssems[c % NO]).wait()

    return k


def kernel(x, table, pe):
    batch, max_len = x.shape
    n_vocab, emb_dim = table.shape
    n_rows = batch * max_len
    per_row = 128 // emb_dim
    x_flat = x.reshape(n_rows // CHUNK, CHUNK).astype(jnp.int32)
    table_p = table.reshape(n_vocab // per_row, 128)
    pe_p = pe.reshape(max_len // per_row, 128).astype(jnp.float32)
    k = _make_sc_kernel(n_rows, max_len, emb_dim)
    out = k(x_flat, table_p, pe_p)
    return out.reshape(batch, max_len, emb_dim)

# --- scband reference (transcript-rebuilt; emitter-appended) ---
"""Pipeline reference for scband-position-embedding-56727928046251 (READ-ONLY COPY).

The authoritative reference and input builder live on the scoring server;
editing this copy changes nothing except your own understanding.
"""

import jax, jax.numpy as jnp
import numpy as np

MAX_LEN = 200
EMB_DIM = 64
N_VOCAB = 1000000
BATCH = 4096

def _make_pe():
    pos = np.expand_dims(np.arange(MAX_LEN), axis=1)
    pe = pos / np.power(1000, 2 * np.expand_dims(np.arange(EMB_DIM) // 2, axis=0) / EMB_DIM)
    pe[:, 0::2] = np.sin(pe[:, 0::2])
    pe[:, 1::2] = np.cos(pe[:, 1::2])
    pe = np.expand_dims(pe, axis=0)
    return jnp.asarray(pe, dtype=jnp.float32)

def setup_inputs(seed: int = 0) -> dict:
    key = jax.random.key(seed)
    k_x, k_w = jax.random.split(key)
    x = jax.random.randint(k_x, (BATCH, MAX_LEN), 0, N_VOCAB, dtype=jnp.int64) if jax.config.jax_enable_x64 else jax.random.randint(k_x, (BATCH, MAX_LEN), 0, N_VOCAB, dtype=jnp.int32)
    table = jax.random.normal(k_w, (N_VOCAB, EMB_DIM), dtype=jnp.float32) * 0.1
    pe = _make_pe()
    return {"x": x, "table": table, "pe": pe}

def reference(x, table, pe):
    # embedding lookup (gather) + broadcast add of positional encoding
    x_embed = jnp.take(table, x, axis=0) + pe
    return x_embed

if __name__ == "__main__":
    import jax
    _d = setup_inputs()
    print(jax.jit(kernel)(*tuple(_d.values())))

</pallas_src>

<mosaic_0001>
#map = affine_map<(d0, d1) -> (0, 0)>
module attributes {stable_mosaic.version = 14 : i64} {
  func.func @k(%arg0: i32, %arg1: i32, %arg2: memref<6400x128xi32, #tpu.memory_space<hbm>>, %arg3: memref<500000x128xf32, #tpu.memory_space<hbm>>, %arg4: memref<100x128xf32, #tpu.memory_space<hbm>>, %arg5: memref<409600x128xf32, #tpu.memory_space<hbm>>, %arg6: memref<200x128xi32, #tpu.memory_space<vmem>>, %arg7: memref<128xi32, #tpu.memory_space<vmem>>, %arg8: memref<128xi32, #tpu.memory_space<vmem>>, %arg9: memref<128x128xf32, #tpu.memory_space<vmem>>, %arg10: memref<128x128xf32, #tpu.memory_space<vmem>>, %arg11: memref<64x128xf32, #tpu.memory_space<vmem>>, %arg12: memref<64x128xf32, #tpu.memory_space<vmem>>, %arg13: memref<200x128xf32, #tpu.memory_space<vmem>>, %arg14: memref<!tpu.dma_semaphore, #tpu.memory_space<semaphore_mem>>, %arg15: memref<!tpu.dma_semaphore, #tpu.memory_space<semaphore_mem>>, %arg16: memref<!tpu.dma_semaphore, #tpu.memory_space<semaphore_mem>>, %arg17: memref<!tpu.dma_semaphore, #tpu.memory_space<semaphore_mem>>) attributes {dimension_semantics = [#tpu.dimension_semantics<core_parallel>, #tpu.dimension_semantics<subcore_parallel>], iteration_bounds = array<i64: 2, 16>, scalar_prefetch = 0 : i64, scratch_operands = 12 : i64, tpu.core_type = #tpu.core_type<sc_vector_subcore>, window_params = [{transform_indices = #map}, {transform_indices = #map}, {transform_indices = #map}, {transform_indices = #map}]} {
    %mul3A = arith.constant 2 : i32
    %mul3A_0 = arith.muli %arg1, %mul3A : i32
    %add3A = arith.addi %mul3A_0, %arg0 : i32
    %mul3A_1 = arith.constant 12800 : i32
    %mul3A_2 = arith.muli %add3A, %mul3A_1 : i32
    %mul3A_3 = arith.constant 200 : i32
    %mul3A_4 = arith.muli %add3A, %mul3A_3 : i32
    "tpu.region"() ({
      %run_scoped3A = tpu.sem_alloc : memref<!tpu.dma_semaphore, #tpu.memory_space<semaphore_mem>>
      %dma_start3A_25 = arith.constant 0 : i32
      %dma_start3A_26 = tpu.memref_slice %arg2[%mul3A_4, %dma_start3A_25] : memref<6400x128xi32, #tpu.memory_space<hbm>> -> memref<200x128xi32, #tpu.memory_space<hbm>>
      %dma_start3A_27 = arith.constant 0 : i32
      %dma_start3A_28 = tpu.memref_slice %arg2[%mul3A_4, %dma_start3A_27] : memref<6400x128xi32, #tpu.memory_space<hbm>> -> memref<200x128xi32, #tpu.memory_space<hbm>>
      tpu.enqueue_dma source(%dma_start3A_28 : memref<200x128xi32, #tpu.memory_space<hbm>>) target(%arg6 : memref<200x128xi32, #tpu.memory_space<vmem>>) target_semaphore(%run_scoped3A : memref<!tpu.dma_semaphore, #tpu.memory_space<semaphore_mem>>)
      %dma_wait3A_29 = arith.constant 0 : i32
      %dma_wait3A_30 = tpu.memref_slice %arg2[%mul3A_4, %dma_wait3A_29] : memref<6400x128xi32, #tpu.memory_space<hbm>> -> memref<200x128xi32, #tpu.memory_space<hbm>>
      %dma_wait3A_31 = arith.constant 0 : i32
      %dma_wait3A_32 = tpu.memref_slice %arg2[%mul3A_4, %dma_wait3A_31] : memref<6400x128xi32, #tpu.memory_space<hbm>> -> memref<200x128xi32, #tpu.memory_space<hbm>>
      tpu.wait_dma2 semaphore(%run_scoped3A : memref<!tpu.dma_semaphore, #tpu.memory_space<semaphore_mem>>) src(%dma_wait3A_32 : memref<200x128xi32, #tpu.memory_space<hbm>>) dst(%arg6 : memref<200x128xi32, #tpu.memory_space<vmem>>)
      tpu.yield
    }) : () -> ()
    "tpu.region"() ({
      %run_scoped3A = tpu.sem_alloc : memref<!tpu.dma_semaphore, #tpu.memory_space<semaphore_mem>>
      %dma_start3A_25 = arith.constant 0 : i32
      %dma_start3A_26 = arith.constant 0 : i32
      %dma_start3A_27 = tpu.memref_slice %arg13[%dma_start3A_25, %dma_start3A_26] : memref<200x128xf32, #tpu.memory_space<vmem>> -> memref<100x128xf32, #tpu.memory_space<vmem>>
      %dma_start3A_28 = arith.constant 0 : i32
      %dma_start3A_29 = arith.constant 0 : i32
      %dma_start3A_30 = tpu.memref_slice %arg13[%dma_start3A_28, %dma_start3A_29] : memref<200x128xf32, #tpu.memory_space<vmem>> -> memref<100x128xf32, #tpu.memory_space<vmem>>
      tpu.enqueue_dma source(%arg4 : memref<100x128xf32, #tpu.memory_space<hbm>>) target(%dma_start3A_30 : memref<100x128xf32, #tpu.memory_space<vmem>>) target_semaphore(%run_scoped3A : memref<!tpu.dma_semaphore, #tpu.memory_space<semaphore_mem>>)
      %dma_wait3A_31 = arith.constant 0 : i32
      %dma_wait3A_32 = arith.constant 0 : i32
      %dma_wait3A_33 = tpu.memref_slice %arg13[%dma_wait3A_31, %dma_wait3A_32] : memref<200x128xf32, #tpu.memory_space<vmem>> -> memref<100x128xf32, #tpu.memory_space<vmem>>
      %dma_wait3A_34 = arith.constant 0 : i32
      %dma_wait3A_35 = arith.constant 0 : i32
      %dma_wait3A_36 = tpu.memref_slice %arg13[%dma_wait3A_34, %dma_wait3A_35] : memref<200x128xf32, #tpu.memory_space<vmem>> -> memref<100x128xf32, #tpu.memory_space<vmem>>
      tpu.wait_dma2 semaphore(%run_scoped3A : memref<!tpu.dma_semaphore, #tpu.memory_space<semaphore_mem>>) src(%arg4 : memref<100x128xf32, #tpu.memory_space<hbm>>) dst(%dma_wait3A_36 : memref<100x128xf32, #tpu.memory_space<vmem>>)
      tpu.yield
    }) : () -> ()
    "tpu.region"() ({
      %run_scoped3A = tpu.sem_alloc : memref<!tpu.dma_semaphore, #tpu.memory_space<semaphore_mem>>
      %dma_start3A_25 = arith.constant 100 : i32
      %dma_start3A_26 = arith.constant 0 : i32
      %dma_start3A_27 = tpu.memref_slice %arg13[%dma_start3A_25, %dma_start3A_26] : memref<200x128xf32, #tpu.memory_space<vmem>> -> memref<100x128xf32, #tpu.memory_space<vmem>>
      %dma_start3A_28 = arith.constant 100 : i32
      %dma_start3A_29 = arith.constant 0 : i32
      %dma_start3A_30 = tpu.memref_slice %arg13[%dma_start3A_28, %dma_start3A_29] : memref<200x128xf32, #tpu.memory_space<vmem>> -> memref<100x128xf32, #tpu.memory_space<vmem>>
      tpu.enqueue_dma source(%arg4 : memref<100x128xf32, #tpu.memory_space<hbm>>) target(%dma_start3A_30 : memref<100x128xf32, #tpu.memory_space<vmem>>) target_semaphore(%run_scoped3A : memref<!tpu.dma_semaphore, #tpu.memory_space<semaphore_mem>>)
      %dma_wait3A_31 = arith.constant 100 : i32
      %dma_wait3A_32 = arith.constant 0 : i32
      %dma_wait3A_33 = tpu.memref_slice %arg13[%dma_wait3A_31, %dma_wait3A_32] : memref<200x128xf32, #tpu.memory_space<vmem>> -> memref<100x128xf32, #tpu.memory_space<vmem>>
      %dma_wait3A_34 = arith.constant 100 : i32
      %dma_wait3A_35 = arith.constant 0 : i32
      %dma_wait3A_36 = tpu.memref_slice %arg13[%dma_wait3A_34, %dma_wait3A_35] : memref<200x128xf32, #tpu.memory_space<vmem>> -> memref<100x128xf32, #tpu.memory_space<vmem>>
      tpu.wait_dma2 semaphore(%run_scoped3A : memref<!tpu.dma_semaphore, #tpu.memory_space<semaphore_mem>>) src(%arg4 : memref<100x128xf32, #tpu.memory_space<hbm>>) dst(%dma_wait3A_36 : memref<100x128xf32, #tpu.memory_space<vmem>>)
      tpu.yield
    }) : () -> ()
    %parallel_loop3A = arith.constant 0 : i32
    %parallel_loop3A_5 = arith.constant 8 : i32
    %parallel_loop3A_6 = arith.constant 1 : i32
    scf.for %parallel_loop3A_25 = %parallel_loop3A to %parallel_loop3A_5 step %parallel_loop3A_6  : i32 {
      %parallel_loop3A_26 = arith.constant 16 : i32
      %parallel_loop3A_27 = arith.muli %parallel_loop3A_25, %parallel_loop3A_26 : i32
      %parallel_loop3A_28 = arith.constant 0 : i32
      %parallel_loop3A_29 = arith.index_cast %parallel_loop3A_28 : i32 to index
      %parallel_loop3A_30 = arith.index_cast %parallel_loop3A_27 : i32 to index
      %parallel_loop3A_31 = tpu.vector_load %arg6[%parallel_loop3A_29, %parallel_loop3A_30] {strides = array<i32>} : memref<200x128xi32, #tpu.memory_space<vmem>>, vector<1x16xi32>,
      %parallel_loop3A_32 = vector.shape_cast %parallel_loop3A_31 : vector<1x16xi32> to vector<16xi32>
      %parallel_loop3A_33 = arith.constant 1 : i32
      %parallel_loop3A_34 = vector.broadcast %parallel_loop3A_33 : i32 to vector<16xi32>
      %parallel_loop3A_35 = arith.shrui %parallel_loop3A_32, %parallel_loop3A_34 : vector<16xi32>
      %parallel_loop3A_36 = arith.index_cast %parallel_loop3A_27 : i32 to index
      %parallel_loop3A_37 = tpu.vector_load %arg7[%parallel_loop3A_36] {strides = array<i32>} : memref<128xi32, #tpu.memory_space<vmem>>, vector<16xi32>,
      %parallel_loop3A_38 = vector.shape_cast %parallel_loop3A_37 : vector<16xi32> to vector<16xi32>
      %parallel_loop3A_39 = vector.shape_cast %parallel_loop3A_35 : vector<16xi32> to vector<16xi32>
      tpu.vector_store %arg7[%parallel_loop3A_36], %parallel_loop3A_39 {strides = array<i32>} : memref<128xi32, #tpu.memory_space<vmem>>, vector<16xi32>,
    } {sc.loop_unroll_factor = 2 : i64, sc.parallel_access}
    %dma_start3A = arith.constant 0 : i32
    %dma_start3A_7 = arith.constant 0 : i32
    %dma_start3A_8 = tpu.memref_slice %arg3[%dma_start3A, %dma_start3A_7] : memref<500000x128xf32, #tpu.memory_space<hbm>> -> memref<500000x128xf32, #tpu.memory_space<hbm>>
    tpu.enqueue_indirect_dma source(%dma_start3A_8 : memref<500000x128xf32, #tpu.memory_space<hbm>>) target(%arg9 : memref<128x128xf32, #tpu.memory_space<vmem>>) offsets(%arg7 : memref<128xi32, #tpu.memory_space<vmem>>) semaphore(%arg14 : memref<!tpu.dma_semaphore, #tpu.memory_space<semaphore_mem>>)
    %scan3A = arith.constant 0 : i32
    %scan3A_9 = arith.constant 0 : i32
    %scan3A_10 = arith.constant 100 : i32
    %scan3A_11 = arith.addi %scan3A_9, %scan3A_10 : i32
    %scan3A_12 = arith.constant 1 : i32
    scf.for %scan3A_25 = %scan3A_9 to %scan3A_11 step %scan3A_12  : i32 {
      %mul3A_26 = arith.constant 2 : i32
      %mul3A_27 = arith.muli %scan3A_25, %mul3A_26 : i32
      %add3A_28 = arith.constant 0 : i32
      %add3A_29 = arith.addi %mul3A_27, %add3A_28 : i32
      %add3A_30 = arith.constant 2 : i32
      %add3A_31 = arith.addi %add3A_29, %add3A_30 : i32
      %sub3A = arith.constant 1 : i32
      %sub3A_32 = arith.subi %add3A_31, %sub3A : i32
      %lt3A = arith.constant 200 : i32
      %lt3A_33 = arith.cmpi slt, %sub3A_32, %lt3A : i32
      %convert_element_type3A = arith.extui %lt3A_33 : i1 to i32
      %cond3A = arith.constant 0 : i32
      %cond3A_34 = arith.cmpi ne, %convert_element_type3A, %cond3A : i32
      scf.if %cond3A_34 {
        %add3A_88 = arith.constant 2 : i32
        %add3A_89 = arith.addi %add3A_29, %add3A_88 : i32
        %sub3A_90 = arith.constant 1 : i32
        %sub3A_91 = arith.subi %add3A_89, %sub3A_90 : i32
        %parallel_loop3A_92 = arith.constant 0 : i32
        %parallel_loop3A_93 = arith.constant 8 : i32
        %parallel_loop3A_94 = arith.constant 1 : i32
        scf.for %parallel_loop3A_98 = %parallel_loop3A_92 to %parallel_loop3A_93 step %parallel_loop3A_94  : i32 {
          %parallel_loop3A_99 = arith.constant 16 : i32
          %parallel_loop3A_100 = arith.muli %parallel_loop3A_98, %parallel_loop3A_99 : i32
          %parallel_loop3A_101 = arith.index_cast %sub3A_91 : i32 to index
          %parallel_loop3A_102 = arith.index_cast %parallel_loop3A_100 : i32 to index
          %parallel_loop3A_103 = tpu.vector_load %arg6[%parallel_loop3A_101, %parallel_loop3A_102] {strides = array<i32>} : memref<200x128xi32, #tpu.memory_space<vmem>>, vector<1x16xi32>,
          %parallel_loop3A_104 = vector.shape_cast %parallel_loop3A_103 : vector<1x16xi32> to vector<16xi32>
          %parallel_loop3A_105 = arith.constant 1 : i32
          %parallel_loop3A_106 = vector.broadcast %parallel_loop3A_105 : i32 to vector<16xi32>
          %parallel_loop3A_107 = arith.shrui %parallel_loop3A_104, %parallel_loop3A_106 : vector<16xi32>
          %parallel_loop3A_108 = arith.index_cast %parallel_loop3A_100 : i32 to index
          %parallel_loop3A_109 = tpu.vector_load %arg8[%parallel_loop3A_108] {strides = array<i32>} : memref<128xi32, #tpu.memory_space<vmem>>, vector<16xi32>,
          %parallel_loop3A_110 = vector.shape_cast %parallel_loop3A_109 : vector<16xi32> to vector<16xi32>
          %parallel_loop3A_111 = vector.shape_cast %parallel_loop3A_107 : vector<16xi32> to vector<16xi32>
          tpu.vector_store %arg8[%parallel_loop3A_108], %parallel_loop3A_111 {strides = array<i32>} : memref<128xi32, #tpu.memory_space<vmem>>, vector<16xi32>,
        } {sc.loop_unroll_factor = 2 : i64, sc.parallel_access}
        %dma_start3A_95 = arith.constant 0 : i32
        %dma_start3A_96 = arith.constant 0 : i32
        %dma_start3A_97 = tpu.memref_slice %arg3[%dma_start3A_95, %dma_start3A_96] : memref<500000x128xf32, #tpu.memory_space<hbm>> -> memref<500000x128xf32, #tpu.memory_space<hbm>>
        tpu.enqueue_indirect_dma source(%dma_start3A_97 : memref<500000x128xf32, #tpu.memory_space<hbm>>) target(%arg10 : memref<128x128xf32, #tpu.memory_space<vmem>>) offsets(%arg8 : memref<128xi32, #tpu.memory_space<vmem>>) semaphore(%arg15 : memref<!tpu.dma_semaphore, #tpu.memory_space<semaphore_mem>>)
      } else {
      }
      %dma_wait3A_35 = arith.constant 0 : i32
      %dma_wait3A_36 = arith.constant 0 : i32
      %dma_wait3A_37 = tpu.memref_slice %arg3[%dma_wait3A_35, %dma_wait3A_36] : memref<500000x128xf32, #tpu.memory_space<hbm>> -> memref<500000x128xf32, #tpu.memory_space<hbm>>
      tpu.wait_indirect_dma semaphore(%arg14 : memref<!tpu.dma_semaphore, #tpu.memory_space<semaphore_mem>>) src(%dma_wait3A_37 : memref<500000x128xf32, #tpu.memory_space<hbm>>) dst(%arg9 : memref<128x128xf32, #tpu.memory_space<vmem>>)
      %ge3A = arith.constant 2 : i32
      %ge3A_38 = arith.cmpi sge, %add3A_29, %ge3A : i32
      %convert_element_type3A_39 = arith.extui %ge3A_38 : i1 to i32
      %cond3A_40 = arith.constant 0 : i32
      %cond3A_41 = arith.cmpi ne, %convert_element_type3A_39, %cond3A_40 : i32
      scf.if %cond3A_41 {
        %sub3A_88 = arith.constant 2 : i32
        %sub3A_89 = arith.subi %add3A_29, %sub3A_88 : i32
        %mul3A_90 = arith.constant 64 : i32
        %mul3A_91 = arith.muli %sub3A_89, %mul3A_90 : i32
        %add3A_92 = arith.addi %mul3A_2, %mul3A_91 : i32
        %dma_wait3A_93 = arith.constant 0 : i32
        %dma_wait3A_94 = tpu.memref_slice %arg5[%add3A_92, %dma_wait3A_93] : memref<409600x128xf32, #tpu.memory_space<hbm>> -> memref<64x128xf32, #tpu.memory_space<hbm>>
        %dma_wait3A_95 = arith.constant 0 : i32
        %dma_wait3A_96 = tpu.memref_slice %arg5[%add3A_92, %dma_wait3A_95] : memref<409600x128xf32, #tpu.memory_space<hbm>> -> memref<64x128xf32, #tpu.memory_space<hbm>>
        tpu.wait_dma2 semaphore(%arg16 : memref<!tpu.dma_semaphore, #tpu.memory_space<semaphore_mem>>) src(%arg11 : memref<64x128xf32, #tpu.memory_space<vmem>>) dst(%dma_wait3A_96 : memref<64x128xf32, #tpu.memory_space<hbm>>)
      } else {
      }
      %mul3A_42 = arith.constant 64 : i32
      %mul3A_43 = arith.muli %add3A_29, %mul3A_42 : i32
      %rem3A = arith.constant 100 : i32
      %rem3A_44 = arith.remsi %mul3A_43, %rem3A : i32
      %parallel_loop3A_45 = arith.constant 0 : i32
      %parallel_loop3A_46 = arith.constant 8 : i32
      %parallel_loop3A_47 = arith.constant 1 : i32
      scf.for %parallel_loop3A_88 = %parallel_loop3A_45 to %parallel_loop3A_46 step %parallel_loop3A_47  : i32 {
        %parallel_loop3A_89 = arith.constant 16 : i32
        %parallel_loop3A_90 = arith.muli %parallel_loop3A_88, %parallel_loop3A_89 : i32
        %parallel_loop3A_91 = arith.index_cast %add3A_29 : i32 to index
        %parallel_loop3A_92 = arith.index_cast %parallel_loop3A_90 : i32 to index
        %parallel_loop3A_93 = tpu.vector_load %arg6[%parallel_loop3A_91, %parallel_loop3A_92] {strides = array<i32>} : memref<200x128xi32, #tpu.memory_space<vmem>>, vector<1x16xi32>,
        %parallel_loop3A_94 = vector.shape_cast %parallel_loop3A_93 : vector<1x16xi32> to vector<16xi32>
        %parallel_loop3A_95 = arith.constant 1 : i32
        %parallel_loop3A_96 = arith.shrui %parallel_loop3A_90, %parallel_loop3A_95 : i32
        %parallel_loop3A_97 = arith.constant 0 : i32
        %parallel_loop3A_98 = arith.addi %parallel_loop3A_96, %parallel_loop3A_97 : i32
        %parallel_loop3A_99 = vector.extract_strided_slice %parallel_loop3A_94 {offsets = [0], sizes = [1], strides = [1]} : vector<16xi32> to vector<1xi32>
        %parallel_loop3A_100 = vector.extract %parallel_loop3A_99[0] : i32 from vector<1xi32>
        %parallel_loop3A_101 = arith.constant 1 : i32
        %parallel_loop3A_102 = arith.andi %parallel_loop3A_100, %parallel_loop3A_101 : i32
        %parallel_loop3A_103 = arith.constant 64 : i32
        %parallel_loop3A_104 = arith.muli %parallel_loop3A_102, %parallel_loop3A_103 : i32
        %parallel_loop3A_105 = arith.addi %rem3A_44, %parallel_loop3A_98 : i32
        %parallel_loop3A_106 = arith.constant 0 : i32
        %parallel_loop3A_107 = arith.addi %parallel_loop3A_90, %parallel_loop3A_106 : i32
        %parallel_loop3A_108 = arith.constant 0 : i32
        %parallel_loop3A_109 = arith.addi %parallel_loop3A_104, %parallel_loop3A_108 : i32
        %parallel_loop3A_110 = arith.index_cast %parallel_loop3A_107 : i32 to index
        %parallel_loop3A_111 = arith.index_cast %parallel_loop3A_109 : i32 to index
        %parallel_loop3A_112 = tpu.vector_load %arg9[%parallel_loop3A_110, %parallel_loop3A_111] {strides = array<i32>} : memref<128x128xf32, #tpu.memory_space<vmem>>, vector<1x16xf32>,
        %parallel_loop3A_113 = vector.shape_cast %parallel_loop3A_112 : vector<1x16xf32> to vector<16xf32>
        %parallel_loop3A_114 = arith.index_cast %parallel_loop3A_105 : i32 to index
        %parallel_loop3A_115 = arith.constant 0 : index
        %parallel_loop3A_116 = tpu.vector_load %arg13[%parallel_loop3A_114, %parallel_loop3A_115] {strides = array<i32>} : memref<200x128xf32, #tpu.memory_space<vmem>>, vector<1x16xf32>,
        %parallel_loop3A_117 = vector.shape_cast %parallel_loop3A_116 : vector<1x16xf32> to vector<16xf32>
        %parallel_loop3A_118 = arith.addf %parallel_loop3A_113, %parallel_loop3A_117 : vector<16xf32>
        %parallel_loop3A_119 = arith.index_cast %parallel_loop3A_98 : i32 to index
        %parallel_loop3A_120 = arith.constant 0 : index
        %parallel_loop3A_121 = tpu.vector_load %arg11[%parallel_loop3A_119, %parallel_loop3A_120] {strides = array<i32>} : memref<64x128xf32, #tpu.memory_space<vmem>>, vector<1x16xf32>,
        %parallel_loop3A_122 = vector.shape_cast %parallel_loop3A_121 : vector<1x16xf32> to vector<16xf32>
        %parallel_loop3A_123 = vector.shape_cast %parallel_loop3A_118 : vector<16xf32> to vector<1x16xf32>
        tpu.vector_store %arg11[%parallel_loop3A_119, %parallel_loop3A_120], %parallel_loop3A_123 {strides = array<i32>} : memref<64x128xf32, #tpu.memory_space<vmem>>, vector<1x16xf32>,
        %parallel_loop3A_124 = arith.constant 0 : i32
        %parallel_loop3A_125 = arith.addi %parallel_loop3A_90, %parallel_loop3A_124 : i32
        %parallel_loop3A_126 = arith.constant 16 : i32
        %parallel_loop3A_127 = arith.addi %parallel_loop3A_104, %parallel_loop3A_126 : i32
        %parallel_loop3A_128 = arith.index_cast %parallel_loop3A_125 : i32 to index
        %parallel_loop3A_129 = arith.index_cast %parallel_loop3A_127 : i32 to index
        %parallel_loop3A_130 = tpu.vector_load %arg9[%parallel_loop3A_128, %parallel_loop3A_129] {strides = array<i32>} : memref<128x128xf32, #tpu.memory_space<vmem>>, vector<1x16xf32>,
        %parallel_loop3A_131 = vector.shape_cast %parallel_loop3A_130 : vector<1x16xf32> to vector<16xf32>
        %parallel_loop3A_132 = arith.index_cast %parallel_loop3A_105 : i32 to index
        %parallel_loop3A_133 = arith.constant 16 : index
        %parallel_loop3A_134 = tpu.vector_load %arg13[%parallel_loop3A_132, %parallel_loop3A_133] {strides = array<i32>} : memref<200x128xf32, #tpu.memory_space<vmem>>, vector<1x16xf32>,
        %parallel_loop3A_135 = vector.shape_cast %parallel_loop3A_134 : vector<1x16xf32> to vector<16xf32>
        %parallel_loop3A_136 = arith.addf %parallel_loop3A_131, %parallel_loop3A_135 : vector<16xf32>
        %parallel_loop3A_137 = arith.index_cast %parallel_loop3A_98 : i32 to index
        %parallel_loop3A_138 = arith.constant 16 : index
        %parallel_loop3A_139 = tpu.vector_load %arg11[%parallel_loop3A_137, %parallel_loop3A_138] {strides = array<i32>} : memref<64x128xf32, #tpu.memory_space<vmem>>, vector<1x16xf32>,
        %parallel_loop3A_140 = vector.shape_cast %parallel_loop3A_139 : vector<1x16xf32> to vector<16xf32>
        %parallel_loop3A_141 = vector.shape_cast %parallel_loop3A_136 : vector<16xf32> to vector<1x16xf32>
        tpu.vector_store %arg11[%parallel_loop3A_137, %parallel_loop3A_138], %parallel_loop3A_141 {strides = array<i32>} : memref<64x128xf32, #tpu.memory_space<vmem>>, vector<1x16xf32>,
        %parallel_loop3A_142 = arith.constant 0 : i32
        %parallel_loop3A_143 = arith.addi %parallel_loop3A_90, %parallel_loop3A_142 : i32
        %parallel_loop3A_144 = arith.constant 32 : i32
        %parallel_loop3A_145 = arith.addi %parallel_loop3A_104, %parallel_loop3A_144 : i32
        %parallel_loop3A_146 = arith.index_cast %parallel_loop3A_143 : i32 to index
        %parallel_loop3A_147 = arith.index_cast %parallel_loop3A_145 : i32 to index
        %parallel_loop3A_148 = tpu.vector_load %arg9[%parallel_loop3A_146, %parallel_loop3A_147] {strides = array<i32>} : memref<128x128xf32, #tpu.memory_space<vmem>>, vector<1x16xf32>,
        %parallel_loop3A_149 = vector.shape_cast %parallel_loop3A_148 : vector<1x16xf32> to vector<16xf32>
        %parallel_loop3A_150 = arith.index_cast %parallel_loop3A_105 : i32 to index
        %parallel_loop3A_151 = arith.constant 32 : index
        %parallel_loop3A_152 = tpu.vector_load %arg13[%parallel_loop3A_150, %parallel_loop3A_151] {strides = array<i32>} : memref<200x128xf32, #tpu.memory_space<vmem>>, vector<1x16xf32>,
        %parallel_loop3A_153 = vector.shape_cast %parallel_loop3A_152 : vector<1x16xf32> to vector<16xf32>
        %parallel_loop3A_154 = arith.addf %parallel_loop3A_149, %parallel_loop3A_153 : vector<16xf32>
        %parallel_loop3A_155 = arith.index_cast %parallel_loop3A_98 : i32 to index
        %parallel_loop3A_156 = arith.constant 32 : index
        %parallel_loop3A_157 = tpu.vector_load %arg11[%parallel_loop3A_155, %parallel_loop3A_156] {strides = array<i32>} : memref<64x128xf32, #tpu.memory_space<vmem>>, vector<1x16xf32>,
        %parallel_loop3A_158 = vector.shape_cast %parallel_loop3A_157 : vector<1x16xf32> to vector<16xf32>
        %parallel_loop3A_159 = vector.shape_cast %parallel_loop3A_154 : vector<16xf32> to vector<1x16xf32>
        tpu.vector_store %arg11[%parallel_loop3A_155, %parallel_loop3A_156], %parallel_loop3A_159 {strides = array<i32>} : memref<64x128xf32, #tpu.memory_space<vmem>>, vector<1x16xf32>,
        %parallel_loop3A_160 = arith.constant 0 : i32
        %parallel_loop3A_161 = arith.addi %parallel_loop3A_90, %parallel_loop3A_160 : i32
        %parallel_loop3A_162 = arith.constant 48 : i32
        %parallel_loop3A_163 = arith.addi %parallel_loop3A_104, %parallel_loop3A_162 : i32
        %parallel_loop3A_164 = arith.index_cast %parallel_loop3A_161 : i32 to index
        %parallel_loop3A_165 = arith.index_cast %parallel_loop3A_163 : i32 to index
        %parallel_loop3A_166 = tpu.vector_load %arg9[%parallel_loop3A_164, %parallel_loop3A_165] {strides = array<i32>} : memref<128x128xf32, #tpu.memory_space<vmem>>, vector<1x16xf32>,
        %parallel_loop3A_167 = vector.shape_cast %parallel_loop3A_166 : vector<1x16xf32> to vector<16xf32>
        %parallel_loop3A_168 = arith.index_cast %parallel_loop3A_105 : i32 to index
        %parallel_loop3A_169 = arith.constant 48 : index
        %parallel_loop3A_170 = tpu.vector_load %arg13[%parallel_loop3A_168, %parallel_loop3A_169] {strides = array<i32>} : memref<200x128xf32, #tpu.memory_space<vmem>>, vector<1x16xf32>,
        %parallel_loop3A_171 = vector.shape_cast %parallel_loop3A_170 : vector<1x16xf32> to vector<16xf32>
        %parallel_loop3A_172 = arith.addf %parallel_loop3A_167, %parallel_loop3A_171 : vector<16xf32>
        %parallel_loop3A_173 = arith.index_cast %parallel_loop3A_98 : i32 to index
        %parallel_loop3A_174 = arith.constant 48 : index
        %parallel_loop3A_175 = tpu.vector_load %arg11[%parallel_loop3A_173, %parallel_loop3A_174] {strides = array<i32>} : memref<64x128xf32, #tpu.memory_space<vmem>>, vector<1x16xf32>,
        %parallel_loop3A_176 = vector.shape_cast %parallel_loop3A_175 : vector<1x16xf32> to vector<16xf32>
        %parallel_loop3A_177 = vector.shape_cast %parallel_loop3A_172 : vector<16xf32> to vector<1x16xf32>
        tpu.vector_store %arg11[%parallel_loop3A_173, %parallel_loop3A_174], %parallel_loop3A_177 {strides = array<i32>} : memref<64x128xf32, #tpu.memory_space<vmem>>, vector<1x16xf32>,
        %parallel_loop3A_178 = arith.constant 1 : i32
        %parallel_loop3A_179 = arith.shrui %parallel_loop3A_90, %parallel_loop3A_178 : i32
        %parallel_loop3A_180 = arith.constant 0 : i32
        %parallel_loop3A_181 = arith.addi %parallel_loop3A_179, %parallel_loop3A_180 : i32
        %parallel_loop3A_182 = vector.extract_strided_slice %parallel_loop3A_94 {offsets = [1], sizes = [1], strides = [1]} : vector<16xi32> to vector<1xi32>
        %parallel_loop3A_183 = vector.extract %parallel_loop3A_182[0] : i32 from vector<1xi32>
        %parallel_loop3A_184 = arith.constant 1 : i32
        %parallel_loop3A_185 = arith.andi %parallel_loop3A_183, %parallel_loop3A_184 : i32
        %parallel_loop3A_186 = arith.constant 64 : i32
        %parallel_loop3A_187 = arith.muli %parallel_loop3A_185, %parallel_loop3A_186 : i32
        %parallel_loop3A_188 = arith.addi %rem3A_44, %parallel_loop3A_181 : i32
        %parallel_loop3A_189 = arith.constant 1 : i32
        %parallel_loop3A_190 = arith.addi %parallel_loop3A_90, %parallel_loop3A_189 : i32
        %parallel_loop3A_191 = arith.constant 0 : i32
        %parallel_loop3A_192 = arith.addi %parallel_loop3A_187, %parallel_loop3A_191 : i32
        %parallel_loop3A_193 = arith.index_cast %parallel_loop3A_190 : i32 to index
        %parallel_loop3A_194 = arith.index_cast %parallel_loop3A_192 : i32 to index
        %parallel_loop3A_195 = tpu.vector_load %arg9[%parallel_loop3A_193, %parallel_loop3A_194] {strides = array<i32>} : memref<128x128xf32, #tpu.memory_space<vmem>>, vector<1x16xf32>,
        %parallel_loop3A_196 = vector.shape_cast %parallel_loop3A_195 : vector<1x16xf32> to vector<16xf32>
        %parallel_loop3A_197 = arith.index_cast %parallel_loop3A_188 : i32 to index
        %parallel_loop3A_198 = arith.constant 64 : index
        %parallel_loop3A_199 = tpu.vector_load %arg13[%parallel_loop3A_197, %parallel_loop3A_198] {strides = array<i32>} : memref<200x128xf32, #tpu.memory_space<vmem>>, vector<1x16xf32>,
        %parallel_loop3A_200 = vector.shape_cast %parallel_loop3A_199 : vector<1x16xf32> to vector<16xf32>
        %parallel_loop3A_201 = arith.addf %parallel_loop3A_196, %parallel_loop3A_200 : vector<16xf32>
        %parallel_loop3A_202 = arith.index_cast %parallel_loop3A_181 : i32 to index
        %parallel_loop3A_203 = arith.constant 64 : index
        %parallel_loop3A_204 = tpu.vector_load %arg11[%parallel_loop3A_202, %parallel_loop3A_203] {strides = array<i32>} : memref<64x128xf32, #tpu.memory_space<vmem>>, vector<1x16xf32>,
        %parallel_loop3A_205 = vector.shape_cast %parallel_loop3A_204 : vector<1x16xf32> to vector<16xf32>
        %parallel_loop3A_206 = vector.shape_cast %parallel_loop3A_201 : vector<16xf32> to vector<1x16xf32>
        tpu.vector_store %arg11[%parallel_loop3A_202, %parallel_loop3A_203], %parallel_loop3A_206 {strides = array<i32>} : memref<64x128xf32, #tpu.memory_space<vmem>>, vector<1x16xf32>,
        %parallel_loop3A_207 = arith.constant 1 : i32
        %parallel_loop3A_208 = arith.addi %parallel_loop3A_90, %parallel_loop3A_207 : i32
        %parallel_loop3A_209 = arith.constant 16 : i32
        %parallel_loop3A_210 = arith.addi %parallel_loop3A_187, %parallel_loop3A_209 : i32
        %parallel_loop3A_211 = arith.index_cast %parallel_loop3A_208 : i32 to index
        %parallel_loop3A_212 = arith.index_cast %parallel_loop3A_210 : i32 to index
        %parallel_loop3A_213 = tpu.vector_load %arg9[%parallel_loop3A_211, %parallel_loop3A_212] {strides = array<i32>} : memref<128x128xf32, #tpu.memory_space<vmem>>, vector<1x16xf32>,
        %parallel_loop3A_214 = vector.shape_cast %parallel_loop3A_213 : vector<1x16xf32> to vector<16xf32>
        %parallel_loop3A_215 = arith.index_cast %parallel_loop3A_188 : i32 to index
        %parallel_loop3A_216 = arith.constant 80 : index
        %parallel_loop3A_217 = tpu.vector_load %arg13[%parallel_loop3A_215, %parallel_loop3A_216] {strides = array<i32>} : memref<200x128xf32, #tpu.memory_space<vmem>>, vector<1x16xf32>,
        %parallel_loop3A_218 = vector.shape_cast %parallel_loop3A_217 : vector<1x16xf32> to vector<16xf32>
        %parallel_loop3A_219 = arith.addf %parallel_loop3A_214, %parallel_loop3A_218 : vector<16xf32>
        %parallel_loop3A_220 = arith.index_cast %parallel_loop3A_181 : i32 to index
        %parallel_loop3A_221 = arith.constant 80 : index
        %parallel_loop3A_222 = tpu.vector_load %arg11[%parallel_loop3A_220, %parallel_loop3A_221] {strides = array<i32>} : memref<64x128xf32, #tpu.memory_space<vmem>>, vector<1x16xf32>,
        %parallel_loop3A_223 = vector.shape_cast %parallel_loop3A_222 : vector<1x16xf32> to vector<16xf32>
        %parallel_loop3A_224 = vector.shape_cast %parallel_loop3A_219 : vector<16xf32> to vector<1x16xf32>
        tpu.vector_store %arg11[%parallel_loop3A_220, %parallel_loop3A_221], %parallel_loop3A_224 {strides = array<i32>} : memref<64x128xf32, #tpu.memory_space<vmem>>, vector<1x16xf32>,
        %parallel_loop3A_225 = arith.constant 1 : i32
        %parallel_loop3A_226 = arith.addi %parallel_loop3A_90, %parallel_loop3A_225 : i32
        %parallel_loop3A_227 = arith.constant 32 : i32
        %parallel_loop3A_228 = arith.addi %parallel_loop3A_187, %parallel_loop3A_227 : i32
        %parallel_loop3A_229 = arith.index_cast %parallel_loop3A_226 : i32 to index
        %parallel_loop3A_230 = arith.index_cast %parallel_loop3A_228 : i32 to index
        %parallel_loop3A_231 = tpu.vector_load %arg9[%parallel_loop3A_229, %parallel_loop3A_230] {strides = array<i32>} : memref<128x128xf32, #tpu.memory_space<vmem>>, vector<1x16xf32>,
        %parallel_loop3A_232 = vector.shape_cast %parallel_loop3A_231 : vector<1x16xf32> to vector<16xf32>
        %parallel_loop3A_233 = arith.index_cast %parallel_loop3A_188 : i32 to index
        %parallel_loop3A_234 = arith.constant 96 : index
        %parallel_loop3A_235 = tpu.vector_load %arg13[%parallel_loop3A_233, %parallel_loop3A_234] {strides = array<i32>} : memref<200x128xf32, #tpu.memory_space<vmem>>, vector<1x16xf32>,
        %parallel_loop3A_236 = vector.shape_cast %parallel_loop3A_235 : vector<1x16xf32> to vector<16xf32>
        %parallel_loop3A_237 = arith.addf %parallel_loop3A_232, %parallel_loop3A_236 : vector<16xf32>
        %parallel_loop3A_238 = arith.index_cast %parallel_loop3A_181 : i32 to index
        %parallel_loop3A_239 = arith.constant 96 : index
        %parallel_loop3A_240 = tpu.vector_load %arg11[%parallel_loop3A_238, %parallel_loop3A_239] {strides = array<i32>} : memref<64x128xf32, #tpu.memory_space<vmem>>, vector<1x16xf32>,
        %parallel_loop3A_241 = vector.shape_cast %parallel_loop3A_240 : vector<1x16xf32> to vector<16xf32>
        %parallel_loop3A_242 = vector.shape_cast %parallel_loop3A_237 : vector<16xf32> to vector<1x16xf32>
        tpu.vector_store %arg11[%parallel_loop3A_238, %parallel_loop3A_239], %parallel_loop3A_242 {strides = array<i32>} : memref<64x128xf32, #tpu.memory_space<vmem>>, vector<1x16xf32>,
        %parallel_loop3A_243 = arith.constant 1 : i32
        %parallel_loop3A_244 = arith.addi %parallel_loop3A_90, %parallel_loop3A_243 : i32
        %parallel_loop3A_245 = arith.constant 48 : i32
        %parallel_loop3A_246 = arith.addi %parallel_loop3A_187, %parallel_loop3A_245 : i32
        %parallel_loop3A_247 = arith.index_cast %parallel_loop3A_244 : i32 to index
        %parallel_loop3A_248 = arith.index_cast %parallel_loop3A_246 : i32 to index
        %parallel_loop3A_249 = tpu.vector_load %arg9[%parallel_loop3A_247, %parallel_loop3A_248] {strides = array<i32>} : memref<128x128xf32, #tpu.memory_space<vmem>>, vector<1x16xf32>,
        %parallel_loop3A_250 = vector.shape_cast %parallel_loop3A_249 : vector<1x16xf32> to vector<16xf32>
        %parallel_loop3A_251 = arith.index_cast %parallel_loop3A_188 : i32 to index
        %parallel_loop3A_252 = arith.constant 112 : index
        %parallel_loop3A_253 = tpu.vector_load %arg13[%parallel_loop3A_251, %parallel_loop3A_252] {strides = array<i32>} : memref<200x128xf32, #tpu.memory_space<vmem>>, vector<1x16xf32>,
        %parallel_loop3A_254 = vector.shape_cast %parallel_loop3A_253 : vector<1x16xf32> to vector<16xf32>
        %parallel_loop3A_255 = arith.addf %parallel_loop3A_250, %parallel_loop3A_254 : vector<16xf32>
        %parallel_loop3A_256 = arith.index_cast %parallel_loop3A_181 : i32 to index
        %parallel_loop3A_257 = arith.constant 112 : index
        %parallel_loop3A_258 = tpu.vector_load %arg11[%parallel_loop3A_256, %parallel_loop3A_257] {strides = array<i32>} : memref<64x128xf32, #tpu.memory_space<vmem>>, vector<1x16xf32>,
        %parallel_loop3A_259 = vector.shape_cast %parallel_loop3A_258 : vector<1x16xf32> to vector<16xf32>
        %parallel_loop3A_260 = vector.shape_cast %parallel_loop3A_255 : vector<16xf32> to vector<1x16xf32>
        tpu.vector_store %arg11[%parallel_loop3A_256, %parallel_loop3A_257], %parallel_loop3A_260 {strides = array<i32>} : memref<64x128xf32, #tpu.memory_space<vmem>>, vector<1x16xf32>,
        %parallel_loop3A_261 = arith.constant 1 : i32
        %parallel_loop3A_262 = arith.shrui %parallel_loop3A_90, %parallel_loop3A_261 : i32
        %parallel_loop3A_263 = arith.constant 1 : i32
        %parallel_loop3A_264 = arith.addi %parallel_loop3A_262, %parallel_loop3A_263 : i32
        %parallel_loop3A_265 = vector.extract_strided_slice %parallel_loop3A_94 {offsets = [2], sizes = [1], strides = [1]} : vector<16xi32> to vector<1xi32>
        %parallel_loop3A_266 = vector.extract %parallel_loop3A_265[0] : i32 from vector<1xi32>
        %parallel_loop3A_267 = arith.constant 1 : i32
        %parallel_loop3A_268 = arith.andi %parallel_loop3A_266, %parallel_loop3A_267 : i32
        %parallel_loop3A_269 = arith.constant 64 : i32
        %parallel_loop3A_270 = arith.muli %parallel_loop3A_268, %parallel_loop3A_269 : i32
        %parallel_loop3A_271 = arith.addi %rem3A_44, %parallel_loop3A_264 : i32
        %parallel_loop3A_272 = arith.constant 2 : i32
        %parallel_loop3A_273 = arith.addi %parallel_loop3A_90, %parallel_loop3A_272 : i32
        %parallel_loop3A_274 = arith.constant 0 : i32
        %parallel_loop3A_275 = arith.addi %parallel_loop3A_270, %parallel_loop3A_274 : i32
        %parallel_loop3A_276 = arith.index_cast %parallel_loop3A_273 : i32 to index
        %parallel_loop3A_277 = arith.index_cast %parallel_loop3A_275 : i32 to index
        %parallel_loop3A_278 = tpu.vector_load %arg9[%parallel_loop3A_276, %parallel_loop3A_277] {strides = array<i32>} : memref<128x128xf32, #tpu.memory_space<vmem>>, vector<1x16xf32>,
        %parallel_loop3A_279 = vector.shape_cast %parallel_loop3A_278 : vector<1x16xf32> to vector<16xf32>
        %parallel_loop3A_280 = arith.index_cast %parallel_loop3A_271 : i32 to index
        %parallel_loop3A_281 = arith.constant 0 : index
        %parallel_loop3A_282 = tpu.vector_load %arg13[%parallel_loop3A_280, %parallel_loop3A_281] {strides = array<i32>} : memref<200x128xf32, #tpu.memory_space<vmem>>, vector<1x16xf32>,
        %parallel_loop3A_283 = vector.shape_cast %parallel_loop3A_282 : vector<1x16xf32> to vector<16xf32>
        %parallel_loop3A_284 = arith.addf %parallel_loop3A_279, %parallel_loop3A_283 : vector<16xf32>
        %parallel_loop3A_285 = arith.index_cast %parallel_loop3A_264 : i32 to index
        %parallel_loop3A_286 = arith.constant 0 : index
        %parallel_loop3A_287 = tpu.vector_load %arg11[%parallel_loop3A_285, %parallel_loop3A_286] {strides = array<i32>} : memref<64x128xf32, #tpu.memory_space<vmem>>, vector<1x16xf32>,
        %parallel_loop3A_288 = vector.shape_cast %parallel_loop3A_287 : vector<1x16xf32> to vector<16xf32>
        %parallel_loop3A_289 = vector.shape_cast %parallel_loop3A_284 : vector<16xf32> to vector<1x16xf32>
        tpu.vector_store %arg11[%parallel_loop3A_285, %parallel_loop3A_286], %parallel_loop3A_289 {strides = array<i32>} : memref<64x128xf32, #tpu.memory_space<vmem>>, vector<1x16xf32>,
        %parallel_loop3A_290 = arith.constant 2 : i32
        %parallel_loop3A_291 = arith.addi %parallel_loop3A_90, %parallel_loop3A_290 : i32
        %parallel_loop3A_292 = arith.constant 16 : i32
        %parallel_loop3A_293 = arith.addi %parallel_loop3A_270, %parallel_loop3A_292 : i32
        %parallel_loop3A_294 = arith.index_cast %parallel_loop3A_291 : i32 to index
        %parallel_loop3A_295 = arith.index_cast %parallel_loop3A_293 : i32 to index
        %parallel_loop3A_296 = tpu.vector_load %arg9[%parallel_loop3A_294, %parallel_loop3A_295] {strides = array<i32>} : memref<128x128xf32, #tpu.memory_space<vmem>>, vector<1x16xf32>,
        %parallel_loop3A_297 = vector.shape_cast %parallel_loop3A_296 : vector<1x16xf32> to vector<16xf32>
        %parallel_loop3A_298 = arith.index_cast %parallel_loop3A_271 : i32 to index
        %parallel_loop3A_299 = arith.constant 16 : index
        %parallel_loop3A_300 = tpu.vector_load %arg13[%parallel_loop3A_298, %parallel_loop3A_299] {strides = array<i32>} : memref<200x128xf32, #tpu.memory_space<vmem>>, vector<1x16xf32>,
        %parallel_loop3A_301 = vector.shape_cast %parallel_loop3A_300 : vector<1x16xf32> to vector<16xf32>
        %parallel_loop3A_302 = arith.addf %parallel_loop3A_297, %parallel_loop3A_301 : vector<16xf32>
        %parallel_loop3A_303 = arith.index_cast %parallel_loop3A_264 : i32 to index
        %parallel_loop3A_304 = arith.constant 16 : index
        %parallel_loop3A_305 = tpu.vector_load %arg11[%parallel_loop3A_303, %parallel_loop3A_304] {strides = array<i32>} : memref<64x128xf32, #tpu.memory_space<vmem>>, vector<1x16xf32>,
        %parallel_loop3A_306 = vector.shape_cast %parallel_loop3A_305 : vector<1x16xf32> to vector<16xf32>
        %parallel_loop3A_307 = vector.shape_cast %parallel_loop3A_302 : vector<16xf32> to vector<1x16xf32>
        tpu.vector_store %arg11[%parallel_loop3A_303, %parallel_loop3A_304], %parallel_loop3A_307 {strides = array<i32>} : memref<64x128xf32, #tpu.memory_space<vmem>>, vector<1x16xf32>,
        %parallel_loop3A_308 = arith.constant 2 : i32
        %parallel_loop3A_309 = arith.addi %parallel_loop3A_90, %parallel_loop3A_308 : i32
        %parallel_loop3A_310 = arith.constant 32 : i32
        %parallel_loop3A_311 = arith.addi %parallel_loop3A_270, %parallel_loop3A_310 : i32
        %parallel_loop3A_312 = arith.index_cast %parallel_loop3A_309 : i32 to index
        %parallel_loop3A_313 = arith.index_cast %parallel_loop3A_311 : i32 to index
        %parallel_loop3A_314 = tpu.vector_load %arg9[%parallel_loop3A_312, %parallel_loop3A_313] {strides = array<i32>} : memref<128x128xf32, #tpu.memory_space<vmem>>, vector<1x16xf32>,
        %parallel_loop3A_315 = vector.shape_cast %parallel_loop3A_314 : vector<1x16xf32> to vector<16xf32>
        %parallel_loop3A_316 = arith.index_cast %parallel_loop3A_271 : i32 to index
        %parallel_loop3A_317 = arith.constant 32 : index
        %parallel_loop3A_318 = tpu.vector_load %arg13[%parallel_loop3A_316, %parallel_loop3A_317] {strides = array<i32>} : memref<200x128xf32, #tpu.memory_space<vmem>>, vector<1x16xf32>,
        %parallel_loop3A_319 = vector.shape_cast %parallel_loop3A_318 : vector<1x16xf32> to vector<16xf32>
        %parallel_loop3A_320 = arith.addf %parallel_loop3A_315, %parallel_loop3A_319 : vector<16xf32>
        %parallel_loop3A_321 = arith.index_cast %parallel_loop3A_264 : i32 to index
        %parallel_loop3A_322 = arith.constant 32 : index
        %parallel_loop3A_323 = tpu.vector_load %arg11[%parallel_loop3A_321, %parallel_loop3A_322] {strides = array<i32>} : memref<64x128xf32, #tpu.memory_space<vmem>>, vector<1x16xf32>,
        %parallel_loop3A_324 = vector.shape_cast %parallel_loop3A_323 : vector<1x16xf32> to vector<16xf32>
        %parallel_loop3A_325 = vector.shape_cast %parallel_loop3A_320 : vector<16xf32> to vector<1x16xf32>
        tpu.vector_store %arg11[%parallel_loop3A_321, %parallel_loop3A_322], %parallel_loop3A_325 {strides = array<i32>} : memref<64x128xf32, #tpu.memory_space<vmem>>, vector<1x16xf32>,
        %parallel_loop3A_326 = arith.constant 2 : i32
        %parallel_loop3A_327 = arith.addi %parallel_loop3A_90, %parallel_loop3A_326 : i32
        %parallel_loop3A_328 = arith.constant 48 : i32
        %parallel_loop3A_329 = arith.addi %parallel_loop3A_270, %parallel_loop3A_328 : i32
        %parallel_loop3A_330 = arith.index_cast %parallel_loop3A_327 : i32 to index
        %parallel_loop3A_331 = arith.index_cast %parallel_loop3A_329 : i32 to index
        %parallel_loop3A_332 = tpu.vector_load %arg9[%parallel_loop3A_330, %parallel_loop3A_331] {strides = array<i32>} : memref<128x128xf32, #tpu.memory_space<vmem>>, vector<1x16xf32>,
        %parallel_loop3A_333 = vector.shape_cast %parallel_loop3A_332 : vector<1x16xf32> to vector<16xf32>
        %parallel_loop3A_334 = arith.index_cast %parallel_loop3A_271 : i32 to index
        %parallel_loop3A_335 = arith.constant 48 : index
        %parallel_loop3A_336 = tpu.vector_load %arg13[%parallel_loop3A_334, %parallel_loop3A_335] {strides = array<i32>} : memref<200x128xf32, #tpu.memory_space<vmem>>, vector<1x16xf32>,
        %parallel_loop3A_337 = vector.shape_cast %parallel_loop3A_336 : vector<1x16xf32> to vector<16xf32>
        %parallel_loop3A_338 = arith.addf %parallel_loop3A_333, %parallel_loop3A_337 : vector<16xf32>
        %parallel_loop3A_339 = arith.index_cast %parallel_loop3A_264 : i32 to index
        %parallel_loop3A_340 = arith.constant 48 : index
        %parallel_loop3A_341 = tpu.vector_load %arg11[%parallel_loop3A_339, %parallel_loop3A_340] {strides = array<i32>} : memref<64x128xf32, #tpu.memory_space<vmem>>, vector<1x16xf32>,
        %parallel_loop3A_342 = vector.shape_cast %parallel_loop3A_341 : vector<1x16xf32> to vector<16xf32>
        %parallel_loop3A_343 = vector.shape_cast %parallel_loop3A_338 : vector<16xf32> to vector<1x16xf32>
        tpu.vector_store %arg11[%parallel_loop3A_339, %parallel_loop3A_340], %parallel_loop3A_343 {strides = array<i32>} : memref<64x128xf32, #tpu.memory_space<vmem>>, vector<1x16xf32>,
        %parallel_loop3A_344 = arith.constant 1 : i32
        %parallel_loop3A_345 = arith.shrui %parallel_loop3A_90, %parallel_loop3A_344 : i32
        %parallel_loop3A_346 = arith.constant 1 : i32
        %parallel_loop3A_347 = arith.addi %parallel_loop3A_345, %parallel_loop3A_346 : i32
        %parallel_loop3A_348 = vector.extract_strided_slice %parallel_loop3A_94 {offsets = [3], sizes = [1], strides = [1]} : vector<16xi32> to vector<1xi32>
        %parallel_loop3A_349 = vector.extract %parallel_loop3A_348[0] : i32 from vector<1xi32>
        %parallel_loop3A_350 = arith.constant 1 : i32
        %parallel_loop3A_351 = arith.andi %parallel_loop3A_349, %parallel_loop3A_350 : i32
        %parallel_loop3A_352 = arith.constant 64 : i32
        %parallel_loop3A_353 = arith.muli %parallel_loop3A_351, %parallel_loop3A_352 : i32
        %parallel_loop3A_354 = arith.addi %rem3A_44, %parallel_loop3A_347 : i32
        %parallel_loop3A_355 = arith.constant 3 : i32
        %parallel_loop3A_356 = arith.addi %parallel_loop3A_90, %parallel_loop3A_355 : i32
        %parallel_loop3A_357 = arith.constant 0 : i32
        %parallel_loop3A_358 = arith.addi %parallel_loop3A_353, %parallel_loop3A_357 : i32
        %parallel_loop3A_359 = arith.index_cast %parallel_loop3A_356 : i32 to index
        %parallel_loop3A_360 = arith.index_cast %parallel_loop3A_358 : i32 to index
        %parallel_loop3A_361 = tpu.vector_load %arg9[%parallel_loop3A_359, %parallel_loop3A_360] {strides = array<i32>} : memref<128x128xf32, #tpu.memory_space<vmem>>, vector<1x16xf32>,
        %parallel_loop3A_362 = vector.shape_cast %parallel_loop3A_361 : vector<1x16xf32> to vector<16xf32>
        %parallel_loop3A_363 = arith.index_cast %parallel_loop3A_354 : i32 to index
        %parallel_loop3A_364 = arith.constant 64 : index
        %parallel_loop3A_365 = tpu.vector_load %arg13[%parallel_loop3A_363, %parallel_loop3A_364] {strides = array<i32>} : memref<200x128xf32, #tpu.memory_space<vmem>>, vector<1x16xf32>,
        %parallel_loop3A_366 = vector.shape_cast %parallel_loop3A_365 : vector<1x16xf32> to vector<16xf32>
        %parallel_loop3A_367 = arith.addf %parallel_loop3A_362, %parallel_loop3A_366 : vector<16xf32>
        %parallel_loop3A_368 = arith.index_cast %parallel_loop3A_347 : i32 to index
        %parallel_loop3A_369 = arith.constant 64 : index
        %parallel_loop3A_370 = tpu.vector_load %arg11[%parallel_loop3A_368, %parallel_loop3A_369] {strides = array<i32>} : memref<64x128xf32, #tpu.memory_space<vmem>>, vector<1x16xf32>,
        %parallel_loop3A_371 = vector.shape_cast %parallel_loop3A_370 : vector<1x16xf32> to vector<16xf32>
        %parallel_loop3A_372 = vector.shape_cast %parallel_loop3A_367 : vector<16xf32> to vector<1x16xf32>
        tpu.vector_store %arg11[%parallel_loop3A_368, %parallel_loop3A_369], %parallel_loop3A_372 {strides = array<i32>} : memref<64x128xf32, #tpu.memory_space<vmem>>, vector<1x16xf32>,
        %parallel_loop3A_373 = arith.constant 3 : i32
        %parallel_loop3A_374 = arith.addi %parallel_loop3A_90, %parallel_loop3A_373 : i32
        %parallel_loop3A_375 = arith.constant 16 : i32
        %parallel_loop3A_376 = arith.addi %parallel_loop3A_353, %parallel_loop3A_375 : i32
        %parallel_loop3A_377 = arith.index_cast %parallel_loop3A_374 : i32 to index
        %parallel_loop3A_378 = arith.index_cast %parallel_loop3A_376 : i32 to index
        %parallel_loop3A_379 = tpu.vector_load %arg9[%parallel_loop3A_377, %parallel_loop3A_378] {strides = array<i32>} : memref<128x128xf32, #tpu.memory_space<vmem>>, vector<1x16xf32>,
        %parallel_loop3A_380 = vector.shape_cast %parallel_loop3A_379 : vector<1x16xf32> to vector<16xf32>
        %parallel_loop3A_381 = arith.index_cast %parallel_loop3A_354 : i32 to index
        %parallel_loop3A_382 = arith.constant 80 : index
        %parallel_loop3A_383 = tpu.vector_load %arg13[%parallel_loop3A_381, %parallel_loop3A_382] {strides = array<i32>} : memref<200x128xf32, #tpu.memory_space<vmem>>, vector<1x16xf32>,
        %parallel_loop3A_384 = vector.shape_cast %parallel_loop3A_383 : vector<1x16xf32> to vector<16xf32>
        %parallel_loop3A_385 = arith.addf %parallel_loop3A_380, %parallel_loop3A_384 : vector<16xf32>
        %parallel_loop3A_386 = arith.index_cast %parallel_loop3A_347 : i32 to index
        %parallel_loop3A_387 = arith.constant 80 : index
        %parallel_loop3A_388 = tpu.vector_load %arg11[%parallel_loop3A_386, %parallel_loop3A_387] {strides = array<i32>} : memref<64x128xf32, #tpu.memory_space<vmem>>, vector<1x16xf32>,
        %parallel_loop3A_389 = vector.shape_cast %parallel_loop3A_388 : vector<1x16xf32> to vector<16xf32>
        %parallel_loop3A_390 = vector.shape_cast %parallel_loop3A_385 : vector<16xf32> to vector<1x16xf32>
        tpu.vector_store %arg11[%parallel_loop3A_386, %parallel_loop3A_387], %parallel_loop3A_390 {strides = array<i32>} : memref<64x128xf32, #tpu.memory_space<vmem>>, vector<1x16xf32>,
        %parallel_loop3A_391 = arith.constant 3 : i32
        %parallel_loop3A_392 = arith.addi %parallel_loop3A_90, %parallel_loop3A_391 : i32
        %parallel_loop3A_393 = arith.constant 32 : i32
        %parallel_loop3A_394 = arith.addi %parallel_loop3A_353, %parallel_loop3A_393 : i32
        %parallel_loop3A_395 = arith.index_cast %parallel_loop3A_392 : i32 to index
        %parallel_loop3A_396 = arith.index_cast %parallel_loop3A_394 : i32 to index
        %parallel_loop3A_397 = tpu.vector_load %arg9[%parallel_loop3A_395, %parallel_loop3A_396] {strides = array<i32>} : memref<128x128xf32, #tpu.memory_space<vmem>>, vector<1x16xf32>,
        %parallel_loop3A_398 = vector.shape_cast %parallel_loop3A_397 : vector<1x16xf32> to vector<16xf32>
        %parallel_loop3A_399 = arith.index_cast %parallel_loop3A_354 : i32 to index
        %parallel_loop3A_400 = arith.constant 96 : index
        %parallel_loop3A_401 = tpu.vector_load %arg13[%parallel_loop3A_399, %parallel_loop3A_400] {strides = array<i32>} : memref<200x128xf32, #tpu.memory_space<vmem>>, vector<1x16xf32>,
        %parallel_loop3A_402 = vector.shape_cast %parallel_loop3A_401 : vector<1x16xf32> to vector<16xf32>
        %parallel_loop3A_403 = arith.addf %parallel_loop3A_398, %parallel_loop3A_402 : vector<16xf32>
        %parallel_loop3A_404 = arith.index_cast %parallel_loop3A_347 : i32 to index
        %parallel_loop3A_405 = arith.constant 96 : index
        %parallel_loop3A_406 = tpu.vector_load %arg11[%parallel_loop3A_404, %parallel_loop3A_405] {strides = array<i32>} : memref<64x128xf32, #tpu.memory_space<vmem>>, vector<1x16xf32>,
        %parallel_loop3A_407 = vector.shape_cast %parallel_loop3A_406 : vector<1x16xf32> to vector<16xf32>
        %parallel_loop3A_408 = vector.shape_cast %parallel_loop3A_403 : vector<16xf32> to vector<1x16xf32>
        tpu.vector_store %arg11[%parallel_loop3A_404, %parallel_loop3A_405], %parallel_loop3A_408 {strides = array<i32>} : memref<64x128xf32, #tpu.memory_space<vmem>>, vector<1x16xf32>,
        %parallel_loop3A_409 = arith.constant 3 : i32
        %parallel_loop3A_410 = arith.addi %parallel_loop3A_90, %parallel_loop3A_409 : i32
        %parallel_loop3A_411 = arith.constant 48 : i32
        %parallel_loop3A_412 = arith.addi %parallel_loop3A_353, %parallel_loop3A_411 : i32
        %parallel_loop3A_413 = arith.index_cast %parallel_loop3A_410 : i32 to index
        %parallel_loop3A_414 = arith.index_cast %parallel_loop3A_412 : i32 to index
        %parallel_loop3A_415 = tpu.vector_load %arg9[%parallel_loop3A_413, %parallel_loop3A_414] {strides = array<i32>} : memref<128x128xf32, #tpu.memory_space<vmem>>, vector<1x16xf32>,
        %parallel_loop3A_416 = vector.shape_cast %parallel_loop3A_415 : vector<1x16xf32> to vector<16xf32>
        %parallel_loop3A_417 = arith.index_cast %parallel_loop3A_354 : i32 to index
        %parallel_loop3A_418 = arith.constant 112 : index
        %parallel_loop3A_419 = tpu.vector_load %arg13[%parallel_loop3A_417, %parallel_loop3A_418] {strides = array<i32>} : memref<200x128xf32, #tpu.memory_space<vmem>>, vector<1x16xf32>,
        %parallel_loop3A_420 = vector.shape_cast %parallel_loop3A_419 : vector<1x16xf32> to vector<16xf32>
        %parallel_loop3A_421 = arith.addf %parallel_loop3A_416, %parallel_loop3A_420 : vector<16xf32>
        %parallel_loop3A_422 = arith.index_cast %parallel_loop3A_347 : i32 to index
        %parallel_loop3A_423 = arith.constant 112 : index
        %parallel_loop3A_424 = tpu.vector_load %arg11[%parallel_loop3A_422, %parallel_loop3A_423] {strides = array<i32>} : memref<64x128xf32, #tpu.memory_space<vmem>>, vector<1x16xf32>,
        %parallel_loop3A_425 = vector.shape_cast %parallel_loop3A_424 : vector<1x16xf32> to vector<16xf32>
        %parallel_loop3A_426 = vector.shape_cast %parallel_loop3A_421 : vector<16xf32> to vector<1x16xf32>
        tpu.vector_store %arg11[%parallel_loop3A_422, %parallel_loop3A_423], %parallel_loop3A_426 {strides = array<i32>} : memref<64x128xf32, #tpu.memory_space<vmem>>, vector<1x16xf32>,
        %parallel_loop3A_427 = arith.constant 1 : i32
        %parallel_loop3A_428 = arith.shrui %parallel_loop3A_90, %parallel_loop3A_427 : i32
        %parallel_loop3A_429 = arith.constant 2 : i32
        %parallel_loop3A_430 = arith.addi %parallel_loop3A_428, %parallel_loop3A_429 : i32
        %parallel_loop3A_431 = vector.extract_strided_slice %parallel_loop3A_94 {offsets = [4], sizes = [1], strides = [1]} : vector<16xi32> to vector<1xi32>
        %parallel_loop3A_432 = vector.extract %parallel_loop3A_431[0] : i32 from vector<1xi32>
        %parallel_loop3A_433 = arith.constant 1 : i32
        %parallel_loop3A_434 = arith.andi %parallel_loop3A_432, %parallel_loop3A_433 : i32
        %parallel_loop3A_435 = arith.constant 64 : i32
        %parallel_loop3A_436 = arith.muli %parallel_loop3A_434, %parallel_loop3A_435 : i32
        %parallel_loop3A_437 = arith.addi %rem3A_44, %parallel_loop3A_430 : i32
        %parallel_loop3A_438 = arith.constant 4 : i32
        %parallel_loop3A_439 = arith.addi %parallel_loop3A_90, %parallel_loop3A_438 : i32
        %parallel_loop3A_440 = arith.constant 0 : i32
        %parallel_loop3A_441 = arith.addi %parallel_loop3A_436, %parallel_loop3A_440 : i32
        %parallel_loop3A_442 = arith.index_cast %parallel_loop3A_439 : i32 to index
        %parallel_loop3A_443 = arith.index_cast %parallel_loop3A_441 : i32 to index
        %parallel_loop3A_444 = tpu.vector_load %arg9[%parallel_loop3A_442, %parallel_loop3A_443] {strides = array<i32>} : memref<128x128xf32, #tpu.memory_space<vmem>>, vector<1x16xf32>,
        %parallel_loop3A_445 = vector.shape_cast %parallel_loop3A_444 : vector<1x16xf32> to vector<16xf32>
        %parallel_loop3A_446 = arith.index_cast %parallel_loop3A_437 : i32 to index
        %parallel_loop3A_447 = arith.constant 0 : index
        %parallel_loop3A_448 = tpu.vector_load %arg13[%parallel_loop3A_446, %parallel_loop3A_447] {strides = array<i32>} : memref<200x128xf32, #tpu.memory_space<vmem>>, vector<1x16xf32>,
        %parallel_loop3A_449 = vector.shape_cast %parallel_loop3A_448 : vector<1x16xf32> to vector<16xf32>
        %parallel_loop3A_450 = arith.addf %parallel_loop3A_445, %parallel_loop3A_449 : vector<16xf32>
        %parallel_loop3A_451 = arith.index_cast %parallel_loop3A_430 : i32 to index
        %parallel_loop3A_452 = arith.constant 0 : index
        %parallel_loop3A_453 = tpu.vector_load %arg11[%parallel_loop3A_451, %parallel_loop3A_452] {strides = array<i32>} : memref<64x128xf32, #tpu.memory_space<vmem>>, vector<1x16xf32>,
        %parallel_loop3A_454 = vector.shape_cast %parallel_loop3A_453 : vector<1x16xf32> to vector<16xf32>
        %parallel_loop3A_455 = vector.shape_cast %parallel_loop3A_450 : vector<16xf32> to vector<1x16xf32>
        tpu.vector_store %arg11[%parallel_loop3A_451, %parallel_loop3A_452], %parallel_loop3A_455 {strides = array<i32>} : memref<64x128xf32, #tpu.memory_space<vmem>>, vector<1x16xf32>,
        %parallel_loop3A_456 = arith.constant 4 : i32
        %parallel_loop3A_457 = arith.addi %parallel_loop3A_90, %parallel_loop3A_456 : i32
        %parallel_loop3A_458 = arith.constant 16 : i32
        %parallel_loop3A_459 = arith.addi %parallel_loop3A_436, %parallel_loop3A_458 : i32
        %parallel_loop3A_460 = arith.index_cast %parallel_loop3A_457 : i32 to index
        %parallel_loop3A_461 = arith.index_cast %parallel_loop3A_459 : i32 to index
        %parallel_loop3A_462 = tpu.vector_load %arg9[%parallel_loop3A_460, %parallel_loop3A_461] {strides = array<i32>} : memref<128x128xf32, #tpu.memory_space<vmem>>, vector<1x16xf32>,
        %parallel_loop3A_463 = vector.shape_cast %parallel_loop3A_462 : vector<1x16xf32> to vector<16xf32>
        %parallel_loop3A_464 = arith.index_cast %parallel_loop3A_437 : i32 to index
        %parallel_loop3A_465 = arith.constant 16 : index
        %parallel_loop3A_466 = tpu.vector_load %arg13[%parallel_loop3A_464, %parallel_loop3A_465] {strides = array<i32>} : memref<200x128xf32, #tpu.memory_space<vmem>>, vector<1x16xf32>,
        %parallel_loop3A_467 = vector.shape_cast %parallel_loop3A_466 : vector<1x16xf32> to vector<16xf32>
        %parallel_loop3A_468 = arith.addf %parallel_loop3A_463, %parallel_loop3A_467 : vector<16xf32>
        %parallel_loop3A_469 = arith.index_cast %parallel_loop3A_430 : i32 to index
        %parallel_loop3A_470 = arith.constant 16 : index
        %parallel_loop3A_471 = tpu.vector_load %arg11[%parallel_loop3A_469, %parallel_loop3A_470] {strides = array<i32>} : memref<64x128xf32, #tpu.memory_space<vmem>>, vector<1x16xf32>,
        %parallel_loop3A_472 = vector.shape_cast %parallel_loop3A_471 : vector<1x16xf32> to vector<16xf32>
        %parallel_loop3A_473 = vector.shape_cast %parallel_loop3A_468 : vector<16xf32> to vector<1x16xf32>
        tpu.vector_store %arg11[%parallel_loop3A_469, %parallel_loop3A_470], %parallel_loop3A_473 {strides = array<i32>} : memref<64x128xf32, #tpu.memory_space<vmem>>, vector<1x16xf32>,
        %parallel_loop3A_474 = arith.constant 4 : i32
        %parallel_loop3A_475 = arith.addi %parallel_loop3A_90, %parallel_loop3A_474 : i32
        %parallel_loop3A_476 = arith.constant 32 : i32
        %parallel_loop3A_477 = arith.addi %parallel_loop3A_436, %parallel_loop3A_476 : i32
        %parallel_loop3A_478 = arith.index_cast %parallel_loop3A_475 : i32 to index
        %parallel_loop3A_479 = arith.index_cast %parallel_loop3A_477 : i32 to index
        %parallel_loop3A_480 = tpu.vector_load %arg9[%parallel_loop3A_478, %parallel_loop3A_479] {strides = array<i32>} : memref<128x128xf32, #tpu.memory_space<vmem>>, vector<1x16xf32>,
        %parallel_loop3A_481 = vector.shape_cast %parallel_loop3A_480 : vector<1x16xf32> to vector<16xf32>
        %parallel_loop3A_482 = arith.index_cast %parallel_loop3A_437 : i32 to index
        %parallel_loop3A_483 = arith.constant 32 : index
        %parallel_loop3A_484 = tpu.vector_load %arg13[%parallel_loop3A_482, %parallel_loop3A_483] {strides = array<i32>} : memref<200x128xf32, #tpu.memory_space<vmem>>, vector<1x16xf32>,
        %parallel_loop3A_485 = vector.shape_cast %parallel_loop3A_484 : vector<1x16xf32> to vector<16xf32>
        %parallel_loop3A_486 = arith.addf %parallel_loop3A_481, %parallel_loop3A_485 : vector<16xf32>
        %parallel_loop3A_487 = arith.index_cast %parallel_loop3A_430 : i32 to index
        %parallel_loop3A_488 = arith.constant 32 : index
        %parallel_loop3A_489 = tpu.vector_load %arg11[%parallel_loop3A_487, %parallel_loop3A_488] {strides = array<i32>} : memref<64x128xf32, #tpu.memory_space<vmem>>, vector<1x16xf32>,
        %parallel_loop3A_490 = vector.shape_cast %parallel_loop3A_489 : vector<1x16xf32> to vector<16xf32>
        %parallel_loop3A_491 = vector.shape_cast %parallel_loop3A_486 : vector<16xf32> to vector<1x16xf32>
        tpu.vector_store %arg11[%parallel_loop3A_487, %parallel_loop3A_488], %parallel_loop3A_491 {strides = array<i32>} : memref<64x128xf32, #tpu.memory_space<vmem>>, vector<1x16xf32>,
        %parallel_loop3A_492 = arith.constant 4 : i32
        %parallel_loop3A_493 = arith.addi %parallel_loop3A_90, %parallel_loop3A_492 : i32
        %parallel_loop3A_494 = arith.constant 48 : i32
        %parallel_loop3A_495 = arith.addi %parallel_loop3A_436, %parallel_loop3A_494 : i32
        %parallel_loop3A_496 = arith.index_cast %parallel_loop3A_493 : i32 to index
        %parallel_loop3A_497 = arith.index_cast %parallel_loop3A_495 : i32 to index
        %parallel_loop3A_498 = tpu.vector_load %arg9[%parallel_loop3A_496, %parallel_loop3A_497] {strides = array<i32>} : memref<128x128xf32, #tpu.memory_space<vmem>>, vector<1x16xf32>,
        %parallel_loop3A_499 = vector.shape_cast %parallel_loop3A_498 : vector<1x16xf32> to vector<16xf32>
        %parallel_loop3A_500 = arith.index_cast %parallel_loop3A_437 : i32 to index
        %parallel_loop3A_501 = arith.constant 48 : index
        %parallel_loop3A_502 = tpu.vector_load %arg13[%parallel_loop3A_500, %parallel_loop3A_501] {strides = array<i32>} : memref<200x128xf32, #tpu.memory_space<vmem>>, vector<1x16xf32>,
        %parallel_loop3A_503 = vector.shape_cast %parallel_loop3A_502 : vector<1x16xf32> to vector<16xf32>
        %parallel_loop3A_504 = arith.addf %parallel_loop3A_499, %parallel_loop3A_503 : vector<16xf32>
        %parallel_loop3A_505 = arith.index_cast %parallel_loop3A_430 : i32 to index
        %parallel_loop3A_506 = arith.constant 48 : index
        %parallel_loop3A_507 = tpu.vector_load %arg11[%parallel_loop3A_505, %parallel_loop3A_506] {strides = array<i32>} : memref<64x128xf32, #tpu.memory_space<vmem>>, vector<1x16xf32>,
        %parallel_loop3A_508 = vector.shape_cast %parallel_loop3A_507 : vector<1x16xf32> to vector<16xf32>
        %parallel_loop3A_509 = vector.shape_cast %parallel_loop3A_504 : vector<16xf32> to vector<1x16xf32>
        tpu.vector_store %arg11[%parallel_loop3A_505, %parallel_loop3A_506], %parallel_loop3A_509 {strides = array<i32>} : memref<64x128xf32, #tpu.memory_space<vmem>>, vector<1x16xf32>,
        %parallel_loop3A_510 = arith.constant 1 : i32
        %parallel_loop3A_511 = arith.shrui %parallel_loop3A_90, %parallel_loop3A_510 : i32
        %parallel_loop3A_512 = arith.constant 2 : i32
        %parallel_loop3A_513 = arith.addi %parallel_loop3A_511, %parallel_loop3A_512 : i32
        %parallel_loop3A_514 = vector.extract_strided_slice %parallel_loop3A_94 {offsets = [5], sizes = [1], strides = [1]} : vector<16xi32> to vector<1xi32>
        %parallel_loop3A_515 = vector.extract %parallel_loop3A_514[0] : i32 from vector<1xi32>
        %parallel_loop3A_516 = arith.constant 1 : i32
        %parallel_loop3A_517 = arith.andi %parallel_loop3A_515, %parallel_loop3A_516 : i32
        %parallel_loop3A_518 = arith.constant 64 : i32
        %parallel_loop3A_519 = arith.muli %parallel_loop3A_517, %parallel_loop3A_518 : i32
        %parallel_loop3A_520 = arith.addi %rem3A_44, %parallel_loop3A_513 : i32
        %parallel_loop3A_521 = arith.constant 5 : i32
        %parallel_loop3A_522 = arith.addi %parallel_loop3A_90, %parallel_loop3A_521 : i32
        %parallel_loop3A_523 = arith.constant 0 : i32
        %parallel_loop3A_524 = arith.addi %parallel_loop3A_519, %parallel_loop3A_523 : i32
        %parallel_loop3A_525 = arith.index_cast %parallel_loop3A_522 : i32 to index
        %parallel_loop3A_526 = arith.index_cast %parallel_loop3A_524 : i32 to index
        %parallel_loop3A_527 = tpu.vector_load %arg9[%parallel_loop3A_525, %parallel_loop3A_526] {strides = array<i32>} : memref<128x128xf32, #tpu.memory_space<vmem>>, vector<1x16xf32>,
        %parallel_loop3A_528 = vector.shape_cast %parallel_loop3A_527 : vector<1x16xf32> to vector<16xf32>
        %parallel_loop3A_529 = arith.index_cast %parallel_loop3A_520 : i32 to index
        %parallel_loop3A_530 = arith.constant 64 : index
        %parallel_loop3A_531 = tpu.vector_load %arg13[%parallel_loop3A_529, %parallel_loop3A_530] {strides = array<i32>} : memref<200x128xf32, #tpu.memory_space<vmem>>, vector<1x16xf32>,
        %parallel_loop3A_532 = vector.shape_cast %parallel_loop3A_531 : vector<1x16xf32> to vector<16xf32>
        %parallel_loop3A_533 = arith.addf %parallel_loop3A_528, %parallel_loop3A_532 : vector<16xf32>
        %parallel_loop3A_534 = arith.index_cast %parallel_loop3A_513 : i32 to index
        %parallel_loop3A_535 = arith.constant 64 : index
        %parallel_loop3A_536 = tpu.vector_load %arg11[%parallel_loop3A_534, %parallel_loop3A_535] {strides = array<i32>} : memref<64x128xf32, #tpu.memory_space<vmem>>, vector<1x16xf32>,
        %parallel_loop3A_537 = vector.shape_cast %parallel_loop3A_536 : vector<1x16xf32> to vector<16xf32>
        %parallel_loop3A_538 = vector.shape_cast %parallel_loop3A_533 : vector<16xf32> to vector<1x16xf32>
        tpu.vector_store %arg11[%parallel_loop3A_534, %parallel_loop3A_535], %parallel_loop3A_538 {strides = array<i32>} : memref<64x128xf32, #tpu.memory_space<vmem>>, vector<1x16xf32>,
        %parallel_loop3A_539 = arith.constant 5 : i32
        %parallel_loop3A_540 = arith.addi %parallel_loop3A_90, %parallel_loop3A_539 : i32
        %parallel_loop3A_541 = arith.constant 16 : i32
        %parallel_loop3A_542 = arith.addi %parallel_loop3A_519, %parallel_loop3A_541 : i32
        %parallel_loop3A_543 = arith.index_cast %parallel_loop3A_540 : i32 to index
        %parallel_loop3A_544 = arith.index_cast %parallel_loop3A_542 : i32 to index
        %parallel_loop3A_545 = tpu.vector_load %arg9[%parallel_loop3A_543, %parallel_loop3A_544] {strides = array<i32>} : memref<128x128xf32, #tpu.memory_space<vmem>>, vector<1x16xf32>,
        %parallel_loop3A_546 = vector.shape_cast %parallel_loop3A_545 : vector<1x16xf32> to vector<16xf32>
        %parallel_loop3A_547 = arith.index_cast %parallel_loop3A_520 : i32 to index
        %parallel_loop3A_548 = arith.constant 80 : index
        %parallel_loop3A_549 = tpu.vector_load %arg13[%parallel_loop3A_547, %parallel_loop3A_548] {strides = array<i32>} : memref<200x128xf32, #tpu.memory_space<vmem>>, vector<1x16xf32>,
        %parallel_loop3A_550 = vector.shape_cast %parallel_loop3A_549 : vector<1x16xf32> to vector<16xf32>
        %parallel_loop3A_551 = arith.addf %parallel_loop3A_546, %parallel_loop3A_550 : vector<16xf32>
        %parallel_loop3A_552 = arith.index_cast %parallel_loop3A_513 : i32 to index
        %parallel_loop3A_553 = arith.constant 80 : index
        %parallel_loop3A_554 = tpu.vector_load %arg11[%parallel_loop3A_552, %parallel_loop3A_553] {strides = array<i32>} : memref<64x128xf32, #tpu.memory_space<vmem>>, vector<1x16xf32>,
        %parallel_loop3A_555 = vector.shape_cast %parallel_loop3A_554 : vector<1x16xf32> to vector<16xf32>
        %parallel_loop3A_556 = vector.shape_cast %parallel_loop3A_551 : vector<16xf32> to vector<1x16xf32>
        tpu.vector_store %arg11[%parallel_loop3A_552, %parallel_loop3A_553], %parallel_loop3A_556 {strides = array<i32>} : memref<64x128xf32, #tpu.memory_space<vmem>>, vector<1x16xf32>,
        %parallel_loop3A_557 = arith.constant 5 : i32
        %parallel_loop3A_558 = arith.addi %parallel_loop3A_90, %parallel_loop3A_557 : i32
        %parallel_loop3A_559 = arith.constant 32 : i32
        %parallel_loop3A_560 = arith.addi %parallel_loop3A_519, %parallel_loop3A_559 : i32
        %parallel_loop3A_561 = arith.index_cast %parallel_loop3A_558 : i32 to index
        %parallel_loop3A_562 = arith.index_cast %parallel_loop3A_560 : i32 to index
        %parallel_loop3A_563 = tpu.vector_load %arg9[%parallel_loop3A_561, %parallel_loop3A_562] {strides = array<i32>} : memref<128x128xf32, #tpu.memory_space<vmem>>, vector<1x16xf32>,
        %parallel_loop3A_564 = vector.shape_cast %parallel_loop3A_563 : vector<1x16xf32> to vector<16xf32>
        %parallel_loop3A_565 = arith.index_cast %parallel_loop3A_520 : i32 to index
        %parallel_loop3A_566 = arith.constant 96 : index
        %parallel_loop3A_567 = tpu.vector_load %arg13[%parallel_loop3A_565, %parallel_loop3A_566] {strides = array<i32>} : memref<200x128xf32, #tpu.memory_space<vmem>>, vector<1x16xf32>,
        %parallel_loop3A_568 = vector.shape_cast %parallel_loop3A_567 : vector<1x16xf32> to vector<16xf32>
        %parallel_loop3A_569 = arith.addf %parallel_loop3A_564, %parallel_loop3A_568 : vector<16xf32>
        %parallel_loop3A_570 = arith.index_cast %parallel_loop3A_513 : i32 to index
        %parallel_loop3A_571 = arith.constant 96 : index
        %parallel_loop3A_572 = tpu.vector_load %arg11[%parallel_loop3A_570, %parallel_loop3A_571] {strides = array<i32>} : memref<64x128xf32, #tpu.memory_space<vmem>>, vector<1x16xf32>,
        %parallel_loop3A_573 = vector.shape_cast %parallel_loop3A_572 : vector<1x16xf32> to vector<16xf32>
        %parallel_loop3A_574 = vector.shape_cast %parallel_loop3A_569 : vector<16xf32> to vector<1x16xf32>
        tpu.vector_store %arg11[%parallel_loop3A_570, %parallel_loop3A_571], %parallel_loop3A_574 {strides = array<i32>} : memref<64x128xf32, #tpu.memory_space<vmem>>, vector<1x16xf32>,
        %parallel_loop3A_575 = arith.constant 5 : i32
        %parallel_loop3A_576 = arith.addi %parallel_loop3A_90, %parallel_loop3A_575 : i32
        %parallel_loop3A_577 = arith.constant 48 : i32
        %parallel_loop3A_578 = arith.addi %parallel_loop3A_519, %parallel_loop3A_577 : i32
        %parallel_loop3A_579 = arith.index_cast %parallel_loop3A_576 : i32 to index
        %parallel_loop3A_580 = arith.index_cast %parallel_loop3A_578 : i32 to index
        %parallel_loop3A_581 = tpu.vector_load %arg9[%parallel_loop3A_579, %parallel_loop3A_580] {strides = array<i32>} : memref<128x128xf32, #tpu.memory_space<vmem>>, vector<1x16xf32>,
        %parallel_loop3A_582 = vector.shape_cast %parallel_loop3A_581 : vector<1x16xf32> to vector<16xf32>
        %parallel_loop3A_583 = arith.index_cast %parallel_loop3A_520 : i32 to index
        %parallel_loop3A_584 = arith.constant 112 : index
        %parallel_loop3A_585 = tpu.vector_load %arg13[%parallel_loop3A_583, %parallel_loop3A_584] {strides = array<i32>} : memref<200x128xf32, #tpu.memory_space<vmem>>, vector<1x16xf32>,
        %parallel_loop3A_586 = vector.shape_cast %parallel_loop3A_585 : vector<1x16xf32> to vector<16xf32>
        %parallel_loop3A_587 = arith.addf %parallel_loop3A_582, %parallel_loop3A_586 : vector<16xf32>
        %parallel_loop3A_588 = arith.index_cast %parallel_loop3A_513 : i32 to index
        %parallel_loop3A_589 = arith.constant 112 : index
        %parallel_loop3A_590 = tpu.vector_load %arg11[%parallel_loop3A_588, %parallel_loop3A_589] {strides = array<i32>} : memref<64x128xf32, #tpu.memory_space<vmem>>, vector<1x16xf32>,
        %parallel_loop3A_591 = vector.shape_cast %parallel_loop3A_590 : vector<1x16xf32> to vector<16xf32>
        %parallel_loop3A_592 = vector.shape_cast %parallel_loop3A_587 : vector<16xf32> to vector<1x16xf32>
        tpu.vector_store %arg11[%parallel_loop3A_588, %parallel_loop3A_589], %parallel_loop3A_592 {strides = array<i32>} : memref<64x128xf32, #tpu.memory_space<vmem>>, vector<1x16xf32>,
        %parallel_loop3A_593 = arith.constant 1 : i32
        %parallel_loop3A_594 = arith.shrui %parallel_loop3A_90, %parallel_loop3A_593 : i32
        %parallel_loop3A_595 = arith.constant 3 : i32
        %parallel_loop3A_596 = arith.addi %parallel_loop3A_594, %parallel_loop3A_595 : i32
        %parallel_loop3A_597 = vector.extract_strided_slice %parallel_loop3A_94 {offsets = [6], sizes = [1], strides = [1]} : vector<16xi32> to vector<1xi32>
        %parallel_loop3A_598 = vector.extract %parallel_loop3A_597[0] : i32 from vector<1xi32>
        %parallel_loop3A_599 = arith.constant 1 : i32
        %parallel_loop3A_600 = arith.andi %parallel_loop3A_598, %parallel_loop3A_599 : i32
        %parallel_loop3A_601 = arith.constant 64 : i32
        %parallel_loop3A_602 = arith.muli %parallel_loop3A_600, %parallel_loop3A_601 : i32
        %parallel_loop3A_603 = arith.addi %rem3A_44, %parallel_loop3A_596 : i32
        %parallel_loop3A_604 = arith.constant 6 : i32
        %parallel_loop3A_605 = arith.addi %parallel_loop3A_90, %parallel_loop3A_604 : i32
        %parallel_loop3A_606 = arith.constant 0 : i32
        %parallel_loop3A_607 = arith.addi %parallel_loop3A_602, %parallel_loop3A_606 : i32
        %parallel_loop3A_608 = arith.index_cast %parallel_loop3A_605 : i32 to index
        %parallel_loop3A_609 = arith.index_cast %parallel_loop3A_607 : i32 to index
        %parallel_loop3A_610 = tpu.vector_load %arg9[%parallel_loop3A_608, %parallel_loop3A_609] {strides = array<i32>} : memref<128x128xf32, #tpu.memory_space<vmem>>, vector<1x16xf32>,
        %parallel_loop3A_611 = vector.shape_cast %parallel_loop3A_610 : vector<1x16xf32> to vector<16xf32>
        %parallel_loop3A_612 = arith.index_cast %parallel_loop3A_603 : i32 to index
        %parallel_loop3A_613 = arith.constant 0 : index
        %parallel_loop3A_614 = tpu.vector_load %arg13[%parallel_loop3A_612, %parallel_loop3A_613] {strides = array<i32>} : memref<200x128xf32, #tpu.memory_space<vmem>>, vector<1x16xf32>,
        %parallel_loop3A_615 = vector.shape_cast %parallel_loop3A_614 : vector<1x16xf32> to vector<16xf32>
        %parallel_loop3A_616 = arith.addf %parallel_loop3A_611, %parallel_loop3A_615 : vector<16xf32>
        %parallel_loop3A_617 = arith.index_cast %parallel_loop3A_596 : i32 to index
        %parallel_loop3A_618 = arith.constant 0 : index
        %parallel_loop3A_619 = tpu.vector_load %arg11[%parallel_loop3A_617, %parallel_loop3A_618] {strides = array<i32>} : memref<64x128xf32, #tpu.memory_space<vmem>>, vector<1x16xf32>,
        %parallel_loop3A_620 = vector.shape_cast %parallel_loop3A_619 : vector<1x16xf32> to vector<16xf32>
        %parallel_loop3A_621 = vector.shape_cast %parallel_loop3A_616 : vector<16xf32> to vector<1x16xf32>
        tpu.vector_store %arg11[%parallel_loop3A_617, %parallel_loop3A_618], %parallel_loop3A_621 {strides = array<i32>} : memref<64x128xf32, #tpu.memory_space<vmem>>, vector<1x16xf32>,
        %parallel_loop3A_622 = arith.constant 6 : i32
        %parallel_loop3A_623 = arith.addi %parallel_loop3A_90, %parallel_loop3A_622 : i32
        %parallel_loop3A_624 = arith.constant 16 : i32
        %parallel_loop3A_625 = arith.addi %parallel_loop3A_602, %parallel_loop3A_624 : i32
        %parallel_loop3A_626 = arith.index_cast %parallel_loop3A_623 : i32 to index
        %parallel_loop3A_627 = arith.index_cast %parallel_loop3A_625 : i32 to index
        %parallel_loop3A_628 = tpu.vector_load %arg9[%parallel_loop3A_626, %parallel_loop3A_627] {strides = array<i32>} : memref<128x128xf32, #tpu.memory_space<vmem>>, vector<1x16xf32>,
        %parallel_loop3A_629 = vector.shape_cast %parallel_loop3A_628 : vector<1x16xf32> to vector<16xf32>
        %parallel_loop3A_630 = arith.index_cast %parallel_loop3A_603 : i32 to index
        %parallel_loop3A_631 = arith.constant 16 : index
        %parallel_loop3A_632 = tpu.vector_load %arg13[%parallel_loop3A_630, %parallel_loop3A_631] {strides = array<i32>} : memref<200x128xf32, #tpu.memory_space<vmem>>, vector<1x16xf32>,
        %parallel_loop3A_633 = vector.shape_cast %parallel_loop3A_632 : vector<1x16xf32> to vector<16xf32>
        %parallel_loop3A_634 = arith.addf %parallel_loop3A_629, %parallel_loop3A_633 : vector<16xf32>
        %parallel_loop3A_635 = arith.index_cast %parallel_loop3A_596 : i32 to index
        %parallel_loop3A_636 = arith.constant 16 : index
        %parallel_loop3A_637 = tpu.vector_load %arg11[%parallel_loop3A_635, %parallel_loop3A_636] {strides = array<i32>} : memref<64x128xf32, #tpu.memory_space<vmem>>, vector<1x16xf32>,
        %parallel_loop3A_638 = vector.shape_cast %parallel_loop3A_637 : vector<1x16xf32> to vector<16xf32>
        %parallel_loop3A_639 = vector.shape_cast %parallel_loop3A_634 : vector<16xf32> to vector<1x16xf32>
        tpu.vector_store %arg11[%parallel_loop3A_635, %parallel_loop3A_636], %parallel_loop3A_639 {strides = array<i32>} : memref<64x128xf32, #tpu.memory_space<vmem>>, vector<1x16xf32>,
        %parallel_loop3A_640 = arith.constant 6 : i32
        %parallel_loop3A_641 = arith.addi %parallel_loop3A_90, %parallel_loop3A_640 : i32
        %parallel_loop3A_642 = arith.constant 32 : i32
        %parallel_loop3A_643 = arith.addi %parallel_loop3A_602, %parallel_loop3A_642 : i32
        %parallel_loop3A_644 = arith.index_cast %parallel_loop3A_641 : i32 to index
        %parallel_loop3A_645 = arith.index_cast %parallel_loop3A_643 : i32 to index
        %parallel_loop3A_646 = tpu.vector_load %arg9[%parallel_loop3A_644, %parallel_loop3A_645] {strides = array<i32>} : memref<128x128xf32, #tpu.memory_space<vmem>>, vector<1x16xf32>,
        %parallel_loop3A_647 = vector.shape_cast %parallel_loop3A_646 : vector<1x16xf32> to vector<16xf32>
        %parallel_loop3A_648 = arith.index_cast %parallel_loop3A_603 : i32 to index
        %parallel_loop3A_649 = arith.constant 32 : index
        %parallel_loop3A_650 = tpu.vector_load %arg13[%parallel_loop3A_648, %parallel_loop3A_649] {strides = array<i32>} : memref<200x128xf32, #tpu.memory_space<vmem>>, vector<1x16xf32>,
        %parallel_loop3A_651 = vector.shape_cast %parallel_loop3A_650 : vector<1x16xf32> to vector<16xf32>
        %parallel_loop3A_652 = arith.addf %parallel_loop3A_647, %parallel_loop3A_651 : vector<16xf32>
        %parallel_loop3A_653 = arith.index_cast %parallel_loop3A_596 : i32 to index
        %parallel_loop3A_654 = arith.constant 32 : index
        %parallel_loop3A_655 = tpu.vector_load %arg11[%parallel_loop3A_653, %parallel_loop3A_654] {strides = array<i32>} : memref<64x128xf32, #tpu.memory_space<vmem>>, vector<1x16xf32>,
        %parallel_loop3A_656 = vector.shape_cast %parallel_loop3A_655 : vector<1x16xf32> to vector<16xf32>
        %parallel_loop3A_657 = vector.shape_cast %parallel_loop3A_652 : vector<16xf32> to vector<1x16xf32>
        tpu.vector_store %arg11[%parallel_loop3A_653, %parallel_loop3A_654], %parallel_loop3A_657 {strides = array<i32>} : memref<64x128xf32, #tpu.memory_space<vmem>>, vector<1x16xf32>,
        %parallel_loop3A_658 = arith.constant 6 : i32
        %parallel_loop3A_659 = arith.addi %parallel_loop3A_90, %parallel_loop3A_658 : i32
        %parallel_loop3A_660 = arith.constant 48 : i32
        %parallel_loop3A_661 = arith.addi %parallel_loop3A_602, %parallel_loop3A_660 : i32
        %parallel_loop3A_662 = arith.index_cast %parallel_loop3A_659 : i32 to index
        %parallel_loop3A_663 = arith.index_cast %parallel_loop3A_661 : i32 to index
        %parallel_loop3A_664 = tpu.vector_load %arg9[%parallel_loop3A_662, %parallel_loop3A_663] {strides = array<i32>} : memref<128x128xf32, #tpu.memory_space<vmem>>, vector<1x16xf32>,
        %parallel_loop3A_665 = vector.shape_cast %parallel_loop3A_664 : vector<1x16xf32> to vector<16xf32>
        %parallel_loop3A_666 = arith.index_cast %parallel_loop3A_603 : i32 to index
        %parallel_loop3A_667 = arith.constant 48 : index
        %parallel_loop3A_668 = tpu.vector_load %arg13[%parallel_loop3A_666, %parallel_loop3A_667] {strides = array<i32>} : memref<200x128xf32, #tpu.memory_space<vmem>>, vector<1x16xf32>,
        %parallel_loop3A_669 = vector.shape_cast %parallel_loop3A_668 : vector<1x16xf32> to vector<16xf32>
        %parallel_loop3A_670 = arith.addf %parallel_loop3A_665, %parallel_loop3A_669 : vector<16xf32>
        %parallel_loop3A_671 = arith.index_cast %parallel_loop3A_596 : i32 to index
        %parallel_loop3A_672 = arith.constant 48 : index
        %parallel_loop3A_673 = tpu.vector_load %arg11[%parallel_loop3A_671, %parallel_loop3A_672] {strides = array<i32>} : memref<64x128xf32, #tpu.memory_space<vmem>>, vector<1x16xf32>,
        %parallel_loop3A_674 = vector.shape_cast %parallel_loop3A_673 : vector<1x16xf32> to vector<16xf32>
        %parallel_loop3A_675 = vector.shape_cast %parallel_loop3A_670 : vector<16xf32> to vector<1x16xf32>
        tpu.vector_store %arg11[%parallel_loop3A_671, %parallel_loop3A_672], %parallel_loop3A_675 {strides = array<i32>} : memref<64x128xf32, #tpu.memory_space<vmem>>, vector<1x16xf32>,
        %parallel_loop3A_676 = arith.constant 1 : i32
        %parallel_loop3A_677 = arith.shrui %parallel_loop3A_90, %parallel_loop3A_676 : i32
        %parallel_loop3A_678 = arith.constant 3 : i32
        %parallel_loop3A_679 = arith.addi %parallel_loop3A_677, %parallel_loop3A_678 : i32
        %parallel_loop3A_680 = vector.extract_strided_slice %parallel_loop3A_94 {offsets = [7], sizes = [1], strides = [1]} : vector<16xi32> to vector<1xi32>
        %parallel_loop3A_681 = vector.extract %parallel_loop3A_680[0] : i32 from vector<1xi32>
        %parallel_loop3A_682 = arith.constant 1 : i32
        %parallel_loop3A_683 = arith.andi %parallel_loop3A_681, %parallel_loop3A_682 : i32
        %parallel_loop3A_684 = arith.constant 64 : i32
        %parallel_loop3A_685 = arith.muli %parallel_loop3A_683, %parallel_loop3A_684 : i32
        %parallel_loop3A_686 = arith.addi %rem3A_44, %parallel_loop3A_679 : i32
        %parallel_loop3A_687 = arith.constant 7 : i32
        %parallel_loop3A_688 = arith.addi %parallel_loop3A_90, %parallel_loop3A_687 : i32
        %parallel_loop3A_689 = arith.constant 0 : i32
        %parallel_loop3A_690 = arith.addi %parallel_loop3A_685, %parallel_loop3A_689 : i32
        %parallel_loop3A_691 = arith.index_cast %parallel_loop3A_688 : i32 to index
        %parallel_loop3A_692 = arith.index_cast %parallel_loop3A_690 : i32 to index
        %parallel_loop3A_693 = tpu.vector_load %arg9[%parallel_loop3A_691, %parallel_loop3A_692] {strides = array<i32>} : memref<128x128xf32, #tpu.memory_space<vmem>>, vector<1x16xf32>,
        %parallel_loop3A_694 = vector.shape_cast %parallel_loop3A_693 : vector<1x16xf32> to vector<16xf32>
        %parallel_loop3A_695 = arith.index_cast %parallel_loop3A_686 : i32 to index
        %parallel_loop3A_696 = arith.constant 64 : index
        %parallel_loop3A_697 = tpu.vector_load %arg13[%parallel_loop3A_695, %parallel_loop3A_696] {strides = array<i32>} : memref<200x128xf32, #tpu.memory_space<vmem>>, vector<1x16xf32>,
        %parallel_loop3A_698 = vector.shape_cast %parallel_loop3A_697 : vector<1x16xf32> to vector<16xf32>
        %parallel_loop3A_699 = arith.addf %parallel_loop3A_694, %parallel_loop3A_698 : vector<16xf32>
        %parallel_loop3A_700 = arith.index_cast %parallel_loop3A_679 : i32 to index
        %parallel_loop3A_701 = arith.constant 64 : index
        %parallel_loop3A_702 = tpu.vector_load %arg11[%parallel_loop3A_700, %parallel_loop3A_701] {strides = array<i32>} : memref<64x128xf32, #tpu.memory_space<vmem>>, vector<1x16xf32>,
        %parallel_loop3A_703 = vector.shape_cast %parallel_loop3A_702 : vector<1x16xf32> to vector<16xf32>
        %parallel_loop3A_704 = vector.shape_cast %parallel_loop3A_699 : vector<16xf32> to vector<1x16xf32>
        tpu.vector_store %arg11[%parallel_loop3A_700, %parallel_loop3A_701], %parallel_loop3A_704 {strides = array<i32>} : memref<64x128xf32, #tpu.memory_space<vmem>>, vector<1x16xf32>,
        %parallel_loop3A_705 = arith.constant 7 : i32
        %parallel_loop3A_706 = arith.addi %parallel_loop3A_90, %parallel_loop3A_705 : i32
        %parallel_loop3A_707 = arith.constant 16 : i32
        %parallel_loop3A_708 = arith.addi %parallel_loop3A_685, %parallel_loop3A_707 : i32
        %parallel_loop3A_709 = arith.index_cast %parallel_loop3A_706 : i32 to index
        %parallel_loop3A_710 = arith.index_cast %parallel_loop3A_708 : i32 to index
        %parallel_loop3A_711 = tpu.vector_load %arg9[%parallel_loop3A_709, %parallel_loop3A_710] {strides = array<i32>} : memref<128x128xf32, #tpu.memory_space<vmem>>, vector<1x16xf32>,
        %parallel_loop3A_712 = vector.shape_cast %parallel_loop3A_711 : vector<1x16xf32> to vector<16xf32>
        %parallel_loop3A_713 = arith.index_cast %parallel_loop3A_686 : i32 to index
        %parallel_loop3A_714 = arith.constant 80 : index
        %parallel_loop3A_715 = tpu.vector_load %arg13[%parallel_loop3A_713, %parallel_loop3A_714] {strides = array<i32>} : memref<200x128xf32, #tpu.memory_space<vmem>>, vector<1x16xf32>,
        %parallel_loop3A_716 = vector.shape_cast %parallel_loop3A_715 : vector<1x16xf32> to vector<16xf32>
        %parallel_loop3A_717 = arith.addf %parallel_loop3A_712, %parallel_loop3A_716 : vector<16xf32>
        %parallel_loop3A_718 = arith.index_cast %parallel_loop3A_679 : i32 to index
        %parallel_loop3A_719 = arith.constant 80 : index
        %parallel_loop3A_720 = tpu.vector_load %arg11[%parallel_loop3A_718, %parallel_loop3A_719] {strides = array<i32>} : memref<64x128xf32, #tpu.memory_space<vmem>>, vector<1x16xf32>,
        %parallel_loop3A_721 = vector.shape_cast %parallel_loop3A_720 : vector<1x16xf32> to vector<16xf32>
        %parallel_loop3A_722 = vector.shape_cast %parallel_loop3A_717 : vector<16xf32> to vector<1x16xf32>
        tpu.vector_store %arg11[%parallel_loop3A_718, %parallel_loop3A_719], %parallel_loop3A_722 {strides = array<i32>} : memref<64x128xf32, #tpu.memory_space<vmem>>, vector<1x16xf32>,
        %parallel_loop3A_723 = arith.constant 7 : i32
        %parallel_loop3A_724 = arith.addi %parallel_loop3A_90, %parallel_loop3A_723 : i32
        %parallel_loop3A_725 = arith.constant 32 : i32
        %parallel_loop3A_726 = arith.addi %parallel_loop3A_685, %parallel_loop3A_725 : i32
        %parallel_loop3A_727 = arith.index_cast %parallel_loop3A_724 : i32 to index
        %parallel_loop3A_728 = arith.index_cast %parallel_loop3A_726 : i32 to index
        %parallel_loop3A_729 = tpu.vector_load %arg9[%parallel_loop3A_727, %parallel_loop3A_728] {strides = array<i32>} : memref<128x128xf32, #tpu.memory_space<vmem>>, vector<1x16xf32>,
        %parallel_loop3A_730 = vector.shape_cast %parallel_loop3A_729 : vector<1x16xf32> to vector<16xf32>
        %parallel_loop3A_731 = arith.index_cast %parallel_loop3A_686 : i32 to index
        %parallel_loop3A_732 = arith.constant 96 : index
        %parallel_loop3A_733 = tpu.vector_load %arg13[%parallel_loop3A_731, %parallel_loop3A_732] {strides = array<i32>} : memref<200x128xf32, #tpu.memory_space<vmem>>, vector<1x16xf32>,
        %parallel_loop3A_734 = vector.shape_cast %parallel_loop3A_733 : vector<1x16xf32> to vector<16xf32>
        %parallel_loop3A_735 = arith.addf %parallel_loop3A_730, %parallel_loop3A_734 : vector<16xf32>
        %parallel_loop3A_736 = arith.index_cast %parallel_loop3A_679 : i32 to index
        %parallel_loop3A_737 = arith.constant 96 : index
        %parallel_loop3A_738 = tpu.vector_load %arg11[%parallel_loop3A_736, %parallel_loop3A_737] {strides = array<i32>} : memref<64x128xf32, #tpu.memory_space<vmem>>, vector<1x16xf32>,
        %parallel_loop3A_739 = vector.shape_cast %parallel_loop3A_738 : vector<1x16xf32> to vector<16xf32>
        %parallel_loop3A_740 = vector.shape_cast %parallel_loop3A_735 : vector<16xf32> to vector<1x16xf32>
        tpu.vector_store %arg11[%parallel_loop3A_736, %parallel_loop3A_737], %parallel_loop3A_740 {strides = array<i32>} : memref<64x128xf32, #tpu.memory_space<vmem>>, vector<1x16xf32>,
        %parallel_loop3A_741 = arith.constant 7 : i32
        %parallel_loop3A_742 = arith.addi %parallel_loop3A_90, %parallel_loop3A_741 : i32
        %parallel_loop3A_743 = arith.constant 48 : i32
        %parallel_loop3A_744 = arith.addi %parallel_loop3A_685, %parallel_loop3A_743 : i32
        %parallel_loop3A_745 = arith.index_cast %parallel_loop3A_742 : i32 to index
        %parallel_loop3A_746 = arith.index_cast %parallel_loop3A_744 : i32 to index
        %parallel_loop3A_747 = tpu.vector_load %arg9[%parallel_loop3A_745, %parallel_loop3A_746] {strides = array<i32>} : memref<128x128xf32, #tpu.memory_space<vmem>>, vector<1x16xf32>,
        %parallel_loop3A_748 = vector.shape_cast %parallel_loop3A_747 : vector<1x16xf32> to vector<16xf32>
        %parallel_loop3A_749 = arith.index_cast %parallel_loop3A_686 : i32 to index
        %parallel_loop3A_750 = arith.constant 112 : index
        %parallel_loop3A_751 = tpu.vector_load %arg13[%parallel_loop3A_749, %parallel_loop3A_750] {strides = array<i32>} : memref<200x128xf32, #tpu.memory_space<vmem>>, vector<1x16xf32>,
        %parallel_loop3A_752 = vector.shape_cast %parallel_loop3A_751 : vector<1x16xf32> to vector<16xf32>
        %parallel_loop3A_753 = arith.addf %parallel_loop3A_748, %parallel_loop3A_752 : vector<16xf32>
        %parallel_loop3A_754 = arith.index_cast %parallel_loop3A_679 : i32 to index
        %parallel_loop3A_755 = arith.constant 112 : index
        %parallel_loop3A_756 = tpu.vector_load %arg11[%parallel_loop3A_754, %parallel_loop3A_755] {strides = array<i32>} : memref<64x128xf32, #tpu.memory_space<vmem>>, vector<1x16xf32>,
        %parallel_loop3A_757 = vector.shape_cast %parallel_loop3A_756 : vector<1x16xf32> to vector<16xf32>
        %parallel_loop3A_758 = vector.shape_cast %parallel_loop3A_753 : vector<16xf32> to vector<1x16xf32>
        tpu.vector_store %arg11[%parallel_loop3A_754, %parallel_loop3A_755], %parallel_loop3A_758 {strides = array<i32>} : memref<64x128xf32, #tpu.memory_space<vmem>>, vector<1x16xf32>,
        %parallel_loop3A_759 = arith.constant 1 : i32
        %parallel_loop3A_760 = arith.shrui %parallel_loop3A_90, %parallel_loop3A_759 : i32
        %parallel_loop3A_761 = arith.constant 4 : i32
        %parallel_loop3A_762 = arith.addi %parallel_loop3A_760, %parallel_loop3A_761 : i32
        %parallel_loop3A_763 = vector.extract_strided_slice %parallel_loop3A_94 {offsets = [8], sizes = [1], strides = [1]} : vector<16xi32> to vector<1xi32>
        %parallel_loop3A_764 = vector.extract %parallel_loop3A_763[0] : i32 from vector<1xi32>
        %parallel_loop3A_765 = arith.constant 1 : i32
        %parallel_loop3A_766 = arith.andi %parallel_loop3A_764, %parallel_loop3A_765 : i32
        %parallel_loop3A_767 = arith.constant 64 : i32
        %parallel_loop3A_768 = arith.muli %parallel_loop3A_766, %parallel_loop3A_767 : i32
        %parallel_loop3A_769 = arith.addi %rem3A_44, %parallel_loop3A_762 : i32
        %parallel_loop3A_770 = arith.constant 8 : i32
        %parallel_loop3A_771 = arith.addi %parallel_loop3A_90, %parallel_loop3A_770 : i32
        %parallel_loop3A_772 = arith.constant 0 : i32
        %parallel_loop3A_773 = arith.addi %parallel_loop3A_768, %parallel_loop3A_772 : i32
        %parallel_loop3A_774 = arith.index_cast %parallel_loop3A_771 : i32 to index
        %parallel_loop3A_775 = arith.index_cast %parallel_loop3A_773 : i32 to index
        %parallel_loop3A_776 = tpu.vector_load %arg9[%parallel_loop3A_774, %parallel_loop3A_775] {strides = array<i32>} : memref<128x128xf32, #tpu.memory_space<vmem>>, vector<1x16xf32>,
        %parallel_loop3A_777 = vector.shape_cast %parallel_loop3A_776 : vector<1x16xf32> to vector<16xf32>
        %parallel_loop3A_778 = arith.index_cast %parallel_loop3A_769 : i32 to index
        %parallel_loop3A_779 = arith.constant 0 : index
        %parallel_loop3A_780 = tpu.vector_load %arg13[%parallel_loop3A_778, %parallel_loop3A_779] {strides = array<i32>} : memref<200x128xf32, #tpu.memory_space<vmem>>, vector<1x16xf32>,
        %parallel_loop3A_781 = vector.shape_cast %parallel_loop3A_780 : vector<1x16xf32> to vector<16xf32>
        %parallel_loop3A_782 = arith.addf %parallel_loop3A_777, %parallel_loop3A_781 : vector<16xf32>
        %parallel_loop3A_783 = arith.index_cast %parallel_loop3A_762 : i32 to index
        %parallel_loop3A_784 = arith.constant 0 : index
        %parallel_loop3A_785 = tpu.vector_load %arg11[%parallel_loop3A_783, %parallel_loop3A_784] {strides = array<i32>} : memref<64x128xf32, #tpu.memory_space<vmem>>, vector<1x16xf32>,
        %parallel_loop3A_786 = vector.shape_cast %parallel_loop3A_785 : vector<1x16xf32> to vector<16xf32>
        %parallel_loop3A_787 = vector.shape_cast %parallel_loop3A_782 : vector<16xf32> to vector<1x16xf32>
        tpu.vector_store %arg11[%parallel_loop3A_783, %parallel_loop3A_784], %parallel_loop3A_787 {strides = array<i32>} : memref<64x128xf32, #tpu.memory_space<vmem>>, vector<1x16xf32>,
        %parallel_loop3A_788 = arith.constant 8 : i32
        %parallel_loop3A_789 = arith.addi %parallel_loop3A_90, %parallel_loop3A_788 : i32
        %parallel_loop3A_790 = arith.constant 16 : i32
        %parallel_loop3A_791 = arith.addi %parallel_loop3A_768, %parallel_loop3A_790 : i32
        %parallel_loop3A_792 = arith.index_cast %parallel_loop3A_789 : i32 to index
        %parallel_loop3A_793 = arith.index_cast %parallel_loop3A_791 : i32 to index
        %parallel_loop3A_794 = tpu.vector_load %arg9[%parallel_loop3A_792, %parallel_loop3A_793] {strides = array<i32>} : memref<128x128xf32, #tpu.memory_space<vmem>>, vector<1x16xf32>,
        %parallel_loop3A_795 = vector.shape_cast %parallel_loop3A_794 : vector<1x16xf32> to vector<16xf32>
        %parallel_loop3A_796 = arith.index_cast %parallel_loop3A_769 : i32 to index
        %parallel_loop3A_797 = arith.constant 16 : index
        %parallel_loop3A_798 = tpu.vector_load %arg13[%parallel_loop3A_796, %parallel_loop3A_797] {strides = array<i32>} : memref<200x128xf32, #tpu.memory_space<vmem>>, vector<1x16xf32>,
        %parallel_loop3A_799 = vector.shape_cast %parallel_loop3A_798 : vector<1x16xf32> to vector<16xf32>
        %parallel_loop3A_800 = arith.addf %parallel_loop3A_795, %parallel_loop3A_799 : vector<16xf32>
        %parallel_loop3A_801 = arith.index_cast %parallel_loop3A_762 : i32 to index
        %parallel_loop3A_802 = arith.constant 16 : index
        %parallel_loop3A_803 = tpu.vector_load %arg11[%parallel_loop3A_801, %parallel_loop3A_802] {strides = array<i32>} : memref<64x128xf32, #tpu.memory_space<vmem>>, vector<1x16xf32>,
        %parallel_loop3A_804 = vector.shape_cast %parallel_loop3A_803 : vector<1x16xf32> to vector<16xf32>
        %parallel_loop3A_805 = vector.shape_cast %parallel_loop3A_800 : vector<16xf32> to vector<1x16xf32>
        tpu.vector_store %arg11[%parallel_loop3A_801, %parallel_loop3A_802], %parallel_loop3A_805 {strides = array<i32>} : memref<64x128xf32, #tpu.memory_space<vmem>>, vector<1x16xf32>,
        %parallel_loop3A_806 = arith.constant 8 : i32
        %parallel_loop3A_807 = arith.addi %parallel_loop3A_90, %parallel_loop3A_806 : i32
        %parallel_loop3A_808 = arith.constant 32 : i32
        %parallel_loop3A_809 = arith.addi %parallel_loop3A_768, %parallel_loop3A_808 : i32
        %parallel_loop3A_810 = arith.index_cast %parallel_loop3A_807 : i32 to index
        %parallel_loop3A_811 = arith.index_cast %parallel_loop3A_809 : i32 to index
        %parallel_loop3A_812 = tpu.vector_load %arg9[%parallel_loop3A_810, %parallel_loop3A_811] {strides = array<i32>} : memref<128x128xf32, #tpu.memory_space<vmem>>, vector<1x16xf32>,
        %parallel_loop3A_813 = vector.shape_cast %parallel_loop3A_812 : vector<1x16xf32> to vector<16xf32>
        %parallel_loop3A_814 = arith.index_cast %parallel_loop3A_769 : i32 to index
        %parallel_loop3A_815 = arith.constant 32 : index
        %parallel_loop3A_816 = tpu.vector_load %arg13[%parallel_loop3A_814, %parallel_loop3A_815] {strides = array<i32>} : memref<200x128xf32, #tpu.memory_space<vmem>>, vector<1x16xf32>,
        %parallel_loop3A_817 = vector.shape_cast %parallel_loop3A_816 : vector<1x16xf32> to vector<16xf32>
        %parallel_loop3A_818 = arith.addf %parallel_loop3A_813, %parallel_loop3A_817 : vector<16xf32>
        %parallel_loop3A_819 = arith.index_cast %parallel_loop3A_762 : i32 to index
        %parallel_loop3A_820 = arith.constant 32 : index
        %parallel_loop3A_821 = tpu.vector_load %arg11[%parallel_loop3A_819, %parallel_loop3A_820] {strides = array<i32>} : memref<64x128xf32, #tpu.memory_space<vmem>>, vector<1x16xf32>,
        %parallel_loop3A_822 = vector.shape_cast %parallel_loop3A_821 : vector<1x16xf32> to vector<16xf32>
        %parallel_loop3A_823 = vector.shape_cast %parallel_loop3A_818 : vector<16xf32> to vector<1x16xf32>
        tpu.vector_store %arg11[%parallel_loop3A_819, %parallel_loop3A_820], %parallel_loop3A_823 {strides = array<i32>} : memref<64x128xf32, #tpu.memory_space<vmem>>, vector<1x16xf32>,
        %parallel_loop3A_824 = arith.constant 8 : i32
        %parallel_loop3A_825 = arith.addi %parallel_loop3A_90, %parallel_loop3A_824 : i32
        %parallel_loop3A_826 = arith.constant 48 : i32
        %parallel_loop3A_827 = arith.addi %parallel_loop3A_768, %parallel_loop3A_826 : i32
        %parallel_loop3A_828 = arith.index_cast %parallel_loop3A_825 : i32 to index
        %parallel_loop3A_829 = arith.index_cast %parallel_loop3A_827 : i32 to index
        %parallel_loop3A_830 = tpu.vector_load %arg9[%parallel_loop3A_828, %parallel_loop3A_829] {strides = array<i32>} : memref<128x128xf32, #tpu.memory_space<vmem>>, vector<1x16xf32>,
        %parallel_loop3A_831 = vector.shape_cast %parallel_loop3A_830 : vector<1x16xf32> to vector<16xf32>
        %parallel_loop3A_832 = arith.index_cast %parallel_loop3A_769 : i32 to index
        %parallel_loop3A_833 = arith.constant 48 : index
        %parallel_loop3A_834 = tpu.vector_load %arg13[%parallel_loop3A_832, %parallel_loop3A_833] {strides = array<i32>} : memref<200x128xf32, #tpu.memory_space<vmem>>, vector<1x16xf32>,
        %parallel_loop3A_835 = vector.shape_cast %parallel_loop3A_834 : vector<1x16xf32> to vector<16xf32>
        %parallel_loop3A_836 = arith.addf %parallel_loop3A_831, %parallel_loop3A_835 : vector<16xf32>
        %parallel_loop3A_837 = arith.index_cast %parallel_loop3A_762 : i32 to index
        %parallel_loop3A_838 = arith.constant 48 : index
        %parallel_loop3A_839 = tpu.vector_load %arg11[%parallel_loop3A_837, %parallel_loop3A_838] {strides = array<i32>} : memref<64x128xf32, #tpu.memory_space<vmem>>, vector<1x16xf32>,
        %parallel_loop3A_840 = vector.shape_cast %parallel_loop3A_839 : vector<1x16xf32> to vector<16xf32>
        %parallel_loop3A_841 = vector.shape_cast %parallel_loop3A_836 : vector<16xf32> to vector<1x16xf32>
        tpu.vector_store %arg11[%parallel_loop3A_837, %parallel_loop3A_838], %parallel_loop3A_841 {strides = array<i32>} : memref<64x128xf32, #tpu.memory_space<vmem>>, vector<1x16xf32>,
        %parallel_loop3A_842 = arith.constant 1 : i32
        %parallel_loop3A_843 = arith.shrui %parallel_loop3A_90, %parallel_loop3A_842 : i32
        %parallel_loop3A_844 = arith.constant 4 : i32
        %parallel_loop3A_845 = arith.addi %parallel_loop3A_843, %parallel_loop3A_844 : i32
        %parallel_loop3A_846 = vector.extract_strided_slice %parallel_loop3A_94 {offsets = [9], sizes = [1], strides = [1]} : vector<16xi32> to vector<1xi32>
        %parallel_loop3A_847 = vector.extract %parallel_loop3A_846[0] : i32 from vector<1xi32>
        %parallel_loop3A_848 = arith.constant 1 : i32
        %parallel_loop3A_849 = arith.andi %parallel_loop3A_847, %parallel_loop3A_848 : i32
        %parallel_loop3A_850 = arith.constant 64 : i32
        %parallel_loop3A_851 = arith.muli %parallel_loop3A_849, %parallel_loop3A_850 : i32
        %parallel_loop3A_852 = arith.addi %rem3A_44, %parallel_loop3A_845 : i32
        %parallel_loop3A_853 = arith.constant 9 : i32
        %parallel_loop3A_854 = arith.addi %parallel_loop3A_90, %parallel_loop3A_853 : i32
        %parallel_loop3A_855 = arith.constant 0 : i32
        %parallel_loop3A_856 = arith.addi %parallel_loop3A_851, %parallel_loop3A_855 : i32
        %parallel_loop3A_857 = arith.index_cast %parallel_loop3A_854 : i32 to index
        %parallel_loop3A_858 = arith.index_cast %parallel_loop3A_856 : i32 to index
        %parallel_loop3A_859 = tpu.vector_load %arg9[%parallel_loop3A_857, %parallel_loop3A_858] {strides = array<i32>} : memref<128x128xf32, #tpu.memory_space<vmem>>, vector<1x16xf32>,
        %parallel_loop3A_860 = vector.shape_cast %parallel_loop3A_859 : vector<1x16xf32> to vector<16xf32>
        %parallel_loop3A_861 = arith.index_cast %parallel_loop3A_852 : i32 to index
        %parallel_loop3A_862 = arith.constant 64 : index
        %parallel_loop3A_863 = tpu.vector_load %arg13[%parallel_loop3A_861, %parallel_loop3A_862] {strides = array<i32>} : memref<200x128xf32, #tpu.memory_space<vmem>>, vector<1x16xf32>,
        %parallel_loop3A_864 = vector.shape_cast %parallel_loop3A_863 : vector<1x16xf32> to vector<16xf32>
        %parallel_loop3A_865 = arith.addf %parallel_loop3A_860, %parallel_loop3A_864 : vector<16xf32>
        %parallel_loop3A_866 = arith.index_cast %parallel_loop3A_845 : i32 to index
        %parallel_loop3A_867 = arith.constant 64 : index
        %parallel_loop3A_868 = tpu.vector_load %arg11[%parallel_loop3A_866, %parallel_loop3A_867] {strides = array<i32>} : memref<64x128xf32, #tpu.memory_space<vmem>>, vector<1x16xf32>,
        %parallel_loop3A_869 = vector.shape_cast %parallel_loop3A_868 : vector<1x16xf32> to vector<16xf32>
        %parallel_loop3A_870 = vector.shape_cast %parallel_loop3A_865 : vector<16xf32> to vector<1x16xf32>
        tpu.vector_store %arg11[%parallel_loop3A_866, %parallel_loop3A_867], %parallel_loop3A_870 {strides = array<i32>} : memref<64x128xf32, #tpu.memory_space<vmem>>, vector<1x16xf32>,
        %parallel_loop3A_871 = arith.constant 9 : i32
        %parallel_loop3A_872 = arith.addi %parallel_loop3A_90, %parallel_loop3A_871 : i32
        %parallel_loop3A_873 = arith.constant 16 : i32
        %parallel_loop3A_874 = arith.addi %parallel_loop3A_851, %parallel_loop3A_873 : i32
        %parallel_loop3A_875 = arith.index_cast %parallel_loop3A_872 : i32 to index
        %parallel_loop3A_876 = arith.index_cast %parallel_loop3A_874 : i32 to index
        %parallel_loop3A_877 = tpu.vector_load %arg9[%parallel_loop3A_875, %parallel_loop3A_876] {strides = array<i32>} : memref<128x128xf32, #tpu.memory_space<vmem>>, vector<1x16xf32>,
        %parallel_loop3A_878 = vector.shape_cast %parallel_loop3A_877 : vector<1x16xf32> to vector<16xf32>
        %parallel_loop3A_879 = arith.index_cast %parallel_loop3A_852 : i32 to index
        %parallel_loop3A_880 = arith.constant 80 : index
        %parallel_loop3A_881 = tpu.vector_load %arg13[%parallel_loop3A_879, %parallel_loop3A_880] {strides = array<i32>} : memref<200x128xf32, #tpu.memory_space<vmem>>, vector<1x16xf32>,
        %parallel_loop3A_882 = vector.shape_cast %parallel_loop3A_881 : vector<1x16xf32> to vector<16xf32>
        %parallel_loop3A_883 = arith.addf %parallel_loop3A_878, %parallel_loop3A_882 : vector<16xf32>
        %parallel_loop3A_884 = arith.index_cast %parallel_loop3A_845 : i32 to index
        %parallel_loop3A_885 = arith.constant 80 : index
        %parallel_loop3A_886 = tpu.vector_load %arg11[%parallel_loop3A_884, %parallel_loop3A_885] {strides = array<i32>} : memref<64x128xf32, #tpu.memory_space<vmem>>, vector<1x16xf32>,
        %parallel_loop3A_887 = vector.shape_cast %parallel_loop3A_886 : vector<1x16xf32> to vector<16xf32>
        %parallel_loop3A_888 = vector.shape_cast %parallel_loop3A_883 : vector<16xf32> to vector<1x16xf32>
        tpu.vector_store %arg11[%parallel_loop3A_884, %parallel_loop3A_885], %parallel_loop3A_888 {strides = array<i32>} : memref<64x128xf32, #tpu.memory_space<vmem>>, vector<1x16xf32>,
        %parallel_loop3A_889 = arith.constant 9 : i32
        %parallel_loop3A_890 = arith.addi %parallel_loop3A_90, %parallel_loop3A_889 : i32
        %parallel_loop3A_891 = arith.constant 32 : i32
        %parallel_loop3A_892 = arith.addi %parallel_loop3A_851, %parallel_loop3A_891 : i32
        %parallel_loop3A_893 = arith.index_cast %parallel_loop3A_890 : i32 to index
        %parallel_loop3A_894 = arith.index_cast %parallel_loop3A_892 : i32 to index
        %parallel_loop3A_895 = tpu.vector_load %arg9[%parallel_loop3A_893, %parallel_loop3A_894] {strides = array<i32>} : memref<128x128xf32, #tpu.memory_space<vmem>>, vector<1x16xf32>,
        %parallel_loop3A_896 = vector.shape_cast %parallel_loop3A_895 : vector<1x16xf32> to vector<16xf32>
        %parallel_loop3A_897 = arith.index_cast %parallel_loop3A_852 : i32 to index
        %parallel_loop3A_898 = arith.constant 96 : index
        %parallel_loop3A_899 = tpu.vector_load %arg13[%parallel_loop3A_897, %parallel_loop3A_898] {strides = array<i32>} : memref<200x128xf32, #tpu.memory_space<vmem>>, vector<1x16xf32>,
        %parallel_loop3A_900 = vector.shape_cast %parallel_loop3A_899 : vector<1x16xf32> to vector<16xf32>
        %parallel_loop3A_901 = arith.addf %parallel_loop3A_896, %parallel_loop3A_900 : vector<16xf32>
        %parallel_loop3A_902 = arith.index_cast %parallel_loop3A_845 : i32 to index
        %parallel_loop3A_903 = arith.constant 96 : index
        %parallel_loop3A_904 = tpu.vector_load %arg11[%parallel_loop3A_902, %parallel_loop3A_903] {strides = array<i32>} : memref<64x128xf32, #tpu.memory_space<vmem>>, vector<1x16xf32>,
        %parallel_loop3A_905 = vector.shape_cast %parallel_loop3A_904 : vector<1x16xf32> to vector<16xf32>
        %parallel_loop3A_906 = vector.shape_cast %parallel_loop3A_901 : vector<16xf32> to vector<1x16xf32>
        tpu.vector_store %arg11[%parallel_loop3A_902, %parallel_loop3A_903], %parallel_loop3A_906 {strides = array<i32>} : memref<64x128xf32, #tpu.memory_space<vmem>>, vector<1x16xf32>,
        %parallel_loop3A_907 = arith.constant 9 : i32
        %parallel_loop3A_908 = arith.addi %parallel_loop3A_90, %parallel_loop3A_907 : i32
        %parallel_loop3A_909 = arith.constant 48 : i32
        %parallel_loop3A_910 = arith.addi %parallel_loop3A_851, %parallel_loop3A_909 : i32
        %parallel_loop3A_911 = arith.index_cast %parallel_loop3A_908 : i32 to index
        %parallel_loop3A_912 = arith.index_cast %parallel_loop3A_910 : i32 to index
        %parallel_loop3A_913 = tpu.vector_load %arg9[%parallel_loop3A_911, %parallel_loop3A_912] {strides = array<i32>} : memref<128x128xf32, #tpu.memory_space<vmem>>, vector<1x16xf32>,
        %parallel_loop3A_914 = vector.shape_cast %parallel_loop3A_913 : vector<1x16xf32> to vector<16xf32>
        %parallel_loop3A_915 = arith.index_cast %parallel_loop3A_852 : i32 to index
        %parallel_loop3A_916 = arith.constant 112 : index
        %parallel_loop3A_917 = tpu.vector_load %arg13[%parallel_loop3A_915, %parallel_loop3A_916] {strides = array<i32>} : memref<200x128xf32, #tpu.memory_space<vmem>>, vector<1x16xf32>,
        %parallel_loop3A_918 = vector.shape_cast %parallel_loop3A_917 : vector<1x16xf32> to vector<16xf32>
        %parallel_loop3A_919 = arith.addf %parallel_loop3A_914, %parallel_loop3A_918 : vector<16xf32>
        %parallel_loop3A_920 = arith.index_cast %parallel_loop3A_845 : i32 to index
        %parallel_loop3A_921 = arith.constant 112 : index
        %parallel_loop3A_922 = tpu.vector_load %arg11[%parallel_loop3A_920, %parallel_loop3A_921] {strides = array<i32>} : memref<64x128xf32, #tpu.memory_space<vmem>>, vector<1x16xf32>,
        %parallel_loop3A_923 = vector.shape_cast %parallel_loop3A_922 : vector<1x16xf32> to vector<16xf32>
        %parallel_loop3A_924 = vector.shape_cast %parallel_loop3A_919 : vector<16xf32> to vector<1x16xf32>
        tpu.vector_store %arg11[%parallel_loop3A_920, %parallel_loop3A_921], %parallel_loop3A_924 {strides = array<i32>} : memref<64x128xf32, #tpu.memory_space<vmem>>, vector<1x16xf32>,
        %parallel_loop3A_925 = arith.constant 1 : i32
        %parallel_loop3A_926 = arith.shrui %parallel_loop3A_90, %parallel_loop3A_925 : i32
        %parallel_loop3A_927 = arith.constant 5 : i32
        %parallel_loop3A_928 = arith.addi %parallel_loop3A_926, %parallel_loop3A_927 : i32
        %parallel_loop3A_929 = vector.extract_strided_slice %parallel_loop3A_94 {offsets = [10], sizes = [1], strides = [1]} : vector<16xi32> to vector<1xi32>
        %parallel_loop3A_930 = vector.extract %parallel_loop3A_929[0] : i32 from vector<1xi32>
        %parallel_loop3A_931 = arith.constant 1 : i32
        %parallel_loop3A_932 = arith.andi %parallel_loop3A_930, %parallel_loop3A_931 : i32
        %parallel_loop3A_933 = arith.constant 64 : i32
        %parallel_loop3A_934 = arith.muli %parallel_loop3A_932, %parallel_loop3A_933 : i32
        %parallel_loop3A_935 = arith.addi %rem3A_44, %parallel_loop3A_928 : i32
        %parallel_loop3A_936 = arith.constant 10 : i32
        %parallel_loop3A_937 = arith.addi %parallel_loop3A_90, %parallel_loop3A_936 : i32
        %parallel_loop3A_938 = arith.constant 0 : i32
        %parallel_loop3A_939 = arith.addi %parallel_loop3A_934, %parallel_loop3A_938 : i32
        %parallel_loop3A_940 = arith.index_cast %parallel_loop3A_937 : i32 to index
        %parallel_loop3A_941 = arith.index_cast %parallel_loop3A_939 : i32 to index
        %parallel_loop3A_942 = tpu.vector_load %arg9[%parallel_loop3A_940, %parallel_loop3A_941] {strides = array<i32>} : memref<128x128xf32, #tpu.memory_space<vmem>>, vector<1x16xf32>,
        %parallel_loop3A_943 = vector.shape_cast %parallel_loop3A_942 : vector<1x16xf32> to vector<16xf32>
        %parallel_loop3A_944 = arith.index_cast %parallel_loop3A_935 : i32 to index
        %parallel_loop3A_945 = arith.constant 0 : index
        %parallel_loop3A_946 = tpu.vector_load %arg13[%parallel_loop3A_944, %parallel_loop3A_945] {strides = array<i32>} : memref<200x128xf32, #tpu.memory_space<vmem>>, vector<1x16xf32>,
        %parallel_loop3A_947 = vector.shape_cast %parallel_loop3A_946 : vector<1x16xf32> to vector<16xf32>
        %parallel_loop3A_948 = arith.addf %parallel_loop3A_943, %parallel_loop3A_947 : vector<16xf32>
        %parallel_loop3A_949 = arith.index_cast %parallel_loop3A_928 : i32 to index
        %parallel_loop3A_950 = arith.constant 0 : index
        %parallel_loop3A_951 = tpu.vector_load %arg11[%parallel_loop3A_949, %parallel_loop3A_950] {strides = array<i32>} : memref<64x128xf32, #tpu.memory_space<vmem>>, vector<1x16xf32>,
        %parallel_loop3A_952 = vector.shape_cast %parallel_loop3A_951 : vector<1x16xf32> to vector<16xf32>
        %parallel_loop3A_953 = vector.shape_cast %parallel_loop3A_948 : vector<16xf32> to vector<1x16xf32>
        tpu.vector_store %arg11[%parallel_loop3A_949, %parallel_loop3A_950], %parallel_loop3A_953 {strides = array<i32>} : memref<64x128xf32, #tpu.memory_space<vmem>>, vector<1x16xf32>,
        %parallel_loop3A_954 = arith.constant 10 : i32
        %parallel_loop3A_955 = arith.addi %parallel_loop3A_90, %parallel_loop3A_954 : i32
        %parallel_loop3A_956 = arith.constant 16 : i32
        %parallel_loop3A_957 = arith.addi %parallel_loop3A_934, %parallel_loop3A_956 : i32
        %parallel_loop3A_958 = arith.index_cast %parallel_loop3A_955 : i32 to index
        %parallel_loop3A_959 = arith.index_cast %parallel_loop3A_957 : i32 to index
        %parallel_loop3A_960 = tpu.vector_load %arg9[%parallel_loop3A_958, %parallel_loop3A_959] {strides = array<i32>} : memref<128x128xf32, #tpu.memory_space<vmem>>, vector<1x16xf32>,
        %parallel_loop3A_961 = vector.shape_cast %parallel_loop3A_960 : vector<1x16xf32> to vector<16xf32>
        %parallel_loop3A_962 = arith.index_cast %parallel_loop3A_935 : i32 to index
        %parallel_loop3A_963 = arith.constant 16 : index
        %parallel_loop3A_964 = tpu.vector_load %arg13[%parallel_loop3A_962, %parallel_loop3A_963] {strides = array<i32>} : memref<200x128xf32, #tpu.memory_space<vmem>>, vector<1x16xf32>,
        %parallel_loop3A_965 = vector.shape_cast %parallel_loop3A_964 : vector<1x16xf32> to vector<16xf32>
        %parallel_loop3A_966 = arith.addf %parallel_loop3A_961, %parallel_loop3A_965 : vector<16xf32>
        %parallel_loop3A_967 = arith.index_cast %parallel_loop3A_928 : i32 to index
        %parallel_loop3A_968 = arith.constant 16 : index
        %parallel_loop3A_969 = tpu.vector_load %arg11[%parallel_loop3A_967, %parallel_loop3A_968] {strides = array<i32>} : memref<64x128xf32, #tpu.memory_space<vmem>>, vector<1x16xf32>,
        %parallel_loop3A_970 = vector.shape_cast %parallel_loop3A_969 : vector<1x16xf32> to vector<16xf32>
        %parallel_loop3A_971 = vector.shape_cast %parallel_loop3A_966 : vector<16xf32> to vector<1x16xf32>
        tpu.vector_store %arg11[%parallel_loop3A_967, %parallel_loop3A_968], %parallel_loop3A_971 {strides = array<i32>} : memref<64x128xf32, #tpu.memory_space<vmem>>, vector<1x16xf32>,
        %parallel_loop3A_972 = arith.constant 10 : i32
        %parallel_loop3A_973 = arith.addi %parallel_loop3A_90, %parallel_loop3A_972 : i32
        %parallel_loop3A_974 = arith.constant 32 : i32
        %parallel_loop3A_975 = arith.addi %parallel_loop3A_934, %parallel_loop3A_974 : i32
        %parallel_loop3A_976 = arith.index_cast %parallel_loop3A_973 : i32 to index
        %parallel_loop3A_977 = arith.index_cast %parallel_loop3A_975 : i32 to index
        %parallel_loop3A_978 = tpu.vector_load %arg9[%parallel_loop3A_976, %parallel_loop3A_977] {strides = array<i32>} : memref<128x128xf32, #tpu.memory_space<vmem>>, vector<1x16xf32>,
        %parallel_loop3A_979 = vector.shape_cast %parallel_loop3A_978 : vector<1x16xf32> to vector<16xf32>
        %parallel_loop3A_980 = arith.index_cast %parallel_loop3A_935 : i32 to index
        %parallel_loop3A_981 = arith.constant 32 : index
        %parallel_loop3A_982 = tpu.vector_load %arg13[%parallel_loop3A_980, %parallel_loop3A_981] {strides = array<i32>} : memref<200x128xf32, #tpu.memory_space<vmem>>, vector<1x16xf32>,
        %parallel_loop3A_983 = vector.shape_cast %parallel_loop3A_982 : vector<1x16xf32> to vector<16xf32>
        %parallel_loop3A_984 = arith.addf %parallel_loop3A_979, %parallel_loop3A_983 : vector<16xf32>
        %parallel_loop3A_985 = arith.index_cast %parallel_loop3A_928 : i32 to index
        %parallel_loop3A_986 = arith.constant 32 : index
        %parallel_loop3A_987 = tpu.vector_load %arg11[%parallel_loop3A_985, %parallel_loop3A_986] {strides = array<i32>} : memref<64x128xf32, #tpu.memory_space<vmem>>, vector<1x16xf32>,
        %parallel_loop3A_988 = vector.shape_cast %parallel_loop3A_987 : vector<1x16xf32> to vector<16xf32>
        %parallel_loop3A_989 = vector.shape_cast %parallel_loop3A_984 : vector<16xf32> to vector<1x16xf32>
        tpu.vector_store %arg11[%parallel_loop3A_985, %parallel_loop3A_986], %parallel_loop3A_989 {strides = array<i32>} : memref<64x128xf32, #tpu.memory_space<vmem>>, vector<1x16xf32>,
        %parallel_loop3A_990 = arith.constant 10 : i32
        %parallel_loop3A_991 = arith.addi %parallel_loop3A_90, %parallel_loop3A_990 : i32
        %parallel_loop3A_992 = arith.constant 48 : i32
        %parallel_loop3A_993 = arith.addi %parallel_loop3A_934, %parallel_loop3A_992 : i32
        %parallel_loop3A_994 = arith.index_cast %parallel_loop3A_991 : i32 to index
        %parallel_loop3A_995 = arith.index_cast %parallel_loop3A_993 : i32 to index
        %parallel_loop3A_996 = tpu.vector_load %arg9[%parallel_loop3A_994, %parallel_loop3A_995] {strides = array<i32>} : memref<128x128xf32, #tpu.memory_space<vmem>>, vector<1x16xf32>,
        %parallel_loop3A_997 = vector.shape_cast %parallel_loop3A_996 : vector<1x16xf32> to vector<16xf32>
        %parallel_loop3A_998 = arith.index_cast %parallel_loop3A_935 : i32 to index
        %parallel_loop3A_999 = arith.constant 48 : index
        %parallel_loop3A_1000 = tpu.vector_load %arg13[%parallel_loop3A_998, %parallel_loop3A_999] {strides = array<i32>} : memref<200x128xf32, #tpu.memory_space<vmem>>, vector<1x16xf32>,
        %parallel_loop3A_1001 = vector.shape_cast %parallel_loop3A_1000 : vector<1x16xf32> to vector<16xf32>
        %parallel_loop3A_1002 = arith.addf %parallel_loop3A_997, %parallel_loop3A_1001 : vector<16xf32>
        %parallel_loop3A_1003 = arith.index_cast %parallel_loop3A_928 : i32 to index
        %parallel_loop3A_1004 = arith.constant 48 : index
        %parallel_loop3A_1005 = tpu.vector_load %arg11[%parallel_loop3A_1003, %parallel_loop3A_1004] {strides = array<i32>} : memref<64x128xf32, #tpu.memory_space<vmem>>, vector<1x16xf32>,
        %parallel_loop3A_1006 = vector.shape_cast %parallel_loop3A_1005 : vector<1x16xf32> to vector<16xf32>
        %parallel_loop3A_1007 = vector.shape_cast %parallel_loop3A_1002 : vector<16xf32> to vector<1x16xf32>
        tpu.vector_store %arg11[%parallel_loop3A_1003, %parallel_loop3A_1004], %parallel_loop3A_1007 {strides = array<i32>} : memref<64x128xf32, #tpu.memory_space<vmem>>, vector<1x16xf32>,
        %parallel_loop3A_1008 = arith.constant 1 : i32
        %parallel_loop3A_1009 = arith.shrui %parallel_loop3A_90, %parallel_loop3A_1008 : i32
        %parallel_loop3A_1010 = arith.constant 5 : i32
        %parallel_loop3A_1011 = arith.addi %parallel_loop3A_1009, %parallel_loop3A_1010 : i32
        %parallel_loop3A_1012 = vector.extract_strided_slice %parallel_loop3A_94 {offsets = [11], sizes = [1], strides = [1]} : vector<16xi32> to vector<1xi32>
        %parallel_loop3A_1013 = vector.extract %parallel_loop3A_1012[0] : i32 from vector<1xi32>
        %parallel_loop3A_1014 = arith.constant 1 : i32
        %parallel_loop3A_1015 = arith.andi %parallel_loop3A_1013, %parallel_loop3A_1014 : i32
        %parallel_loop3A_1016 = arith.constant 64 : i32
        %parallel_loop3A_1017 = arith.muli %parallel_loop3A_1015, %parallel_loop3A_1016 : i32
        %parallel_loop3A_1018 = arith.addi %rem3A_44, %parallel_loop3A_1011 : i32
        %parallel_loop3A_1019 = arith.constant 11 : i32
        %parallel_loop3A_1020 = arith.addi %parallel_loop3A_90, %parallel_loop3A_1019 : i32
        %parallel_loop3A_1021 = arith.constant 0 : i32
        %parallel_loop3A_1022 = arith.addi %parallel_loop3A_1017, %parallel_loop3A_1021 : i32
        %parallel_loop3A_1023 = arith.index_cast %parallel_loop3A_1020 : i32 to index
        %parallel_loop3A_1024 = arith.index_cast %parallel_loop3A_1022 : i32 to index
        %parallel_loop3A_1025 = tpu.vector_load %arg9[%parallel_loop3A_1023, %parallel_loop3A_1024] {strides = array<i32>} : memref<128x128xf32, #tpu.memory_space<vmem>>, vector<1x16xf32>,
        %parallel_loop3A_1026 = vector.shape_cast %parallel_loop3A_1025 : vector<1x16xf32> to vector<16xf32>
        %parallel_loop3A_1027 = arith.index_cast %parallel_loop3A_1018 : i32 to index
        %parallel_loop3A_1028 = arith.constant 64 : index
        %parallel_loop3A_1029 = tpu.vector_load %arg13[%parallel_loop3A_1027, %parallel_loop3A_1028] {strides = array<i32>} : memref<200x128xf32, #tpu.memory_space<vmem>>, vector<1x16xf32>,
        %parallel_loop3A_1030 = vector.shape_cast %parallel_loop3A_1029 : vector<1x16xf32> to vector<16xf32>
        %parallel_loop3A_1031 = arith.addf %parallel_loop3A_1026, %parallel_loop3A_1030 : vector<16xf32>
        %parallel_loop3A_1032 = arith.index_cast %parallel_loop3A_1011 : i32 to index
        %parallel_loop3A_1033 = arith.constant 64 : index
        %parallel_loop3A_1034 = tpu.vector_load %arg11[%parallel_loop3A_1032, %parallel_loop3A_1033] {strides = array<i32>} : memref<64x128xf32, #tpu.memory_space<vmem>>, vector<1x16xf32>,
        %parallel_loop3A_1035 = vector.shape_cast %parallel_loop3A_1034 : vector<1x16xf32> to vector<16xf32>
        %parallel_loop3A_1036 = vector.shape_cast %parallel_loop3A_1031 : vector<16xf32> to vector<1x16xf32>
        tpu.vector_store %arg11[%parallel_loop3A_1032, %parallel_loop3A_1033], %parallel_loop3A_1036 {strides = array<i32>} : memref<64x128xf32, #tpu.memory_space<vmem>>, vector<1x16xf32>,
        %parallel_loop3A_1037 = arith.constant 11 : i32
        %parallel_loop3A_1038 = arith.addi %parallel_loop3A_90, %parallel_loop3A_1037 : i32
        %parallel_loop3A_1039 = arith.constant 16 : i32
        %parallel_loop3A_1040 = arith.addi %parallel_loop3A_1017, %parallel_loop3A_1039 : i32
        %parallel_loop3A_1041 = arith.index_cast %parallel_loop3A_1038 : i32 to index
        %parallel_loop3A_1042 = arith.index_cast %parallel_loop3A_1040 : i32 to index
        %parallel_loop3A_1043 = tpu.vector_load %arg9[%parallel_loop3A_1041, %parallel_loop3A_1042] {strides = array<i32>} : memref<128x128xf32, #tpu.memory_space<vmem>>, vector<1x16xf32>,
        %parallel_loop3A_1044 = vector.shape_cast %parallel_loop3A_1043 : vector<1x16xf32> to vector<16xf32>
        %parallel_loop3A_1045 = arith.index_cast %parallel_loop3A_1018 : i32 to index
        %parallel_loop3A_1046 = arith.constant 80 : index
        %parallel_loop3A_1047 = tpu.vector_load %arg13[%parallel_loop3A_1045, %parallel_loop3A_1046] {strides = array<i32>} : memref<200x128xf32, #tpu.memory_space<vmem>>, vector<1x16xf32>,
        %parallel_loop3A_1048 = vector.shape_cast %parallel_loop3A_1047 : vector<1x16xf32> to vector<16xf32>
        %parallel_loop3A_1049 = arith.addf %parallel_loop3A_1044, %parallel_loop3A_1048 : vector<16xf32>
        %parallel_loop3A_1050 = arith.index_cast %parallel_loop3A_1011 : i32 to index
        %parallel_loop3A_1051 = arith.constant 80 : index
        %parallel_loop3A_1052 = tpu.vector_load %arg11[%parallel_loop3A_1050, %parallel_loop3A_1051] {strides = array<i32>} : memref<64x128xf32, #tpu.memory_space<vmem>>, vector<1x16xf32>,
        %parallel_loop3A_1053 = vector.shape_cast %parallel_loop3A_1052 : vector<1x16xf32> to vector<16xf32>
        %parallel_loop3A_1054 = vector.shape_cast %parallel_loop3A_1049 : vector<16xf32> to vector<1x16xf32>
        tpu.vector_store %arg11[%parallel_loop3A_1050, %parallel_loop3A_1051], %parallel_loop3A_1054 {strides = array<i32>} : memref<64x128xf32, #tpu.memory_space<vmem>>, vector<1x16xf32>,
        %parallel_loop3A_1055 = arith.constant 11 : i32
        %parallel_loop3A_1056 = arith.addi %parallel_loop3A_90, %parallel_loop3A_1055 : i32
        %parallel_loop3A_1057 = arith.constant 32 : i32
        %parallel_loop3A_1058 = arith.addi %parallel_loop3A_1017, %parallel_loop3A_1057 : i32
        %parallel_loop3A_1059 = arith.index_cast %parallel_loop3A_1056 : i32 to index
        %parallel_loop3A_1060 = arith.index_cast %parallel_loop3A_1058 : i32 to index
        %parallel_loop3A_1061 = tpu.vector_load %arg9[%parallel_loop3A_1059, %parallel_loop3A_1060] {strides = array<i32>} : memref<128x128xf32, #tpu.memory_space<vmem>>, vector<1x16xf32>,
        %parallel_loop3A_1062 = vector.shape_cast %parallel_loop3A_1061 : vector<1x16xf32> to vector<16xf32>
        %parallel_loop3A_1063 = arith.index_cast %parallel_loop3A_1018 : i32 to index
        %parallel_loop3A_1064 = arith.constant 96 : index
        %parallel_loop3A_1065 = tpu.vector_load %arg13[%parallel_loop3A_1063, %parallel_loop3A_1064] {strides = array<i32>} : memref<200x128xf32, #tpu.memory_space<vmem>>, vector<1x16xf32>,
        %parallel_loop3A_1066 = vector.shape_cast %parallel_loop3A_1065 : vector<1x16xf32> to vector<16xf32>
        %parallel_loop3A_1067 = arith.addf %parallel_loop3A_1062, %parallel_loop3A_1066 : vector<16xf32>
        %parallel_loop3A_1068 = arith.index_cast %parallel_loop3A_1011 : i32 to index
        %parallel_loop3A_1069 = arith.constant 96 : index
        %parallel_loop3A_1070 = tpu.vector_load %arg11[%parallel_loop3A_1068, %parallel_loop3A_1069] {strides = array<i32>} : memref<64x128xf32, #tpu.memory_space<vmem>>, vector<1x16xf32>,
        %parallel_loop3A_1071 = vector.shape_cast %parallel_loop3A_1070 : vector<1x16xf32> to vector<16xf32>
        %parallel_loop3A_1072 = vector.shape_cast %parallel_loop3A_1067 : vector<16xf32> to vector<1x16xf32>
        tpu.vector_store %arg11[%parallel_loop3A_1068, %parallel_loop3A_1069], %parallel_loop3A_1072 {strides = array<i32>} : memref<64x128xf32, #tpu.memory_space<vmem>>, vector<1x16xf32>,
        %parallel_loop3A_1073 = arith.constant 11 : i32
        %parallel_loop3A_1074 = arith.addi %parallel_loop3A_90, %parallel_loop3A_1073 : i32
        %parallel_loop3A_1075 = arith.constant 48 : i32
        %parallel_loop3A_1076 = arith.addi %parallel_loop3A_1017, %parallel_loop3A_1075 : i32
        %parallel_loop3A_1077 = arith.index_cast %parallel_loop3A_1074 : i32 to index
        %parallel_loop3A_1078 = arith.index_cast %parallel_loop3A_1076 : i32 to index
        %parallel_loop3A_1079 = tpu.vector_load %arg9[%parallel_loop3A_1077, %parallel_loop3A_1078] {strides = array<i32>} : memref<128x128xf32, #tpu.memory_space<vmem>>, vector<1x16xf32>,
        %parallel_loop3A_1080 = vector.shape_cast %parallel_loop3A_1079 : vector<1x16xf32> to vector<16xf32>
        %parallel_loop3A_1081 = arith.index_cast %parallel_loop3A_1018 : i32 to index
        %parallel_loop3A_1082 = arith.constant 112 : index
        %parallel_loop3A_1083 = tpu.vector_load %arg13[%parallel_loop3A_1081, %parallel_loop3A_1082] {strides = array<i32>} : memref<200x128xf32, #tpu.memory_space<vmem>>, vector<1x16xf32>,
        %parallel_loop3A_1084 = vector.shape_cast %parallel_loop3A_1083 : vector<1x16xf32> to vector<16xf32>
        %parallel_loop3A_1085 = arith.addf %parallel_loop3A_1080, %parallel_loop3A_1084 : vector<16xf32>
        %parallel_loop3A_1086 = arith.index_cast %parallel_loop3A_1011 : i32 to index
        %parallel_loop3A_1087 = arith.constant 112 : index
        %parallel_loop3A_1088 = tpu.vector_load %arg11[%parallel_loop3A_1086, %parallel_loop3A_1087] {strides = array<i32>} : memref<64x128xf32, #tpu.memory_space<vmem>>, vector<1x16xf32>,
        %parallel_loop3A_1089 = vector.shape_cast %parallel_loop3A_1088 : vector<1x16xf32> to vector<16xf32>
        %parallel_loop3A_1090 = vector.shape_cast %parallel_loop3A_1085 : vector<16xf32> to vector<1x16xf32>
        tpu.vector_store %arg11[%parallel_loop3A_1086, %parallel_loop3A_1087], %parallel_loop3A_1090 {strides = array<i32>} : memref<64x128xf32, #tpu.memory_space<vmem>>, vector<1x16xf32>,
        %parallel_loop3A_1091 = arith.constant 1 : i32
        %parallel_loop3A_1092 = arith.shrui %parallel_loop3A_90, %parallel_loop3A_1091 : i32
        %parallel_loop3A_1093 = arith.constant 6 : i32
        %parallel_loop3A_1094 = arith.addi %parallel_loop3A_1092, %parallel_loop3A_1093 : i32
        %parallel_loop3A_1095 = vector.extract_strided_slice %parallel_loop3A_94 {offsets = [12], sizes = [1], strides = [1]} : vector<16xi32> to vector<1xi32>
        %parallel_loop3A_1096 = vector.extract %parallel_loop3A_1095[0] : i32 from vector<1xi32>
        %parallel_loop3A_1097 = arith.constant 1 : i32
        %parallel_loop3A_1098 = arith.andi %parallel_loop3A_1096, %parallel_loop3A_1097 : i32
        %parallel_loop3A_1099 = arith.constant 64 : i32
        %parallel_loop3A_1100 = arith.muli %parallel_loop3A_1098, %parallel_loop3A_1099 : i32
        %parallel_loop3A_1101 = arith.addi %rem3A_44, %parallel_loop3A_1094 : i32
        %parallel_loop3A_1102 = arith.constant 12 : i32
        %parallel_loop3A_1103 = arith.addi %parallel_loop3A_90, %parallel_loop3A_1102 : i32
        %parallel_loop3A_1104 = arith.constant 0 : i32
        %parallel_loop3A_1105 = arith.addi %parallel_loop3A_1100, %parallel_loop3A_1104 : i32
        %parallel_loop3A_1106 = arith.index_cast %parallel_loop3A_1103 : i32 to index
        %parallel_loop3A_1107 = arith.index_cast %parallel_loop3A_1105 : i32 to index
        %parallel_loop3A_1108 = tpu.vector_load %arg9[%parallel_loop3A_1106, %parallel_loop3A_1107] {strides = array<i32>} : memref<128x128xf32, #tpu.memory_space<vmem>>, vector<1x16xf32>,
        %parallel_loop3A_1109 = vector.shape_cast %parallel_loop3A_1108 : vector<1x16xf32> to vector<16xf32>
        %parallel_loop3A_1110 = arith.index_cast %parallel_loop3A_1101 : i32 to index
        %parallel_loop3A_1111 = arith.constant 0 : index
        %parallel_loop3A_1112 = tpu.vector_load %arg13[%parallel_loop3A_1110, %parallel_loop3A_1111] {strides = array<i32>} : memref<200x128xf32, #tpu.memory_space<vmem>>, vector<1x16xf32>,
        %parallel_loop3A_1113 = vector.shape_cast %parallel_loop3A_1112 : vector<1x16xf32> to vector<16xf32>
        %parallel_loop3A_1114 = arith.addf %parallel_loop3A_1109, %parallel_loop3A_1113 : vector<16xf32>
        %parallel_loop3A_1115 = arith.index_cast %parallel_loop3A_1094 : i32 to index
        %parallel_loop3A_1116 = arith.constant 0 : index
        %parallel_loop3A_1117 = tpu.vector_load %arg11[%parallel_loop3A_1115, %parallel_loop3A_1116] {strides = array<i32>} : memref<64x128xf32, #tpu.memory_space<vmem>>, vector<1x16xf32>,
        %parallel_loop3A_1118 = vector.shape_cast %parallel_loop3A_1117 : vector<1x16xf32> to vector<16xf32>
        %parallel_loop3A_1119 = vector.shape_cast %parallel_loop3A_1114 : vector<16xf32> to vector<1x16xf32>
        tpu.vector_store %arg11[%parallel_loop3A_1115, %parallel_loop3A_1116], %parallel_loop3A_1119 {strides = array<i32>} : memref<64x128xf32, #tpu.memory_space<vmem>>, vector<1x16xf32>,
        %parallel_loop3A_1120 = arith.constant 12 : i32
        %parallel_loop3A_1121 = arith.addi %parallel_loop3A_90, %parallel_loop3A_1120 : i32
        %parallel_loop3A_1122 = arith.constant 16 : i32
        %parallel_loop3A_1123 = arith.addi %parallel_loop3A_1100, %parallel_loop3A_1122 : i32
        %parallel_loop3A_1124 = arith.index_cast %parallel_loop3A_1121 : i32 to index
        %parallel_loop3A_1125 = arith.index_cast %parallel_loop3A_1123 : i32 to index
        %parallel_loop3A_1126 = tpu.vector_load %arg9[%parallel_loop3A_1124, %parallel_loop3A_1125] {strides = array<i32>} : memref<128x128xf32, #tpu.memory_space<vmem>>, vector<1x16xf32>,
        %parallel_loop3A_1127 = vector.shape_cast %parallel_loop3A_1126 : vector<1x16xf32> to vector<16xf32>
        %parallel_loop3A_1128 = arith.index_cast %parallel_loop3A_1101 : i32 to index
        %parallel_loop3A_1129 = arith.constant 16 : index
        %parallel_loop3A_1130 = tpu.vector_load %arg13[%parallel_loop3A_1128, %parallel_loop3A_1129] {strides = array<i32>} : memref<200x128xf32, #tpu.memory_space<vmem>>, vector<1x16xf32>,
        %parallel_loop3A_1131 = vector.shape_cast %parallel_loop3A_1130 : vector<1x16xf32> to vector<16xf32>
        %parallel_loop3A_1132 = arith.addf %parallel_loop3A_1127, %parallel_loop3A_1131 : vector<16xf32>
        %parallel_loop3A_1133 = arith.index_cast %parallel_loop3A_1094 : i32 to index
        %parallel_loop3A_1134 = arith.constant 16 : index
        %parallel_loop3A_1135 = tpu.vector_load %arg11[%parallel_loop3A_1133, %parallel_loop3A_1134] {strides = array<i32>} : memref<64x128xf32, #tpu.memory_space<vmem>>, vector<1x16xf32>,
        %parallel_loop3A_1136 = vector.shape_cast %parallel_loop3A_1135 : vector<1x16xf32> to vector<16xf32>
        %parallel_loop3A_1137 = vector.shape_cast %parallel_loop3A_1132 : vector<16xf32> to vector<1x16xf32>
        tpu.vector_store %arg11[%parallel_loop3A_1133, %parallel_loop3A_1134], %parallel_loop3A_1137 {strides = array<i32>} : memref<64x128xf32, #tpu.memory_space<vmem>>, vector<1x16xf32>,
        %parallel_loop3A_1138 = arith.constant 12 : i32
        %parallel_loop3A_1139 = arith.addi %parallel_loop3A_90, %parallel_loop3A_1138 : i32
        %parallel_loop3A_1140 = arith.constant 32 : i32
        %parallel_loop3A_1141 = arith.addi %parallel_loop3A_1100, %parallel_loop3A_1140 : i32
        %parallel_loop3A_1142 = arith.index_cast %parallel_loop3A_1139 : i32 to index
        %parallel_loop3A_1143 = arith.index_cast %parallel_loop3A_1141 : i32 to index
        %parallel_loop3A_1144 = tpu.vector_load %arg9[%parallel_loop3A_1142, %parallel_loop3A_1143] {strides = array<i32>} : memref<128x128xf32, #tpu.memory_space<vmem>>, vector<1x16xf32>,
        %parallel_loop3A_1145 = vector.shape_cast %parallel_loop3A_1144 : vector<1x16xf32> to vector<16xf32>
        %parallel_loop3A_1146 = arith.index_cast %parallel_loop3A_1101 : i32 to index
        %parallel_loop3A_1147 = arith.constant 32 : index
        %parallel_loop3A_1148 = tpu.vector_load %arg13[%parallel_loop3A_1146, %parallel_loop3A_1147] {strides = array<i32>} : memref<200x128xf32, #tpu.memory_space<vmem>>, vector<1x16xf32>,
        %parallel_loop3A_1149 = vector.shape_cast %parallel_loop3A_1148 : vector<1x16xf32> to vector<16xf32>
        %parallel_loop3A_1150 = arith.addf %parallel_loop3A_1145, %parallel_loop3A_1149 : vector<16xf32>
        %parallel_loop3A_1151 = arith.index_cast %parallel_loop3A_1094 : i32 to index
        %parallel_loop3A_1152 = arith.constant 32 : index
        %parallel_loop3A_1153 = tpu.vector_load %arg11[%parallel_loop3A_1151, %parallel_loop3A_1152] {strides = array<i32>} : memref<64x128xf32, #tpu.memory_space<vmem>>, vector<1x16xf32>,
        %parallel_loop3A_1154 = vector.shape_cast %parallel_loop3A_1153 : vector<1x16xf32> to vector<16xf32>
        %parallel_loop3A_1155 = vector.shape_cast %parallel_loop3A_1150 : vector<16xf32> to vector<1x16xf32>
        tpu.vector_store %arg11[%parallel_loop3A_1151, %parallel_loop3A_1152], %parallel_loop3A_1155 {strides = array<i32>} : memref<64x128xf32, #tpu.memory_space<vmem>>, vector<1x16xf32>,
        %parallel_loop3A_1156 = arith.constant 12 : i32
        %parallel_loop3A_1157 = arith.addi %parallel_loop3A_90, %parallel_loop3A_1156 : i32
        %parallel_loop3A_1158 = arith.constant 48 : i32
        %parallel_loop3A_1159 = arith.addi %parallel_loop3A_1100, %parallel_loop3A_1158 : i32
        %parallel_loop3A_1160 = arith.index_cast %parallel_loop3A_1157 : i32 to index
        %parallel_loop3A_1161 = arith.index_cast %parallel_loop3A_1159 : i32 to index
        %parallel_loop3A_1162 = tpu.vector_load %arg9[%parallel_loop3A_1160, %parallel_loop3A_1161] {strides = array<i32>} : memref<128x128xf32, #tpu.memory_space<vmem>>, vector<1x16xf32>,
        %parallel_loop3A_1163 = vector.shape_cast %parallel_loop3A_1162 : vector<1x16xf32> to vector<16xf32>
        %parallel_loop3A_1164 = arith.index_cast %parallel_loop3A_1101 : i32 to index
        %parallel_loop3A_1165 = arith.constant 48 : index
        %parallel_loop3A_1166 = tpu.vector_load %arg13[%parallel_loop3A_1164, %parallel_loop3A_1165] {strides = array<i32>} : memref<200x128xf32, #tpu.memory_space<vmem>>, vector<1x16xf32>,
        %parallel_loop3A_1167 = vector.shape_cast %parallel_loop3A_1166 : vector<1x16xf32> to vector<16xf32>
        %parallel_loop3A_1168 = arith.addf %parallel_loop3A_1163, %parallel_loop3A_1167 : vector<16xf32>
        %parallel_loop3A_1169 = arith.index_cast %parallel_loop3A_1094 : i32 to index
        %parallel_loop3A_1170 = arith.constant 48 : index
        %parallel_loop3A_1171 = tpu.vector_load %arg11[%parallel_loop3A_1169, %parallel_loop3A_1170] {strides = array<i32>} : memref<64x128xf32, #tpu.memory_space<vmem>>, vector<1x16xf32>,
        %parallel_loop3A_1172 = vector.shape_cast %parallel_loop3A_1171 : vector<1x16xf32> to vector<16xf32>
        %parallel_loop3A_1173 = vector.shape_cast %parallel_loop3A_1168 : vector<16xf32> to vector<1x16xf32>
        tpu.vector_store %arg11[%parallel_loop3A_1169, %parallel_loop3A_1170], %parallel_loop3A_1173 {strides = array<i32>} : memref<64x128xf32, #tpu.memory_space<vmem>>, vector<1x16xf32>,
        %parallel_loop3A_1174 = arith.constant 1 : i32
        %parallel_loop3A_1175 = arith.shrui %parallel_loop3A_90, %parallel_loop3A_1174 : i32
        %parallel_loop3A_1176 = arith.constant 6 : i32
        %parallel_loop3A_1177 = arith.addi %parallel_loop3A_1175, %parallel_loop3A_1176 : i32
        %parallel_loop3A_1178 = vector.extract_strided_slice %parallel_loop3A_94 {offsets = [13], sizes = [1], strides = [1]} : vector<16xi32> to vector<1xi32>
        %parallel_loop3A_1179 = vector.extract %parallel_loop3A_1178[0] : i32 from vector<1xi32>
        %parallel_loop3A_1180 = arith.constant 1 : i32
        %parallel_loop3A_1181 = arith.andi %parallel_loop3A_1179, %parallel_loop3A_1180 : i32
        %parallel_loop3A_1182 = arith.constant 64 : i32
        %parallel_loop3A_1183 = arith.muli %parallel_loop3A_1181, %parallel_loop3A_1182 : i32
        %parallel_loop3A_1184 = arith.addi %rem3A_44, %parallel_loop3A_1177 : i32
        %parallel_loop3A_1185 = arith.constant 13 : i32
        %parallel_loop3A_1186 = arith.addi %parallel_loop3A_90, %parallel_loop3A_1185 : i32
        %parallel_loop3A_1187 = arith.constant 0 : i32
        %parallel_loop3A_1188 = arith.addi %parallel_loop3A_1183, %parallel_loop3A_1187 : i32
        %parallel_loop3A_1189 = arith.index_cast %parallel_loop3A_1186 : i32 to index
        %parallel_loop3A_1190 = arith.index_cast %parallel_loop3A_1188 : i32 to index
        %parallel_loop3A_1191 = tpu.vector_load %arg9[%parallel_loop3A_1189, %parallel_loop3A_1190] {strides = array<i32>} : memref<128x128xf32, #tpu.memory_space<vmem>>, vector<1x16xf32>,
        %parallel_loop3A_1192 = vector.shape_cast %parallel_loop3A_1191 : vector<1x16xf32> to vector<16xf32>
        %parallel_loop3A_1193 = arith.index_cast %parallel_loop3A_1184 : i32 to index
        %parallel_loop3A_1194 = arith.constant 64 : index
        %parallel_loop3A_1195 = tpu.vector_load %arg13[%parallel_loop3A_1193, %parallel_loop3A_1194] {strides = array<i32>} : memref<200x128xf32, #tpu.memory_space<vmem>>, vector<1x16xf32>,
        %parallel_loop3A_1196 = vector.shape_cast %parallel_loop3A_1195 : vector<1x16xf32> to vector<16xf32>
        %parallel_loop3A_1197 = arith.addf %parallel_loop3A_1192, %parallel_loop3A_1196 : vector<16xf32>
        %parallel_loop3A_1198 = arith.index_cast %parallel_loop3A_1177 : i32 to index
        %parallel_loop3A_1199 = arith.constant 64 : index
        %parallel_loop3A_1200 = tpu.vector_load %arg11[%parallel_loop3A_1198, %parallel_loop3A_1199] {strides = array<i32>} : memref<64x128xf32, #tpu.memory_space<vmem>>, vector<1x16xf32>,
        %parallel_loop3A_1201 = vector.shape_cast %parallel_loop3A_1200 : vector<1x16xf32> to vector<16xf32>
        %parallel_loop3A_1202 = vector.shape_cast %parallel_loop3A_1197 : vector<16xf32> to vector<1x16xf32>
        tpu.vector_store %arg11[%parallel_loop3A_1198, %parallel_loop3A_1199], %parallel_loop3A_1202 {strides = array<i32>} : memref<64x128xf32, #tpu.memory_space<vmem>>, vector<1x16xf32>,
        %parallel_loop3A_1203 = arith.constant 13 : i32
        %parallel_loop3A_1204 = arith.addi %parallel_loop3A_90, %parallel_loop3A_1203 : i32
        %parallel_loop3A_1205 = arith.constant 16 : i32
        %parallel_loop3A_1206 = arith.addi %parallel_loop3A_1183, %parallel_loop3A_1205 : i32
        %parallel_loop3A_1207 = arith.index_cast %parallel_loop3A_1204 : i32 to index
        %parallel_loop3A_1208 = arith.index_cast %parallel_loop3A_1206 : i32 to index
        %parallel_loop3A_1209 = tpu.vector_load %arg9[%parallel_loop3A_1207, %parallel_loop3A_1208] {strides = array<i32>} : memref<128x128xf32, #tpu.memory_space<vmem>>, vector<1x16xf32>,
        %parallel_loop3A_1210 = vector.shape_cast %parallel_loop3A_1209 : vector<1x16xf32> to vector<16xf32>
        %parallel_loop3A_1211 = arith.index_cast %parallel_loop3A_1184 : i32 to index
        %parallel_loop3A_1212 = arith.constant 80 : index
        %parallel_loop3A_1213 = tpu.vector_load %arg13[%parallel_loop3A_1211, %parallel_loop3A_1212] {strides = array<i32>} : memref<200x128xf32, #tpu.memory_space<vmem>>, vector<1x16xf32>,
        %parallel_loop3A_1214 = vector.shape_cast %parallel_loop3A_1213 : vector<1x16xf32> to vector<16xf32>
        %parallel_loop3A_1215 = arith.addf %parallel_loop3A_1210, %parallel_loop3A_1214 : vector<16xf32>
        %parallel_loop3A_1216 = arith.index_cast %parallel_loop3A_1177 : i32 to index
        %parallel_loop3A_1217 = arith.constant 80 : index
        %parallel_loop3A_1218 = tpu.vector_load %arg11[%parallel_loop3A_1216, %parallel_loop3A_1217] {strides = array<i32>} : memref<64x128xf32, #tpu.memory_space<vmem>>, vector<1x16xf32>,
        %parallel_loop3A_1219 = vector.shape_cast %parallel_loop3A_1218 : vector<1x16xf32> to vector<16xf32>
        %parallel_loop3A_1220 = vector.shape_cast %parallel_loop3A_1215 : vector<16xf32> to vector<1x16xf32>
        tpu.vector_store %arg11[%parallel_loop3A_1216, %parallel_loop3A_1217], %parallel_loop3A_1220 {strides = array<i32>} : memref<64x128xf32, #tpu.memory_space<vmem>>, vector<1x16xf32>,
        %parallel_loop3A_1221 = arith.constant 13 : i32
        %parallel_loop3A_1222 = arith.addi %parallel_loop3A_90, %parallel_loop3A_1221 : i32
        %parallel_loop3A_1223 = arith.constant 32 : i32
        %parallel_loop3A_1224 = arith.addi %parallel_loop3A_1183, %parallel_loop3A_1223 : i32
        %parallel_loop3A_1225 = arith.index_cast %parallel_loop3A_1222 : i32 to index
        %parallel_loop3A_1226 = arith.index_cast %parallel_loop3A_1224 : i32 to index
        %parallel_loop3A_1227 = tpu.vector_load %arg9[%parallel_loop3A_1225, %parallel_loop3A_1226] {strides = array<i32>} : memref<128x128xf32, #tpu.memory_space<vmem>>, vector<1x16xf32>,
        %parallel_loop3A_1228 = vector.shape_cast %parallel_loop3A_1227 : vector<1x16xf32> to vector<16xf32>
        %parallel_loop3A_1229 = arith.index_cast %parallel_loop3A_1184 : i32 to index
        %parallel_loop3A_1230 = arith.constant 96 : index
        %parallel_loop3A_1231 = tpu.vector_load %arg13[%parallel_loop3A_1229, %parallel_loop3A_1230] {strides = array<i32>} : memref<200x128xf32, #tpu.memory_space<vmem>>, vector<1x16xf32>,
        %parallel_loop3A_1232 = vector.shape_cast %parallel_loop3A_1231 : vector<1x16xf32> to vector<16xf32>
        %parallel_loop3A_1233 = arith.addf %parallel_loop3A_1228, %parallel_loop3A_1232 : vector<16xf32>
        %parallel_loop3A_1234 = arith.index_cast %parallel_loop3A_1177 : i32 to index
        %parallel_loop3A_1235 = arith.constant 96 : index
        %parallel_loop3A_1236 = tpu.vector_load %arg11[%parallel_loop3A_1234, %parallel_loop3A_1235] {strides = array<i32>} : memref<64x128xf32, #tpu.memory_space<vmem>>, vector<1x16xf32>,
        %parallel_loop3A_1237 = vector.shape_cast %parallel_loop3A_1236 : vector<1x16xf32> to vector<16xf32>
        %parallel_loop3A_1238 = vector.shape_cast %parallel_loop3A_1233 : vector<16xf32> to vector<1x16xf32>
        tpu.vector_store %arg11[%parallel_loop3A_1234, %parallel_loop3A_1235], %parallel_loop3A_1238 {strides = array<i32>} : memref<64x128xf32, #tpu.memory_space<vmem>>, vector<1x16xf32>,
        %parallel_loop3A_1239 = arith.constant 13 : i32
        %parallel_loop3A_1240 = arith.addi %parallel_loop3A_90, %parallel_loop3A_1239 : i32
        %parallel_loop3A_1241 = arith.constant 48 : i32
        %parallel_loop3A_1242 = arith.addi %parallel_loop3A_1183, %parallel_loop3A_1241 : i32
        %parallel_loop3A_1243 = arith.index_cast %parallel_loop3A_1240 : i32 to index
        %parallel_loop3A_1244 = arith.index_cast %parallel_loop3A_1242 : i32 to index
        %parallel_loop3A_1245 = tpu.vector_load %arg9[%parallel_loop3A_1243, %parallel_loop3A_1244] {strides = array<i32>} : memref<128x128xf32, #tpu.memory_space<vmem>>, vector<1x16xf32>,
        %parallel_loop3A_1246 = vector.shape_cast %parallel_loop3A_1245 : vector<1x16xf32> to vector<16xf32>
        %parallel_loop3A_1247 = arith.index_cast %parallel_loop3A_1184 : i32 to index
        %parallel_loop3A_1248 = arith.constant 112 : index
        %parallel_loop3A_1249 = tpu.vector_load %arg13[%parallel_loop3A_1247, %parallel_loop3A_1248] {strides = array<i32>} : memref<200x128xf32, #tpu.memory_space<vmem>>, vector<1x16xf32>,
        %parallel_loop3A_1250 = vector.shape_cast %parallel_loop3A_1249 : vector<1x16xf32> to vector<16xf32>
        %parallel_loop3A_1251 = arith.addf %parallel_loop3A_1246, %parallel_loop3A_1250 : vector<16xf32>
        %parallel_loop3A_1252 = arith.index_cast %parallel_loop3A_1177 : i32 to index
        %parallel_loop3A_1253 = arith.constant 112 : index
        %parallel_loop3A_1254 = tpu.vector_load %arg11[%parallel_loop3A_1252, %parallel_loop3A_1253] {strides = array<i32>} : memref<64x128xf32, #tpu.memory_space<vmem>>, vector<1x16xf32>,
        %parallel_loop3A_1255 = vector.shape_cast %parallel_loop3A_1254 : vector<1x16xf32> to vector<16xf32>
        %parallel_loop3A_1256 = vector.shape_cast %parallel_loop3A_1251 : vector<16xf32> to vector<1x16xf32>
        tpu.vector_store %arg11[%parallel_loop3A_1252, %parallel_loop3A_1253], %parallel_loop3A_1256 {strides = array<i32>} : memref<64x128xf32, #tpu.memory_space<vmem>>, vector<1x16xf32>,
        %parallel_loop3A_1257 = arith.constant 1 : i32
        %parallel_loop3A_1258 = arith.shrui %parallel_loop3A_90, %parallel_loop3A_1257 : i32
        %parallel_loop3A_1259 = arith.constant 7 : i32
        %parallel_loop3A_1260 = arith.addi %parallel_loop3A_1258, %parallel_loop3A_1259 : i32
        %parallel_loop3A_1261 = vector.extract_strided_slice %parallel_loop3A_94 {offsets = [14], sizes = [1], strides = [1]} : vector<16xi32> to vector<1xi32>
        %parallel_loop3A_1262 = vector.extract %parallel_loop3A_1261[0] : i32 from vector<1xi32>
        %parallel_loop3A_1263 = arith.constant 1 : i32
        %parallel_loop3A_1264 = arith.andi %parallel_loop3A_1262, %parallel_loop3A_1263 : i32
        %parallel_loop3A_1265 = arith.constant 64 : i32
        %parallel_loop3A_1266 = arith.muli %parallel_loop3A_1264, %parallel_loop3A_1265 : i32
        %parallel_loop3A_1267 = arith.addi %rem3A_44, %parallel_loop3A_1260 : i32
        %parallel_loop3A_1268 = arith.constant 14 : i32
        %parallel_loop3A_1269 = arith.addi %parallel_loop3A_90, %parallel_loop3A_1268 : i32
        %parallel_loop3A_1270 = arith.constant 0 : i32
        %parallel_loop3A_1271 = arith.addi %parallel_loop3A_1266, %parallel_loop3A_1270 : i32
        %parallel_loop3A_1272 = arith.index_cast %parallel_loop3A_1269 : i32 to index
        %parallel_loop3A_1273 = arith.index_cast %parallel_loop3A_1271 : i32 to index
        %parallel_loop3A_1274 = tpu.vector_load %arg9[%parallel_loop3A_1272, %parallel_loop3A_1273] {strides = array<i32>} : memref<128x128xf32, #tpu.memory_space<vmem>>, vector<1x16xf32>,
        %parallel_loop3A_1275 = vector.shape_cast %parallel_loop3A_1274 : vector<1x16xf32> to vector<16xf32>
        %parallel_loop3A_1276 = arith.index_cast %parallel_loop3A_1267 : i32 to index
        %parallel_loop3A_1277 = arith.constant 0 : index
        %parallel_loop3A_1278 = tpu.vector_load %arg13[%parallel_loop3A_1276, %parallel_loop3A_1277] {strides = array<i32>} : memref<200x128xf32, #tpu.memory_space<vmem>>, vector<1x16xf32>,
        %parallel_loop3A_1279 = vector.shape_cast %parallel_loop3A_1278 : vector<1x16xf32> to vector<16xf32>
        %parallel_loop3A_1280 = arith.addf %parallel_loop3A_1275, %parallel_loop3A_1279 : vector<16xf32>
        %parallel_loop3A_1281 = arith.index_cast %parallel_loop3A_1260 : i32 to index
        %parallel_loop3A_1282 = arith.constant 0 : index
        %parallel_loop3A_1283 = tpu.vector_load %arg11[%parallel_loop3A_1281, %parallel_loop3A_1282] {strides = array<i32>} : memref<64x128xf32, #tpu.memory_space<vmem>>, vector<1x16xf32>,
        %parallel_loop3A_1284 = vector.shape_cast %parallel_loop3A_1283 : vector<1x16xf32> to vector<16xf32>
        %parallel_loop3A_1285 = vector.shape_cast %parallel_loop3A_1280 : vector<16xf32> to vector<1x16xf32>
        tpu.vector_store %arg11[%parallel_loop3A_1281, %parallel_loop3A_1282], %parallel_loop3A_1285 {strides = array<i32>} : memref<64x128xf32, #tpu.memory_space<vmem>>, vector<1x16xf32>,
        %parallel_loop3A_1286 = arith.constant 14 : i32
        %parallel_loop3A_1287 = arith.addi %parallel_loop3A_90, %parallel_loop3A_1286 : i32
        %parallel_loop3A_1288 = arith.constant 16 : i32
        %parallel_loop3A_1289 = arith.addi %parallel_loop3A_1266, %parallel_loop3A_1288 : i32
        %parallel_loop3A_1290 = arith.index_cast %parallel_loop3A_1287 : i32 to index
        %parallel_loop3A_1291 = arith.index_cast %parallel_loop3A_1289 : i32 to index
        %parallel_loop3A_1292 = tpu.vector_load %arg9[%parallel_loop3A_1290, %parallel_loop3A_1291] {strides = array<i32>} : memref<128x128xf32, #tpu.memory_space<vmem>>, vector<1x16xf32>,
        %parallel_loop3A_1293 = vector.shape_cast %parallel_loop3A_1292 : vector<1x16xf32> to vector<16xf32>
        %parallel_loop3A_1294 = arith.index_cast %parallel_loop3A_1267 : i32 to index
        %parallel_loop3A_1295 = arith.constant 16 : index
        %parallel_loop3A_1296 = tpu.vector_load %arg13[%parallel_loop3A_1294, %parallel_loop3A_1295] {strides = array<i32>} : memref<200x128xf32, #tpu.memory_space<vmem>>, vector<1x16xf32>,
        %parallel_loop3A_1297 = vector.shape_cast %parallel_loop3A_1296 : vector<1x16xf32> to vector<16xf32>
        %parallel_loop3A_1298 = arith.addf %parallel_loop3A_1293, %parallel_loop3A_1297 : vector<16xf32>
        %parallel_loop3A_1299 = arith.index_cast %parallel_loop3A_1260 : i32 to index
        %parallel_loop3A_1300 = arith.constant 16 : index
        %parallel_loop3A_1301 = tpu.vector_load %arg11[%parallel_loop3A_1299, %parallel_loop3A_1300] {strides = array<i32>} : memref<64x128xf32, #tpu.memory_space<vmem>>, vector<1x16xf32>,
        %parallel_loop3A_1302 = vector.shape_cast %parallel_loop3A_1301 : vector<1x16xf32> to vector<16xf32>
        %parallel_loop3A_1303 = vector.shape_cast %parallel_loop3A_1298 : vector<16xf32> to vector<1x16xf32>
        tpu.vector_store %arg11[%parallel_loop3A_1299, %parallel_loop3A_1300], %parallel_loop3A_1303 {strides = array<i32>} : memref<64x128xf32, #tpu.memory_space<vmem>>, vector<1x16xf32>,
        %parallel_loop3A_1304 = arith.constant 14 : i32
        %parallel_loop3A_1305 = arith.addi %parallel_loop3A_90, %parallel_loop3A_1304 : i32
        %parallel_loop3A_1306 = arith.constant 32 : i32
        %parallel_loop3A_1307 = arith.addi %parallel_loop3A_1266, %parallel_loop3A_1306 : i32
        %parallel_loop3A_1308 = arith.index_cast %parallel_loop3A_1305 : i32 to index
        %parallel_loop3A_1309 = arith.index_cast %parallel_loop3A_1307 : i32 to index
        %parallel_loop3A_1310 = tpu.vector_load %arg9[%parallel_loop3A_1308, %parallel_loop3A_1309] {strides = array<i32>} : memref<128x128xf32, #tpu.memory_space<vmem>>, vector<1x16xf32>,
        %parallel_loop3A_1311 = vector.shape_cast %parallel_loop3A_1310 : vector<1x16xf32> to vector<16xf32>
        %parallel_loop3A_1312 = arith.index_cast %parallel_loop3A_1267 : i32 to index
        %parallel_loop3A_1313 = arith.constant 32 : index
        %parallel_loop3A_1314 = tpu.vector_load %arg13[%parallel_loop3A_1312, %parallel_loop3A_1313] {strides = array<i32>} : memref<200x128xf32, #tpu.memory_space<vmem>>, vector<1x16xf32>,
        %parallel_loop3A_1315 = vector.shape_cast %parallel_loop3A_1314 : vector<1x16xf32> to vector<16xf32>
        %parallel_loop3A_1316 = arith.addf %parallel_loop3A_1311, %parallel_loop3A_1315 : vector<16xf32>
        %parallel_loop3A_1317 = arith.index_cast %parallel_loop3A_1260 : i32 to index
        %parallel_loop3A_1318 = arith.constant 32 : index
        %parallel_loop3A_1319 = tpu.vector_load %arg11[%parallel_loop3A_1317, %parallel_loop3A_1318] {strides = array<i32>} : memref<64x128xf32, #tpu.memory_space<vmem>>, vector<1x16xf32>,
        %parallel_loop3A_1320 = vector.shape_cast %parallel_loop3A_1319 : vector<1x16xf32> to vector<16xf32>
        %parallel_loop3A_1321 = vector.shape_cast %parallel_loop3A_1316 : vector<16xf32> to vector<1x16xf32>
        tpu.vector_store %arg11[%parallel_loop3A_1317, %parallel_loop3A_1318], %parallel_loop3A_1321 {strides = array<i32>} : memref<64x128xf32, #tpu.memory_space<vmem>>, vector<1x16xf32>,
        %parallel_loop3A_1322 = arith.constant 14 : i32
        %parallel_loop3A_1323 = arith.addi %parallel_loop3A_90, %parallel_loop3A_1322 : i32
        %parallel_loop3A_1324 = arith.constant 48 : i32
        %parallel_loop3A_1325 = arith.addi %parallel_loop3A_1266, %parallel_loop3A_1324 : i32
        %parallel_loop3A_1326 = arith.index_cast %parallel_loop3A_1323 : i32 to index
        %parallel_loop3A_1327 = arith.index_cast %parallel_loop3A_1325 : i32 to index
        %parallel_loop3A_1328 = tpu.vector_load %arg9[%parallel_loop3A_1326, %parallel_loop3A_1327] {strides = array<i32>} : memref<128x128xf32, #tpu.memory_space<vmem>>, vector<1x16xf32>,
        %parallel_loop3A_1329 = vector.shape_cast %parallel_loop3A_1328 : vector<1x16xf32> to vector<16xf32>
        %parallel_loop3A_1330 = arith.index_cast %parallel_loop3A_1267 : i32 to index
        %parallel_loop3A_1331 = arith.constant 48 : index
        %parallel_loop3A_1332 = tpu.vector_load %arg13[%parallel_loop3A_1330, %parallel_loop3A_1331] {strides = array<i32>} : memref<200x128xf32, #tpu.memory_space<vmem>>, vector<1x16xf32>,
        %parallel_loop3A_1333 = vector.shape_cast %parallel_loop3A_1332 : vector<1x16xf32> to vector<16xf32>
        %parallel_loop3A_1334 = arith.addf %parallel_loop3A_1329, %parallel_loop3A_1333 : vector<16xf32>
        %parallel_loop3A_1335 = arith.index_cast %parallel_loop3A_1260 : i32 to index
        %parallel_loop3A_1336 = arith.constant 48 : index
        %parallel_loop3A_1337 = tpu.vector_load %arg11[%parallel_loop3A_1335, %parallel_loop3A_1336] {strides = array<i32>} : memref<64x128xf32, #tpu.memory_space<vmem>>, vector<1x16xf32>,
        %parallel_loop3A_1338 = vector.shape_cast %parallel_loop3A_1337 : vector<1x16xf32> to vector<16xf32>
        %parallel_loop3A_1339 = vector.shape_cast %parallel_loop3A_1334 : vector<16xf32> to vector<1x16xf32>
        tpu.vector_store %arg11[%parallel_loop3A_1335, %parallel_loop3A_1336], %parallel_loop3A_1339 {strides = array<i32>} : memref<64x128xf32, #tpu.memory_space<vmem>>, vector<1x16xf32>,
        %parallel_loop3A_1340 = arith.constant 1 : i32
        %parallel_loop3A_1341 = arith.shrui %parallel_loop3A_90, %parallel_loop3A_1340 : i32
        %parallel_loop3A_1342 = arith.constant 7 : i32
        %parallel_loop3A_1343 = arith.addi %parallel_loop3A_1341, %parallel_loop3A_1342 : i32
        %parallel_loop3A_1344 = vector.extract_strided_slice %parallel_loop3A_94 {offsets = [15], sizes = [1], strides = [1]} : vector<16xi32> to vector<1xi32>
        %parallel_loop3A_1345 = vector.extract %parallel_loop3A_1344[0] : i32 from vector<1xi32>
        %parallel_loop3A_1346 = arith.constant 1 : i32
        %parallel_loop3A_1347 = arith.andi %parallel_loop3A_1345, %parallel_loop3A_1346 : i32
        %parallel_loop3A_1348 = arith.constant 64 : i32
        %parallel_loop3A_1349 = arith.muli %parallel_loop3A_1347, %parallel_loop3A_1348 : i32
        %parallel_loop3A_1350 = arith.addi %rem3A_44, %parallel_loop3A_1343 : i32
        %parallel_loop3A_1351 = arith.constant 15 : i32
        %parallel_loop3A_1352 = arith.addi %parallel_loop3A_90, %parallel_loop3A_1351 : i32
        %parallel_loop3A_1353 = arith.constant 0 : i32
        %parallel_loop3A_1354 = arith.addi %parallel_loop3A_1349, %parallel_loop3A_1353 : i32
        %parallel_loop3A_1355 = arith.index_cast %parallel_loop3A_1352 : i32 to index
        %parallel_loop3A_1356 = arith.index_cast %parallel_loop3A_1354 : i32 to index
        %parallel_loop3A_1357 = tpu.vector_load %arg9[%parallel_loop3A_1355, %parallel_loop3A_1356] {strides = array<i32>} : memref<128x128xf32, #tpu.memory_space<vmem>>, vector<1x16xf32>,
        %parallel_loop3A_1358 = vector.shape_cast %parallel_loop3A_1357 : vector<1x16xf32> to vector<16xf32>
        %parallel_loop3A_1359 = arith.index_cast %parallel_loop3A_1350 : i32 to index
        %parallel_loop3A_1360 = arith.constant 64 : index
        %parallel_loop3A_1361 = tpu.vector_load %arg13[%parallel_loop3A_1359, %parallel_loop3A_1360] {strides = array<i32>} : memref<200x128xf32, #tpu.memory_space<vmem>>, vector<1x16xf32>,
        %parallel_loop3A_1362 = vector.shape_cast %parallel_loop3A_1361 : vector<1x16xf32> to vector<16xf32>
        %parallel_loop3A_1363 = arith.addf %parallel_loop3A_1358, %parallel_loop3A_1362 : vector<16xf32>
        %parallel_loop3A_1364 = arith.index_cast %parallel_loop3A_1343 : i32 to index
        %parallel_loop3A_1365 = arith.constant 64 : index
        %parallel_loop3A_1366 = tpu.vector_load %arg11[%parallel_loop3A_1364, %parallel_loop3A_1365] {strides = array<i32>} : memref<64x128xf32, #tpu.memory_space<vmem>>, vector<1x16xf32>,
        %parallel_loop3A_1367 = vector.shape_cast %parallel_loop3A_1366 : vector<1x16xf32> to vector<16xf32>
        %parallel_loop3A_1368 = vector.shape_cast %parallel_loop3A_1363 : vector<16xf32> to vector<1x16xf32>
        tpu.vector_store %arg11[%parallel_loop3A_1364, %parallel_loop3A_1365], %parallel_loop3A_1368 {strides = array<i32>} : memref<64x128xf32, #tpu.memory_space<vmem>>, vector<1x16xf32>,
        %parallel_loop3A_1369 = arith.constant 15 : i32
        %parallel_loop3A_1370 = arith.addi %parallel_loop3A_90, %parallel_loop3A_1369 : i32
        %parallel_loop3A_1371 = arith.constant 16 : i32
        %parallel_loop3A_1372 = arith.addi %parallel_loop3A_1349, %parallel_loop3A_1371 : i32
        %parallel_loop3A_1373 = arith.index_cast %parallel_loop3A_1370 : i32 to index
        %parallel_loop3A_1374 = arith.index_cast %parallel_loop3A_1372 : i32 to index
        %parallel_loop3A_1375 = tpu.vector_load %arg9[%parallel_loop3A_1373, %parallel_loop3A_1374] {strides = array<i32>} : memref<128x128xf32, #tpu.memory_space<vmem>>, vector<1x16xf32>,
        %parallel_loop3A_1376 = vector.shape_cast %parallel_loop3A_1375 : vector<1x16xf32> to vector<16xf32>
        %parallel_loop3A_1377 = arith.index_cast %parallel_loop3A_1350 : i32 to index
        %parallel_loop3A_1378 = arith.constant 80 : index
        %parallel_loop3A_1379 = tpu.vector_load %arg13[%parallel_loop3A_1377, %parallel_loop3A_1378] {strides = array<i32>} : memref<200x128xf32, #tpu.memory_space<vmem>>, vector<1x16xf32>,
        %parallel_loop3A_1380 = vector.shape_cast %parallel_loop3A_1379 : vector<1x16xf32> to vector<16xf32>
        %parallel_loop3A_1381 = arith.addf %parallel_loop3A_1376, %parallel_loop3A_1380 : vector<16xf32>
        %parallel_loop3A_1382 = arith.index_cast %parallel_loop3A_1343 : i32 to index
        %parallel_loop3A_1383 = arith.constant 80 : index
        %parallel_loop3A_1384 = tpu.vector_load %arg11[%parallel_loop3A_1382, %parallel_loop3A_1383] {strides = array<i32>} : memref<64x128xf32, #tpu.memory_space<vmem>>, vector<1x16xf32>,
        %parallel_loop3A_1385 = vector.shape_cast %parallel_loop3A_1384 : vector<1x16xf32> to vector<16xf32>
        %parallel_loop3A_1386 = vector.shape_cast %parallel_loop3A_1381 : vector<16xf32> to vector<1x16xf32>
        tpu.vector_store %arg11[%parallel_loop3A_1382, %parallel_loop3A_1383], %parallel_loop3A_1386 {strides = array<i32>} : memref<64x128xf32, #tpu.memory_space<vmem>>, vector<1x16xf32>,
        %parallel_loop3A_1387 = arith.constant 15 : i32
        %parallel_loop3A_1388 = arith.addi %parallel_loop3A_90, %parallel_loop3A_1387 : i32
        %parallel_loop3A_1389 = arith.constant 32 : i32
        %parallel_loop3A_1390 = arith.addi %parallel_loop3A_1349, %parallel_loop3A_1389 : i32
        %parallel_loop3A_1391 = arith.index_cast %parallel_loop3A_1388 : i32 to index
        %parallel_loop3A_1392 = arith.index_cast %parallel_loop3A_1390 : i32 to index
        %parallel_loop3A_1393 = tpu.vector_load %arg9[%parallel_loop3A_1391, %parallel_loop3A_1392] {strides = array<i32>} : memref<128x128xf32, #tpu.memory_space<vmem>>, vector<1x16xf32>,
        %parallel_loop3A_1394 = vector.shape_cast %parallel_loop3A_1393 : vector<1x16xf32> to vector<16xf32>
        %parallel_loop3A_1395 = arith.index_cast %parallel_loop3A_1350 : i32 to index
        %parallel_loop3A_1396 = arith.constant 96 : index
        %parallel_loop3A_1397 = tpu.vector_load %arg13[%parallel_loop3A_1395, %parallel_loop3A_1396] {strides = array<i32>} : memref<200x128xf32, #tpu.memory_space<vmem>>, vector<1x16xf32>,
        %parallel_loop3A_1398 = vector.shape_cast %parallel_loop3A_1397 : vector<1x16xf32> to vector<16xf32>
        %parallel_loop3A_1399 = arith.addf %parallel_loop3A_1394, %parallel_loop3A_1398 : vector<16xf32>
        %parallel_loop3A_1400 = arith.index_cast %parallel_loop3A_1343 : i32 to index
        %parallel_loop3A_1401 = arith.constant 96 : index
        %parallel_loop3A_1402 = tpu.vector_load %arg11[%parallel_loop3A_1400, %parallel_loop3A_1401] {strides = array<i32>} : memref<64x128xf32, #tpu.memory_space<vmem>>, vector<1x16xf32>,
        %parallel_loop3A_1403 = vector.shape_cast %parallel_loop3A_1402 : vector<1x16xf32> to vector<16xf32>
        %parallel_loop3A_1404 = vector.shape_cast %parallel_loop3A_1399 : vector<16xf32> to vector<1x16xf32>
        tpu.vector_store %arg11[%parallel_loop3A_1400, %parallel_loop3A_1401], %parallel_loop3A_1404 {strides = array<i32>} : memref<64x128xf32, #tpu.memory_space<vmem>>, vector<1x16xf32>,
        %parallel_loop3A_1405 = arith.constant 15 : i32
        %parallel_loop3A_1406 = arith.addi %parallel_loop3A_90, %parallel_loop3A_1405 : i32
        %parallel_loop3A_1407 = arith.constant 48 : i32
        %parallel_loop3A_1408 = arith.addi %parallel_loop3A_1349, %parallel_loop3A_1407 : i32
        %parallel_loop3A_1409 = arith.index_cast %parallel_loop3A_1406 : i32 to index
        %parallel_loop3A_1410 = arith.index_cast %parallel_loop3A_1408 : i32 to index
        %parallel_loop3A_1411 = tpu.vector_load %arg9[%parallel_loop3A_1409, %parallel_loop3A_1410] {strides = array<i32>} : memref<128x128xf32, #tpu.memory_space<vmem>>, vector<1x16xf32>,
        %parallel_loop3A_1412 = vector.shape_cast %parallel_loop3A_1411 : vector<1x16xf32> to vector<16xf32>
        %parallel_loop3A_1413 = arith.index_cast %parallel_loop3A_1350 : i32 to index
        %parallel_loop3A_1414 = arith.constant 112 : index
        %parallel_loop3A_1415 = tpu.vector_load %arg13[%parallel_loop3A_1413, %parallel_loop3A_1414] {strides = array<i32>} : memref<200x128xf32, #tpu.memory_space<vmem>>, vector<1x16xf32>,
        %parallel_loop3A_1416 = vector.shape_cast %parallel_loop3A_1415 : vector<1x16xf32> to vector<16xf32>
        %parallel_loop3A_1417 = arith.addf %parallel_loop3A_1412, %parallel_loop3A_1416 : vector<16xf32>
        %parallel_loop3A_1418 = arith.index_cast %parallel_loop3A_1343 : i32 to index
        %parallel_loop3A_1419 = arith.constant 112 : index
        %parallel_loop3A_1420 = tpu.vector_load %arg11[%parallel_loop3A_1418, %parallel_loop3A_1419] {strides = array<i32>} : memref<64x128xf32, #tpu.memory_space<vmem>>, vector<1x16xf32>,
        %parallel_loop3A_1421 = vector.shape_cast %parallel_loop3A_1420 : vector<1x16xf32> to vector<16xf32>
        %parallel_loop3A_1422 = vector.shape_cast %parallel_loop3A_1417 : vector<16xf32> to vector<1x16xf32>
        tpu.vector_store %arg11[%parallel_loop3A_1418, %parallel_loop3A_1419], %parallel_loop3A_1422 {strides = array<i32>} : memref<64x128xf32, #tpu.memory_space<vmem>>, vector<1x16xf32>,
      } {sc.loop_unroll_factor = 2 : i64, sc.parallel_access}
      %mul3A_48 = arith.constant 64 : i32
      %mul3A_49 = arith.muli %add3A_29, %mul3A_48 : i32
      %add3A_50 = arith.addi %mul3A_2, %mul3A_49 : i32
      %dma_start3A_51 = arith.constant 0 : i32
      %dma_start3A_52 = tpu.memref_slice %arg5[%add3A_50, %dma_start3A_51] : memref<409600x128xf32, #tpu.memory_space<hbm>> -> memref<64x128xf32, #tpu.memory_space<hbm>>
      %dma_start3A_53 = arith.constant 0 : i32
      %dma_start3A_54 = tpu.memref_slice %arg5[%add3A_50, %dma_start3A_53] : memref<409600x128xf32, #tpu.memory_space<hbm>> -> memref<64x128xf32, #tpu.memory_space<hbm>>
      tpu.enqueue_dma source(%arg11 : memref<64x128xf32, #tpu.memory_space<vmem>>) target(%dma_start3A_54 : memref<64x128xf32, #tpu.memory_space<hbm>>) target_semaphore(%arg16 : memref<!tpu.dma_semaphore, #tpu.memory_space<semaphore_mem>>)
      %add3A_55 = arith.constant 1 : i32
      %add3A_56 = arith.addi %mul3A_27, %add3A_55 : i32
      %add3A_57 = arith.constant 2 : i32
      %add3A_58 = arith.addi %add3A_56, %add3A_57 : i32
      %sub3A_59 = arith.constant 1 : i32
      %sub3A_60 = arith.subi %add3A_58, %sub3A_59 : i32
      %lt3A_61 = arith.constant 200 : i32
      %lt3A_62 = arith.cmpi slt, %sub3A_60, %lt3A_61 : i32
      %convert_element_type3A_63 = arith.extui %lt3A_62 : i1 to i32
      %cond3A_64 = arith.constant 0 : i32
      %cond3A_65 = arith.cmpi ne, %convert_element_type3A_63, %cond3A_64 : i32
      scf.if %cond3A_65 {
        %add3A_88 = arith.constant 2 : i32
        %add3A_89 = arith.addi %add3A_56, %add3A_88 : i32
        %sub3A_90 = arith.constant 1 : i32
        %sub3A_91 = arith.subi %add3A_89, %sub3A_90 : i32
        %parallel_loop3A_92 = arith.constant 0 : i32
        %parallel_loop3A_93 = arith.constant 8 : i32
        %parallel_loop3A_94 = arith.constant 1 : i32
        scf.for %parallel_loop3A_98 = %parallel_loop3A_92 to %parallel_loop3A_93 step %parallel_loop3A_94  : i32 {
          %parallel_loop3A_99 = arith.constant 16 : i32
          %parallel_loop3A_100 = arith.muli %parallel_loop3A_98, %parallel_loop3A_99 : i32
          %parallel_loop3A_101 = arith.index_cast %sub3A_91 : i32 to index
          %parallel_loop3A_102 = arith.index_cast %parallel_loop3A_100 : i32 to index
          %parallel_loop3A_103 = tpu.vector_load %arg6[%parallel_loop3A_101, %parallel_loop3A_102] {strides = array<i32>} : memref<200x128xi32, #tpu.memory_space<vmem>>, vector<1x16xi32>,
          %parallel_loop3A_104 = vector.shape_cast %parallel_loop3A_103 : vector<1x16xi32> to vector<16xi32>
          %parallel_loop3A_105 = arith.constant 1 : i32
          %parallel_loop3A_106 = vector.broadcast %parallel_loop3A_105 : i32 to vector<16xi32>
          %parallel_loop3A_107 = arith.shrui %parallel_loop3A_104, %parallel_loop3A_106 : vector<16xi32>
          %parallel_loop3A_108 = arith.index_cast %parallel_loop3A_100 : i32 to index
          %parallel_loop3A_109 = tpu.vector_load %arg7[%parallel_loop3A_108] {strides = array<i32>} : memref<128xi32, #tpu.memory_space<vmem>>, vector<16xi32>,
          %parallel_loop3A_110 = vector.shape_cast %parallel_loop3A_109 : vector<16xi32> to vector<16xi32>
          %parallel_loop3A_111 = vector.shape_cast %parallel_loop3A_107 : vector<16xi32> to vector<16xi32>
          tpu.vector_store %arg7[%parallel_loop3A_108], %parallel_loop3A_111 {strides = array<i32>} : memref<128xi32, #tpu.memory_space<vmem>>, vector<16xi32>,
        } {sc.loop_unroll_factor = 2 : i64, sc.parallel_access}
        %dma_start3A_95 = arith.constant 0 : i32
        %dma_start3A_96 = arith.constant 0 : i32
        %dma_start3A_97 = tpu.memref_slice %arg3[%dma_start3A_95, %dma_start3A_96] : memref<500000x128xf32, #tpu.memory_space<hbm>> -> memref<500000x128xf32, #tpu.memory_space<hbm>>
        tpu.enqueue_indirect_dma source(%dma_start3A_97 : memref<500000x128xf32, #tpu.memory_space<hbm>>) target(%arg9 : memref<128x128xf32, #tpu.memory_space<vmem>>) offsets(%arg7 : memref<128xi32, #tpu.memory_space<vmem>>) semaphore(%arg14 : memref<!tpu.dma_semaphore, #tpu.memory_space<semaphore_mem>>)
      } else {
      }
      %dma_wait3A_66 = arith.constant 0 : i32
      %dma_wait3A_67 = arith.constant 0 : i32
      %dma_wait3A_68 = tpu.memref_slice %arg3[%dma_wait3A_66, %dma_wait3A_67] : memref<500000x128xf32, #tpu.memory_space<hbm>> -> memref<500000x128xf32, #tpu.memory_space<hbm>>
      tpu.wait_indirect_dma semaphore(%arg15 : memref<!tpu.dma_semaphore, #tpu.memory_space<semaphore_mem>>) src(%dma_wait3A_68 : memref<500000x128xf32, #tpu.memory_space<hbm>>) dst(%arg10 : memref<128x128xf32, #tpu.memory_space<vmem>>)
      %ge3A_69 = arith.constant 2 : i32
      %ge3A_70 = arith.cmpi sge, %add3A_56, %ge3A_69 : i32
      %convert_element_type3A_71 = arith.extui %ge3A_70 : i1 to i32
      %cond3A_72 = arith.constant 0 : i32
      %cond3A_73 = arith.cmpi ne, %convert_element_type3A_71, %cond3A_72 : i32
      scf.if %cond3A_73 {
        %sub3A_88 = arith.constant 2 : i32
        %sub3A_89 = arith.subi %add3A_56, %sub3A_88 : i32
        %mul3A_90 = arith.constant 64 : i32
        %mul3A_91 = arith.muli %sub3A_89, %mul3A_90 : i32
        %add3A_92 = arith.addi %mul3A_2, %mul3A_91 : i32
        %dma_wait3A_93 = arith.constant 0 : i32
        %dma_wait3A_94 = tpu.memref_slice %arg5[%add3A_92, %dma_wait3A_93] : memref<409600x128xf32, #tpu.memory_space<hbm>> -> memref<64x128xf32, #tpu.memory_space<hbm>>
        %dma_wait3A_95 = arith.constant 0 : i32
        %dma_wait3A_96 = tpu.memref_slice %arg5[%add3A_92, %dma_wait3A_95] : memref<409600x128xf32, #tpu.memory_space<hbm>> -> memref<64x128xf32, #tpu.memory_space<hbm>>
        tpu.wait_dma2 semaphore(%arg17 : memref<!tpu.dma_semaphore, #tpu.memory_space<semaphore_mem>>) src(%arg12 : memref<64x128xf32, #tpu.memory_space<vmem>>) dst(%dma_wait3A_96 : memref<64x128xf32, #tpu.memory_space<hbm>>)
      } else {
      }
      %mul3A_74 = arith.constant 64 : i32
      %mul3A_75 = arith.muli %add3A_56, %mul3A_74 : i32
      %rem3A_76 = arith.constant 100 : i32
      %rem3A_77 = arith.remsi %mul3A_75, %rem3A_76 : i32
      %parallel_loop3A_78 = arith.constant 0 : i32
      %parallel_loop3A_79 = arith.constant 8 : i32
      %parallel_loop3A_80 = arith.constant 1 : i32
      scf.for %parallel_loop3A_88 = %parallel_loop3A_78 to %parallel_loop3A_79 step %parallel_loop3A_80  : i32 {
        %parallel_loop3A_89 = arith.constant 16 : i32
        %parallel_loop3A_90 = arith.muli %parallel_loop3A_88, %parallel_loop3A_89 : i32
        %parallel_loop3A_91 = arith.index_cast %add3A_56 : i32 to index
        %parallel_loop3A_92 = arith.index_cast %parallel_loop3A_90 : i32 to index
        %parallel_loop3A_93 = tpu.vector_load %arg6[%parallel_loop3A_91, %parallel_loop3A_92] {strides = array<i32>} : memref<200x128xi32, #tpu.memory_space<vmem>>, vector<1x16xi32>,
        %parallel_loop3A_94 = vector.shape_cast %parallel_loop3A_93 : vector<1x16xi32> to vector<16xi32>
        %parallel_loop3A_95 = arith.constant 1 : i32
        %parallel_loop3A_96 = arith.shrui %parallel_loop3A_90, %parallel_loop3A_95 : i32
        %parallel_loop3A_97 = arith.constant 0 : i32
        %parallel_loop3A_98 = arith.addi %parallel_loop3A_96, %parallel_loop3A_97 : i32
        %parallel_loop3A_99 = vector.extract_strided_slice %parallel_loop3A_94 {offsets = [0], sizes = [1], strides = [1]} : vector<16xi32> to vector<1xi32>
        %parallel_loop3A_100 = vector.extract %parallel_loop3A_99[0] : i32 from vector<1xi32>
        %parallel_loop3A_101 = arith.constant 1 : i32
        %parallel_loop3A_102 = arith.andi %parallel_loop3A_100, %parallel_loop3A_101 : i32
        %parallel_loop3A_103 = arith.constant 64 : i32
        %parallel_loop3A_104 = arith.muli %parallel_loop3A_102, %parallel_loop3A_103 : i32
        %parallel_loop3A_105 = arith.addi %rem3A_77, %parallel_loop3A_98 : i32
        %parallel_loop3A_106 = arith.constant 0 : i32
        %parallel_loop3A_107 = arith.addi %parallel_loop3A_90, %parallel_loop3A_106 : i32
        %parallel_loop3A_108 = arith.constant 0 : i32
        %parallel_loop3A_109 = arith.addi %parallel_loop3A_104, %parallel_loop3A_108 : i32
        %parallel_loop3A_110 = arith.index_cast %parallel_loop3A_107 : i32 to index
        %parallel_loop3A_111 = arith.index_cast %parallel_loop3A_109 : i32 to index
        %parallel_loop3A_112 = tpu.vector_load %arg10[%parallel_loop3A_110, %parallel_loop3A_111] {strides = array<i32>} : memref<128x128xf32, #tpu.memory_space<vmem>>, vector<1x16xf32>,
        %parallel_loop3A_113 = vector.shape_cast %parallel_loop3A_112 : vector<1x16xf32> to vector<16xf32>
        %parallel_loop3A_114 = arith.index_cast %parallel_loop3A_105 : i32 to index
        %parallel_loop3A_115 = arith.constant 0 : index
        %parallel_loop3A_116 = tpu.vector_load %arg13[%parallel_loop3A_114, %parallel_loop3A_115] {strides = array<i32>} : memref<200x128xf32, #tpu.memory_space<vmem>>, vector<1x16xf32>,
        %parallel_loop3A_117 = vector.shape_cast %parallel_loop3A_116 : vector<1x16xf32> to vector<16xf32>
        %parallel_loop3A_118 = arith.addf %parallel_loop3A_113, %parallel_loop3A_117 : vector<16xf32>
        %parallel_loop3A_119 = arith.index_cast %parallel_loop3A_98 : i32 to index
        %parallel_loop3A_120 = arith.constant 0 : index
        %parallel_loop3A_121 = tpu.vector_load %arg12[%parallel_loop3A_119, %parallel_loop3A_120] {strides = array<i32>} : memref<64x128xf32, #tpu.memory_space<vmem>>, vector<1x16xf32>,
        %parallel_loop3A_122 = vector.shape_cast %parallel_loop3A_121 : vector<1x16xf32> to vector<16xf32>
        %parallel_loop3A_123 = vector.shape_cast %parallel_loop3A_118 : vector<16xf32> to vector<1x16xf32>
        tpu.vector_store %arg12[%parallel_loop3A_119, %parallel_loop3A_120], %parallel_loop3A_123 {strides = array<i32>} : memref<64x128xf32, #tpu.memory_space<vmem>>, vector<1x16xf32>,
        %parallel_loop3A_124 = arith.constant 0 : i32
        %parallel_loop3A_125 = arith.addi %parallel_loop3A_90, %parallel_loop3A_124 : i32
        %parallel_loop3A_126 = arith.constant 16 : i32
        %parallel_loop3A_127 = arith.addi %parallel_loop3A_104, %parallel_loop3A_126 : i32
        %parallel_loop3A_128 = arith.index_cast %parallel_loop3A_125 : i32 to index
        %parallel_loop3A_129 = arith.index_cast %parallel_loop3A_127 : i32 to index
        %parallel_loop3A_130 = tpu.vector_load %arg10[%parallel_loop3A_128, %parallel_loop3A_129] {strides = array<i32>} : memref<128x128xf32, #tpu.memory_space<vmem>>, vector<1x16xf32>,
        %parallel_loop3A_131 = vector.shape_cast %parallel_loop3A_130 : vector<1x16xf32> to vector<16xf32>
        %parallel_loop3A_132 = arith.index_cast %parallel_loop3A_105 : i32 to index
        %parallel_loop3A_133 = arith.constant 16 : index
        %parallel_loop3A_134 = tpu.vector_load %arg13[%parallel_loop3A_132, %parallel_loop3A_133] {strides = array<i32>} : memref<200x128xf32, #tpu.memory_space<vmem>>, vector<1x16xf32>,
        %parallel_loop3A_135 = vector.shape_cast %parallel_loop3A_134 : vector<1x16xf32> to vector<16xf32>
        %parallel_loop3A_136 = arith.addf %parallel_loop3A_131, %parallel_loop3A_135 : vector<16xf32>
        %parallel_loop3A_137 = arith.index_cast %parallel_loop3A_98 : i32 to index
        %parallel_loop3A_138 = arith.constant 16 : index
        %parallel_loop3A_139 = tpu.vector_load %arg12[%parallel_loop3A_137, %parallel_loop3A_138] {strides = array<i32>} : memref<64x128xf32, #tpu.memory_space<vmem>>, vector<1x16xf32>,
        %parallel_loop3A_140 = vector.shape_cast %parallel_loop3A_139 : vector<1x16xf32> to vector<16xf32>
        %parallel_loop3A_141 = vector.shape_cast %parallel_loop3A_136 : vector<16xf32> to vector<1x16xf32>
        tpu.vector_store %arg12[%parallel_loop3A_137, %parallel_loop3A_138], %parallel_loop3A_141 {strides = array<i32>} : memref<64x128xf32, #tpu.memory_space<vmem>>, vector<1x16xf32>,
        %parallel_loop3A_142 = arith.constant 0 : i32
        %parallel_loop3A_143 = arith.addi %parallel_loop3A_90, %parallel_loop3A_142 : i32
        %parallel_loop3A_144 = arith.constant 32 : i32
        %parallel_loop3A_145 = arith.addi %parallel_loop3A_104, %parallel_loop3A_144 : i32
        %parallel_loop3A_146 = arith.index_cast %parallel_loop3A_143 : i32 to index
        %parallel_loop3A_147 = arith.index_cast %parallel_loop3A_145 : i32 to index
        %parallel_loop3A_148 = tpu.vector_load %arg10[%parallel_loop3A_146, %parallel_loop3A_147] {strides = array<i32>} : memref<128x128xf32, #tpu.memory_space<vmem>>, vector<1x16xf32>,
        %parallel_loop3A_149 = vector.shape_cast %parallel_loop3A_148 : vector<1x16xf32> to vector<16xf32>
        %parallel_loop3A_150 = arith.index_cast %parallel_loop3A_105 : i32 to index
        %parallel_loop3A_151 = arith.constant 32 : index
        %parallel_loop3A_152 = tpu.vector_load %arg13[%parallel_loop3A_150, %parallel_loop3A_151] {strides = array<i32>} : memref<200x128xf32, #tpu.memory_space<vmem>>, vector<1x16xf32>,
        %parallel_loop3A_153 = vector.shape_cast %parallel_loop3A_152 : vector<1x16xf32> to vector<16xf32>
        %parallel_loop3A_154 = arith.addf %parallel_loop3A_149, %parallel_loop3A_153 : vector<16xf32>
        %parallel_loop3A_155 = arith.index_cast %parallel_loop3A_98 : i32 to index
        %parallel_loop3A_156 = arith.constant 32 : index
        %parallel_loop3A_157 = tpu.vector_load %arg12[%parallel_loop3A_155, %parallel_loop3A_156] {strides = array<i32>} : memref<64x128xf32, #tpu.memory_space<vmem>>, vector<1x16xf32>,
        %parallel_loop3A_158 = vector.shape_cast %parallel_loop3A_157 : vector<1x16xf32> to vector<16xf32>
        %parallel_loop3A_159 = vector.shape_cast %parallel_loop3A_154 : vector<16xf32> to vector<1x16xf32>
        tpu.vector_store %arg12[%parallel_loop3A_155, %parallel_loop3A_156], %parallel_loop3A_159 {strides = array<i32>} : memref<64x128xf32, #tpu.memory_space<vmem>>, vector<1x16xf32>,
        %parallel_loop3A_160 = arith.constant 0 : i32
        %parallel_loop3A_161 = arith.addi %parallel_loop3A_90, %parallel_loop3A_160 : i32
        %parallel_loop3A_162 = arith.constant 48 : i32
        %parallel_loop3A_163 = arith.addi %parallel_loop3A_104, %parallel_loop3A_162 : i32
        %parallel_loop3A_164 = arith.index_cast %parallel_loop3A_161 : i32 to index
        %parallel_loop3A_165 = arith.index_cast %parallel_loop3A_163 : i32 to index
        %parallel_loop3A_166 = tpu.vector_load %arg10[%parallel_loop3A_164, %parallel_loop3A_165] {strides = array<i32>} : memref<128x128xf32, #tpu.memory_space<vmem>>, vector<1x16xf32>,
        %parallel_loop3A_167 = vector.shape_cast %parallel_loop3A_166 : vector<1x16xf32> to vector<16xf32>
        %parallel_loop3A_168 = arith.index_cast %parallel_loop3A_105 : i32 to index
        %parallel_loop3A_169 = arith.constant 48 : index
        %parallel_loop3A_170 = tpu.vector_load %arg13[%parallel_loop3A_168, %parallel_loop3A_169] {strides = array<i32>} : memref<200x128xf32, #tpu.memory_space<vmem>>, vector<1x16xf32>,
        %parallel_loop3A_171 = vector.shape_cast %parallel_loop3A_170 : vector<1x16xf32> to vector<16xf32>
        %parallel_loop3A_172 = arith.addf %parallel_loop3A_167, %parallel_loop3A_171 : vector<16xf32>
        %parallel_loop3A_173 = arith.index_cast %parallel_loop3A_98 : i32 to index
        %parallel_loop3A_174 = arith.constant 48 : index
        %parallel_loop3A_175 = tpu.vector_load %arg12[%parallel_loop3A_173, %parallel_loop3A_174] {strides = array<i32>} : memref<64x128xf32, #tpu.memory_space<vmem>>, vector<1x16xf32>,
        %parallel_loop3A_176 = vector.shape_cast %parallel_loop3A_175 : vector<1x16xf32> to vector<16xf32>
        %parallel_loop3A_177 = vector.shape_cast %parallel_loop3A_172 : vector<16xf32> to vector<1x16xf32>
        tpu.vector_store %arg12[%parallel_loop3A_173, %parallel_loop3A_174], %parallel_loop3A_177 {strides = array<i32>} : memref<64x128xf32, #tpu.memory_space<vmem>>, vector<1x16xf32>,
        %parallel_loop3A_178 = arith.constant 1 : i32
        %parallel_loop3A_179 = arith.shrui %parallel_loop3A_90, %parallel_loop3A_178 : i32
        %parallel_loop3A_180 = arith.constant 0 : i32
        %parallel_loop3A_181 = arith.addi %parallel_loop3A_179, %parallel_loop3A_180 : i32
        %parallel_loop3A_182 = vector.extract_strided_slice %parallel_loop3A_94 {offsets = [1], sizes = [1], strides = [1]} : vector<16xi32> to vector<1xi32>
        %parallel_loop3A_183 = vector.extract %parallel_loop3A_182[0] : i32 from vector<1xi32>
        %parallel_loop3A_184 = arith.constant 1 : i32
        %parallel_loop3A_185 = arith.andi %parallel_loop3A_183, %parallel_loop3A_184 : i32
        %parallel_loop3A_186 = arith.constant 64 : i32
        %parallel_loop3A_187 = arith.muli %parallel_loop3A_185, %parallel_loop3A_186 : i32
        %parallel_loop3A_188 = arith.addi %rem3A_77, %parallel_loop3A_181 : i32
        %parallel_loop3A_189 = arith.constant 1 : i32
        %parallel_loop3A_190 = arith.addi %parallel_loop3A_90, %parallel_loop3A_189 : i32
        %parallel_loop3A_191 = arith.constant 0 : i32
        %parallel_loop3A_192 = arith.addi %parallel_loop3A_187, %parallel_loop3A_191 : i32
        %parallel_loop3A_193 = arith.index_cast %parallel_loop3A_190 : i32 to index
        %parallel_loop3A_194 = arith.index_cast %parallel_loop3A_192 : i32 to index
        %parallel_loop3A_195 = tpu.vector_load %arg10[%parallel_loop3A_193, %parallel_loop3A_194] {strides = array<i32>} : memref<128x128xf32, #tpu.memory_space<vmem>>, vector<1x16xf32>,
        %parallel_loop3A_196 = vector.shape_cast %parallel_loop3A_195 : vector<1x16xf32> to vector<16xf32>
        %parallel_loop3A_197 = arith.index_cast %parallel_loop3A_188 : i32 to index
        %parallel_loop3A_198 = arith.constant 64 : index
        %parallel_loop3A_199 = tpu.vector_load %arg13[%parallel_loop3A_197, %parallel_loop3A_198] {strides = array<i32>} : memref<200x128xf32, #tpu.memory_space<vmem>>, vector<1x16xf32>,
        %parallel_loop3A_200 = vector.shape_cast %parallel_loop3A_199 : vector<1x16xf32> to vector<16xf32>
        %parallel_loop3A_201 = arith.addf %parallel_loop3A_196, %parallel_loop3A_200 : vector<16xf32>
        %parallel_loop3A_202 = arith.index_cast %parallel_loop3A_181 : i32 to index
        %parallel_loop3A_203 = arith.constant 64 : index
        %parallel_loop3A_204 = tpu.vector_load %arg12[%parallel_loop3A_202, %parallel_loop3A_203] {strides = array<i32>} : memref<64x128xf32, #tpu.memory_space<vmem>>, vector<1x16xf32>,
        %parallel_loop3A_205 = vector.shape_cast %parallel_loop3A_204 : vector<1x16xf32> to vector<16xf32>
        %parallel_loop3A_206 = vector.shape_cast %parallel_loop3A_201 : vector<16xf32> to vector<1x16xf32>
        tpu.vector_store %arg12[%parallel_loop3A_202, %parallel_loop3A_203], %parallel_loop3A_206 {strides = array<i32>} : memref<64x128xf32, #tpu.memory_space<vmem>>, vector<1x16xf32>,
        %parallel_loop3A_207 = arith.constant 1 : i32
        %parallel_loop3A_208 = arith.addi %parallel_loop3A_90, %parallel_loop3A_207 : i32
        %parallel_loop3A_209 = arith.constant 16 : i32
        %parallel_loop3A_210 = arith.addi %parallel_loop3A_187, %parallel_loop3A_209 : i32
        %parallel_loop3A_211 = arith.index_cast %parallel_loop3A_208 : i32 to index
        %parallel_loop3A_212 = arith.index_cast %parallel_loop3A_210 : i32 to index
        %parallel_loop3A_213 = tpu.vector_load %arg10[%parallel_loop3A_211, %parallel_loop3A_212] {strides = array<i32>} : memref<128x128xf32, #tpu.memory_space<vmem>>, vector<1x16xf32>,
        %parallel_loop3A_214 = vector.shape_cast %parallel_loop3A_213 : vector<1x16xf32> to vector<16xf32>
        %parallel_loop3A_215 = arith.index_cast %parallel_loop3A_188 : i32 to index
        %parallel_loop3A_216 = arith.constant 80 : index
        %parallel_loop3A_217 = tpu.vector_load %arg13[%parallel_loop3A_215, %parallel_loop3A_216] {strides = array<i32>} : memref<200x128xf32, #tpu.memory_space<vmem>>, vector<1x16xf32>,
        %parallel_loop3A_218 = vector.shape_cast %parallel_loop3A_217 : vector<1x16xf32> to vector<16xf32>
        %parallel_loop3A_219 = arith.addf %parallel_loop3A_214, %parallel_loop3A_218 : vector<16xf32>
        %parallel_loop3A_220 = arith.index_cast %parallel_loop3A_181 : i32 to index
        %parallel_loop3A_221 = arith.constant 80 : index
        %parallel_loop3A_222 = tpu.vector_load %arg12[%parallel_loop3A_220, %parallel_loop3A_221] {strides = array<i32>} : memref<64x128xf32, #tpu.memory_space<vmem>>, vector<1x16xf32>,
        %parallel_loop3A_223 = vector.shape_cast %parallel_loop3A_222 : vector<1x16xf32> to vector<16xf32>
        %parallel_loop3A_224 = vector.shape_cast %parallel_loop3A_219 : vector<16xf32> to vector<1x16xf32>
        tpu.vector_store %arg12[%parallel_loop3A_220, %parallel_loop3A_221], %parallel_loop3A_224 {strides = array<i32>} : memref<64x128xf32, #tpu.memory_space<vmem>>, vector<1x16xf32>,
        %parallel_loop3A_225 = arith.constant 1 : i32
        %parallel_loop3A_226 = arith.addi %parallel_loop3A_90, %parallel_loop3A_225 : i32
        %parallel_loop3A_227 = arith.constant 32 : i32
        %parallel_loop3A_228 = arith.addi %parallel_loop3A_187, %parallel_loop3A_227 : i32
        %parallel_loop3A_229 = arith.index_cast %parallel_loop3A_226 : i32 to index
        %parallel_loop3A_230 = arith.index_cast %parallel_loop3A_228 : i32 to index
        %parallel_loop3A_231 = tpu.vector_load %arg10[%parallel_loop3A_229, %parallel_loop3A_230] {strides = array<i32>} : memref<128x128xf32, #tpu.memory_space<vmem>>, vector<1x16xf32>,
        %parallel_loop3A_232 = vector.shape_cast %parallel_loop3A_231 : vector<1x16xf32> to vector<16xf32>
        %parallel_loop3A_233 = arith.index_cast %parallel_loop3A_188 : i32 to index
        %parallel_loop3A_234 = arith.constant 96 : index
        %parallel_loop3A_235 = tpu.vector_load %arg13[%parallel_loop3A_233, %parallel_loop3A_234] {strides = array<i32>} : memref<200x128xf32, #tpu.memory_space<vmem>>, vector<1x16xf32>,
        %parallel_loop3A_236 = vector.shape_cast %parallel_loop3A_235 : vector<1x16xf32> to vector<16xf32>
        %parallel_loop3A_237 = arith.addf %parallel_loop3A_232, %parallel_loop3A_236 : vector<16xf32>
        %parallel_loop3A_238 = arith.index_cast %parallel_loop3A_181 : i32 to index
        %parallel_loop3A_239 = arith.constant 96 : index
        %parallel_loop3A_240 = tpu.vector_load %arg12[%parallel_loop3A_238, %parallel_loop3A_239] {strides = array<i32>} : memref<64x128xf32, #tpu.memory_space<vmem>>, vector<1x16xf32>,
        %parallel_loop3A_241 = vector.shape_cast %parallel_loop3A_240 : vector<1x16xf32> to vector<16xf32>
        %parallel_loop3A_242 = vector.shape_cast %parallel_loop3A_237 : vector<16xf32> to vector<1x16xf32>
        tpu.vector_store %arg12[%parallel_loop3A_238, %parallel_loop3A_239], %parallel_loop3A_242 {strides = array<i32>} : memref<64x128xf32, #tpu.memory_space<vmem>>, vector<1x16xf32>,
        %parallel_loop3A_243 = arith.constant 1 : i32
        %parallel_loop3A_244 = arith.addi %parallel_loop3A_90, %parallel_loop3A_243 : i32
        %parallel_loop3A_245 = arith.constant 48 : i32
        %parallel_loop3A_246 = arith.addi %parallel_loop3A_187, %parallel_loop3A_245 : i32
        %parallel_loop3A_247 = arith.index_cast %parallel_loop3A_244 : i32 to index
        %parallel_loop3A_248 = arith.index_cast %parallel_loop3A_246 : i32 to index
        %parallel_loop3A_249 = tpu.vector_load %arg10[%parallel_loop3A_247, %parallel_loop3A_248] {strides = array<i32>} : memref<128x128xf32, #tpu.memory_space<vmem>>, vector<1x16xf32>,
        %parallel_loop3A_250 = vector.shape_cast %parallel_loop3A_249 : vector<1x16xf32> to vector<16xf32>
        %parallel_loop3A_251 = arith.index_cast %parallel_loop3A_188 : i32 to index
        %parallel_loop3A_252 = arith.constant 112 : index
        %parallel_loop3A_253 = tpu.vector_load %arg13[%parallel_loop3A_251, %parallel_loop3A_252] {strides = array<i32>} : memref<200x128xf32, #tpu.memory_space<vmem>>, vector<1x16xf32>,
        %parallel_loop3A_254 = vector.shape_cast %parallel_loop3A_253 : vector<1x16xf32> to vector<16xf32>
        %parallel_loop3A_255 = arith.addf %parallel_loop3A_250, %parallel_loop3A_254 : vector<16xf32>
        %parallel_loop3A_256 = arith.index_cast %parallel_loop3A_181 : i32 to index
        %parallel_loop3A_257 = arith.constant 112 : index
        %parallel_loop3A_258 = tpu.vector_load %arg12[%parallel_loop3A_256, %parallel_loop3A_257] {strides = array<i32>} : memref<64x128xf32, #tpu.memory_space<vmem>>, vector<1x16xf32>,
        %parallel_loop3A_259 = vector.shape_cast %parallel_loop3A_258 : vector<1x16xf32> to vector<16xf32>
        %parallel_loop3A_260 = vector.shape_cast %parallel_loop3A_255 : vector<16xf32> to vector<1x16xf32>
        tpu.vector_store %arg12[%parallel_loop3A_256, %parallel_loop3A_257], %parallel_loop3A_260 {strides = array<i32>} : memref<64x128xf32, #tpu.memory_space<vmem>>, vector<1x16xf32>,
        %parallel_loop3A_261 = arith.constant 1 : i32
        %parallel_loop3A_262 = arith.shrui %parallel_loop3A_90, %parallel_loop3A_261 : i32
        %parallel_loop3A_263 = arith.constant 1 : i32
        %parallel_loop3A_264 = arith.addi %parallel_loop3A_262, %parallel_loop3A_263 : i32
        %parallel_loop3A_265 = vector.extract_strided_slice %parallel_loop3A_94 {offsets = [2], sizes = [1], strides = [1]} : vector<16xi32> to vector<1xi32>
        %parallel_loop3A_266 = vector.extract %parallel_loop3A_265[0] : i32 from vector<1xi32>
        %parallel_loop3A_267 = arith.constant 1 : i32
        %parallel_loop3A_268 = arith.andi %parallel_loop3A_266, %parallel_loop3A_267 : i32
        %parallel_loop3A_269 = arith.constant 64 : i32
        %parallel_loop3A_270 = arith.muli %parallel_loop3A_268, %parallel_loop3A_269 : i32
        %parallel_loop3A_271 = arith.addi %rem3A_77, %parallel_loop3A_264 : i32
        %parallel_loop3A_272 = arith.constant 2 : i32
        %parallel_loop3A_273 = arith.addi %parallel_loop3A_90, %parallel_loop3A_272 : i32
        %parallel_loop3A_274 = arith.constant 0 : i32
        %parallel_loop3A_275 = arith.addi %parallel_loop3A_270, %parallel_loop3A_274 : i32
        %parallel_loop3A_276 = arith.index_cast %parallel_loop3A_273 : i32 to index
        %parallel_loop3A_277 = arith.index_cast %parallel_loop3A_275 : i32 to index
        %parallel_loop3A_278 = tpu.vector_load %arg10[%parallel_loop3A_276, %parallel_loop3A_277] {strides = array<i32>} : memref<128x128xf32, #tpu.memory_space<vmem>>, vector<1x16xf32>,
        %parallel_loop3A_279 = vector.shape_cast %parallel_loop3A_278 : vector<1x16xf32> to vector<16xf32>
        %parallel_loop3A_280 = arith.index_cast %parallel_loop3A_271 : i32 to index
        %parallel_loop3A_281 = arith.constant 0 : index
        %parallel_loop3A_282 = tpu.vector_load %arg13[%parallel_loop3A_280, %parallel_loop3A_281] {strides = array<i32>} : memref<200x128xf32, #tpu.memory_space<vmem>>, vector<1x16xf32>,
        %parallel_loop3A_283 = vector.shape_cast %parallel_loop3A_282 : vector<1x16xf32> to vector<16xf32>
        %parallel_loop3A_284 = arith.addf %parallel_loop3A_279, %parallel_loop3A_283 : vector<16xf32>
        %parallel_loop3A_285 = arith.index_cast %parallel_loop3A_264 : i32 to index
        %parallel_loop3A_286 = arith.constant 0 : index
        %parallel_loop3A_287 = tpu.vector_load %arg12[%parallel_loop3A_285, %parallel_loop3A_286] {strides = array<i32>} : memref<64x128xf32, #tpu.memory_space<vmem>>, vector<1x16xf32>,
        %parallel_loop3A_288 = vector.shape_cast %parallel_loop3A_287 : vector<1x16xf32> to vector<16xf32>
        %parallel_loop3A_289 = vector.shape_cast %parallel_loop3A_284 : vector<16xf32> to vector<1x16xf32>
        tpu.vector_store %arg12[%parallel_loop3A_285, %parallel_loop3A_286], %parallel_loop3A_289 {strides = array<i32>} : memref<64x128xf32, #tpu.memory_space<vmem>>, vector<1x16xf32>,
        %parallel_loop3A_290 = arith.constant 2 : i32
        %parallel_loop3A_291 = arith.addi %parallel_loop3A_90, %parallel_loop3A_290 : i32
        %parallel_loop3A_292 = arith.constant 16 : i32
        %parallel_loop3A_293 = arith.addi %parallel_loop3A_270, %parallel_loop3A_292 : i32
        %parallel_loop3A_294 = arith.index_cast %parallel_loop3A_291 : i32 to index
        %parallel_loop3A_295 = arith.index_cast %parallel_loop3A_293 : i32 to index
        %parallel_loop3A_296 = tpu.vector_load %arg10[%parallel_loop3A_294, %parallel_loop3A_295] {strides = array<i32>} : memref<128x128xf32, #tpu.memory_space<vmem>>, vector<1x16xf32>,
        %parallel_loop3A_297 = vector.shape_cast %parallel_loop3A_296 : vector<1x16xf32> to vector<16xf32>
        %parallel_loop3A_298 = arith.index_cast %parallel_loop3A_271 : i32 to index
        %parallel_loop3A_299 = arith.constant 16 : index
        %parallel_loop3A_300 = tpu.vector_load %arg13[%parallel_loop3A_298, %parallel_loop3A_299] {strides = array<i32>} : memref<200x128xf32, #tpu.memory_space<vmem>>, vector<1x16xf32>,
        %parallel_loop3A_301 = vector.shape_cast %parallel_loop3A_300 : vector<1x16xf32> to vector<16xf32>
        %parallel_loop3A_302 = arith.addf %parallel_loop3A_297, %parallel_loop3A_301 : vector<16xf32>
        %parallel_loop3A_303 = arith.index_cast %parallel_loop3A_264 : i32 to index
        %parallel_loop3A_304 = arith.constant 16 : index
        %parallel_loop3A_305 = tpu.vector_load %arg12[%parallel_loop3A_303, %parallel_loop3A_304] {strides = array<i32>} : memref<64x128xf32, #tpu.memory_space<vmem>>, vector<1x16xf32>,
        %parallel_loop3A_306 = vector.shape_cast %parallel_loop3A_305 : vector<1x16xf32> to vector<16xf32>
        %parallel_loop3A_307 = vector.shape_cast %parallel_loop3A_302 : vector<16xf32> to vector<1x16xf32>
        tpu.vector_store %arg12[%parallel_loop3A_303, %parallel_loop3A_304], %parallel_loop3A_307 {strides = array<i32>} : memref<64x128xf32, #tpu.memory_space<vmem>>, vector<1x16xf32>,
        %parallel_loop3A_308 = arith.constant 2 : i32
        %parallel_loop3A_309 = arith.addi %parallel_loop3A_90, %parallel_loop3A_308 : i32
        %parallel_loop3A_310 = arith.constant 32 : i32
        %parallel_loop3A_311 = arith.addi %parallel_loop3A_270, %parallel_loop3A_310 : i32
        %parallel_loop3A_312 = arith.index_cast %parallel_loop3A_309 : i32 to index
        %parallel_loop3A_313 = arith.index_cast %parallel_loop3A_311 : i32 to index
        %parallel_loop3A_314 = tpu.vector_load %arg10[%parallel_loop3A_312, %parallel_loop3A_313] {strides = array<i32>} : memref<128x128xf32, #tpu.memory_space<vmem>>, vector<1x16xf32>,
        %parallel_loop3A_315 = vector.shape_cast %parallel_loop3A_314 : vector<1x16xf32> to vector<16xf32>
        %parallel_loop3A_316 = arith.index_cast %parallel_loop3A_271 : i32 to index
        %parallel_loop3A_317 = arith.constant 32 : index
        %parallel_loop3A_318 = tpu.vector_load %arg13[%parallel_loop3A_316, %parallel_loop3A_317] {strides = array<i32>} : memref<200x128xf32, #tpu.memory_space<vmem>>, vector<1x16xf32>,
        %parallel_loop3A_319 = vector.shape_cast %parallel_loop3A_318 : vector<1x16xf32> to vector<16xf32>
        %parallel_loop3A_320 = arith.addf %parallel_loop3A_315, %parallel_loop3A_319 : vector<16xf32>
        %parallel_loop3A_321 = arith.index_cast %parallel_loop3A_264 : i32 to index
        %parallel_loop3A_322 = arith.constant 32 : index
        %parallel_loop3A_323 = tpu.vector_load %arg12[%parallel_loop3A_321, %parallel_loop3A_322] {strides = array<i32>} : memref<64x128xf32, #tpu.memory_space<vmem>>, vector<1x16xf32>,
        %parallel_loop3A_324 = vector.shape_cast %parallel_loop3A_323 : vector<1x16xf32> to vector<16xf32>
        %parallel_loop3A_325 = vector.shape_cast %parallel_loop3A_320 : vector<16xf32> to vector<1x16xf32>
        tpu.vector_store %arg12[%parallel_loop3A_321, %parallel_loop3A_322], %parallel_loop3A_325 {strides = array<i32>} : memref<64x128xf32, #tpu.memory_space<vmem>>, vector<1x16xf32>,
        %parallel_loop3A_326 = arith.constant 2 : i32
        %parallel_loop3A_327 = arith.addi %parallel_loop3A_90, %parallel_loop3A_326 : i32
        %parallel_loop3A_328 = arith.constant 48 : i32
        %parallel_loop3A_329 = arith.addi %parallel_loop3A_270, %parallel_loop3A_328 : i32
        %parallel_loop3A_330 = arith.index_cast %parallel_loop3A_327 : i32 to index
        %parallel_loop3A_331 = arith.index_cast %parallel_loop3A_329 : i32 to index
        %parallel_loop3A_332 = tpu.vector_load %arg10[%parallel_loop3A_330, %parallel_loop3A_331] {strides = array<i32>} : memref<128x128xf32, #tpu.memory_space<vmem>>, vector<1x16xf32>,
        %parallel_loop3A_333 = vector.shape_cast %parallel_loop3A_332 : vector<1x16xf32> to vector<16xf32>
        %parallel_loop3A_334 = arith.index_cast %parallel_loop3A_271 : i32 to index
        %parallel_loop3A_335 = arith.constant 48 : index
        %parallel_loop3A_336 = tpu.vector_load %arg13[%parallel_loop3A_334, %parallel_loop3A_335] {strides = array<i32>} : memref<200x128xf32, #tpu.memory_space<vmem>>, vector<1x16xf32>,
        %parallel_loop3A_337 = vector.shape_cast %parallel_loop3A_336 : vector<1x16xf32> to vector<16xf32>
        %parallel_loop3A_338 = arith.addf %parallel_loop3A_333, %parallel_loop3A_337 : vector<16xf32>
        %parallel_loop3A_339 = arith.index_cast %parallel_loop3A_264 : i32 to index
        %parallel_loop3A_340 = arith.constant 48 : index
        %parallel_loop3A_341 = tpu.vector_load %arg12[%parallel_loop3A_339, %parallel_loop3A_340] {strides = array<i32>} : memref<64x128xf32, #tpu.memory_space<vmem>>, vector<1x16xf32>,
        %parallel_loop3A_342 = vector.shape_cast %parallel_loop3A_341 : vector<1x16xf32> to vector<16xf32>
        %parallel_loop3A_343 = vector.shape_cast %parallel_loop3A_338 : vector<16xf32> to vector<1x16xf32>
        tpu.vector_store %arg12[%parallel_loop3A_339, %parallel_loop3A_340], %parallel_loop3A_343 {strides = array<i32>} : memref<64x128xf32, #tpu.memory_space<vmem>>, vector<1x16xf32>,
        %parallel_loop3A_344 = arith.constant 1 : i32
        %parallel_loop3A_345 = arith.shrui %parallel_loop3A_90, %parallel_loop3A_344 : i32
        %parallel_loop3A_346 = arith.constant 1 : i32
        %parallel_loop3A_347 = arith.addi %parallel_loop3A_345, %parallel_loop3A_346 : i32
        %parallel_loop3A_348 = vector.extract_strided_slice %parallel_loop3A_94 {offsets = [3], sizes = [1], strides = [1]} : vector<16xi32> to vector<1xi32>
        %parallel_loop3A_349 = vector.extract %parallel_loop3A_348[0] : i32 from vector<1xi32>
        %parallel_loop3A_350 = arith.constant 1 : i32
        %parallel_loop3A_351 = arith.andi %parallel_loop3A_349, %parallel_loop3A_350 : i32
        %parallel_loop3A_352 = arith.constant 64 : i32
        %parallel_loop3A_353 = arith.muli %parallel_loop3A_351, %parallel_loop3A_352 : i32
        %parallel_loop3A_354 = arith.addi %rem3A_77, %parallel_loop3A_347 : i32
        %parallel_loop3A_355 = arith.constant 3 : i32
        %parallel_loop3A_356 = arith.addi %parallel_loop3A_90, %parallel_loop3A_355 : i32
        %parallel_loop3A_357 = arith.constant 0 : i32
        %parallel_loop3A_358 = arith.addi %parallel_loop3A_353, %parallel_loop3A_357 : i32
        %parallel_loop3A_359 = arith.index_cast %parallel_loop3A_356 : i32 to index
        %parallel_loop3A_360 = arith.index_cast %parallel_loop3A_358 : i32 to index
        %parallel_loop3A_361 = tpu.vector_load %arg10[%parallel_loop3A_359, %parallel_loop3A_360] {strides = array<i32>} : memref<128x128xf32, #tpu.memory_space<vmem>>, vector<1x16xf32>,
        %parallel_loop3A_362 = vector.shape_cast %parallel_loop3A_361 : vector<1x16xf32> to vector<16xf32>
        %parallel_loop3A_363 = arith.index_cast %parallel_loop3A_354 : i32 to index
        %parallel_loop3A_364 = arith.constant 64 : index
        %parallel_loop3A_365 = tpu.vector_load %arg13[%parallel_loop3A_363, %parallel_loop3A_364] {strides = array<i32>} : memref<200x128xf32, #tpu.memory_space<vmem>>, vector<1x16xf32>,
        %parallel_loop3A_366 = vector.shape_cast %parallel_loop3A_365 : vector<1x16xf32> to vector<16xf32>
        %parallel_loop3A_367 = arith.addf %parallel_loop3A_362, %parallel_loop3A_366 : vector<16xf32>
        %parallel_loop3A_368 = arith.index_cast %parallel_loop3A_347 : i32 to index
        %parallel_loop3A_369 = arith.constant 64 : index
        %parallel_loop3A_370 = tpu.vector_load %arg12[%parallel_loop3A_368, %parallel_loop3A_369] {strides = array<i32>} : memref<64x128xf32, #tpu.memory_space<vmem>>, vector<1x16xf32>,
        %parallel_loop3A_371 = vector.shape_cast %parallel_loop3A_370 : vector<1x16xf32> to vector<16xf32>
        %parallel_loop3A_372 = vector.shape_cast %parallel_loop3A_367 : vector<16xf32> to vector<1x16xf32>
        tpu.vector_store %arg12[%parallel_loop3A_368, %parallel_loop3A_369], %parallel_loop3A_372 {strides = array<i32>} : memref<64x128xf32, #tpu.memory_space<vmem>>, vector<1x16xf32>,
        %parallel_loop3A_373 = arith.constant 3 : i32
        %parallel_loop3A_374 = arith.addi %parallel_loop3A_90, %parallel_loop3A_373 : i32
        %parallel_loop3A_375 = arith.constant 16 : i32
        %parallel_loop3A_376 = arith.addi %parallel_loop3A_353, %parallel_loop3A_375 : i32
        %parallel_loop3A_377 = arith.index_cast %parallel_loop3A_374 : i32 to index
        %parallel_loop3A_378 = arith.index_cast %parallel_loop3A_376 : i32 to index
        %parallel_loop3A_379 = tpu.vector_load %arg10[%parallel_loop3A_377, %parallel_loop3A_378] {strides = array<i32>} : memref<128x128xf32, #tpu.memory_space<vmem>>, vector<1x16xf32>,
        %parallel_loop3A_380 = vector.shape_cast %parallel_loop3A_379 : vector<1x16xf32> to vector<16xf32>
        %parallel_loop3A_381 = arith.index_cast %parallel_loop3A_354 : i32 to index
        %parallel_loop3A_382 = arith.constant 80 : index
        %parallel_loop3A_383 = tpu.vector_load %arg13[%parallel_loop3A_381, %parallel_loop3A_382] {strides = array<i32>} : memref<200x128xf32, #tpu.memory_space<vmem>>, vector<1x16xf32>,
        %parallel_loop3A_384 = vector.shape_cast %parallel_loop3A_383 : vector<1x16xf32> to vector<16xf32>
        %parallel_loop3A_385 = arith.addf %parallel_loop3A_380, %parallel_loop3A_384 : vector<16xf32>
        %parallel_loop3A_386 = arith.index_cast %parallel_loop3A_347 : i32 to index
        %parallel_loop3A_387 = arith.constant 80 : index
        %parallel_loop3A_388 = tpu.vector_load %arg12[%parallel_loop3A_386, %parallel_loop3A_387] {strides = array<i32>} : memref<64x128xf32, #tpu.memory_space<vmem>>, vector<1x16xf32>,
        %parallel_loop3A_389 = vector.shape_cast %parallel_loop3A_388 : vector<1x16xf32> to vector<16xf32>
        %parallel_loop3A_390 = vector.shape_cast %parallel_loop3A_385 : vector<16xf32> to vector<1x16xf32>
        tpu.vector_store %arg12[%parallel_loop3A_386, %parallel_loop3A_387], %parallel_loop3A_390 {strides = array<i32>} : memref<64x128xf32, #tpu.memory_space<vmem>>, vector<1x16xf32>,
        %parallel_loop3A_391 = arith.constant 3 : i32
        %parallel_loop3A_392 = arith.addi %parallel_loop3A_90, %parallel_loop3A_391 : i32
        %parallel_loop3A_393 = arith.constant 32 : i32
        %parallel_loop3A_394 = arith.addi %parallel_loop3A_353, %parallel_loop3A_393 : i32
        %parallel_loop3A_395 = arith.index_cast %parallel_loop3A_392 : i32 to index
        %parallel_loop3A_396 = arith.index_cast %parallel_loop3A_394 : i32 to index
        %parallel_loop3A_397 = tpu.vector_load %arg10[%parallel_loop3A_395, %parallel_loop3A_396] {strides = array<i32>} : memref<128x128xf32, #tpu.memory_space<vmem>>, vector<1x16xf32>,
        %parallel_loop3A_398 = vector.shape_cast %parallel_loop3A_397 : vector<1x16xf32> to vector<16xf32>
        %parallel_loop3A_399 = arith.index_cast %parallel_loop3A_354 : i32 to index
        %parallel_loop3A_400 = arith.constant 96 : index
        %parallel_loop3A_401 = tpu.vector_load %arg13[%parallel_loop3A_399, %parallel_loop3A_400] {strides = array<i32>} : memref<200x128xf32, #tpu.memory_space<vmem>>, vector<1x16xf32>,
        %parallel_loop3A_402 = vector.shape_cast %parallel_loop3A_401 : vector<1x16xf32> to vector<16xf32>
        %parallel_loop3A_403 = arith.addf %parallel_loop3A_398, %parallel_loop3A_402 : vector<16xf32>
        %parallel_loop3A_404 = arith.index_cast %parallel_loop3A_347 : i32 to index
        %parallel_loop3A_405 = arith.constant 96 : index
        %parallel_loop3A_406 = tpu.vector_load %arg12[%parallel_loop3A_404, %parallel_loop3A_405] {strides = array<i32>} : memref<64x128xf32, #tpu.memory_space<vmem>>, vector<1x16xf32>,
        %parallel_loop3A_407 = vector.shape_cast %parallel_loop3A_406 : vector<1x16xf32> to vector<16xf32>
        %parallel_loop3A_408 = vector.shape_cast %parallel_loop3A_403 : vector<16xf32> to vector<1x16xf32>
        tpu.vector_store %arg12[%parallel_loop3A_404, %parallel_loop3A_405], %parallel_loop3A_408 {strides = array<i32>} : memref<64x128xf32, #tpu.memory_space<vmem>>, vector<1x16xf32>,
        %parallel_loop3A_409 = arith.constant 3 : i32
        %parallel_loop3A_410 = arith.addi %parallel_loop3A_90, %parallel_loop3A_409 : i32
        %parallel_loop3A_411 = arith.constant 48 : i32
        %parallel_loop3A_412 = arith.addi %parallel_loop3A_353, %parallel_loop3A_411 : i32
        %parallel_loop3A_413 = arith.index_cast %parallel_loop3A_410 : i32 to index
        %parallel_loop3A_414 = arith.index_cast %parallel_loop3A_412 : i32 to index
        %parallel_loop3A_415 = tpu.vector_load %arg10[%parallel_loop3A_413, %parallel_loop3A_414] {strides = array<i32>} : memref<128x128xf32, #tpu.memory_space<vmem>>, vector<1x16xf32>,
        %parallel_loop3A_416 = vector.shape_cast %parallel_loop3A_415 : vector<1x16xf32> to vector<16xf32>
        %parallel_loop3A_417 = arith.index_cast %parallel_loop3A_354 : i32 to index
        %parallel_loop3A_418 = arith.constant 112 : index
        %parallel_loop3A_419 = tpu.vector_load %arg13[%parallel_loop3A_417, %parallel_loop3A_418] {strides = array<i32>} : memref<200x128xf32, #tpu.memory_space<vmem>>, vector<1x16xf32>,
        %parallel_loop3A_420 = vector.shape_cast %parallel_loop3A_419 : vector<1x16xf32> to vector<16xf32>
        %parallel_loop3A_421 = arith.addf %parallel_loop3A_416, %parallel_loop3A_420 : vector<16xf32>
        %parallel_loop3A_422 = arith.index_cast %parallel_loop3A_347 : i32 to index
        %parallel_loop3A_423 = arith.constant 112 : index
        %parallel_loop3A_424 = tpu.vector_load %arg12[%parallel_loop3A_422, %parallel_loop3A_423] {strides = array<i32>} : memref<64x128xf32, #tpu.memory_space<vmem>>, vector<1x16xf32>,
        %parallel_loop3A_425 = vector.shape_cast %parallel_loop3A_424 : vector<1x16xf32> to vector<16xf32>
        %parallel_loop3A_426 = vector.shape_cast %parallel_loop3A_421 : vector<16xf32> to vector<1x16xf32>
        tpu.vector_store %arg12[%parallel_loop3A_422, %parallel_loop3A_423], %parallel_loop3A_426 {strides = array<i32>} : memref<64x128xf32, #tpu.memory_space<vmem>>, vector<1x16xf32>,
        %parallel_loop3A_427 = arith.constant 1 : i32
        %parallel_loop3A_428 = arith.shrui %parallel_loop3A_90, %parallel_loop3A_427 : i32
        %parallel_loop3A_429 = arith.constant 2 : i32
        %parallel_loop3A_430 = arith.addi %parallel_loop3A_428, %parallel_loop3A_429 : i32
        %parallel_loop3A_431 = vector.extract_strided_slice %parallel_loop3A_94 {offsets = [4], sizes = [1], strides = [1]} : vector<16xi32> to vector<1xi32>
        %parallel_loop3A_432 = vector.extract %parallel_loop3A_431[0] : i32 from vector<1xi32>
        %parallel_loop3A_433 = arith.constant 1 : i32
        %parallel_loop3A_434 = arith.andi %parallel_loop3A_432, %parallel_loop3A_433 : i32
        %parallel_loop3A_435 = arith.constant 64 : i32
        %parallel_loop3A_436 = arith.muli %parallel_loop3A_434, %parallel_loop3A_435 : i32
        %parallel_loop3A_437 = arith.addi %rem3A_77, %parallel_loop3A_430 : i32
        %parallel_loop3A_438 = arith.constant 4 : i32
        %parallel_loop3A_439 = arith.addi %parallel_loop3A_90, %parallel_loop3A_438 : i32
        %parallel_loop3A_440 = arith.constant 0 : i32
        %parallel_loop3A_441 = arith.addi %parallel_loop3A_436, %parallel_loop3A_440 : i32
        %parallel_loop3A_442 = arith.index_cast %parallel_loop3A_439 : i32 to index
        %parallel_loop3A_443 = arith.index_cast %parallel_loop3A_441 : i32 to index
        %parallel_loop3A_444 = tpu.vector_load %arg10[%parallel_loop3A_442, %parallel_loop3A_443] {strides = array<i32>} : memref<128x128xf32, #tpu.memory_space<vmem>>, vector<1x16xf32>,
        %parallel_loop3A_445 = vector.shape_cast %parallel_loop3A_444 : vector<1x16xf32> to vector<16xf32>
        %parallel_loop3A_446 = arith.index_cast %parallel_loop3A_437 : i32 to index
        %parallel_loop3A_447 = arith.constant 0 : index
        %parallel_loop3A_448 = tpu.vector_load %arg13[%parallel_loop3A_446, %parallel_loop3A_447] {strides = array<i32>} : memref<200x128xf32, #tpu.memory_space<vmem>>, vector<1x16xf32>,
        %parallel_loop3A_449 = vector.shape_cast %parallel_loop3A_448 : vector<1x16xf32> to vector<16xf32>
        %parallel_loop3A_450 = arith.addf %parallel_loop3A_445, %parallel_loop3A_449 : vector<16xf32>
        %parallel_loop3A_451 = arith.index_cast %parallel_loop3A_430 : i32 to index
        %parallel_loop3A_452 = arith.constant 0 : index
        %parallel_loop3A_453 = tpu.vector_load %arg12[%parallel_loop3A_451, %parallel_loop3A_452] {strides = array<i32>} : memref<64x128xf32, #tpu.memory_space<vmem>>, vector<1x16xf32>,
        %parallel_loop3A_454 = vector.shape_cast %parallel_loop3A_453 : vector<1x16xf32> to vector<16xf32>
        %parallel_loop3A_455 = vector.shape_cast %parallel_loop3A_450 : vector<16xf32> to vector<1x16xf32>
        tpu.vector_store %arg12[%parallel_loop3A_451, %parallel_loop3A_452], %parallel_loop3A_455 {strides = array<i32>} : memref<64x128xf32, #tpu.memory_space<vmem>>, vector<1x16xf32>,
        %parallel_loop3A_456 = arith.constant 4 : i32
        %parallel_loop3A_457 = arith.addi %parallel_loop3A_90, %parallel_loop3A_456 : i32
        %parallel_loop3A_458 = arith.constant 16 : i32
        %parallel_loop3A_459 = arith.addi %parallel_loop3A_436, %parallel_loop3A_458 : i32
        %parallel_loop3A_460 = arith.index_cast %parallel_loop3A_457 : i32 to index
        %parallel_loop3A_461 = arith.index_cast %parallel_loop3A_459 : i32 to index
        %parallel_loop3A_462 = tpu.vector_load %arg10[%parallel_loop3A_460, %parallel_loop3A_461] {strides = array<i32>} : memref<128x128xf32, #tpu.memory_space<vmem>>, vector<1x16xf32>,
        %parallel_loop3A_463 = vector.shape_cast %parallel_loop3A_462 : vector<1x16xf32> to vector<16xf32>
        %parallel_loop3A_464 = arith.index_cast %parallel_loop3A_437 : i32 to index
        %parallel_loop3A_465 = arith.constant 16 : index
        %parallel_loop3A_466 = tpu.vector_load %arg13[%parallel_loop3A_464, %parallel_loop3A_465] {strides = array<i32>} : memref<200x128xf32, #tpu.memory_space<vmem>>, vector<1x16xf32>,
        %parallel_loop3A_467 = vector.shape_cast %parallel_loop3A_466 : vector<1x16xf32> to vector<16xf32>
        %parallel_loop3A_468 = arith.addf %parallel_loop3A_463, %parallel_loop3A_467 : vector<16xf32>
        %parallel_loop3A_469 = arith.index_cast %parallel_loop3A_430 : i32 to index
        %parallel_loop3A_470 = arith.constant 16 : index
        %parallel_loop3A_471 = tpu.vector_load %arg12[%parallel_loop3A_469, %parallel_loop3A_470] {strides = array<i32>} : memref<64x128xf32, #tpu.memory_space<vmem>>, vector<1x16xf32>,
        %parallel_loop3A_472 = vector.shape_cast %parallel_loop3A_471 : vector<1x16xf32> to vector<16xf32>
        %parallel_loop3A_473 = vector.shape_cast %parallel_loop3A_468 : vector<16xf32> to vector<1x16xf32>
        tpu.vector_store %arg12[%parallel_loop3A_469, %parallel_loop3A_470], %parallel_loop3A_473 {strides = array<i32>} : memref<64x128xf32, #tpu.memory_space<vmem>>, vector<1x16xf32>,
        %parallel_loop3A_474 = arith.constant 4 : i32
        %parallel_loop3A_475 = arith.addi %parallel_loop3A_90, %parallel_loop3A_474 : i32
        %parallel_loop3A_476 = arith.constant 32 : i32
        %parallel_loop3A_477 = arith.addi %parallel_loop3A_436, %parallel_loop3A_476 : i32
        %parallel_loop3A_478 = arith.index_cast %parallel_loop3A_475 : i32 to index
        %parallel_loop3A_479 = arith.index_cast %parallel_loop3A_477 : i32 to index
        %parallel_loop3A_480 = tpu.vector_load %arg10[%parallel_loop3A_478, %parallel_loop3A_479] {strides = array<i32>} : memref<128x128xf32, #tpu.memory_space<vmem>>, vector<1x16xf32>,
        %parallel_loop3A_481 = vector.shape_cast %parallel_loop3A_480 : vector<1x16xf32> to vector<16xf32>
        %parallel_loop3A_482 = arith.index_cast %parallel_loop3A_437 : i32 to index
        %parallel_loop3A_483 = arith.constant 32 : index
        %parallel_loop3A_484 = tpu.vector_load %arg13[%parallel_loop3A_482, %parallel_loop3A_483] {strides = array<i32>} : memref<200x128xf32, #tpu.memory_space<vmem>>, vector<1x16xf32>,
        %parallel_loop3A_485 = vector.shape_cast %parallel_loop3A_484 : vector<1x16xf32> to vector<16xf32>
        %parallel_loop3A_486 = arith.addf %parallel_loop3A_481, %parallel_loop3A_485 : vector<16xf32>
        %parallel_loop3A_487 = arith.index_cast %parallel_loop3A_430 : i32 to index
        %parallel_loop3A_488 = arith.constant 32 : index
        %parallel_loop3A_489 = tpu.vector_load %arg12[%parallel_loop3A_487, %parallel_loop3A_488] {strides = array<i32>} : memref<64x128xf32, #tpu.memory_space<vmem>>, vector<1x16xf32>,
        %parallel_loop3A_490 = vector.shape_cast %parallel_loop3A_489 : vector<1x16xf32> to vector<16xf32>
        %parallel_loop3A_491 = vector.shape_cast %parallel_loop3A_486 : vector<16xf32> to vector<1x16xf32>
        tpu.vector_store %arg12[%parallel_loop3A_487, %parallel_loop3A_488], %parallel_loop3A_491 {strides = array<i32>} : memref<64x128xf32, #tpu.memory_space<vmem>>, vector<1x16xf32>,
        %parallel_loop3A_492 = arith.constant 4 : i32
        %parallel_loop3A_493 = arith.addi %parallel_loop3A_90, %parallel_loop3A_492 : i32
        %parallel_loop3A_494 = arith.constant 48 : i32
        %parallel_loop3A_495 = arith.addi %parallel_loop3A_436, %parallel_loop3A_494 : i32
        %parallel_loop3A_496 = arith.index_cast %parallel_loop3A_493 : i32 to index
        %parallel_loop3A_497 = arith.index_cast %parallel_loop3A_495 : i32 to index
        %parallel_loop3A_498 = tpu.vector_load %arg10[%parallel_loop3A_496, %parallel_loop3A_497] {strides = array<i32>} : memref<128x128xf32, #tpu.memory_space<vmem>>, vector<1x16xf32>,
        %parallel_loop3A_499 = vector.shape_cast %parallel_loop3A_498 : vector<1x16xf32> to vector<16xf32>
        %parallel_loop3A_500 = arith.index_cast %parallel_loop3A_437 : i32 to index
        %parallel_loop3A_501 = arith.constant 48 : index
        %parallel_loop3A_502 = tpu.vector_load %arg13[%parallel_loop3A_500, %parallel_loop3A_501] {strides = array<i32>} : memref<200x128xf32, #tpu.memory_space<vmem>>, vector<1x16xf32>,
        %parallel_loop3A_503 = vector.shape_cast %parallel_loop3A_502 : vector<1x16xf32> to vector<16xf32>
        %parallel_loop3A_504 = arith.addf %parallel_loop3A_499, %parallel_loop3A_503 : vector<16xf32>
        %parallel_loop3A_505 = arith.index_cast %parallel_loop3A_430 : i32 to index
        %parallel_loop3A_506 = arith.constant 48 : index
        %parallel_loop3A_507 = tpu.vector_load %arg12[%parallel_loop3A_505, %parallel_loop3A_506] {strides = array<i32>} : memref<64x128xf32, #tpu.memory_space<vmem>>, vector<1x16xf32>,
        %parallel_loop3A_508 = vector.shape_cast %parallel_loop3A_507 : vector<1x16xf32> to vector<16xf32>
        %parallel_loop3A_509 = vector.shape_cast %parallel_loop3A_504 : vector<16xf32> to vector<1x16xf32>
        tpu.vector_store %arg12[%parallel_loop3A_505, %parallel_loop3A_506], %parallel_loop3A_509 {strides = array<i32>} : memref<64x128xf32, #tpu.memory_space<vmem>>, vector<1x16xf32>,
        %parallel_loop3A_510 = arith.constant 1 : i32
        %parallel_loop3A_511 = arith.shrui %parallel_loop3A_90, %parallel_loop3A_510 : i32
        %parallel_loop3A_512 = arith.constant 2 : i32
        %parallel_loop3A_513 = arith.addi %parallel_loop3A_511, %parallel_loop3A_512 : i32
        %parallel_loop3A_514 = vector.extract_strided_slice %parallel_loop3A_94 {offsets = [5], sizes = [1], strides = [1]} : vector<16xi32> to vector<1xi32>
        %parallel_loop3A_515 = vector.extract %parallel_loop3A_514[0] : i32 from vector<1xi32>
        %parallel_loop3A_516 = arith.constant 1 : i32
        %parallel_loop3A_517 = arith.andi %parallel_loop3A_515, %parallel_loop3A_516 : i32
        %parallel_loop3A_518 = arith.constant 64 : i32
        %parallel_loop3A_519 = arith.muli %parallel_loop3A_517, %parallel_loop3A_518 : i32
        %parallel_loop3A_520 = arith.addi %rem3A_77, %parallel_loop3A_513 : i32
        %parallel_loop3A_521 = arith.constant 5 : i32
        %parallel_loop3A_522 = arith.addi %parallel_loop3A_90, %parallel_loop3A_521 : i32
        %parallel_loop3A_523 = arith.constant 0 : i32
        %parallel_loop3A_524 = arith.addi %parallel_loop3A_519, %parallel_loop3A_523 : i32
        %parallel_loop3A_525 = arith.index_cast %parallel_loop3A_522 : i32 to index
        %parallel_loop3A_526 = arith.index_cast %parallel_loop3A_524 : i32 to index
        %parallel_loop3A_527 = tpu.vector_load %arg10[%parallel_loop3A_525, %parallel_loop3A_526] {strides = array<i32>} : memref<128x128xf32, #tpu.memory_space<vmem>>, vector<1x16xf32>,
        %parallel_loop3A_528 = vector.shape_cast %parallel_loop3A_527 : vector<1x16xf32> to vector<16xf32>
        %parallel_loop3A_529 = arith.index_cast %parallel_loop3A_520 : i32 to index
        %parallel_loop3A_530 = arith.constant 64 : index
        %parallel_loop3A_531 = tpu.vector_load %arg13[%parallel_loop3A_529, %parallel_loop3A_530] {strides = array<i32>} : memref<200x128xf32, #tpu.memory_space<vmem>>, vector<1x16xf32>,
        %parallel_loop3A_532 = vector.shape_cast %parallel_loop3A_531 : vector<1x16xf32> to vector<16xf32>
        %parallel_loop3A_533 = arith.addf %parallel_loop3A_528, %parallel_loop3A_532 : vector<16xf32>
        %parallel_loop3A_534 = arith.index_cast %parallel_loop3A_513 : i32 to index
        %parallel_loop3A_535 = arith.constant 64 : index
        %parallel_loop3A_536 = tpu.vector_load %arg12[%parallel_loop3A_534, %parallel_loop3A_535] {strides = array<i32>} : memref<64x128xf32, #tpu.memory_space<vmem>>, vector<1x16xf32>,
        %parallel_loop3A_537 = vector.shape_cast %parallel_loop3A_536 : vector<1x16xf32> to vector<16xf32>
        %parallel_loop3A_538 = vector.shape_cast %parallel_loop3A_533 : vector<16xf32> to vector<1x16xf32>
        tpu.vector_store %arg12[%parallel_loop3A_534, %parallel_loop3A_535], %parallel_loop3A_538 {strides = array<i32>} : memref<64x128xf32, #tpu.memory_space<vmem>>, vector<1x16xf32>,
        %parallel_loop3A_539 = arith.constant 5 : i32
        %parallel_loop3A_540 = arith.addi %parallel_loop3A_90, %parallel_loop3A_539 : i32
        %parallel_loop3A_541 = arith.constant 16 : i32
        %parallel_loop3A_542 = arith.addi %parallel_loop3A_519, %parallel_loop3A_541 : i32
        %parallel_loop3A_543 = arith.index_cast %parallel_loop3A_540 : i32 to index
        %parallel_loop3A_544 = arith.index_cast %parallel_loop3A_542 : i32 to index
        %parallel_loop3A_545 = tpu.vector_load %arg10[%parallel_loop3A_543, %parallel_loop3A_544] {strides = array<i32>} : memref<128x128xf32, #tpu.memory_space<vmem>>, vector<1x16xf32>,
        %parallel_loop3A_546 = vector.shape_cast %parallel_loop3A_545 : vector<1x16xf32> to vector<16xf32>
        %parallel_loop3A_547 = arith.index_cast %parallel_loop3A_520 : i32 to index
        %parallel_loop3A_548 = arith.constant 80 : index
        %parallel_loop3A_549 = tpu.vector_load %arg13[%parallel_loop3A_547, %parallel_loop3A_548] {strides = array<i32>} : memref<200x128xf32, #tpu.memory_space<vmem>>, vector<1x16xf32>,
        %parallel_loop3A_550 = vector.shape_cast %parallel_loop3A_549 : vector<1x16xf32> to vector<16xf32>
        %parallel_loop3A_551 = arith.addf %parallel_loop3A_546, %parallel_loop3A_550 : vector<16xf32>
        %parallel_loop3A_552 = arith.index_cast %parallel_loop3A_513 : i32 to index
        %parallel_loop3A_553 = arith.constant 80 : index
        %parallel_loop3A_554 = tpu.vector_load %arg12[%parallel_loop3A_552, %parallel_loop3A_553] {strides = array<i32>} : memref<64x128xf32, #tpu.memory_space<vmem>>, vector<1x16xf32>,
        %parallel_loop3A_555 = vector.shape_cast %parallel_loop3A_554 : vector<1x16xf32> to vector<16xf32>
        %parallel_loop3A_556 = vector.shape_cast %parallel_loop3A_551 : vector<16xf32> to vector<1x16xf32>
        tpu.vector_store %arg12[%parallel_loop3A_552, %parallel_loop3A_553], %parallel_loop3A_556 {strides = array<i32>} : memref<64x128xf32, #tpu.memory_space<vmem>>, vector<1x16xf32>,
        %parallel_loop3A_557 = arith.constant 5 : i32
        %parallel_loop3A_558 = arith.addi %parallel_loop3A_90, %parallel_loop3A_557 : i32
        %parallel_loop3A_559 = arith.constant 32 : i32
        %parallel_loop3A_560 = arith.addi %parallel_loop3A_519, %parallel_loop3A_559 : i32
        %parallel_loop3A_561 = arith.index_cast %parallel_loop3A_558 : i32 to index
        %parallel_loop3A_562 = arith.index_cast %parallel_loop3A_560 : i32 to index
        %parallel_loop3A_563 = tpu.vector_load %arg10[%parallel_loop3A_561, %parallel_loop3A_562] {strides = array<i32>} : memref<128x128xf32, #tpu.memory_space<vmem>>, vector<1x16xf32>,
        %parallel_loop3A_564 = vector.shape_cast %parallel_loop3A_563 : vector<1x16xf32> to vector<16xf32>
        %parallel_loop3A_565 = arith.index_cast %parallel_loop3A_520 : i32 to index
        %parallel_loop3A_566 = arith.constant 96 : index
        %parallel_loop3A_567 = tpu.vector_load %arg13[%parallel_loop3A_565, %parallel_loop3A_566] {strides = array<i32>} : memref<200x128xf32, #tpu.memory_space<vmem>>, vector<1x16xf32>,
        %parallel_loop3A_568 = vector.shape_cast %parallel_loop3A_567 : vector<1x16xf32> to vector<16xf32>
        %parallel_loop3A_569 = arith.addf %parallel_loop3A_564, %parallel_loop3A_568 : vector<16xf32>
        %parallel_loop3A_570 = arith.index_cast %parallel_loop3A_513 : i32 to index
        %parallel_loop3A_571 = arith.constant 96 : index
        %parallel_loop3A_572 = tpu.vector_load %arg12[%parallel_loop3A_570, %parallel_loop3A_571] {strides = array<i32>} : memref<64x128xf32, #tpu.memory_space<vmem>>, vector<1x16xf32>,
        %parallel_loop3A_573 = vector.shape_cast %parallel_loop3A_572 : vector<1x16xf32> to vector<16xf32>
        %parallel_loop3A_574 = vector.shape_cast %parallel_loop3A_569 : vector<16xf32> to vector<1x16xf32>
        tpu.vector_store %arg12[%parallel_loop3A_570, %parallel_loop3A_571], %parallel_loop3A_574 {strides = array<i32>} : memref<64x128xf32, #tpu.memory_space<vmem>>, vector<1x16xf32>,
        %parallel_loop3A_575 = arith.constant 5 : i32
        %parallel_loop3A_576 = arith.addi %parallel_loop3A_90, %parallel_loop3A_575 : i32
        %parallel_loop3A_577 = arith.constant 48 : i32
        %parallel_loop3A_578 = arith.addi %parallel_loop3A_519, %parallel_loop3A_577 : i32
        %parallel_loop3A_579 = arith.index_cast %parallel_loop3A_576 : i32 to index
        %parallel_loop3A_580 = arith.index_cast %parallel_loop3A_578 : i32 to index
        %parallel_loop3A_581 = tpu.vector_load %arg10[%parallel_loop3A_579, %parallel_loop3A_580] {strides = array<i32>} : memref<128x128xf32, #tpu.memory_space<vmem>>, vector<1x16xf32>,
        %parallel_loop3A_582 = vector.shape_cast %parallel_loop3A_581 : vector<1x16xf32> to vector<16xf32>
        %parallel_loop3A_583 = arith.index_cast %parallel_loop3A_520 : i32 to index
        %parallel_loop3A_584 = arith.constant 112 : index
        %parallel_loop3A_585 = tpu.vector_load %arg13[%parallel_loop3A_583, %parallel_loop3A_584] {strides = array<i32>} : memref<200x128xf32, #tpu.memory_space<vmem>>, vector<1x16xf32>,
        %parallel_loop3A_586 = vector.shape_cast %parallel_loop3A_585 : vector<1x16xf32> to vector<16xf32>
        %parallel_loop3A_587 = arith.addf %parallel_loop3A_582, %parallel_loop3A_586 : vector<16xf32>
        %parallel_loop3A_588 = arith.index_cast %parallel_loop3A_513 : i32 to index
        %parallel_loop3A_589 = arith.constant 112 : index
        %parallel_loop3A_590 = tpu.vector_load %arg12[%parallel_loop3A_588, %parallel_loop3A_589] {strides = array<i32>} : memref<64x128xf32, #tpu.memory_space<vmem>>, vector<1x16xf32>,
        %parallel_loop3A_591 = vector.shape_cast %parallel_loop3A_590 : vector<1x16xf32> to vector<16xf32>
        %parallel_loop3A_592 = vector.shape_cast %parallel_loop3A_587 : vector<16xf32> to vector<1x16xf32>
        tpu.vector_store %arg12[%parallel_loop3A_588, %parallel_loop3A_589], %parallel_loop3A_592 {strides = array<i32>} : memref<64x128xf32, #tpu.memory_space<vmem>>, vector<1x16xf32>,
        %parallel_loop3A_593 = arith.constant 1 : i32
        %parallel_loop3A_594 = arith.shrui %parallel_loop3A_90, %parallel_loop3A_593 : i32
        %parallel_loop3A_595 = arith.constant 3 : i32
        %parallel_loop3A_596 = arith.addi %parallel_loop3A_594, %parallel_loop3A_595 : i32
        %parallel_loop3A_597 = vector.extract_strided_slice %parallel_loop3A_94 {offsets = [6], sizes = [1], strides = [1]} : vector<16xi32> to vector<1xi32>
        %parallel_loop3A_598 = vector.extract %parallel_loop3A_597[0] : i32 from vector<1xi32>
        %parallel_loop3A_599 = arith.constant 1 : i32
        %parallel_loop3A_600 = arith.andi %parallel_loop3A_598, %parallel_loop3A_599 : i32
        %parallel_loop3A_601 = arith.constant 64 : i32
        %parallel_loop3A_602 = arith.muli %parallel_loop3A_600, %parallel_loop3A_601 : i32
        %parallel_loop3A_603 = arith.addi %rem3A_77, %parallel_loop3A_596 : i32
        %parallel_loop3A_604 = arith.constant 6 : i32
        %parallel_loop3A_605 = arith.addi %parallel_loop3A_90, %parallel_loop3A_604 : i32
        %parallel_loop3A_606 = arith.constant 0 : i32
        %parallel_loop3A_607 = arith.addi %parallel_loop3A_602, %parallel_loop3A_606 : i32
        %parallel_loop3A_608 = arith.index_cast %parallel_loop3A_605 : i32 to index
        %parallel_loop3A_609 = arith.index_cast %parallel_loop3A_607 : i32 to index
        %parallel_loop3A_610 = tpu.vector_load %arg10[%parallel_loop3A_608, %parallel_loop3A_609] {strides = array<i32>} : memref<128x128xf32, #tpu.memory_space<vmem>>, vector<1x16xf32>,
        %parallel_loop3A_611 = vector.shape_cast %parallel_loop3A_610 : vector<1x16xf32> to vector<16xf32>
        %parallel_loop3A_612 = arith.index_cast %parallel_loop3A_603 : i32 to index
        %parallel_loop3A_613 = arith.constant 0 : index
        %parallel_loop3A_614 = tpu.vector_load %arg13[%parallel_loop3A_612, %parallel_loop3A_613] {strides = array<i32>} : memref<200x128xf32, #tpu.memory_space<vmem>>, vector<1x16xf32>,
        %parallel_loop3A_615 = vector.shape_cast %parallel_loop3A_614 : vector<1x16xf32> to vector<16xf32>
        %parallel_loop3A_616 = arith.addf %parallel_loop3A_611, %parallel_loop3A_615 : vector<16xf32>
        %parallel_loop3A_617 = arith.index_cast %parallel_loop3A_596 : i32 to index
        %parallel_loop3A_618 = arith.constant 0 : index
        %parallel_loop3A_619 = tpu.vector_load %arg12[%parallel_loop3A_617, %parallel_loop3A_618] {strides = array<i32>} : memref<64x128xf32, #tpu.memory_space<vmem>>, vector<1x16xf32>,
        %parallel_loop3A_620 = vector.shape_cast %parallel_loop3A_619 : vector<1x16xf32> to vector<16xf32>
        %parallel_loop3A_621 = vector.shape_cast %parallel_loop3A_616 : vector<16xf32> to vector<1x16xf32>
        tpu.vector_store %arg12[%parallel_loop3A_617, %parallel_loop3A_618], %parallel_loop3A_621 {strides = array<i32>} : memref<64x128xf32, #tpu.memory_space<vmem>>, vector<1x16xf32>,
        %parallel_loop3A_622 = arith.constant 6 : i32
        %parallel_loop3A_623 = arith.addi %parallel_loop3A_90, %parallel_loop3A_622 : i32
        %parallel_loop3A_624 = arith.constant 16 : i32
        %parallel_loop3A_625 = arith.addi %parallel_loop3A_602, %parallel_loop3A_624 : i32
        %parallel_loop3A_626 = arith.index_cast %parallel_loop3A_623 : i32 to index
        %parallel_loop3A_627 = arith.index_cast %parallel_loop3A_625 : i32 to index
        %parallel_loop3A_628 = tpu.vector_load %arg10[%parallel_loop3A_626, %parallel_loop3A_627] {strides = array<i32>} : memref<128x128xf32, #tpu.memory_space<vmem>>, vector<1x16xf32>,
        %parallel_loop3A_629 = vector.shape_cast %parallel_loop3A_628 : vector<1x16xf32> to vector<16xf32>
        %parallel_loop3A_630 = arith.index_cast %parallel_loop3A_603 : i32 to index
        %parallel_loop3A_631 = arith.constant 16 : index
        %parallel_loop3A_632 = tpu.vector_load %arg13[%parallel_loop3A_630, %parallel_loop3A_631] {strides = array<i32>} : memref<200x128xf32, #tpu.memory_space<vmem>>, vector<1x16xf32>,
        %parallel_loop3A_633 = vector.shape_cast %parallel_loop3A_632 : vector<1x16xf32> to vector<16xf32>
        %parallel_loop3A_634 = arith.addf %parallel_loop3A_629, %parallel_loop3A_633 : vector<16xf32>
        %parallel_loop3A_635 = arith.index_cast %parallel_loop3A_596 : i32 to index
        %parallel_loop3A_636 = arith.constant 16 : index
        %parallel_loop3A_637 = tpu.vector_load %arg12[%parallel_loop3A_635, %parallel_loop3A_636] {strides = array<i32>} : memref<64x128xf32, #tpu.memory_space<vmem>>, vector<1x16xf32>,
        %parallel_loop3A_638 = vector.shape_cast %parallel_loop3A_637 : vector<1x16xf32> to vector<16xf32>
        %parallel_loop3A_639 = vector.shape_cast %parallel_loop3A_634 : vector<16xf32> to vector<1x16xf32>
        tpu.vector_store %arg12[%parallel_loop3A_635, %parallel_loop3A_636], %parallel_loop3A_639 {strides = array<i32>} : memref<64x128xf32, #tpu.memory_space<vmem>>, vector<1x16xf32>,
        %parallel_loop3A_640 = arith.constant 6 : i32
        %parallel_loop3A_641 = arith.addi %parallel_loop3A_90, %parallel_loop3A_640 : i32
        %parallel_loop3A_642 = arith.constant 32 : i32
        %parallel_loop3A_643 = arith.addi %parallel_loop3A_602, %parallel_loop3A_642 : i32
        %parallel_loop3A_644 = arith.index_cast %parallel_loop3A_641 : i32 to index
        %parallel_loop3A_645 = arith.index_cast %parallel_loop3A_643 : i32 to index
        %parallel_loop3A_646 = tpu.vector_load %arg10[%parallel_loop3A_644, %parallel_loop3A_645] {strides = array<i32>} : memref<128x128xf32, #tpu.memory_space<vmem>>, vector<1x16xf32>,
        %parallel_loop3A_647 = vector.shape_cast %parallel_loop3A_646 : vector<1x16xf32> to vector<16xf32>
        %parallel_loop3A_648 = arith.index_cast %parallel_loop3A_603 : i32 to index
        %parallel_loop3A_649 = arith.constant 32 : index
        %parallel_loop3A_650 = tpu.vector_load %arg13[%parallel_loop3A_648, %parallel_loop3A_649] {strides = array<i32>} : memref<200x128xf32, #tpu.memory_space<vmem>>, vector<1x16xf32>,
        %parallel_loop3A_651 = vector.shape_cast %parallel_loop3A_650 : vector<1x16xf32> to vector<16xf32>
        %parallel_loop3A_652 = arith.addf %parallel_loop3A_647, %parallel_loop3A_651 : vector<16xf32>
        %parallel_loop3A_653 = arith.index_cast %parallel_loop3A_596 : i32 to index
        %parallel_loop3A_654 = arith.constant 32 : index
        %parallel_loop3A_655 = tpu.vector_load %arg12[%parallel_loop3A_653, %parallel_loop3A_654] {strides = array<i32>} : memref<64x128xf32, #tpu.memory_space<vmem>>, vector<1x16xf32>,
        %parallel_loop3A_656 = vector.shape_cast %parallel_loop3A_655 : vector<1x16xf32> to vector<16xf32>
        %parallel_loop3A_657 = vector.shape_cast %parallel_loop3A_652 : vector<16xf32> to vector<1x16xf32>
        tpu.vector_store %arg12[%parallel_loop3A_653, %parallel_loop3A_654], %parallel_loop3A_657 {strides = array<i32>} : memref<64x128xf32, #tpu.memory_space<vmem>>, vector<1x16xf32>,
        %parallel_loop3A_658 = arith.constant 6 : i32
        %parallel_loop3A_659 = arith.addi %parallel_loop3A_90, %parallel_loop3A_658 : i32
        %parallel_loop3A_660 = arith.constant 48 : i32
        %parallel_loop3A_661 = arith.addi %parallel_loop3A_602, %parallel_loop3A_660 : i32
        %parallel_loop3A_662 = arith.index_cast %parallel_loop3A_659 : i32 to index
        %parallel_loop3A_663 = arith.index_cast %parallel_loop3A_661 : i32 to index
        %parallel_loop3A_664 = tpu.vector_load %arg10[%parallel_loop3A_662, %parallel_loop3A_663] {strides = array<i32>} : memref<128x128xf32, #tpu.memory_space<vmem>>, vector<1x16xf32>,
        %parallel_loop3A_665 = vector.shape_cast %parallel_loop3A_664 : vector<1x16xf32> to vector<16xf32>
        %parallel_loop3A_666 = arith.index_cast %parallel_loop3A_603 : i32 to index
        %parallel_loop3A_667 = arith.constant 48 : index
        %parallel_loop3A_668 = tpu.vector_load %arg13[%parallel_loop3A_666, %parallel_loop3A_667] {strides = array<i32>} : memref<200x128xf32, #tpu.memory_space<vmem>>, vector<1x16xf32>,
        %parallel_loop3A_669 = vector.shape_cast %parallel_loop3A_668 : vector<1x16xf32> to vector<16xf32>
        %parallel_loop3A_670 = arith.addf %parallel_loop3A_665, %parallel_loop3A_669 : vector<16xf32>
        %parallel_loop3A_671 = arith.index_cast %parallel_loop3A_596 : i32 to index
        %parallel_loop3A_672 = arith.constant 48 : index
        %parallel_loop3A_673 = tpu.vector_load %arg12[%parallel_loop3A_671, %parallel_loop3A_672] {strides = array<i32>} : memref<64x128xf32, #tpu.memory_space<vmem>>, vector<1x16xf32>,
        %parallel_loop3A_674 = vector.shape_cast %parallel_loop3A_673 : vector<1x16xf32> to vector<16xf32>
        %parallel_loop3A_675 = vector.shape_cast %parallel_loop3A_670 : vector<16xf32> to vector<1x16xf32>
        tpu.vector_store %arg12[%parallel_loop3A_671, %parallel_loop3A_672], %parallel_loop3A_675 {strides = array<i32>} : memref<64x128xf32, #tpu.memory_space<vmem>>, vector<1x16xf32>,
        %parallel_loop3A_676 = arith.constant 1 : i32
        %parallel_loop3A_677 = arith.shrui %parallel_loop3A_90, %parallel_loop3A_676 : i32
        %parallel_loop3A_678 = arith.constant 3 : i32
        %parallel_loop3A_679 = arith.addi %parallel_loop3A_677, %parallel_loop3A_678 : i32
        %parallel_loop3A_680 = vector.extract_strided_slice %parallel_loop3A_94 {offsets = [7], sizes = [1], strides = [1]} : vector<16xi32> to vector<1xi32>
        %parallel_loop3A_681 = vector.extract %parallel_loop3A_680[0] : i32 from vector<1xi32>
        %parallel_loop3A_682 = arith.constant 1 : i32
        %parallel_loop3A_683 = arith.andi %parallel_loop3A_681, %parallel_loop3A_682 : i32
        %parallel_loop3A_684 = arith.constant 64 : i32
        %parallel_loop3A_685 = arith.muli %parallel_loop3A_683, %parallel_loop3A_684 : i32
        %parallel_loop3A_686 = arith.addi %rem3A_77, %parallel_loop3A_679 : i32
        %parallel_loop3A_687 = arith.constant 7 : i32
        %parallel_loop3A_688 = arith.addi %parallel_loop3A_90, %parallel_loop3A_687 : i32
        %parallel_loop3A_689 = arith.constant 0 : i32
        %parallel_loop3A_690 = arith.addi %parallel_loop3A_685, %parallel_loop3A_689 : i32
        %parallel_loop3A_691 = arith.index_cast %parallel_loop3A_688 : i32 to index
        %parallel_loop3A_692 = arith.index_cast %parallel_loop3A_690 : i32 to index
        %parallel_loop3A_693 = tpu.vector_load %arg10[%parallel_loop3A_691, %parallel_loop3A_692] {strides = array<i32>} : memref<128x128xf32, #tpu.memory_space<vmem>>, vector<1x16xf32>,
        %parallel_loop3A_694 = vector.shape_cast %parallel_loop3A_693 : vector<1x16xf32> to vector<16xf32>
        %parallel_loop3A_695 = arith.index_cast %parallel_loop3A_686 : i32 to index
        %parallel_loop3A_696 = arith.constant 64 : index
        %parallel_loop3A_697 = tpu.vector_load %arg13[%parallel_loop3A_695, %parallel_loop3A_696] {strides = array<i32>} : memref<200x128xf32, #tpu.memory_space<vmem>>, vector<1x16xf32>,
        %parallel_loop3A_698 = vector.shape_cast %parallel_loop3A_697 : vector<1x16xf32> to vector<16xf32>
        %parallel_loop3A_699 = arith.addf %parallel_loop3A_694, %parallel_loop3A_698 : vector<16xf32>
        %parallel_loop3A_700 = arith.index_cast %parallel_loop3A_679 : i32 to index
        %parallel_loop3A_701 = arith.constant 64 : index
        %parallel_loop3A_702 = tpu.vector_load %arg12[%parallel_loop3A_700, %parallel_loop3A_701] {strides = array<i32>} : memref<64x128xf32, #tpu.memory_space<vmem>>, vector<1x16xf32>,
        %parallel_loop3A_703 = vector.shape_cast %parallel_loop3A_702 : vector<1x16xf32> to vector<16xf32>
        %parallel_loop3A_704 = vector.shape_cast %parallel_loop3A_699 : vector<16xf32> to vector<1x16xf32>
        tpu.vector_store %arg12[%parallel_loop3A_700, %parallel_loop3A_701], %parallel_loop3A_704 {strides = array<i32>} : memref<64x128xf32, #tpu.memory_space<vmem>>, vector<1x16xf32>,
        %parallel_loop3A_705 = arith.constant 7 : i32
        %parallel_loop3A_706 = arith.addi %parallel_loop3A_90, %parallel_loop3A_705 : i32
        %parallel_loop3A_707 = arith.constant 16 : i32
        %parallel_loop3A_708 = arith.addi %parallel_loop3A_685, %parallel_loop3A_707 : i32
        %parallel_loop3A_709 = arith.index_cast %parallel_loop3A_706 : i32 to index
        %parallel_loop3A_710 = arith.index_cast %parallel_loop3A_708 : i32 to index
        %parallel_loop3A_711 = tpu.vector_load %arg10[%parallel_loop3A_709, %parallel_loop3A_710] {strides = array<i32>} : memref<128x128xf32, #tpu.memory_space<vmem>>, vector<1x16xf32>,
        %parallel_loop3A_712 = vector.shape_cast %parallel_loop3A_711 : vector<1x16xf32> to vector<16xf32>
        %parallel_loop3A_713 = arith.index_cast %parallel_loop3A_686 : i32 to index
        %parallel_loop3A_714 = arith.constant 80 : index
        %parallel_loop3A_715 = tpu.vector_load %arg13[%parallel_loop3A_713, %parallel_loop3A_714] {strides = array<i32>} : memref<200x128xf32, #tpu.memory_space<vmem>>, vector<1x16xf32>,
        %parallel_loop3A_716 = vector.shape_cast %parallel_loop3A_715 : vector<1x16xf32> to vector<16xf32>
        %parallel_loop3A_717 = arith.addf %parallel_loop3A_712, %parallel_loop3A_716 : vector<16xf32>
        %parallel_loop3A_718 = arith.index_cast %parallel_loop3A_679 : i32 to index
        %parallel_loop3A_719 = arith.constant 80 : index
        %parallel_loop3A_720 = tpu.vector_load %arg12[%parallel_loop3A_718, %parallel_loop3A_719] {strides = array<i32>} : memref<64x128xf32, #tpu.memory_space<vmem>>, vector<1x16xf32>,
        %parallel_loop3A_721 = vector.shape_cast %parallel_loop3A_720 : vector<1x16xf32> to vector<16xf32>
        %parallel_loop3A_722 = vector.shape_cast %parallel_loop3A_717 : vector<16xf32> to vector<1x16xf32>
        tpu.vector_store %arg12[%parallel_loop3A_718, %parallel_loop3A_719], %parallel_loop3A_722 {strides = array<i32>} : memref<64x128xf32, #tpu.memory_space<vmem>>, vector<1x16xf32>,
        %parallel_loop3A_723 = arith.constant 7 : i32
        %parallel_loop3A_724 = arith.addi %parallel_loop3A_90, %parallel_loop3A_723 : i32
        %parallel_loop3A_725 = arith.constant 32 : i32
        %parallel_loop3A_726 = arith.addi %parallel_loop3A_685, %parallel_loop3A_725 : i32
        %parallel_loop3A_727 = arith.index_cast %parallel_loop3A_724 : i32 to index
        %parallel_loop3A_728 = arith.index_cast %parallel_loop3A_726 : i32 to index
        %parallel_loop3A_729 = tpu.vector_load %arg10[%parallel_loop3A_727, %parallel_loop3A_728] {strides = array<i32>} : memref<128x128xf32, #tpu.memory_space<vmem>>, vector<1x16xf32>,
        %parallel_loop3A_730 = vector.shape_cast %parallel_loop3A_729 : vector<1x16xf32> to vector<16xf32>
        %parallel_loop3A_731 = arith.index_cast %parallel_loop3A_686 : i32 to index
        %parallel_loop3A_732 = arith.constant 96 : index
        %parallel_loop3A_733 = tpu.vector_load %arg13[%parallel_loop3A_731, %parallel_loop3A_732] {strides = array<i32>} : memref<200x128xf32, #tpu.memory_space<vmem>>, vector<1x16xf32>,
        %parallel_loop3A_734 = vector.shape_cast %parallel_loop3A_733 : vector<1x16xf32> to vector<16xf32>
        %parallel_loop3A_735 = arith.addf %parallel_loop3A_730, %parallel_loop3A_734 : vector<16xf32>
        %parallel_loop3A_736 = arith.index_cast %parallel_loop3A_679 : i32 to index
        %parallel_loop3A_737 = arith.constant 96 : index
        %parallel_loop3A_738 = tpu.vector_load %arg12[%parallel_loop3A_736, %parallel_loop3A_737] {strides = array<i32>} : memref<64x128xf32, #tpu.memory_space<vmem>>, vector<1x16xf32>,
        %parallel_loop3A_739 = vector.shape_cast %parallel_loop3A_738 : vector<1x16xf32> to vector<16xf32>
        %parallel_loop3A_740 = vector.shape_cast %parallel_loop3A_735 : vector<16xf32> to vector<1x16xf32>
        tpu.vector_store %arg12[%parallel_loop3A_736, %parallel_loop3A_737], %parallel_loop3A_740 {strides = array<i32>} : memref<64x128xf32, #tpu.memory_space<vmem>>, vector<1x16xf32>,
        %parallel_loop3A_741 = arith.constant 7 : i32
        %parallel_loop3A_742 = arith.addi %parallel_loop3A_90, %parallel_loop3A_741 : i32
        %parallel_loop3A_743 = arith.constant 48 : i32
        %parallel_loop3A_744 = arith.addi %parallel_loop3A_685, %parallel_loop3A_743 : i32
        %parallel_loop3A_745 = arith.index_cast %parallel_loop3A_742 : i32 to index
        %parallel_loop3A_746 = arith.index_cast %parallel_loop3A_744 : i32 to index
        %parallel_loop3A_747 = tpu.vector_load %arg10[%parallel_loop3A_745, %parallel_loop3A_746] {strides = array<i32>} : memref<128x128xf32, #tpu.memory_space<vmem>>, vector<1x16xf32>,
        %parallel_loop3A_748 = vector.shape_cast %parallel_loop3A_747 : vector<1x16xf32> to vector<16xf32>
        %parallel_loop3A_749 = arith.index_cast %parallel_loop3A_686 : i32 to index
        %parallel_loop3A_750 = arith.constant 112 : index
        %parallel_loop3A_751 = tpu.vector_load %arg13[%parallel_loop3A_749, %parallel_loop3A_750] {strides = array<i32>} : memref<200x128xf32, #tpu.memory_space<vmem>>, vector<1x16xf32>,
        %parallel_loop3A_752 = vector.shape_cast %parallel_loop3A_751 : vector<1x16xf32> to vector<16xf32>
        %parallel_loop3A_753 = arith.addf %parallel_loop3A_748, %parallel_loop3A_752 : vector<16xf32>
        %parallel_loop3A_754 = arith.index_cast %parallel_loop3A_679 : i32 to index
        %parallel_loop3A_755 = arith.constant 112 : index
        %parallel_loop3A_756 = tpu.vector_load %arg12[%parallel_loop3A_754, %parallel_loop3A_755] {strides = array<i32>} : memref<64x128xf32, #tpu.memory_space<vmem>>, vector<1x16xf32>,
        %parallel_loop3A_757 = vector.shape_cast %parallel_loop3A_756 : vector<1x16xf32> to vector<16xf32>
        %parallel_loop3A_758 = vector.shape_cast %parallel_loop3A_753 : vector<16xf32> to vector<1x16xf32>
        tpu.vector_store %arg12[%parallel_loop3A_754, %parallel_loop3A_755], %parallel_loop3A_758 {strides = array<i32>} : memref<64x128xf32, #tpu.memory_space<vmem>>, vector<1x16xf32>,
        %parallel_loop3A_759 = arith.constant 1 : i32
        %parallel_loop3A_760 = arith.shrui %parallel_loop3A_90, %parallel_loop3A_759 : i32
        %parallel_loop3A_761 = arith.constant 4 : i32
        %parallel_loop3A_762 = arith.addi %parallel_loop3A_760, %parallel_loop3A_761 : i32
        %parallel_loop3A_763 = vector.extract_strided_slice %parallel_loop3A_94 {offsets = [8], sizes = [1], strides = [1]} : vector<16xi32> to vector<1xi32>
        %parallel_loop3A_764 = vector.extract %parallel_loop3A_763[0] : i32 from vector<1xi32>
        %parallel_loop3A_765 = arith.constant 1 : i32
        %parallel_loop3A_766 = arith.andi %parallel_loop3A_764, %parallel_loop3A_765 : i32
        %parallel_loop3A_767 = arith.constant 64 : i32
        %parallel_loop3A_768 = arith.muli %parallel_loop3A_766, %parallel_loop3A_767 : i32
        %parallel_loop3A_769 = arith.addi %rem3A_77, %parallel_loop3A_762 : i32
        %parallel_loop3A_770 = arith.constant 8 : i32
        %parallel_loop3A_771 = arith.addi %parallel_loop3A_90, %parallel_loop3A_770 : i32
        %parallel_loop3A_772 = arith.constant 0 : i32
        %parallel_loop3A_773 = arith.addi %parallel_loop3A_768, %parallel_loop3A_772 : i32
        %parallel_loop3A_774 = arith.index_cast %parallel_loop3A_771 : i32 to index
        %parallel_loop3A_775 = arith.index_cast %parallel_loop3A_773 : i32 to index
        %parallel_loop3A_776 = tpu.vector_load %arg10[%parallel_loop3A_774, %parallel_loop3A_775] {strides = array<i32>} : memref<128x128xf32, #tpu.memory_space<vmem>>, vector<1x16xf32>,
        %parallel_loop3A_777 = vector.shape_cast %parallel_loop3A_776 : vector<1x16xf32> to vector<16xf32>
        %parallel_loop3A_778 = arith.index_cast %parallel_loop3A_769 : i32 to index
        %parallel_loop3A_779 = arith.constant 0 : index
        %parallel_loop3A_780 = tpu.vector_load %arg13[%parallel_loop3A_778, %parallel_loop3A_779] {strides = array<i32>} : memref<200x128xf32, #tpu.memory_space<vmem>>, vector<1x16xf32>,
        %parallel_loop3A_781 = vector.shape_cast %parallel_loop3A_780 : vector<1x16xf32> to vector<16xf32>
        %parallel_loop3A_782 = arith.addf %parallel_loop3A_777, %parallel_loop3A_781 : vector<16xf32>
        %parallel_loop3A_783 = arith.index_cast %parallel_loop3A_762 : i32 to index
        %parallel_loop3A_784 = arith.constant 0 : index
        %parallel_loop3A_785 = tpu.vector_load %arg12[%parallel_loop3A_783, %parallel_loop3A_784] {strides = array<i32>} : memref<64x128xf32, #tpu.memory_space<vmem>>, vector<1x16xf32>,
        %parallel_loop3A_786 = vector.shape_cast %parallel_loop3A_785 : vector<1x16xf32> to vector<16xf32>
        %parallel_loop3A_787 = vector.shape_cast %parallel_loop3A_782 : vector<16xf32> to vector<1x16xf32>
        tpu.vector_store %arg12[%parallel_loop3A_783, %parallel_loop3A_784], %parallel_loop3A_787 {strides = array<i32>} : memref<64x128xf32, #tpu.memory_space<vmem>>, vector<1x16xf32>,
        %parallel_loop3A_788 = arith.constant 8 : i32
        %parallel_loop3A_789 = arith.addi %parallel_loop3A_90, %parallel_loop3A_788 : i32
        %parallel_loop3A_790 = arith.constant 16 : i32
        %parallel_loop3A_791 = arith.addi %parallel_loop3A_768, %parallel_loop3A_790 : i32
        %parallel_loop3A_792 = arith.index_cast %parallel_loop3A_789 : i32 to index
        %parallel_loop3A_793 = arith.index_cast %parallel_loop3A_791 : i32 to index
        %parallel_loop3A_794 = tpu.vector_load %arg10[%parallel_loop3A_792, %parallel_loop3A_793] {strides = array<i32>} : memref<128x128xf32, #tpu.memory_space<vmem>>, vector<1x16xf32>,
        %parallel_loop3A_795 = vector.shape_cast %parallel_loop3A_794 : vector<1x16xf32> to vector<16xf32>
        %parallel_loop3A_796 = arith.index_cast %parallel_loop3A_769 : i32 to index
        %parallel_loop3A_797 = arith.constant 16 : index
        %parallel_loop3A_798 = tpu.vector_load %arg13[%parallel_loop3A_796, %parallel_loop3A_797] {strides = array<i32>} : memref<200x128xf32, #tpu.memory_space<vmem>>, vector<1x16xf32>,
        %parallel_loop3A_799 = vector.shape_cast %parallel_loop3A_798 : vector<1x16xf32> to vector<16xf32>
        %parallel_loop3A_800 = arith.addf %parallel_loop3A_795, %parallel_loop3A_799 : vector<16xf32>
        %parallel_loop3A_801 = arith.index_cast %parallel_loop3A_762 : i32 to index
        %parallel_loop3A_802 = arith.constant 16 : index
        %parallel_loop3A_803 = tpu.vector_load %arg12[%parallel_loop3A_801, %parallel_loop3A_802] {strides = array<i32>} : memref<64x128xf32, #tpu.memory_space<vmem>>, vector<1x16xf32>,
        %parallel_loop3A_804 = vector.shape_cast %parallel_loop3A_803 : vector<1x16xf32> to vector<16xf32>
        %parallel_loop3A_805 = vector.shape_cast %parallel_loop3A_800 : vector<16xf32> to vector<1x16xf32>
        tpu.vector_store %arg12[%parallel_loop3A_801, %parallel_loop3A_802], %parallel_loop3A_805 {strides = array<i32>} : memref<64x128xf32, #tpu.memory_space<vmem>>, vector<1x16xf32>,
        %parallel_loop3A_806 = arith.constant 8 : i32
        %parallel_loop3A_807 = arith.addi %parallel_loop3A_90, %parallel_loop3A_806 : i32
        %parallel_loop3A_808 = arith.constant 32 : i32
        %parallel_loop3A_809 = arith.addi %parallel_loop3A_768, %parallel_loop3A_808 : i32
        %parallel_loop3A_810 = arith.index_cast %parallel_loop3A_807 : i32 to index
        %parallel_loop3A_811 = arith.index_cast %parallel_loop3A_809 : i32 to index
        %parallel_loop3A_812 = tpu.vector_load %arg10[%parallel_loop3A_810, %parallel_loop3A_811] {strides = array<i32>} : memref<128x128xf32, #tpu.memory_space<vmem>>, vector<1x16xf32>,
        %parallel_loop3A_813 = vector.shape_cast %parallel_loop3A_812 : vector<1x16xf32> to vector<16xf32>
        %parallel_loop3A_814 = arith.index_cast %parallel_loop3A_769 : i32 to index
        %parallel_loop3A_815 = arith.constant 32 : index
        %parallel_loop3A_816 = tpu.vector_load %arg13[%parallel_loop3A_814, %parallel_loop3A_815] {strides = array<i32>} : memref<200x128xf32, #tpu.memory_space<vmem>>, vector<1x16xf32>,
        %parallel_loop3A_817 = vector.shape_cast %parallel_loop3A_816 : vector<1x16xf32> to vector<16xf32>
        %parallel_loop3A_818 = arith.addf %parallel_loop3A_813, %parallel_loop3A_817 : vector<16xf32>
        %parallel_loop3A_819 = arith.index_cast %parallel_loop3A_762 : i32 to index
        %parallel_loop3A_820 = arith.constant 32 : index
        %parallel_loop3A_821 = tpu.vector_load %arg12[%parallel_loop3A_819, %parallel_loop3A_820] {strides = array<i32>} : memref<64x128xf32, #tpu.memory_space<vmem>>, vector<1x16xf32>,
        %parallel_loop3A_822 = vector.shape_cast %parallel_loop3A_821 : vector<1x16xf32> to vector<16xf32>
        %parallel_loop3A_823 = vector.shape_cast %parallel_loop3A_818 : vector<16xf32> to vector<1x16xf32>
        tpu.vector_store %arg12[%parallel_loop3A_819, %parallel_loop3A_820], %parallel_loop3A_823 {strides = array<i32>} : memref<64x128xf32, #tpu.memory_space<vmem>>, vector<1x16xf32>,
        %parallel_loop3A_824 = arith.constant 8 : i32
        %parallel_loop3A_825 = arith.addi %parallel_loop3A_90, %parallel_loop3A_824 : i32
        %parallel_loop3A_826 = arith.constant 48 : i32
        %parallel_loop3A_827 = arith.addi %parallel_loop3A_768, %parallel_loop3A_826 : i32
        %parallel_loop3A_828 = arith.index_cast %parallel_loop3A_825 : i32 to index
        %parallel_loop3A_829 = arith.index_cast %parallel_loop3A_827 : i32 to index
        %parallel_loop3A_830 = tpu.vector_load %arg10[%parallel_loop3A_828, %parallel_loop3A_829] {strides = array<i32>} : memref<128x128xf32, #tpu.memory_space<vmem>>, vector<1x16xf32>,
        %parallel_loop3A_831 = vector.shape_cast %parallel_loop3A_830 : vector<1x16xf32> to vector<16xf32>
        %parallel_loop3A_832 = arith.index_cast %parallel_loop3A_769 : i32 to index
        %parallel_loop3A_833 = arith.constant 48 : index
        %parallel_loop3A_834 = tpu.vector_load %arg13[%parallel_loop3A_832, %parallel_loop3A_833] {strides = array<i32>} : memref<200x128xf32, #tpu.memory_space<vmem>>, vector<1x16xf32>,
        %parallel_loop3A_835 = vector.shape_cast %parallel_loop3A_834 : vector<1x16xf32> to vector<16xf32>
        %parallel_loop3A_836 = arith.addf %parallel_loop3A_831, %parallel_loop3A_835 : vector<16xf32>
        %parallel_loop3A_837 = arith.index_cast %parallel_loop3A_762 : i32 to index
        %parallel_loop3A_838 = arith.constant 48 : index
        %parallel_loop3A_839 = tpu.vector_load %arg12[%parallel_loop3A_837, %parallel_loop3A_838] {strides = array<i32>} : memref<64x128xf32, #tpu.memory_space<vmem>>, vector<1x16xf32>,
        %parallel_loop3A_840 = vector.shape_cast %parallel_loop3A_839 : vector<1x16xf32> to vector<16xf32>
        %parallel_loop3A_841 = vector.shape_cast %parallel_loop3A_836 : vector<16xf32> to vector<1x16xf32>
        tpu.vector_store %arg12[%parallel_loop3A_837, %parallel_loop3A_838], %parallel_loop3A_841 {strides = array<i32>} : memref<64x128xf32, #tpu.memory_space<vmem>>, vector<1x16xf32>,
        %parallel_loop3A_842 = arith.constant 1 : i32
        %parallel_loop3A_843 = arith.shrui %parallel_loop3A_90, %parallel_loop3A_842 : i32
        %parallel_loop3A_844 = arith.constant 4 : i32
        %parallel_loop3A_845 = arith.addi %parallel_loop3A_843, %parallel_loop3A_844 : i32
        %parallel_loop3A_846 = vector.extract_strided_slice %parallel_loop3A_94 {offsets = [9], sizes = [1], strides = [1]} : vector<16xi32> to vector<1xi32>
        %parallel_loop3A_847 = vector.extract %parallel_loop3A_846[0] : i32 from vector<1xi32>
        %parallel_loop3A_848 = arith.constant 1 : i32
        %parallel_loop3A_849 = arith.andi %parallel_loop3A_847, %parallel_loop3A_848 : i32
        %parallel_loop3A_850 = arith.constant 64 : i32
        %parallel_loop3A_851 = arith.muli %parallel_loop3A_849, %parallel_loop3A_850 : i32
        %parallel_loop3A_852 = arith.addi %rem3A_77, %parallel_loop3A_845 : i32
        %parallel_loop3A_853 = arith.constant 9 : i32
        %parallel_loop3A_854 = arith.addi %parallel_loop3A_90, %parallel_loop3A_853 : i32
        %parallel_loop3A_855 = arith.constant 0 : i32
        %parallel_loop3A_856 = arith.addi %parallel_loop3A_851, %parallel_loop3A_855 : i32
        %parallel_loop3A_857 = arith.index_cast %parallel_loop3A_854 : i32 to index
        %parallel_loop3A_858 = arith.index_cast %parallel_loop3A_856 : i32 to index
        %parallel_loop3A_859 = tpu.vector_load %arg10[%parallel_loop3A_857, %parallel_loop3A_858] {strides = array<i32>} : memref<128x128xf32, #tpu.memory_space<vmem>>, vector<1x16xf32>,
        %parallel_loop3A_860 = vector.shape_cast %parallel_loop3A_859 : vector<1x16xf32> to vector<16xf32>
        %parallel_loop3A_861 = arith.index_cast %parallel_loop3A_852 : i32 to index
        %parallel_loop3A_862 = arith.constant 64 : index
        %parallel_loop3A_863 = tpu.vector_load %arg13[%parallel_loop3A_861, %parallel_loop3A_862] {strides = array<i32>} : memref<200x128xf32, #tpu.memory_space<vmem>>, vector<1x16xf32>,
        %parallel_loop3A_864 = vector.shape_cast %parallel_loop3A_863 : vector<1x16xf32> to vector<16xf32>
        %parallel_loop3A_865 = arith.addf %parallel_loop3A_860, %parallel_loop3A_864 : vector<16xf32>
        %parallel_loop3A_866 = arith.index_cast %parallel_loop3A_845 : i32 to index
        %parallel_loop3A_867 = arith.constant 64 : index
        %parallel_loop3A_868 = tpu.vector_load %arg12[%parallel_loop3A_866, %parallel_loop3A_867] {strides = array<i32>} : memref<64x128xf32, #tpu.memory_space<vmem>>, vector<1x16xf32>,
        %parallel_loop3A_869 = vector.shape_cast %parallel_loop3A_868 : vector<1x16xf32> to vector<16xf32>
        %parallel_loop3A_870 = vector.shape_cast %parallel_loop3A_865 : vector<16xf32> to vector<1x16xf32>
        tpu.vector_store %arg12[%parallel_loop3A_866, %parallel_loop3A_867], %parallel_loop3A_870 {strides = array<i32>} : memref<64x128xf32, #tpu.memory_space<vmem>>, vector<1x16xf32>,
        %parallel_loop3A_871 = arith.constant 9 : i32
        %parallel_loop3A_872 = arith.addi %parallel_loop3A_90, %parallel_loop3A_871 : i32
        %parallel_loop3A_873 = arith.constant 16 : i32
        %parallel_loop3A_874 = arith.addi %parallel_loop3A_851, %parallel_loop3A_873 : i32
        %parallel_loop3A_875 = arith.index_cast %parallel_loop3A_872 : i32 to index
        %parallel_loop3A_876 = arith.index_cast %parallel_loop3A_874 : i32 to index
        %parallel_loop3A_877 = tpu.vector_load %arg10[%parallel_loop3A_875, %parallel_loop3A_876] {strides = array<i32>} : memref<128x128xf32, #tpu.memory_space<vmem>>, vector<1x16xf32>,
        %parallel_loop3A_878 = vector.shape_cast %parallel_loop3A_877 : vector<1x16xf32> to vector<16xf32>
        %parallel_loop3A_879 = arith.index_cast %parallel_loop3A_852 : i32 to index
        %parallel_loop3A_880 = arith.constant 80 : index
        %parallel_loop3A_881 = tpu.vector_load %arg13[%parallel_loop3A_879, %parallel_loop3A_880] {strides = array<i32>} : memref<200x128xf32, #tpu.memory_space<vmem>>, vector<1x16xf32>,
        %parallel_loop3A_882 = vector.shape_cast %parallel_loop3A_881 : vector<1x16xf32> to vector<16xf32>
        %parallel_loop3A_883 = arith.addf %parallel_loop3A_878, %parallel_loop3A_882 : vector<16xf32>
        %parallel_loop3A_884 = arith.index_cast %parallel_loop3A_845 : i32 to index
        %parallel_loop3A_885 = arith.constant 80 : index
        %parallel_loop3A_886 = tpu.vector_load %arg12[%parallel_loop3A_884, %parallel_loop3A_885] {strides = array<i32>} : memref<64x128xf32, #tpu.memory_space<vmem>>, vector<1x16xf32>,
        %parallel_loop3A_887 = vector.shape_cast %parallel_loop3A_886 : vector<1x16xf32> to vector<16xf32>
        %parallel_loop3A_888 = vector.shape_cast %parallel_loop3A_883 : vector<16xf32> to vector<1x16xf32>
        tpu.vector_store %arg12[%parallel_loop3A_884, %parallel_loop3A_885], %parallel_loop3A_888 {strides = array<i32>} : memref<64x128xf32, #tpu.memory_space<vmem>>, vector<1x16xf32>,
        %parallel_loop3A_889 = arith.constant 9 : i32
        %parallel_loop3A_890 = arith.addi %parallel_loop3A_90, %parallel_loop3A_889 : i32
        %parallel_loop3A_891 = arith.constant 32 : i32
        %parallel_loop3A_892 = arith.addi %parallel_loop3A_851, %parallel_loop3A_891 : i32
        %parallel_loop3A_893 = arith.index_cast %parallel_loop3A_890 : i32 to index
        %parallel_loop3A_894 = arith.index_cast %parallel_loop3A_892 : i32 to index
        %parallel_loop3A_895 = tpu.vector_load %arg10[%parallel_loop3A_893, %parallel_loop3A_894] {strides = array<i32>} : memref<128x128xf32, #tpu.memory_space<vmem>>, vector<1x16xf32>,
        %parallel_loop3A_896 = vector.shape_cast %parallel_loop3A_895 : vector<1x16xf32> to vector<16xf32>
        %parallel_loop3A_897 = arith.index_cast %parallel_loop3A_852 : i32 to index
        %parallel_loop3A_898 = arith.constant 96 : index
        %parallel_loop3A_899 = tpu.vector_load %arg13[%parallel_loop3A_897, %parallel_loop3A_898] {strides = array<i32>} : memref<200x128xf32, #tpu.memory_space<vmem>>, vector<1x16xf32>,
        %parallel_loop3A_900 = vector.shape_cast %parallel_loop3A_899 : vector<1x16xf32> to vector<16xf32>
        %parallel_loop3A_901 = arith.addf %parallel_loop3A_896, %parallel_loop3A_900 : vector<16xf32>
        %parallel_loop3A_902 = arith.index_cast %parallel_loop3A_845 : i32 to index
        %parallel_loop3A_903 = arith.constant 96 : index
        %parallel_loop3A_904 = tpu.vector_load %arg12[%parallel_loop3A_902, %parallel_loop3A_903] {strides = array<i32>} : memref<64x128xf32, #tpu.memory_space<vmem>>, vector<1x16xf32>,
        %parallel_loop3A_905 = vector.shape_cast %parallel_loop3A_904 : vector<1x16xf32> to vector<16xf32>
        %parallel_loop3A_906 = vector.shape_cast %parallel_loop3A_901 : vector<16xf32> to vector<1x16xf32>
        tpu.vector_store %arg12[%parallel_loop3A_902, %parallel_loop3A_903], %parallel_loop3A_906 {strides = array<i32>} : memref<64x128xf32, #tpu.memory_space<vmem>>, vector<1x16xf32>,
        %parallel_loop3A_907 = arith.constant 9 : i32
        %parallel_loop3A_908 = arith.addi %parallel_loop3A_90, %parallel_loop3A_907 : i32
        %parallel_loop3A_909 = arith.constant 48 : i32
        %parallel_loop3A_910 = arith.addi %parallel_loop3A_851, %parallel_loop3A_909 : i32
        %parallel_loop3A_911 = arith.index_cast %parallel_loop3A_908 : i32 to index
        %parallel_loop3A_912 = arith.index_cast %parallel_loop3A_910 : i32 to index
        %parallel_loop3A_913 = tpu.vector_load %arg10[%parallel_loop3A_911, %parallel_loop3A_912] {strides = array<i32>} : memref<128x128xf32, #tpu.memory_space<vmem>>, vector<1x16xf32>,
        %parallel_loop3A_914 = vector.shape_cast %parallel_loop3A_913 : vector<1x16xf32> to vector<16xf32>
        %parallel_loop3A_915 = arith.index_cast %parallel_loop3A_852 : i32 to index
        %parallel_loop3A_916 = arith.constant 112 : index
        %parallel_loop3A_917 = tpu.vector_load %arg13[%parallel_loop3A_915, %parallel_loop3A_916] {strides = array<i32>} : memref<200x128xf32, #tpu.memory_space<vmem>>, vector<1x16xf32>,
        %parallel_loop3A_918 = vector.shape_cast %parallel_loop3A_917 : vector<1x16xf32> to vector<16xf32>
        %parallel_loop3A_919 = arith.addf %parallel_loop3A_914, %parallel_loop3A_918 : vector<16xf32>
        %parallel_loop3A_920 = arith.index_cast %parallel_loop3A_845 : i32 to index
        %parallel_loop3A_921 = arith.constant 112 : index
        %parallel_loop3A_922 = tpu.vector_load %arg12[%parallel_loop3A_920, %parallel_loop3A_921] {strides = array<i32>} : memref<64x128xf32, #tpu.memory_space<vmem>>, vector<1x16xf32>,
        %parallel_loop3A_923 = vector.shape_cast %parallel_loop3A_922 : vector<1x16xf32> to vector<16xf32>
        %parallel_loop3A_924 = vector.shape_cast %parallel_loop3A_919 : vector<16xf32> to vector<1x16xf32>
        tpu.vector_store %arg12[%parallel_loop3A_920, %parallel_loop3A_921], %parallel_loop3A_924 {strides = array<i32>} : memref<64x128xf32, #tpu.memory_space<vmem>>, vector<1x16xf32>,
        %parallel_loop3A_925 = arith.constant 1 : i32
        %parallel_loop3A_926 = arith.shrui %parallel_loop3A_90, %parallel_loop3A_925 : i32
        %parallel_loop3A_927 = arith.constant 5 : i32
        %parallel_loop3A_928 = arith.addi %parallel_loop3A_926, %parallel_loop3A_927 : i32
        %parallel_loop3A_929 = vector.extract_strided_slice %parallel_loop3A_94 {offsets = [10], sizes = [1], strides = [1]} : vector<16xi32> to vector<1xi32>
        %parallel_loop3A_930 = vector.extract %parallel_loop3A_929[0] : i32 from vector<1xi32>
        %parallel_loop3A_931 = arith.constant 1 : i32
        %parallel_loop3A_932 = arith.andi %parallel_loop3A_930, %parallel_loop3A_931 : i32
        %parallel_loop3A_933 = arith.constant 64 : i32
        %parallel_loop3A_934 = arith.muli %parallel_loop3A_932, %parallel_loop3A_933 : i32
        %parallel_loop3A_935 = arith.addi %rem3A_77, %parallel_loop3A_928 : i32
        %parallel_loop3A_936 = arith.constant 10 : i32
        %parallel_loop3A_937 = arith.addi %parallel_loop3A_90, %parallel_loop3A_936 : i32
        %parallel_loop3A_938 = arith.constant 0 : i32
        %parallel_loop3A_939 = arith.addi %parallel_loop3A_934, %parallel_loop3A_938 : i32
        %parallel_loop3A_940 = arith.index_cast %parallel_loop3A_937 : i32 to index
        %parallel_loop3A_941 = arith.index_cast %parallel_loop3A_939 : i32 to index
        %parallel_loop3A_942 = tpu.vector_load %arg10[%parallel_loop3A_940, %parallel_loop3A_941] {strides = array<i32>} : memref<128x128xf32, #tpu.memory_space<vmem>>, vector<1x16xf32>,
        %parallel_loop3A_943 = vector.shape_cast %parallel_loop3A_942 : vector<1x16xf32> to vector<16xf32>
        %parallel_loop3A_944 = arith.index_cast %parallel_loop3A_935 : i32 to index
        %parallel_loop3A_945 = arith.constant 0 : index
        %parallel_loop3A_946 = tpu.vector_load %arg13[%parallel_loop3A_944, %parallel_loop3A_945] {strides = array<i32>} : memref<200x128xf32, #tpu.memory_space<vmem>>, vector<1x16xf32>,
        %parallel_loop3A_947 = vector.shape_cast %parallel_loop3A_946 : vector<1x16xf32> to vector<16xf32>
        %parallel_loop3A_948 = arith.addf %parallel_loop3A_943, %parallel_loop3A_947 : vector<16xf32>
        %parallel_loop3A_949 = arith.index_cast %parallel_loop3A_928 : i32 to index
        %parallel_loop3A_950 = arith.constant 0 : index
        %parallel_loop3A_951 = tpu.vector_load %arg12[%parallel_loop3A_949, %parallel_loop3A_950] {strides = array<i32>} : memref<64x128xf32, #tpu.memory_space<vmem>>, vector<1x16xf32>,
        %parallel_loop3A_952 = vector.shape_cast %parallel_loop3A_951 : vector<1x16xf32> to vector<16xf32>
        %parallel_loop3A_953 = vector.shape_cast %parallel_loop3A_948 : vector<16xf32> to vector<1x16xf32>
        tpu.vector_store %arg12[%parallel_loop3A_949, %parallel_loop3A_950], %parallel_loop3A_953 {strides = array<i32>} : memref<64x128xf32, #tpu.memory_space<vmem>>, vector<1x16xf32>,
        %parallel_loop3A_954 = arith.constant 10 : i32
        %parallel_loop3A_955 = arith.addi %parallel_loop3A_90, %parallel_loop3A_954 : i32
        %parallel_loop3A_956 = arith.constant 16 : i32
        %parallel_loop3A_957 = arith.addi %parallel_loop3A_934, %parallel_loop3A_956 : i32
        %parallel_loop3A_958 = arith.index_cast %parallel_loop3A_955 : i32 to index
        %parallel_loop3A_959 = arith.index_cast %parallel_loop3A_957 : i32 to index
        %parallel_loop3A_960 = tpu.vector_load %arg10[%parallel_loop3A_958, %parallel_loop3A_959] {strides = array<i32>} : memref<128x128xf32, #tpu.memory_space<vmem>>, vector<1x16xf32>,
        %parallel_loop3A_961 = vector.shape_cast %parallel_loop3A_960 : vector<1x16xf32> to vector<16xf32>
        %parallel_loop3A_962 = arith.index_cast %parallel_loop3A_935 : i32 to index
        %parallel_loop3A_963 = arith.constant 16 : index
        %parallel_loop3A_964 = tpu.vector_load %arg13[%parallel_loop3A_962, %parallel_loop3A_963] {strides = array<i32>} : memref<200x128xf32, #tpu.memory_space<vmem>>, vector<1x16xf32>,
        %parallel_loop3A_965 = vector.shape_cast %parallel_loop3A_964 : vector<1x16xf32> to vector<16xf32>
        %parallel_loop3A_966 = arith.addf %parallel_loop3A_961, %parallel_loop3A_965 : vector<16xf32>
        %parallel_loop3A_967 = arith.index_cast %parallel_loop3A_928 : i32 to index
        %parallel_loop3A_968 = arith.constant 16 : index
        %parallel_loop3A_969 = tpu.vector_load %arg12[%parallel_loop3A_967, %parallel_loop3A_968] {strides = array<i32>} : memref<64x128xf32, #tpu.memory_space<vmem>>, vector<1x16xf32>,
        %parallel_loop3A_970 = vector.shape_cast %parallel_loop3A_969 : vector<1x16xf32> to vector<16xf32>
        %parallel_loop3A_971 = vector.shape_cast %parallel_loop3A_966 : vector<16xf32> to vector<1x16xf32>
        tpu.vector_store %arg12[%parallel_loop3A_967, %parallel_loop3A_968], %parallel_loop3A_971 {strides = array<i32>} : memref<64x128xf32, #tpu.memory_space<vmem>>, vector<1x16xf32>,
        %parallel_loop3A_972 = arith.constant 10 : i32
        %parallel_loop3A_973 = arith.addi %parallel_loop3A_90, %parallel_loop3A_972 : i32
        %parallel_loop3A_974 = arith.constant 32 : i32
        %parallel_loop3A_975 = arith.addi %parallel_loop3A_934, %parallel_loop3A_974 : i32
        %parallel_loop3A_976 = arith.index_cast %parallel_loop3A_973 : i32 to index
        %parallel_loop3A_977 = arith.index_cast %parallel_loop3A_975 : i32 to index
        %parallel_loop3A_978 = tpu.vector_load %arg10[%parallel_loop3A_976, %parallel_loop3A_977] {strides = array<i32>} : memref<128x128xf32, #tpu.memory_space<vmem>>, vector<1x16xf32>,
        %parallel_loop3A_979 = vector.shape_cast %parallel_loop3A_978 : vector<1x16xf32> to vector<16xf32>
        %parallel_loop3A_980 = arith.index_cast %parallel_loop3A_935 : i32 to index
        %parallel_loop3A_981 = arith.constant 32 : index
        %parallel_loop3A_982 = tpu.vector_load %arg13[%parallel_loop3A_980, %parallel_loop3A_981] {strides = array<i32>} : memref<200x128xf32, #tpu.memory_space<vmem>>, vector<1x16xf32>,
        %parallel_loop3A_983 = vector.shape_cast %parallel_loop3A_982 : vector<1x16xf32> to vector<16xf32>
        %parallel_loop3A_984 = arith.addf %parallel_loop3A_979, %parallel_loop3A_983 : vector<16xf32>
        %parallel_loop3A_985 = arith.index_cast %parallel_loop3A_928 : i32 to index
        %parallel_loop3A_986 = arith.constant 32 : index
        %parallel_loop3A_987 = tpu.vector_load %arg12[%parallel_loop3A_985, %parallel_loop3A_986] {strides = array<i32>} : memref<64x128xf32, #tpu.memory_space<vmem>>, vector<1x16xf32>,
        %parallel_loop3A_988 = vector.shape_cast %parallel_loop3A_987 : vector<1x16xf32> to vector<16xf32>
        %parallel_loop3A_989 = vector.shape_cast %parallel_loop3A_984 : vector<16xf32> to vector<1x16xf32>
        tpu.vector_store %arg12[%parallel_loop3A_985, %parallel_loop3A_986], %parallel_loop3A_989 {strides = array<i32>} : memref<64x128xf32, #tpu.memory_space<vmem>>, vector<1x16xf32>,
        %parallel_loop3A_990 = arith.constant 10 : i32
        %parallel_loop3A_991 = arith.addi %parallel_loop3A_90, %parallel_loop3A_990 : i32
        %parallel_loop3A_992 = arith.constant 48 : i32
        %parallel_loop3A_993 = arith.addi %parallel_loop3A_934, %parallel_loop3A_992 : i32
        %parallel_loop3A_994 = arith.index_cast %parallel_loop3A_991 : i32 to index
        %parallel_loop3A_995 = arith.index_cast %parallel_loop3A_993 : i32 to index
        %parallel_loop3A_996 = tpu.vector_load %arg10[%parallel_loop3A_994, %parallel_loop3A_995] {strides = array<i32>} : memref<128x128xf32, #tpu.memory_space<vmem>>, vector<1x16xf32>,
        %parallel_loop3A_997 = vector.shape_cast %parallel_loop3A_996 : vector<1x16xf32> to vector<16xf32>
        %parallel_loop3A_998 = arith.index_cast %parallel_loop3A_935 : i32 to index
        %parallel_loop3A_999 = arith.constant 48 : index
        %parallel_loop3A_1000 = tpu.vector_load %arg13[%parallel_loop3A_998, %parallel_loop3A_999] {strides = array<i32>} : memref<200x128xf32, #tpu.memory_space<vmem>>, vector<1x16xf32>,
        %parallel_loop3A_1001 = vector.shape_cast %parallel_loop3A_1000 : vector<1x16xf32> to vector<16xf32>
        %parallel_loop3A_1002 = arith.addf %parallel_loop3A_997, %parallel_loop3A_1001 : vector<16xf32>
        %parallel_loop3A_1003 = arith.index_cast %parallel_loop3A_928 : i32 to index
        %parallel_loop3A_1004 = arith.constant 48 : index
        %parallel_loop3A_1005 = tpu.vector_load %arg12[%parallel_loop3A_1003, %parallel_loop3A_1004] {strides = array<i32>} : memref<64x128xf32, #tpu.memory_space<vmem>>, vector<1x16xf32>,
        %parallel_loop3A_1006 = vector.shape_cast %parallel_loop3A_1005 : vector<1x16xf32> to vector<16xf32>
        %parallel_loop3A_1007 = vector.shape_cast %parallel_loop3A_1002 : vector<16xf32> to vector<1x16xf32>
        tpu.vector_store %arg12[%parallel_loop3A_1003, %parallel_loop3A_1004], %parallel_loop3A_1007 {strides = array<i32>} : memref<64x128xf32, #tpu.memory_space<vmem>>, vector<1x16xf32>,
        %parallel_loop3A_1008 = arith.constant 1 : i32
        %parallel_loop3A_1009 = arith.shrui %parallel_loop3A_90, %parallel_loop3A_1008 : i32
        %parallel_loop3A_1010 = arith.constant 5 : i32
        %parallel_loop3A_1011 = arith.addi %parallel_loop3A_1009, %parallel_loop3A_1010 : i32
        %parallel_loop3A_1012 = vector.extract_strided_slice %parallel_loop3A_94 {offsets = [11], sizes = [1], strides = [1]} : vector<16xi32> to vector<1xi32>
        %parallel_loop3A_1013 = vector.extract %parallel_loop3A_1012[0] : i32 from vector<1xi32>
        %parallel_loop3A_1014 = arith.constant 1 : i32
        %parallel_loop3A_1015 = arith.andi %parallel_loop3A_1013, %parallel_loop3A_1014 : i32
        %parallel_loop3A_1016 = arith.constant 64 : i32
        %parallel_loop3A_1017 = arith.muli %parallel_loop3A_1015, %parallel_loop3A_1016 : i32
        %parallel_loop3A_1018 = arith.addi %rem3A_77, %parallel_loop3A_1011 : i32
        %parallel_loop3A_1019 = arith.constant 11 : i32
        %parallel_loop3A_1020 = arith.addi %parallel_loop3A_90, %parallel_loop3A_1019 : i32
        %parallel_loop3A_1021 = arith.constant 0 : i32
        %parallel_loop3A_1022 = arith.addi %parallel_loop3A_1017, %parallel_loop3A_1021 : i32
        %parallel_loop3A_1023 = arith.index_cast %parallel_loop3A_1020 : i32 to index
        %parallel_loop3A_1024 = arith.index_cast %parallel_loop3A_1022 : i32 to index
        %parallel_loop3A_1025 = tpu.vector_load %arg10[%parallel_loop3A_1023, %parallel_loop3A_1024] {strides = array<i32>} : memref<128x128xf32, #tpu.memory_space<vmem>>, vector<1x16xf32>,
        %parallel_loop3A_1026 = vector.shape_cast %parallel_loop3A_1025 : vector<1x16xf32> to vector<16xf32>
        %parallel_loop3A_1027 = arith.index_cast %parallel_loop3A_1018 : i32 to index
        %parallel_loop3A_1028 = arith.constant 64 : index
        %parallel_loop3A_1029 = tpu.vector_load %arg13[%parallel_loop3A_1027, %parallel_loop3A_1028] {strides = array<i32>} : memref<200x128xf32, #tpu.memory_space<vmem>>, vector<1x16xf32>,
        %parallel_loop3A_1030 = vector.shape_cast %parallel_loop3A_1029 : vector<1x16xf32> to vector<16xf32>
        %parallel_loop3A_1031 = arith.addf %parallel_loop3A_1026, %parallel_loop3A_1030 : vector<16xf32>
        %parallel_loop3A_1032 = arith.index_cast %parallel_loop3A_1011 : i32 to index
        %parallel_loop3A_1033 = arith.constant 64 : index
        %parallel_loop3A_1034 = tpu.vector_load %arg12[%parallel_loop3A_1032, %parallel_loop3A_1033] {strides = array<i32>} : memref<64x128xf32, #tpu.memory_space<vmem>>, vector<1x16xf32>,
        %parallel_loop3A_1035 = vector.shape_cast %parallel_loop3A_1034 : vector<1x16xf32> to vector<16xf32>
        %parallel_loop3A_1036 = vector.shape_cast %parallel_loop3A_1031 : vector<16xf32> to vector<1x16xf32>
        tpu.vector_store %arg12[%parallel_loop3A_1032, %parallel_loop3A_1033], %parallel_loop3A_1036 {strides = array<i32>} : memref<64x128xf32, #tpu.memory_space<vmem>>, vector<1x16xf32>,
        %parallel_loop3A_1037 = arith.constant 11 : i32
        %parallel_loop3A_1038 = arith.addi %parallel_loop3A_90, %parallel_loop3A_1037 : i32
        %parallel_loop3A_1039 = arith.constant 16 : i32
        %parallel_loop3A_1040 = arith.addi %parallel_loop3A_1017, %parallel_loop3A_1039 : i32
        %parallel_loop3A_1041 = arith.index_cast %parallel_loop3A_1038 : i32 to index
        %parallel_loop3A_1042 = arith.index_cast %parallel_loop3A_1040 : i32 to index
        %parallel_loop3A_1043 = tpu.vector_load %arg10[%parallel_loop3A_1041, %parallel_loop3A_1042] {strides = array<i32>} : memref<128x128xf32, #tpu.memory_space<vmem>>, vector<1x16xf32>,
        %parallel_loop3A_1044 = vector.shape_cast %parallel_loop3A_1043 : vector<1x16xf32> to vector<16xf32>
        %parallel_loop3A_1045 = arith.index_cast %parallel_loop3A_1018 : i32 to index
        %parallel_loop3A_1046 = arith.constant 80 : index
        %parallel_loop3A_1047 = tpu.vector_load %arg13[%parallel_loop3A_1045, %parallel_loop3A_1046] {strides = array<i32>} : memref<200x128xf32, #tpu.memory_space<vmem>>, vector<1x16xf32>,
        %parallel_loop3A_1048 = vector.shape_cast %parallel_loop3A_1047 : vector<1x16xf32> to vector<16xf32>
        %parallel_loop3A_1049 = arith.addf %parallel_loop3A_1044, %parallel_loop3A_1048 : vector<16xf32>
        %parallel_loop3A_1050 = arith.index_cast %parallel_loop3A_1011 : i32 to index
        %parallel_loop3A_1051 = arith.constant 80 : index
        %parallel_loop3A_1052 = tpu.vector_load %arg12[%parallel_loop3A_1050, %parallel_loop3A_1051] {strides = array<i32>} : memref<64x128xf32, #tpu.memory_space<vmem>>, vector<1x16xf32>,
        %parallel_loop3A_1053 = vector.shape_cast %parallel_loop3A_1052 : vector<1x16xf32> to vector<16xf32>
        %parallel_loop3A_1054 = vector.shape_cast %parallel_loop3A_1049 : vector<16xf32> to vector<1x16xf32>
        tpu.vector_store %arg12[%parallel_loop3A_1050, %parallel_loop3A_1051], %parallel_loop3A_1054 {strides = array<i32>} : memref<64x128xf32, #tpu.memory_space<vmem>>, vector<1x16xf32>,
        %parallel_loop3A_1055 = arith.constant 11 : i32
        %parallel_loop3A_1056 = arith.addi %parallel_loop3A_90, %parallel_loop3A_1055 : i32
        %parallel_loop3A_1057 = arith.constant 32 : i32
        %parallel_loop3A_1058 = arith.addi %parallel_loop3A_1017, %parallel_loop3A_1057 : i32
        %parallel_loop3A_1059 = arith.index_cast %parallel_loop3A_1056 : i32 to index
        %parallel_loop3A_1060 = arith.index_cast %parallel_loop3A_1058 : i32 to index
        %parallel_loop3A_1061 = tpu.vector_load %arg10[%parallel_loop3A_1059, %parallel_loop3A_1060] {strides = array<i32>} : memref<128x128xf32, #tpu.memory_space<vmem>>, vector<1x16xf32>,
        %parallel_loop3A_1062 = vector.shape_cast %parallel_loop3A_1061 : vector<1x16xf32> to vector<16xf32>
        %parallel_loop3A_1063 = arith.index_cast %parallel_loop3A_1018 : i32 to index
        %parallel_loop3A_1064 = arith.constant 96 : index
        %parallel_loop3A_1065 = tpu.vector_load %arg13[%parallel_loop3A_1063, %parallel_loop3A_1064] {strides = array<i32>} : memref<200x128xf32, #tpu.memory_space<vmem>>, vector<1x16xf32>,
        %parallel_loop3A_1066 = vector.shape_cast %parallel_loop3A_1065 : vector<1x16xf32> to vector<16xf32>
        %parallel_loop3A_1067 = arith.addf %parallel_loop3A_1062, %parallel_loop3A_1066 : vector<16xf32>
        %parallel_loop3A_1068 = arith.index_cast %parallel_loop3A_1011 : i32 to index
        %parallel_loop3A_1069 = arith.constant 96 : index
        %parallel_loop3A_1070 = tpu.vector_load %arg12[%parallel_loop3A_1068, %parallel_loop3A_1069] {strides = array<i32>} : memref<64x128xf32, #tpu.memory_space<vmem>>, vector<1x16xf32>,
        %parallel_loop3A_1071 = vector.shape_cast %parallel_loop3A_1070 : vector<1x16xf32> to vector<16xf32>
        %parallel_loop3A_1072 = vector.shape_cast %parallel_loop3A_1067 : vector<16xf32> to vector<1x16xf32>
        tpu.vector_store %arg12[%parallel_loop3A_1068, %parallel_loop3A_1069], %parallel_loop3A_1072 {strides = array<i32>} : memref<64x128xf32, #tpu.memory_space<vmem>>, vector<1x16xf32>,
        %parallel_loop3A_1073 = arith.constant 11 : i32
        %parallel_loop3A_1074 = arith.addi %parallel_loop3A_90, %parallel_loop3A_1073 : i32
        %parallel_loop3A_1075 = arith.constant 48 : i32
        %parallel_loop3A_1076 = arith.addi %parallel_loop3A_1017, %parallel_loop3A_1075 : i32
        %parallel_loop3A_1077 = arith.index_cast %parallel_loop3A_1074 : i32 to index
        %parallel_loop3A_1078 = arith.index_cast %parallel_loop3A_1076 : i32 to index
        %parallel_loop3A_1079 = tpu.vector_load %arg10[%parallel_loop3A_1077, %parallel_loop3A_1078] {strides = array<i32>} : memref<128x128xf32, #tpu.memory_space<vmem>>, vector<1x16xf32>,
        %parallel_loop3A_1080 = vector.shape_cast %parallel_loop3A_1079 : vector<1x16xf32> to vector<16xf32>
        %parallel_loop3A_1081 = arith.index_cast %parallel_loop3A_1018 : i32 to index
        %parallel_loop3A_1082 = arith.constant 112 : index
        %parallel_loop3A_1083 = tpu.vector_load %arg13[%parallel_loop3A_1081, %parallel_loop3A_1082] {strides = array<i32>} : memref<200x128xf32, #tpu.memory_space<vmem>>, vector<1x16xf32>,
        %parallel_loop3A_1084 = vector.shape_cast %parallel_loop3A_1083 : vector<1x16xf32> to vector<16xf32>
        %parallel_loop3A_1085 = arith.addf %parallel_loop3A_1080, %parallel_loop3A_1084 : vector<16xf32>
        %parallel_loop3A_1086 = arith.index_cast %parallel_loop3A_1011 : i32 to index
        %parallel_loop3A_1087 = arith.constant 112 : index
        %parallel_loop3A_1088 = tpu.vector_load %arg12[%parallel_loop3A_1086, %parallel_loop3A_1087] {strides = array<i32>} : memref<64x128xf32, #tpu.memory_space<vmem>>, vector<1x16xf32>,
        %parallel_loop3A_1089 = vector.shape_cast %parallel_loop3A_1088 : vector<1x16xf32> to vector<16xf32>
        %parallel_loop3A_1090 = vector.shape_cast %parallel_loop3A_1085 : vector<16xf32> to vector<1x16xf32>
        tpu.vector_store %arg12[%parallel_loop3A_1086, %parallel_loop3A_1087], %parallel_loop3A_1090 {strides = array<i32>} : memref<64x128xf32, #tpu.memory_space<vmem>>, vector<1x16xf32>,
        %parallel_loop3A_1091 = arith.constant 1 : i32
        %parallel_loop3A_1092 = arith.shrui %parallel_loop3A_90, %parallel_loop3A_1091 : i32
        %parallel_loop3A_1093 = arith.constant 6 : i32
        %parallel_loop3A_1094 = arith.addi %parallel_loop3A_1092, %parallel_loop3A_1093 : i32
        %parallel_loop3A_1095 = vector.extract_strided_slice %parallel_loop3A_94 {offsets = [12], sizes = [1], strides = [1]} : vector<16xi32> to vector<1xi32>
        %parallel_loop3A_1096 = vector.extract %parallel_loop3A_1095[0] : i32 from vector<1xi32>
        %parallel_loop3A_1097 = arith.constant 1 : i32
        %parallel_loop3A_1098 = arith.andi %parallel_loop3A_1096, %parallel_loop3A_1097 : i32
        %parallel_loop3A_1099 = arith.constant 64 : i32
        %parallel_loop3A_1100 = arith.muli %parallel_loop3A_1098, %parallel_loop3A_1099 : i32
        %parallel_loop3A_1101 = arith.addi %rem3A_77, %parallel_loop3A_1094 : i32
        %parallel_loop3A_1102 = arith.constant 12 : i32
        %parallel_loop3A_1103 = arith.addi %parallel_loop3A_90, %parallel_loop3A_1102 : i32
        %parallel_loop3A_1104 = arith.constant 0 : i32
        %parallel_loop3A_1105 = arith.addi %parallel_loop3A_1100, %parallel_loop3A_1104 : i32
        %parallel_loop3A_1106 = arith.index_cast %parallel_loop3A_1103 : i32 to index
        %parallel_loop3A_1107 = arith.index_cast %parallel_loop3A_1105 : i32 to index
        %parallel_loop3A_1108 = tpu.vector_load %arg10[%parallel_loop3A_1106, %parallel_loop3A_1107] {strides = array<i32>} : memref<128x128xf32, #tpu.memory_space<vmem>>, vector<1x16xf32>,
        %parallel_loop3A_1109 = vector.shape_cast %parallel_loop3A_1108 : vector<1x16xf32> to vector<16xf32>
        %parallel_loop3A_1110 = arith.index_cast %parallel_loop3A_1101 : i32 to index
        %parallel_loop3A_1111 = arith.constant 0 : index
        %parallel_loop3A_1112 = tpu.vector_load %arg13[%parallel_loop3A_1110, %parallel_loop3A_1111] {strides = array<i32>} : memref<200x128xf32, #tpu.memory_space<vmem>>, vector<1x16xf32>,
        %parallel_loop3A_1113 = vector.shape_cast %parallel_loop3A_1112 : vector<1x16xf32> to vector<16xf32>
        %parallel_loop3A_1114 = arith.addf %parallel_loop3A_1109, %parallel_loop3A_1113 : vector<16xf32>
        %parallel_loop3A_1115 = arith.index_cast %parallel_loop3A_1094 : i32 to index
        %parallel_loop3A_1116 = arith.constant 0 : index
        %parallel_loop3A_1117 = tpu.vector_load %arg12[%parallel_loop3A_1115, %parallel_loop3A_1116] {strides = array<i32>} : memref<64x128xf32, #tpu.memory_space<vmem>>, vector<1x16xf32>,
        %parallel_loop3A_1118 = vector.shape_cast %parallel_loop3A_1117 : vector<1x16xf32> to vector<16xf32>
        %parallel_loop3A_1119 = vector.shape_cast %parallel_loop3A_1114 : vector<16xf32> to vector<1x16xf32>
        tpu.vector_store %arg12[%parallel_loop3A_1115, %parallel_loop3A_1116], %parallel_loop3A_1119 {strides = array<i32>} : memref<64x128xf32, #tpu.memory_space<vmem>>, vector<1x16xf32>,
        %parallel_loop3A_1120 = arith.constant 12 : i32
        %parallel_loop3A_1121 = arith.addi %parallel_loop3A_90, %parallel_loop3A_1120 : i32
        %parallel_loop3A_1122 = arith.constant 16 : i32
        %parallel_loop3A_1123 = arith.addi %parallel_loop3A_1100, %parallel_loop3A_1122 : i32
        %parallel_loop3A_1124 = arith.index_cast %parallel_loop3A_1121 : i32 to index
        %parallel_loop3A_1125 = arith.index_cast %parallel_loop3A_1123 : i32 to index
        %parallel_loop3A_1126 = tpu.vector_load %arg10[%parallel_loop3A_1124, %parallel_loop3A_1125] {strides = array<i32>} : memref<128x128xf32, #tpu.memory_space<vmem>>, vector<1x16xf32>,
        %parallel_loop3A_1127 = vector.shape_cast %parallel_loop3A_1126 : vector<1x16xf32> to vector<16xf32>
        %parallel_loop3A_1128 = arith.index_cast %parallel_loop3A_1101 : i32 to index
        %parallel_loop3A_1129 = arith.constant 16 : index
        %parallel_loop3A_1130 = tpu.vector_load %arg13[%parallel_loop3A_1128, %parallel_loop3A_1129] {strides = array<i32>} : memref<200x128xf32, #tpu.memory_space<vmem>>, vector<1x16xf32>,
        %parallel_loop3A_1131 = vector.shape_cast %parallel_loop3A_1130 : vector<1x16xf32> to vector<16xf32>
        %parallel_loop3A_1132 = arith.addf %parallel_loop3A_1127, %parallel_loop3A_1131 : vector<16xf32>
        %parallel_loop3A_1133 = arith.index_cast %parallel_loop3A_1094 : i32 to index
        %parallel_loop3A_1134 = arith.constant 16 : index
        %parallel_loop3A_1135 = tpu.vector_load %arg12[%parallel_loop3A_1133, %parallel_loop3A_1134] {strides = array<i32>} : memref<64x128xf32, #tpu.memory_space<vmem>>, vector<1x16xf32>,
        %parallel_loop3A_1136 = vector.shape_cast %parallel_loop3A_1135 : vector<1x16xf32> to vector<16xf32>
        %parallel_loop3A_1137 = vector.shape_cast %parallel_loop3A_1132 : vector<16xf32> to vector<1x16xf32>
        tpu.vector_store %arg12[%parallel_loop3A_1133, %parallel_loop3A_1134], %parallel_loop3A_1137 {strides = array<i32>} : memref<64x128xf32, #tpu.memory_space<vmem>>, vector<1x16xf32>,
        %parallel_loop3A_1138 = arith.constant 12 : i32
        %parallel_loop3A_1139 = arith.addi %parallel_loop3A_90, %parallel_loop3A_1138 : i32
        %parallel_loop3A_1140 = arith.constant 32 : i32
        %parallel_loop3A_1141 = arith.addi %parallel_loop3A_1100, %parallel_loop3A_1140 : i32
        %parallel_loop3A_1142 = arith.index_cast %parallel_loop3A_1139 : i32 to index
        %parallel_loop3A_1143 = arith.index_cast %parallel_loop3A_1141 : i32 to index
        %parallel_loop3A_1144 = tpu.vector_load %arg10[%parallel_loop3A_1142, %parallel_loop3A_1143] {strides = array<i32>} : memref<128x128xf32, #tpu.memory_space<vmem>>, vector<1x16xf32>,
        %parallel_loop3A_1145 = vector.shape_cast %parallel_loop3A_1144 : vector<1x16xf32> to vector<16xf32>
        %parallel_loop3A_1146 = arith.index_cast %parallel_loop3A_1101 : i32 to index
        %parallel_loop3A_1147 = arith.constant 32 : index
        %parallel_loop3A_1148 = tpu.vector_load %arg13[%parallel_loop3A_1146, %parallel_loop3A_1147] {strides = array<i32>} : memref<200x128xf32, #tpu.memory_space<vmem>>, vector<1x16xf32>,
        %parallel_loop3A_1149 = vector.shape_cast %parallel_loop3A_1148 : vector<1x16xf32> to vector<16xf32>
        %parallel_loop3A_1150 = arith.addf %parallel_loop3A_1145, %parallel_loop3A_1149 : vector<16xf32>
        %parallel_loop3A_1151 = arith.index_cast %parallel_loop3A_1094 : i32 to index
        %parallel_loop3A_1152 = arith.constant 32 : index
        %parallel_loop3A_1153 = tpu.vector_load %arg12[%parallel_loop3A_1151, %parallel_loop3A_1152] {strides = array<i32>} : memref<64x128xf32, #tpu.memory_space<vmem>>, vector<1x16xf32>,
        %parallel_loop3A_1154 = vector.shape_cast %parallel_loop3A_1153 : vector<1x16xf32> to vector<16xf32>
        %parallel_loop3A_1155 = vector.shape_cast %parallel_loop3A_1150 : vector<16xf32> to vector<1x16xf32>
        tpu.vector_store %arg12[%parallel_loop3A_1151, %parallel_loop3A_1152], %parallel_loop3A_1155 {strides = array<i32>} : memref<64x128xf32, #tpu.memory_space<vmem>>, vector<1x16xf32>,
        %parallel_loop3A_1156 = arith.constant 12 : i32
        %parallel_loop3A_1157 = arith.addi %parallel_loop3A_90, %parallel_loop3A_1156 : i32
        %parallel_loop3A_1158 = arith.constant 48 : i32
        %parallel_loop3A_1159 = arith.addi %parallel_loop3A_1100, %parallel_loop3A_1158 : i32
        %parallel_loop3A_1160 = arith.index_cast %parallel_loop3A_1157 : i32 to index
        %parallel_loop3A_1161 = arith.index_cast %parallel_loop3A_1159 : i32 to index
        %parallel_loop3A_1162 = tpu.vector_load %arg10[%parallel_loop3A_1160, %parallel_loop3A_1161] {strides = array<i32>} : memref<128x128xf32, #tpu.memory_space<vmem>>, vector<1x16xf32>,
        %parallel_loop3A_1163 = vector.shape_cast %parallel_loop3A_1162 : vector<1x16xf32> to vector<16xf32>
        %parallel_loop3A_1164 = arith.index_cast %parallel_loop3A_1101 : i32 to index
        %parallel_loop3A_1165 = arith.constant 48 : index
        %parallel_loop3A_1166 = tpu.vector_load %arg13[%parallel_loop3A_1164, %parallel_loop3A_1165] {strides = array<i32>} : memref<200x128xf32, #tpu.memory_space<vmem>>, vector<1x16xf32>,
        %parallel_loop3A_1167 = vector.shape_cast %parallel_loop3A_1166 : vector<1x16xf32> to vector<16xf32>
        %parallel_loop3A_1168 = arith.addf %parallel_loop3A_1163, %parallel_loop3A_1167 : vector<16xf32>
        %parallel_loop3A_1169 = arith.index_cast %parallel_loop3A_1094 : i32 to index
        %parallel_loop3A_1170 = arith.constant 48 : index
        %parallel_loop3A_1171 = tpu.vector_load %arg12[%parallel_loop3A_1169, %parallel_loop3A_1170] {strides = array<i32>} : memref<64x128xf32, #tpu.memory_space<vmem>>, vector<1x16xf32>,
        %parallel_loop3A_1172 = vector.shape_cast %parallel_loop3A_1171 : vector<1x16xf32> to vector<16xf32>
        %parallel_loop3A_1173 = vector.shape_cast %parallel_loop3A_1168 : vector<16xf32> to vector<1x16xf32>
        tpu.vector_store %arg12[%parallel_loop3A_1169, %parallel_loop3A_1170], %parallel_loop3A_1173 {strides = array<i32>} : memref<64x128xf32, #tpu.memory_space<vmem>>, vector<1x16xf32>,
        %parallel_loop3A_1174 = arith.constant 1 : i32
        %parallel_loop3A_1175 = arith.shrui %parallel_loop3A_90, %parallel_loop3A_1174 : i32
        %parallel_loop3A_1176 = arith.constant 6 : i32
        %parallel_loop3A_1177 = arith.addi %parallel_loop3A_1175, %parallel_loop3A_1176 : i32
        %parallel_loop3A_1178 = vector.extract_strided_slice %parallel_loop3A_94 {offsets = [13], sizes = [1], strides = [1]} : vector<16xi32> to vector<1xi32>
        %parallel_loop3A_1179 = vector.extract %parallel_loop3A_1178[0] : i32 from vector<1xi32>
        %parallel_loop3A_1180 = arith.constant 1 : i32
        %parallel_loop3A_1181 = arith.andi %parallel_loop3A_1179, %parallel_loop3A_1180 : i32
        %parallel_loop3A_1182 = arith.constant 64 : i32
        %parallel_loop3A_1183 = arith.muli %parallel_loop3A_1181, %parallel_loop3A_1182 : i32
        %parallel_loop3A_1184 = arith.addi %rem3A_77, %parallel_loop3A_1177 : i32
        %parallel_loop3A_1185 = arith.constant 13 : i32
        %parallel_loop3A_1186 = arith.addi %parallel_loop3A_90, %parallel_loop3A_1185 : i32
        %parallel_loop3A_1187 = arith.constant 0 : i32
        %parallel_loop3A_1188 = arith.addi %parallel_loop3A_1183, %parallel_loop3A_1187 : i32
        %parallel_loop3A_1189 = arith.index_cast %parallel_loop3A_1186 : i32 to index
        %parallel_loop3A_1190 = arith.index_cast %parallel_loop3A_1188 : i32 to index
        %parallel_loop3A_1191 = tpu.vector_load %arg10[%parallel_loop3A_1189, %parallel_loop3A_1190] {strides = array<i32>} : memref<128x128xf32, #tpu.memory_space<vmem>>, vector<1x16xf32>,
        %parallel_loop3A_1192 = vector.shape_cast %parallel_loop3A_1191 : vector<1x16xf32> to vector<16xf32>
        %parallel_loop3A_1193 = arith.index_cast %parallel_loop3A_1184 : i32 to index
        %parallel_loop3A_1194 = arith.constant 64 : index
        %parallel_loop3A_1195 = tpu.vector_load %arg13[%parallel_loop3A_1193, %parallel_loop3A_1194] {strides = array<i32>} : memref<200x128xf32, #tpu.memory_space<vmem>>, vector<1x16xf32>,
        %parallel_loop3A_1196 = vector.shape_cast %parallel_loop3A_1195 : vector<1x16xf32> to vector<16xf32>
        %parallel_loop3A_1197 = arith.addf %parallel_loop3A_1192, %parallel_loop3A_1196 : vector<16xf32>
        %parallel_loop3A_1198 = arith.index_cast %parallel_loop3A_1177 : i32 to index
        %parallel_loop3A_1199 = arith.constant 64 : index
        %parallel_loop3A_1200 = tpu.vector_load %arg12[%parallel_loop3A_1198, %parallel_loop3A_1199] {strides = array<i32>} : memref<64x128xf32, #tpu.memory_space<vmem>>, vector<1x16xf32>,
        %parallel_loop3A_1201 = vector.shape_cast %parallel_loop3A_1200 : vector<1x16xf32> to vector<16xf32>
        %parallel_loop3A_1202 = vector.shape_cast %parallel_loop3A_1197 : vector<16xf32> to vector<1x16xf32>
        tpu.vector_store %arg12[%parallel_loop3A_1198, %parallel_loop3A_1199], %parallel_loop3A_1202 {strides = array<i32>} : memref<64x128xf32, #tpu.memory_space<vmem>>, vector<1x16xf32>,
        %parallel_loop3A_1203 = arith.constant 13 : i32
        %parallel_loop3A_1204 = arith.addi %parallel_loop3A_90, %parallel_loop3A_1203 : i32
        %parallel_loop3A_1205 = arith.constant 16 : i32
        %parallel_loop3A_1206 = arith.addi %parallel_loop3A_1183, %parallel_loop3A_1205 : i32
        %parallel_loop3A_1207 = arith.index_cast %parallel_loop3A_1204 : i32 to index
        %parallel_loop3A_1208 = arith.index_cast %parallel_loop3A_1206 : i32 to index
        %parallel_loop3A_1209 = tpu.vector_load %arg10[%parallel_loop3A_1207, %parallel_loop3A_1208] {strides = array<i32>} : memref<128x128xf32, #tpu.memory_space<vmem>>, vector<1x16xf32>,
        %parallel_loop3A_1210 = vector.shape_cast %parallel_loop3A_1209 : vector<1x16xf32> to vector<16xf32>
        %parallel_loop3A_1211 = arith.index_cast %parallel_loop3A_1184 : i32 to index
        %parallel_loop3A_1212 = arith.constant 80 : index
        %parallel_loop3A_1213 = tpu.vector_load %arg13[%parallel_loop3A_1211, %parallel_loop3A_1212] {strides = array<i32>} : memref<200x128xf32, #tpu.memory_space<vmem>>, vector<1x16xf32>,
        %parallel_loop3A_1214 = vector.shape_cast %parallel_loop3A_1213 : vector<1x16xf32> to vector<16xf32>
        %parallel_loop3A_1215 = arith.addf %parallel_loop3A_1210, %parallel_loop3A_1214 : vector<16xf32>
        %parallel_loop3A_1216 = arith.index_cast %parallel_loop3A_1177 : i32 to index
        %parallel_loop3A_1217 = arith.constant 80 : index
        %parallel_loop3A_1218 = tpu.vector_load %arg12[%parallel_loop3A_1216, %parallel_loop3A_1217] {strides = array<i32>} : memref<64x128xf32, #tpu.memory_space<vmem>>, vector<1x16xf32>,
        %parallel_loop3A_1219 = vector.shape_cast %parallel_loop3A_1218 : vector<1x16xf32> to vector<16xf32>
        %parallel_loop3A_1220 = vector.shape_cast %parallel_loop3A_1215 : vector<16xf32> to vector<1x16xf32>
        tpu.vector_store %arg12[%parallel_loop3A_1216, %parallel_loop3A_1217], %parallel_loop3A_1220 {strides = array<i32>} : memref<64x128xf32, #tpu.memory_space<vmem>>, vector<1x16xf32>,
        %parallel_loop3A_1221 = arith.constant 13 : i32
        %parallel_loop3A_1222 = arith.addi %parallel_loop3A_90, %parallel_loop3A_1221 : i32
        %parallel_loop3A_1223 = arith.constant 32 : i32
        %parallel_loop3A_1224 = arith.addi %parallel_loop3A_1183, %parallel_loop3A_1223 : i32
        %parallel_loop3A_1225 = arith.index_cast %parallel_loop3A_1222 : i32 to index
        %parallel_loop3A_1226 = arith.index_cast %parallel_loop3A_1224 : i32 to index
        %parallel_loop3A_1227 = tpu.vector_load %arg10[%parallel_loop3A_1225, %parallel_loop3A_1226] {strides = array<i32>} : memref<128x128xf32, #tpu.memory_space<vmem>>, vector<1x16xf32>,
        %parallel_loop3A_1228 = vector.shape_cast %parallel_loop3A_1227 : vector<1x16xf32> to vector<16xf32>
        %parallel_loop3A_1229 = arith.index_cast %parallel_loop3A_1184 : i32 to index
        %parallel_loop3A_1230 = arith.constant 96 : index
        %parallel_loop3A_1231 = tpu.vector_load %arg13[%parallel_loop3A_1229, %parallel_loop3A_1230] {strides = array<i32>} : memref<200x128xf32, #tpu.memory_space<vmem>>, vector<1x16xf32>,
        %parallel_loop3A_1232 = vector.shape_cast %parallel_loop3A_1231 : vector<1x16xf32> to vector<16xf32>
        %parallel_loop3A_1233 = arith.addf %parallel_loop3A_1228, %parallel_loop3A_1232 : vector<16xf32>
        %parallel_loop3A_1234 = arith.index_cast %parallel_loop3A_1177 : i32 to index
        %parallel_loop3A_1235 = arith.constant 96 : index
        %parallel_loop3A_1236 = tpu.vector_load %arg12[%parallel_loop3A_1234, %parallel_loop3A_1235] {strides = array<i32>} : memref<64x128xf32, #tpu.memory_space<vmem>>, vector<1x16xf32>,
        %parallel_loop3A_1237 = vector.shape_cast %parallel_loop3A_1236 : vector<1x16xf32> to vector<16xf32>
        %parallel_loop3A_1238 = vector.shape_cast %parallel_loop3A_1233 : vector<16xf32> to vector<1x16xf32>
        tpu.vector_store %arg12[%parallel_loop3A_1234, %parallel_loop3A_1235], %parallel_loop3A_1238 {strides = array<i32>} : memref<64x128xf32, #tpu.memory_space<vmem>>, vector<1x16xf32>,
        %parallel_loop3A_1239 = arith.constant 13 : i32
        %parallel_loop3A_1240 = arith.addi %parallel_loop3A_90, %parallel_loop3A_1239 : i32
        %parallel_loop3A_1241 = arith.constant 48 : i32
        %parallel_loop3A_1242 = arith.addi %parallel_loop3A_1183, %parallel_loop3A_1241 : i32
        %parallel_loop3A_1243 = arith.index_cast %parallel_loop3A_1240 : i32 to index
        %parallel_loop3A_1244 = arith.index_cast %parallel_loop3A_1242 : i32 to index
        %parallel_loop3A_1245 = tpu.vector_load %arg10[%parallel_loop3A_1243, %parallel_loop3A_1244] {strides = array<i32>} : memref<128x128xf32, #tpu.memory_space<vmem>>, vector<1x16xf32>,
        %parallel_loop3A_1246 = vector.shape_cast %parallel_loop3A_1245 : vector<1x16xf32> to vector<16xf32>
        %parallel_loop3A_1247 = arith.index_cast %parallel_loop3A_1184 : i32 to index
        %parallel_loop3A_1248 = arith.constant 112 : index
        %parallel_loop3A_1249 = tpu.vector_load %arg13[%parallel_loop3A_1247, %parallel_loop3A_1248] {strides = array<i32>} : memref<200x128xf32, #tpu.memory_space<vmem>>, vector<1x16xf32>,
        %parallel_loop3A_1250 = vector.shape_cast %parallel_loop3A_1249 : vector<1x16xf32> to vector<16xf32>
        %parallel_loop3A_1251 = arith.addf %parallel_loop3A_1246, %parallel_loop3A_1250 : vector<16xf32>
        %parallel_loop3A_1252 = arith.index_cast %parallel_loop3A_1177 : i32 to index
        %parallel_loop3A_1253 = arith.constant 112 : index
        %parallel_loop3A_1254 = tpu.vector_load %arg12[%parallel_loop3A_1252, %parallel_loop3A_1253] {strides = array<i32>} : memref<64x128xf32, #tpu.memory_space<vmem>>, vector<1x16xf32>,
        %parallel_loop3A_1255 = vector.shape_cast %parallel_loop3A_1254 : vector<1x16xf32> to vector<16xf32>
        %parallel_loop3A_1256 = vector.shape_cast %parallel_loop3A_1251 : vector<16xf32> to vector<1x16xf32>
        tpu.vector_store %arg12[%parallel_loop3A_1252, %parallel_loop3A_1253], %parallel_loop3A_1256 {strides = array<i32>} : memref<64x128xf32, #tpu.memory_space<vmem>>, vector<1x16xf32>,
        %parallel_loop3A_1257 = arith.constant 1 : i32
        %parallel_loop3A_1258 = arith.shrui %parallel_loop3A_90, %parallel_loop3A_1257 : i32
        %parallel_loop3A_1259 = arith.constant 7 : i32
        %parallel_loop3A_1260 = arith.addi %parallel_loop3A_1258, %parallel_loop3A_1259 : i32
        %parallel_loop3A_1261 = vector.extract_strided_slice %parallel_loop3A_94 {offsets = [14], sizes = [1], strides = [1]} : vector<16xi32> to vector<1xi32>
        %parallel_loop3A_1262 = vector.extract %parallel_loop3A_1261[0] : i32 from vector<1xi32>
        %parallel_loop3A_1263 = arith.constant 1 : i32
        %parallel_loop3A_1264 = arith.andi %parallel_loop3A_1262, %parallel_loop3A_1263 : i32
        %parallel_loop3A_1265 = arith.constant 64 : i32
        %parallel_loop3A_1266 = arith.muli %parallel_loop3A_1264, %parallel_loop3A_1265 : i32
        %parallel_loop3A_1267 = arith.addi %rem3A_77, %parallel_loop3A_1260 : i32
        %parallel_loop3A_1268 = arith.constant 14 : i32
        %parallel_loop3A_1269 = arith.addi %parallel_loop3A_90, %parallel_loop3A_1268 : i32
        %parallel_loop3A_1270 = arith.constant 0 : i32
        %parallel_loop3A_1271 = arith.addi %parallel_loop3A_1266, %parallel_loop3A_1270 : i32
        %parallel_loop3A_1272 = arith.index_cast %parallel_loop3A_1269 : i32 to index
        %parallel_loop3A_1273 = arith.index_cast %parallel_loop3A_1271 : i32 to index
        %parallel_loop3A_1274 = tpu.vector_load %arg10[%parallel_loop3A_1272, %parallel_loop3A_1273] {strides = array<i32>} : memref<128x128xf32, #tpu.memory_space<vmem>>, vector<1x16xf32>,
        %parallel_loop3A_1275 = vector.shape_cast %parallel_loop3A_1274 : vector<1x16xf32> to vector<16xf32>
        %parallel_loop3A_1276 = arith.index_cast %parallel_loop3A_1267 : i32 to index
        %parallel_loop3A_1277 = arith.constant 0 : index
        %parallel_loop3A_1278 = tpu.vector_load %arg13[%parallel_loop3A_1276, %parallel_loop3A_1277] {strides = array<i32>} : memref<200x128xf32, #tpu.memory_space<vmem>>, vector<1x16xf32>,
        %parallel_loop3A_1279 = vector.shape_cast %parallel_loop3A_1278 : vector<1x16xf32> to vector<16xf32>
        %parallel_loop3A_1280 = arith.addf %parallel_loop3A_1275, %parallel_loop3A_1279 : vector<16xf32>
        %parallel_loop3A_1281 = arith.index_cast %parallel_loop3A_1260 : i32 to index
        %parallel_loop3A_1282 = arith.constant 0 : index
        %parallel_loop3A_1283 = tpu.vector_load %arg12[%parallel_loop3A_1281, %parallel_loop3A_1282] {strides = array<i32>} : memref<64x128xf32, #tpu.memory_space<vmem>>, vector<1x16xf32>,
        %parallel_loop3A_1284 = vector.shape_cast %parallel_loop3A_1283 : vector<1x16xf32> to vector<16xf32>
        %parallel_loop3A_1285 = vector.shape_cast %parallel_loop3A_1280 : vector<16xf32> to vector<1x16xf32>
        tpu.vector_store %arg12[%parallel_loop3A_1281, %parallel_loop3A_1282], %parallel_loop3A_1285 {strides = array<i32>} : memref<64x128xf32, #tpu.memory_space<vmem>>, vector<1x16xf32>,
        %parallel_loop3A_1286 = arith.constant 14 : i32
        %parallel_loop3A_1287 = arith.addi %parallel_loop3A_90, %parallel_loop3A_1286 : i32
        %parallel_loop3A_1288 = arith.constant 16 : i32
        %parallel_loop3A_1289 = arith.addi %parallel_loop3A_1266, %parallel_loop3A_1288 : i32
        %parallel_loop3A_1290 = arith.index_cast %parallel_loop3A_1287 : i32 to index
        %parallel_loop3A_1291 = arith.index_cast %parallel_loop3A_1289 : i32 to index
        %parallel_loop3A_1292 = tpu.vector_load %arg10[%parallel_loop3A_1290, %parallel_loop3A_1291] {strides = array<i32>} : memref<128x128xf32, #tpu.memory_space<vmem>>, vector<1x16xf32>,
        %parallel_loop3A_1293 = vector.shape_cast %parallel_loop3A_1292 : vector<1x16xf32> to vector<16xf32>
        %parallel_loop3A_1294 = arith.index_cast %parallel_loop3A_1267 : i32 to index
        %parallel_loop3A_1295 = arith.constant 16 : index
        %parallel_loop3A_1296 = tpu.vector_load %arg13[%parallel_loop3A_1294, %parallel_loop3A_1295] {strides = array<i32>} : memref<200x128xf32, #tpu.memory_space<vmem>>, vector<1x16xf32>,
        %parallel_loop3A_1297 = vector.shape_cast %parallel_loop3A_1296 : vector<1x16xf32> to vector<16xf32>
        %parallel_loop3A_1298 = arith.addf %parallel_loop3A_1293, %parallel_loop3A_1297 : vector<16xf32>
        %parallel_loop3A_1299 = arith.index_cast %parallel_loop3A_1260 : i32 to index
        %parallel_loop3A_1300 = arith.constant 16 : index
        %parallel_loop3A_1301 = tpu.vector_load %arg12[%parallel_loop3A_1299, %parallel_loop3A_1300] {strides = array<i32>} : memref<64x128xf32, #tpu.memory_space<vmem>>, vector<1x16xf32>,
        %parallel_loop3A_1302 = vector.shape_cast %parallel_loop3A_1301 : vector<1x16xf32> to vector<16xf32>
        %parallel_loop3A_1303 = vector.shape_cast %parallel_loop3A_1298 : vector<16xf32> to vector<1x16xf32>
        tpu.vector_store %arg12[%parallel_loop3A_1299, %parallel_loop3A_1300], %parallel_loop3A_1303 {strides = array<i32>} : memref<64x128xf32, #tpu.memory_space<vmem>>, vector<1x16xf32>,
        %parallel_loop3A_1304 = arith.constant 14 : i32
        %parallel_loop3A_1305 = arith.addi %parallel_loop3A_90, %parallel_loop3A_1304 : i32
        %parallel_loop3A_1306 = arith.constant 32 : i32
        %parallel_loop3A_1307 = arith.addi %parallel_loop3A_1266, %parallel_loop3A_1306 : i32
        %parallel_loop3A_1308 = arith.index_cast %parallel_loop3A_1305 : i32 to index
        %parallel_loop3A_1309 = arith.index_cast %parallel_loop3A_1307 : i32 to index
        %parallel_loop3A_1310 = tpu.vector_load %arg10[%parallel_loop3A_1308, %parallel_loop3A_1309] {strides = array<i32>} : memref<128x128xf32, #tpu.memory_space<vmem>>, vector<1x16xf32>,
        %parallel_loop3A_1311 = vector.shape_cast %parallel_loop3A_1310 : vector<1x16xf32> to vector<16xf32>
        %parallel_loop3A_1312 = arith.index_cast %parallel_loop3A_1267 : i32 to index
        %parallel_loop3A_1313 = arith.constant 32 : index
        %parallel_loop3A_1314 = tpu.vector_load %arg13[%parallel_loop3A_1312, %parallel_loop3A_1313] {strides = array<i32>} : memref<200x128xf32, #tpu.memory_space<vmem>>, vector<1x16xf32>,
        %parallel_loop3A_1315 = vector.shape_cast %parallel_loop3A_1314 : vector<1x16xf32> to vector<16xf32>
        %parallel_loop3A_1316 = arith.addf %parallel_loop3A_1311, %parallel_loop3A_1315 : vector<16xf32>
        %parallel_loop3A_1317 = arith.index_cast %parallel_loop3A_1260 : i32 to index
        %parallel_loop3A_1318 = arith.constant 32 : index
        %parallel_loop3A_1319 = tpu.vector_load %arg12[%parallel_loop3A_1317, %parallel_loop3A_1318] {strides = array<i32>} : memref<64x128xf32, #tpu.memory_space<vmem>>, vector<1x16xf32>,
        %parallel_loop3A_1320 = vector.shape_cast %parallel_loop3A_1319 : vector<1x16xf32> to vector<16xf32>
        %parallel_loop3A_1321 = vector.shape_cast %parallel_loop3A_1316 : vector<16xf32> to vector<1x16xf32>
        tpu.vector_store %arg12[%parallel_loop3A_1317, %parallel_loop3A_1318], %parallel_loop3A_1321 {strides = array<i32>} : memref<64x128xf32, #tpu.memory_space<vmem>>, vector<1x16xf32>,
        %parallel_loop3A_1322 = arith.constant 14 : i32
        %parallel_loop3A_1323 = arith.addi %parallel_loop3A_90, %parallel_loop3A_1322 : i32
        %parallel_loop3A_1324 = arith.constant 48 : i32
        %parallel_loop3A_1325 = arith.addi %parallel_loop3A_1266, %parallel_loop3A_1324 : i32
        %parallel_loop3A_1326 = arith.index_cast %parallel_loop3A_1323 : i32 to index
        %parallel_loop3A_1327 = arith.index_cast %parallel_loop3A_1325 : i32 to index
        %parallel_loop3A_1328 = tpu.vector_load %arg10[%parallel_loop3A_1326, %parallel_loop3A_1327] {strides = array<i32>} : memref<128x128xf32, #tpu.memory_space<vmem>>, vector<1x16xf32>,
        %parallel_loop3A_1329 = vector.shape_cast %parallel_loop3A_1328 : vector<1x16xf32> to vector<16xf32>
        %parallel_loop3A_1330 = arith.index_cast %parallel_loop3A_1267 : i32 to index
        %parallel_loop3A_1331 = arith.constant 48 : index
        %parallel_loop3A_1332 = tpu.vector_load %arg13[%parallel_loop3A_1330, %parallel_loop3A_1331] {strides = array<i32>} : memref<200x128xf32, #tpu.memory_space<vmem>>, vector<1x16xf32>,
        %parallel_loop3A_1333 = vector.shape_cast %parallel_loop3A_1332 : vector<1x16xf32> to vector<16xf32>
        %parallel_loop3A_1334 = arith.addf %parallel_loop3A_1329, %parallel_loop3A_1333 : vector<16xf32>
        %parallel_loop3A_1335 = arith.index_cast %parallel_loop3A_1260 : i32 to index
        %parallel_loop3A_1336 = arith.constant 48 : index
        %parallel_loop3A_1337 = tpu.vector_load %arg12[%parallel_loop3A_1335, %parallel_loop3A_1336] {strides = array<i32>} : memref<64x128xf32, #tpu.memory_space<vmem>>, vector<1x16xf32>,
        %parallel_loop3A_1338 = vector.shape_cast %parallel_loop3A_1337 : vector<1x16xf32> to vector<16xf32>
        %parallel_loop3A_1339 = vector.shape_cast %parallel_loop3A_1334 : vector<16xf32> to vector<1x16xf32>
        tpu.vector_store %arg12[%parallel_loop3A_1335, %parallel_loop3A_1336], %parallel_loop3A_1339 {strides = array<i32>} : memref<64x128xf32, #tpu.memory_space<vmem>>, vector<1x16xf32>,
        %parallel_loop3A_1340 = arith.constant 1 : i32
        %parallel_loop3A_1341 = arith.shrui %parallel_loop3A_90, %parallel_loop3A_1340 : i32
        %parallel_loop3A_1342 = arith.constant 7 : i32
        %parallel_loop3A_1343 = arith.addi %parallel_loop3A_1341, %parallel_loop3A_1342 : i32
        %parallel_loop3A_1344 = vector.extract_strided_slice %parallel_loop3A_94 {offsets = [15], sizes = [1], strides = [1]} : vector<16xi32> to vector<1xi32>
        %parallel_loop3A_1345 = vector.extract %parallel_loop3A_1344[0] : i32 from vector<1xi32>
        %parallel_loop3A_1346 = arith.constant 1 : i32
        %parallel_loop3A_1347 = arith.andi %parallel_loop3A_1345, %parallel_loop3A_1346 : i32
        %parallel_loop3A_1348 = arith.constant 64 : i32
        %parallel_loop3A_1349 = arith.muli %parallel_loop3A_1347, %parallel_loop3A_1348 : i32
        %parallel_loop3A_1350 = arith.addi %rem3A_77, %parallel_loop3A_1343 : i32
        %parallel_loop3A_1351 = arith.constant 15 : i32
        %parallel_loop3A_1352 = arith.addi %parallel_loop3A_90, %parallel_loop3A_1351 : i32
        %parallel_loop3A_1353 = arith.constant 0 : i32
        %parallel_loop3A_1354 = arith.addi %parallel_loop3A_1349, %parallel_loop3A_1353 : i32
        %parallel_loop3A_1355 = arith.index_cast %parallel_loop3A_1352 : i32 to index
        %parallel_loop3A_1356 = arith.index_cast %parallel_loop3A_1354 : i32 to index
        %parallel_loop3A_1357 = tpu.vector_load %arg10[%parallel_loop3A_1355, %parallel_loop3A_1356] {strides = array<i32>} : memref<128x128xf32, #tpu.memory_space<vmem>>, vector<1x16xf32>,
        %parallel_loop3A_1358 = vector.shape_cast %parallel_loop3A_1357 : vector<1x16xf32> to vector<16xf32>
        %parallel_loop3A_1359 = arith.index_cast %parallel_loop3A_1350 : i32 to index
        %parallel_loop3A_1360 = arith.constant 64 : index
        %parallel_loop3A_1361 = tpu.vector_load %arg13[%parallel_loop3A_1359, %parallel_loop3A_1360] {strides = array<i32>} : memref<200x128xf32, #tpu.memory_space<vmem>>, vector<1x16xf32>,
        %parallel_loop3A_1362 = vector.shape_cast %parallel_loop3A_1361 : vector<1x16xf32> to vector<16xf32>
        %parallel_loop3A_1363 = arith.addf %parallel_loop3A_1358, %parallel_loop3A_1362 : vector<16xf32>
        %parallel_loop3A_1364 = arith.index_cast %parallel_loop3A_1343 : i32 to index
        %parallel_loop3A_1365 = arith.constant 64 : index
        %parallel_loop3A_1366 = tpu.vector_load %arg12[%parallel_loop3A_1364, %parallel_loop3A_1365] {strides = array<i32>} : memref<64x128xf32, #tpu.memory_space<vmem>>, vector<1x16xf32>,
        %parallel_loop3A_1367 = vector.shape_cast %parallel_loop3A_1366 : vector<1x16xf32> to vector<16xf32>
        %parallel_loop3A_1368 = vector.shape_cast %parallel_loop3A_1363 : vector<16xf32> to vector<1x16xf32>
        tpu.vector_store %arg12[%parallel_loop3A_1364, %parallel_loop3A_1365], %parallel_loop3A_1368 {strides = array<i32>} : memref<64x128xf32, #tpu.memory_space<vmem>>, vector<1x16xf32>,
        %parallel_loop3A_1369 = arith.constant 15 : i32
        %parallel_loop3A_1370 = arith.addi %parallel_loop3A_90, %parallel_loop3A_1369 : i32
        %parallel_loop3A_1371 = arith.constant 16 : i32
        %parallel_loop3A_1372 = arith.addi %parallel_loop3A_1349, %parallel_loop3A_1371 : i32
        %parallel_loop3A_1373 = arith.index_cast %parallel_loop3A_1370 : i32 to index
        %parallel_loop3A_1374 = arith.index_cast %parallel_loop3A_1372 : i32 to index
        %parallel_loop3A_1375 = tpu.vector_load %arg10[%parallel_loop3A_1373, %parallel_loop3A_1374] {strides = array<i32>} : memref<128x128xf32, #tpu.memory_space<vmem>>, vector<1x16xf32>,
        %parallel_loop3A_1376 = vector.shape_cast %parallel_loop3A_1375 : vector<1x16xf32> to vector<16xf32>
        %parallel_loop3A_1377 = arith.index_cast %parallel_loop3A_1350 : i32 to index
        %parallel_loop3A_1378 = arith.constant 80 : index
        %parallel_loop3A_1379 = tpu.vector_load %arg13[%parallel_loop3A_1377, %parallel_loop3A_1378] {strides = array<i32>} : memref<200x128xf32, #tpu.memory_space<vmem>>, vector<1x16xf32>,
        %parallel_loop3A_1380 = vector.shape_cast %parallel_loop3A_1379 : vector<1x16xf32> to vector<16xf32>
        %parallel_loop3A_1381 = arith.addf %parallel_loop3A_1376, %parallel_loop3A_1380 : vector<16xf32>
        %parallel_loop3A_1382 = arith.index_cast %parallel_loop3A_1343 : i32 to index
        %parallel_loop3A_1383 = arith.constant 80 : index
        %parallel_loop3A_1384 = tpu.vector_load %arg12[%parallel_loop3A_1382, %parallel_loop3A_1383] {strides = array<i32>} : memref<64x128xf32, #tpu.memory_space<vmem>>, vector<1x16xf32>,
        %parallel_loop3A_1385 = vector.shape_cast %parallel_loop3A_1384 : vector<1x16xf32> to vector<16xf32>
        %parallel_loop3A_1386 = vector.shape_cast %parallel_loop3A_1381 : vector<16xf32> to vector<1x16xf32>
        tpu.vector_store %arg12[%parallel_loop3A_1382, %parallel_loop3A_1383], %parallel_loop3A_1386 {strides = array<i32>} : memref<64x128xf32, #tpu.memory_space<vmem>>, vector<1x16xf32>,
        %parallel_loop3A_1387 = arith.constant 15 : i32
        %parallel_loop3A_1388 = arith.addi %parallel_loop3A_90, %parallel_loop3A_1387 : i32
        %parallel_loop3A_1389 = arith.constant 32 : i32
        %parallel_loop3A_1390 = arith.addi %parallel_loop3A_1349, %parallel_loop3A_1389 : i32
        %parallel_loop3A_1391 = arith.index_cast %parallel_loop3A_1388 : i32 to index
        %parallel_loop3A_1392 = arith.index_cast %parallel_loop3A_1390 : i32 to index
        %parallel_loop3A_1393 = tpu.vector_load %arg10[%parallel_loop3A_1391, %parallel_loop3A_1392] {strides = array<i32>} : memref<128x128xf32, #tpu.memory_space<vmem>>, vector<1x16xf32>,
        %parallel_loop3A_1394 = vector.shape_cast %parallel_loop3A_1393 : vector<1x16xf32> to vector<16xf32>
        %parallel_loop3A_1395 = arith.index_cast %parallel_loop3A_1350 : i32 to index
        %parallel_loop3A_1396 = arith.constant 96 : index
        %parallel_loop3A_1397 = tpu.vector_load %arg13[%parallel_loop3A_1395, %parallel_loop3A_1396] {strides = array<i32>} : memref<200x128xf32, #tpu.memory_space<vmem>>, vector<1x16xf32>,
        %parallel_loop3A_1398 = vector.shape_cast %parallel_loop3A_1397 : vector<1x16xf32> to vector<16xf32>
        %parallel_loop3A_1399 = arith.addf %parallel_loop3A_1394, %parallel_loop3A_1398 : vector<16xf32>
        %parallel_loop3A_1400 = arith.index_cast %parallel_loop3A_1343 : i32 to index
        %parallel_loop3A_1401 = arith.constant 96 : index
        %parallel_loop3A_1402 = tpu.vector_load %arg12[%parallel_loop3A_1400, %parallel_loop3A_1401] {strides = array<i32>} : memref<64x128xf32, #tpu.memory_space<vmem>>, vector<1x16xf32>,
        %parallel_loop3A_1403 = vector.shape_cast %parallel_loop3A_1402 : vector<1x16xf32> to vector<16xf32>
        %parallel_loop3A_1404 = vector.shape_cast %parallel_loop3A_1399 : vector<16xf32> to vector<1x16xf32>
        tpu.vector_store %arg12[%parallel_loop3A_1400, %parallel_loop3A_1401], %parallel_loop3A_1404 {strides = array<i32>} : memref<64x128xf32, #tpu.memory_space<vmem>>, vector<1x16xf32>,
        %parallel_loop3A_1405 = arith.constant 15 : i32
        %parallel_loop3A_1406 = arith.addi %parallel_loop3A_90, %parallel_loop3A_1405 : i32
        %parallel_loop3A_1407 = arith.constant 48 : i32
        %parallel_loop3A_1408 = arith.addi %parallel_loop3A_1349, %parallel_loop3A_1407 : i32
        %parallel_loop3A_1409 = arith.index_cast %parallel_loop3A_1406 : i32 to index
        %parallel_loop3A_1410 = arith.index_cast %parallel_loop3A_1408 : i32 to index
        %parallel_loop3A_1411 = tpu.vector_load %arg10[%parallel_loop3A_1409, %parallel_loop3A_1410] {strides = array<i32>} : memref<128x128xf32, #tpu.memory_space<vmem>>, vector<1x16xf32>,
        %parallel_loop3A_1412 = vector.shape_cast %parallel_loop3A_1411 : vector<1x16xf32> to vector<16xf32>
        %parallel_loop3A_1413 = arith.index_cast %parallel_loop3A_1350 : i32 to index
        %parallel_loop3A_1414 = arith.constant 112 : index
        %parallel_loop3A_1415 = tpu.vector_load %arg13[%parallel_loop3A_1413, %parallel_loop3A_1414] {strides = array<i32>} : memref<200x128xf32, #tpu.memory_space<vmem>>, vector<1x16xf32>,
        %parallel_loop3A_1416 = vector.shape_cast %parallel_loop3A_1415 : vector<1x16xf32> to vector<16xf32>
        %parallel_loop3A_1417 = arith.addf %parallel_loop3A_1412, %parallel_loop3A_1416 : vector<16xf32>
        %parallel_loop3A_1418 = arith.index_cast %parallel_loop3A_1343 : i32 to index
        %parallel_loop3A_1419 = arith.constant 112 : index
        %parallel_loop3A_1420 = tpu.vector_load %arg12[%parallel_loop3A_1418, %parallel_loop3A_1419] {strides = array<i32>} : memref<64x128xf32, #tpu.memory_space<vmem>>, vector<1x16xf32>,
        %parallel_loop3A_1421 = vector.shape_cast %parallel_loop3A_1420 : vector<1x16xf32> to vector<16xf32>
        %parallel_loop3A_1422 = vector.shape_cast %parallel_loop3A_1417 : vector<16xf32> to vector<1x16xf32>
        tpu.vector_store %arg12[%parallel_loop3A_1418, %parallel_loop3A_1419], %parallel_loop3A_1422 {strides = array<i32>} : memref<64x128xf32, #tpu.memory_space<vmem>>, vector<1x16xf32>,
      } {sc.loop_unroll_factor = 2 : i64, sc.parallel_access}
      %mul3A_81 = arith.constant 64 : i32
      %mul3A_82 = arith.muli %add3A_56, %mul3A_81 : i32
      %add3A_83 = arith.addi %mul3A_2, %mul3A_82 : i32
      %dma_start3A_84 = arith.constant 0 : i32
      %dma_start3A_85 = tpu.memref_slice %arg5[%add3A_83, %dma_start3A_84] : memref<409600x128xf32, #tpu.memory_space<hbm>> -> memref<64x128xf32, #tpu.memory_space<hbm>>
      %dma_start3A_86 = arith.constant 0 : i32
      %dma_start3A_87 = tpu.memref_slice %arg5[%add3A_83, %dma_start3A_86] : memref<409600x128xf32, #tpu.memory_space<hbm>> -> memref<64x128xf32, #tpu.memory_space<hbm>>
      tpu.enqueue_dma source(%arg12 : memref<64x128xf32, #tpu.memory_space<vmem>>) target(%dma_start3A_87 : memref<64x128xf32, #tpu.memory_space<hbm>>) target_semaphore(%arg17 : memref<!tpu.dma_semaphore, #tpu.memory_space<semaphore_mem>>)
    }
    %scan3A_13 = arith.constant 100 : i32
    %add3A_14 = arith.constant 12672 : i32
    %add3A_15 = arith.addi %mul3A_2, %add3A_14 : i32
    %dma_wait3A = arith.constant 0 : i32
    %dma_wait3A_16 = tpu.memref_slice %arg5[%add3A_15, %dma_wait3A] : memref<409600x128xf32, #tpu.memory_space<hbm>> -> memref<64x128xf32, #tpu.memory_space<hbm>>
    %dma_wait3A_17 = arith.constant 0 : i32
    %dma_wait3A_18 = tpu.memref_slice %arg5[%add3A_15, %dma_wait3A_17] : memref<409600x128xf32, #tpu.memory_space<hbm>> -> memref<64x128xf32, #tpu.memory_space<hbm>>
    tpu.wait_dma2 semaphore(%arg16 : memref<!tpu.dma_semaphore, #tpu.memory_space<semaphore_mem>>) src(%arg11 : memref<64x128xf32, #tpu.memory_space<vmem>>) dst(%dma_wait3A_18 : memref<64x128xf32, #tpu.memory_space<hbm>>)
    %add3A_19 = arith.constant 12736 : i32
    %add3A_20 = arith.addi %mul3A_2, %add3A_19 : i32
    %dma_wait3A_21 = arith.constant 0 : i32
    %dma_wait3A_22 = tpu.memref_slice %arg5[%add3A_20, %dma_wait3A_21] : memref<409600x128xf32, #tpu.memory_space<hbm>> -> memref<64x128xf32, #tpu.memory_space<hbm>>
    %dma_wait3A_23 = arith.constant 0 : i32
    %dma_wait3A_24 = tpu.memref_slice %arg5[%add3A_20, %dma_wait3A_23] : memref<409600x128xf32, #tpu.memory_space<hbm>> -> memref<64x128xf32, #tpu.memory_space<hbm>>
    tpu.wait_dma2 semaphore(%arg17 : memref<!tpu.dma_semaphore, #tpu.memory_space<semaphore_mem>>) src(%arg12 : memref<64x128xf32, #tpu.memory_space<vmem>>) dst(%dma_wait3A_24 : memref<64x128xf32, #tpu.memory_space<hbm>>)
    return
  }
}

</mosaic_0001>

<sc_bundles>
// kernel: kernel.3.cloned.1.call-start
scs
__scs_entry_jumppad:
0x0: {  	(pc) =	sbr.rel $0x88, $3  }
0x1: {  	(tag) =	ssettag $0x0;
	lr =	simm.s32 $0x1  }
0x2: {  	[smem:$0x3F9E] =	sst lr;
	_ =	strace $0xD0000000  }
0x3: {  	_ = 	snop  }
0x4: {  	_ = 	snop  }
0x5: {  	_ = 	snop  }
0x6: {  	_ = 	snop  }
0x7: {  	_ = 	snop  }
__scs_overlays_trampoline_lowered:
0x8: {  	[smem:$0x3FAD] =	sst s0  }
0x9: {  	[smem:$0x3FAE] =	sst s1  }
0xa: {  	[smem:$0x3FAF] =	sst s2  }
0xb: {  	[smem:$0x3FB0] =	sst s3  }
0xc: {  	[smem:$0x3FB1] =	sst s4  }
0xd: {  	[smem:$0x3FB2] =	sst s5  }
0xe: {  	[smem:$0x3FB3] =	sst s6  }
0xf: {  	[smem:$0x3FB4] =	sst s7  }
0x10: {  	[smem:$0x3FB5] =	sst s8  }
0x11: {  	[smem:$0x3FB6] =	sst s9;
	s0 =	simm.s32 @!p0 $0x0  }
0x12: {  	s1 =	sld [smem:$0x3F9C];
	s0 =	simm.s32 @p0 $0x1  }
0x13: {  	[smem:$0x3FB7] =	sst s0;
	s0 =	simm.s32 @!p1 $0x0  }
0x14: {  	s2 =	sld [smem:$0x3F9B];
	s0 =	simm.s32 @p1 $0x1  }
0x15: {  	[smem:$0x3FB8] =	sst s0;
	s0 =	simm.s32 @!p2 $0x0  }
0x16: {  	s3 =	sld [smem:$0x3FDB];
	s0 =	simm.s32 @p2 $0x1  }
0x17: {  	s4 =	simm.s32 $0x1BF5;
	[smem:$0x3FBA] =	sst s0  }
0x18: {  	s0 =	sld [smem:$0x3F9D];
	_ =	swait.ge [sflag:s4], $0x0  }
0x19: {  	s7 =	sld [smem:$0x3F9E]  }
0x1a: {  	s8 =	sadd.s32 $0xFFFFE003, lr  }
0x1b: {  	s9 =	sadd.s32 $0xFFFFFEF7, lr;
	s5 =	simm.s32 $0xFFFFFFFF;
	p2 =	slt.u32 s8, $0xFFFFF086  }
0x1c: {  	p1 =	slt.u32 s9, $0xF7A;
	s5 =	simm.s32 @!p2 $0x0  }
0x1d: {  	s5 =	simm.s32 @p1 $0x1;
	p0 =	seq.s32 s7, s2  }
0x1e: {  	s7 =	smul.u32 @!p0 $0xF7A, s2;
	p2 =	seq.s32 @!p0 s5, $0x0  }
0x1f: {  	s9 =	smul.u32 $0xF7A, s1;
	s8 =	simm.s32 @!p0 $0x1BF5;
	p2 =	por !p2, p0  }
0x20: {  	[sflag:s8] =	ssyncset.s32 @!p0 $0xFFFFF086;
	s6 =	sadd.s32 @!p0 s3, s7;
	s7 =	simm.s32 @!p0 $0x108  }
0x21: {  	s3 =	sadd.s32 s3, s9;
	s6 =	sadd.s32 @!p0 $0x88, s6;
	s7 =	simm.s32 @p2 $0x1082  }
0x22: {  	[simem:s7], [sflag:s8] =	dma.local @!p0 [hbm:s6], $0xF7A  }
0x23: {  	s9 =	sor.u32 $0xD0000000, s2;
	s6 =	simm.s32 $0x108;
	_ =	swait.ge @!p0 [sflag:s8], $0x0  }
0x24: {  	s3 =	sadd.s32 $0x88, s3;
	s6 =	simm.s32 @!p1 $0x1082;
	[sflag:s4] =	ssyncset.s32 $0xFFFFF086  }
0x25: {  	[simem:s6], [sflag:s4] =	dma.local [hbm:s3], $0xF7A  }
0x26: {  	[smem:$0x3F9E] =	sst s1;
	(tag) =	ssettag s2;
	_ =	strace s9  }
0x27: {  	s1 =	sld [smem:$0x3FAE]  }
0x28: {  	s2 =	sld [smem:$0x3FAF]  }
0x29: {  	s4 =	sld [smem:$0x3FB1]  }
0x2a: {  	p0 =	seq.s32 s5, $0x0;
	s5 =	sld [smem:$0x3FB2]  }
0x2b: {  	s6 =	sld [smem:$0x3FB3]  }
0x2c: {  	s7 =	sld [smem:$0x3FB4]  }
0x2d: {  	s3 =	simm.s32 $0x108;
	s8 =	sld [smem:$0x3FB5]  }
0x2e: {  	s3 =	simm.s32 @!p0 $0x1082;
	s9 =	sld [smem:$0x3FB6]  }
0x2f: {  	lr =	sadd.s32 s0, s3;
	s0 =	sld [smem:$0x3FAD]  }
0x30: {  	s3 =	sld [smem:$0x3FB0]  }
0x31: {  	[smem:$0x3FB9] =	sst s10  }
0x32: {  	s10 =	sld [smem:$0x3FB7];
	_ =	sdelay $0x3  }
0x33: {  	p0 =	seq.s32 s10, $0x1;
	s10 =	sld [smem:$0x3FB9];
	_ =	sdelay $0x3  }
0x34: {  	[smem:$0x3FB9] =	sst s10  }
0x35: {  	s10 =	sld [smem:$0x3FB8];
	_ =	sdelay $0x3  }
0x36: {  	p1 =	seq.s32 s10, $0x1;
	s10 =	sld [smem:$0x3FB9];
	_ =	sdelay $0x3  }
0x37: {  	[smem:$0x3FB9] =	sst s10  }
0x38: {  	s10 =	sld [smem:$0x3FBA]  }
0x39: {  	_ = 	snop;
	(pc) =	sbr.ind lr, $3  }
0x3a: {  	_ = 	snop  }
0x3b: {  	_ = 	snop  }
0x3c: {  	p2 =	seq.s32 s10, $0x1;
	s10 =	sld [smem:$0x3FB9]  }
0x3d: {  	_ =	shalt  }
0x3e: {  	_ =	shalt  }
0x3f: {  	_ =	shalt  }
0x40: {  	_ =	shalt  }
0x41: {  	_ =	shalt  }
0x42: {  	_ =	shalt  }
0x43: {  	_ =	shalt  }
0x44: {  	_ =	shalt  }
0x45: {  	_ =	shalt  }
0x46: {  	_ =	shalt  }
0x47: {  	_ =	shalt  }
0x48: {  	_ =	shalt  }
0x49: {  	_ =	shalt  }
0x4a: {  	_ =	shalt  }
0x4b: {  	_ =	shalt  }
0x4c: {  	_ =	shalt  }
0x4d: {  	_ =	shalt  }
0x4e: {  	_ =	shalt  }
0x4f: {  	_ =	shalt  }
0x50: {  	_ =	shalt  }
0x51: {  	_ =	shalt  }
0x52: {  	_ =	shalt  }
0x53: {  	_ =	shalt  }
0x54: {  	_ =	shalt  }
0x55: {  	_ =	shalt  }
0x56: {  	_ =	shalt  }
0x57: {  	_ =	shalt  }
0x58: {  	_ =	shalt  }
0x59: {  	_ =	shalt  }
0x5a: {  	_ =	shalt  }
0x5b: {  	_ =	shalt  }
0x5c: {  	_ =	shalt  }
0x5d: {  	_ =	shalt  }
0x5e: {  	_ =	shalt  }
0x5f: {  	_ =	shalt  }
0x60: {  	_ =	shalt  }
0x61: {  	_ =	shalt  }
0x62: {  	_ =	shalt  }
0x63: {  	_ =	shalt  }
0x64: {  	_ =	shalt  }
0x65: {  	_ =	shalt  }
0x66: {  	_ =	shalt  }
0x67: {  	_ =	shalt  }
0x68: {  	_ =	shalt  }
0x69: {  	_ =	shalt  }
0x6a: {  	_ =	shalt  }
0x6b: {  	_ =	shalt  }
0x6c: {  	_ =	shalt  }
0x6d: {  	_ =	shalt  }
0x6e: {  	_ =	shalt  }
0x6f: {  	_ =	shalt  }
0x70: {  	_ =	shalt  }
0x71: {  	_ =	shalt  }
0x72: {  	_ =	shalt  }
0x73: {  	_ =	shalt  }
0x74: {  	_ =	shalt  }
0x75: {  	_ =	shalt  }
0x76: {  	_ =	shalt  }
0x77: {  	_ =	shalt  }
0x78: {  	_ =	shalt  }
0x79: {  	_ =	shalt  }
0x7a: {  	_ =	shalt  }
0x7b: {  	_ =	shalt  }
0x7c: {  	_ =	shalt  }
0x7d: {  	_ =	shalt  }
0x7e: {  	_ =	shalt  }
0x7f: {  	_ =	shalt  }
0x80: {  	_ =	shalt  }
0x81: {  	_ =	shalt  }
0x82: {  	_ =	shalt  }
0x83: {  	_ =	shalt  }
0x84: {  	_ =	shalt  }
0x85: {  	_ =	shalt  }
0x86: {  	_ =	shalt  }
0x87: {  	_ =	shalt  }
.Lfunc_end0:
.L_simem_size_0:
called_computation.1_lowered:
.L_overlay_start_0:
0x88: {  	s2 =	sld [smem:$0x3FD9]  }
0x89: {  	s3 =	sld [smem:$0x3FFE];
	_ =	sdelay $0x1  }
0x8a: {  	s1 =	srdreg.scid  }
0x8b: {  	s0 =	sand.u32 $0x1, s1  }
0x8c: {  	s17 =	sshll.u32 s0, $0xA;
	s2 =	sadd.s32 s3, s2  }
0x8d: {  	s2 =	sadd.s32 s2, s17  }
0x8e: {  	[smem:$0x3FC5] =	sst s2  }
0x8f: {  	_ = 	snop  }
0x90: {  	s2 =	sld [smem:$0x3FD0];
	(tm) =	ssettm $0x1  }
0x91: {  	s18 =	sld [smem:$0x3FFB];
	_ =	sdelay $0x3  }
0x92: {  	_ =	strace s18  }
0x93: {  	s3 =	sld [smem:$0x3FFC];
	_ =	sdelay $0x3  }
0x94: {  	_ =	strace s3  }
0x95: {  	s3 =	sld [smem:$0x3FFD];
	_ =	sdelay $0x3  }
0x96: {  	_ =	strace s3  }
0x97: {  	_ =	strace $0x8FFFFFFF  }
0x98: {  	s19 =	sld [smem:$0x3FDB];
	_ =	sdelay $0x1  }
0x99: {  	s4 =	simm.s32 $_scs_section_size  }
0x9a: {  	s5 =	simm.s32 $_size__tile_overlayer_lowered;
	s6 =	simm.s32 $_tile_overlayer_lowered  }
0x9b: {  	s22 =	simm.s32 $0x1BFF;
	s21 =	sshll.u32 s6, $0x1;
	s3 =	sadd.s32 s4, s19  }
0x9c: {  	s7 =	simm.s32 $0x0;
	s20 =	sshll.u32 s5, $0x1;
	s5 =	sadd.s32 s21, s3  }
0x9d: {  	[timem:s7], [sflag:s22] =	dma.local [hbm:s5], s20  }
0x9e: {  	_ =	swait.ge [sflag:s22], s20  }
0x9f: {  	s4 =	ssub.s32 $0x0, s20;
	[sflag:s22] =	ssyncset.done $0x0  }
0xa0: {  	[sflag:s22] =	ssyncadd.s32 s4;
	_ =	sdelay $0x1  }
0xa1: {  	s23 =	simm.s32 $0x1B8B  }
0xa2: {  	_ =	swait.ge [sflag:s23], $0x1  }
0xa3: {  	[sflag:s23] =	ssyncset.done $0x0  }
0xa4: {  	s25 =	simm.s32 $0x1B8E;
	s24 =	sld [smem:$0x3FFE];
	[sflag:s23] =	ssyncadd.s32 $0xFFFFFFFF  }
0xa5: {  	s26 =	simm.s32 $execute0_lowered;
	[smem:$0x3FD2] =	sst s25  }
0xa6: {  	s5 =	sshll.u32 s26, $0x1;
	_ =	strace $0x80000046;
	[dreg:$0x1] =	wrdreg $0xFFFFFFFF  }
0xa7: {  	s28 =	simm.s32 $_size_execute0_lowered;
	s3 =	sadd.s32 s3, s5;
	[dreg:$0x0] =	wrdreg $0x0  }
0xa8: {  	s5 =	sshll.u32 s28, $0x1;
	[dreg:$0x2] =	wrdreg s3  }
0xa9: {  	[dreg:$0x3] =	wrdreg s5  }
0xaa: {  	[dreg:$0x4] =	wrdreg $0xC0  }
0xab: {  	_ =	task [dreg:s7], $0x5FFFF  }
0xac: {  	[dreg:$0x1] =	wrdreg $0xFFFFFFFF  }
0xad: {  	[dreg:$0x0] =	wrdreg $0x60  }
0xae: {  	[dreg:$0x2] =	wrdreg s24  }
0xaf: {  	[dreg:$0x3] =	wrdreg s2  }
0xb0: {  	[dreg:$0x4] =	wrdreg $0x9  }
0xb1: {  	_ =	task.clear_ibuf [dreg:s7], $0x5FFFF;
	_ =	strace $0x90000046  }
0xb2: {  	s29 =	simm.s32 $0x9;
	_ =	strace $0x80000048  }
0xb3: {  	_ =	swait.ge [sflag:s29], $0x1  }
0xb4: {  	[sflag:s29] =	ssyncadd.s32 $0xFFFFFFFF  }
0xb5: {  	_ =	strace $0x90000048  }
0xb6: {  	_ =	sfence  }
0xb7: {  	s30 =	sld [smem:$0x0];
	_ =	sdelay $0x2  }
0xb8: {  	s31 =	sshll.u32 s1, $0xD;
	s1 =	sshrl.u32 s1, $0x2  }
0xb9: {  	s3 =	sand.u32 $0x4000, s31;
	s1 =	sadd.s32 s1, s30  }
0xba: {  	s0 =	sor.u32 s3, s0;
	s1 =	sshll.u32 s1, $0x11  }
0xbb: {  	s0 =	sor.u32 s1, s0  }
0xbc: {  	s0 =	sadd.s32 $0x8F2B, s0  }
0xbd: {  	[sflag:s0] =	ssyncadd.remote.s32 $0x1  }
0xbe: {  	_ =	sfence.sel $0xFFFF  }
0xbf: {  	[dreg:$0x0] =	wrdreg $0xFFFFFFFF;
	(pc) =	sbr.abs _section_cstart, $3  }
0xc0: {  	[dreg:$0x1] =	wrdreg $0xFFFFFFFF  }
0xc1: {  	_ =	task.clear_ibuf [dreg:s7], $0x2FFFF;
	_ =	strace $0x9FFFFFFF  }
0xc2: {  	(tm) =	ssettm $0x7FFFFFFF  }
0xc3: {  	_ =	shalt  }
tec
execute0_lowered:
.L_overlay_start_1:
0x0: {  	(tag) =	ssettag $0x1  }
0x1: {  	s0 =	srdreg.scid;
	s2 =	stileid.u32  }
0x2: {  	s0 =	sand.u32 $0x1, s0;
	s2 =	sshll.u32 s2, $0x1  }
0x3: {  	s1 =	rddreg [dreg:$0x0];
	s4 =	simm.s32 $0x0;
	s2 =	sor.u32 s0, s2  }
0x4: {  	[smem:$0x7FF] =	sst s4;
	s0 =	ssub.s32 $0x2, s0;
	s3 =	smul.u32 $0xC80, s2  }
0x5: {  	s5 =	sadd.s32 $0xF43000, s1;
	s29 =	sshrl.u32 s0, $0x1;
	s30 =	smul.u32 $0x3200, s2  }
0x6: {  	_ =	strace $0x80000047;
	[dreg:$0x3] =	wrdreg s5;
	s0 =	ssub.s32 s0, s29  }
0x7: {  	s3 =	sadd.s32 s3, s1;
	s1 =	sadd.s32 $0x19C00, s1;
	[dreg:$0x5] =	wrdreg s30  }
0x8: {  	s0 =	smax.u32 s0, $0x1;
	[dreg:$0x4] =	wrdreg s1  }
0x9: {  	s31 =	sadd.s32 $0xC00, s3;
	[dreg:$0x7] =	wrdreg s0  }
0xa: {  	s2 =	simm.s32 $0x0;
	[dreg:$0x6] =	wrdreg s31  }
.LBB2_1:
0xb: {  	[dreg:$0x8] =	wrdreg s2  }
0xc: {  	s0 =	simm.s32 $0x0;
	s1 =	rddreg [dreg:$0x6];
	s28 =	simm.s32 $0x5  }
0xd: {  	[tilespmem:s0], [sflag:$0x5] =	stream.linear.gather [hbm4b:s1+s0], $0x6400, $0x38;
	[tilespmem:$0x18900] =	vst v63  }
0xe: {  	_ =	swait.ge [sflag:s28], $0x6400  }
0xf: {  	[sflag:s28] =	ssyncset.done $0x0  }
0x10: {  	s3 =	simm.s32 $0x12500;
	s29 =	rddreg [dreg:$0x4];
	[sflag:s28] =	ssyncadd.s32 $0xFFFF9C00  }
0x11: {  	[tilespmem:s3], [sflag:$0x5] =	stream.linear.gather [hbm4b:s29+s0], $0x3200, $0x38;
	[tilespmem:$0x18900] =	vst v63  }
0x12: {  	_ =	swait.ge [sflag:s28], $0x3200  }
0x13: {  	[sflag:s28] =	ssyncset.done $0x0  }
0x14: {  	s30 =	simm.s32 $0x15700;
	[sflag:s28] =	ssyncadd.s32 $0xFFFFCE00  }
0x15: {  	[tilespmem:s30], [sflag:$0x5] =	stream.linear.gather [hbm4b:s29+s0], $0x3200, $0x38;
	[tilespmem:$0x18900] =	vst v63  }
0x16: {  	_ =	swait.ge [sflag:s28], $0x3200  }
0x17: {  	[sflag:s28] =	ssyncset.done $0x0  }
0x18: {  	s31 =	simm.s32 $0x10;
	[sflag:s28] =	ssyncadd.s32 $0xFFFFCE00  }
0x19: {  	v0 =	vld [tilespmem:s31+$0xFFFFFFF0]  }
0x1a: {  	v1 =	vld [tilespmem:s31+$0x0];
	_ =	sdelay $0x3  }
0x1b: {  	s1 =	simm.s32 $0x30;
	s0 =	simm.s32 $0x6410;
	v2 =	vshrl.u32 v0, $0x1  }
0x1c: {  	s2 =	simm.s32 $0x2;
	v0 =	vld [tilespmem:s1+$0xFFFFFFF0];
	v1 =	vshrl.u32 v1, $0x1;
	[tilespmem:s0+$0xFFFFFFF0] =	vst v2  }
.LBB2_2:
0x1d: {  	s2 =	sadd.s32 $0x2, s2  }
0x1e: {  	v2 =	vld [tilespmem:s1+$0x0];
	[tilespmem:s0+$0x0] =	vst v1;
	s0 =	sadd.s32 $0x20, s0;
	p0 =	slt.u32 s2, $0x6  }
.Ltmp0:
0x1f: {  	(pc) =	sbr.rel @p0 .LBB2_2-.Ltmp0, $3  }
0x20: {  	_ =	sdelay $0x1  }
0x21: {  	s1 =	sadd.s32 $0x20, s1;
	v1 =	vshrl.u32 v0, $0x1  }
0x22: {  	v0 =	vld [tilespmem:s1+$0xFFFFFFF0];
	[tilespmem:s0+$0xFFFFFFF0] =	vst v1;
	v1 =	vshrl.u32 v2, $0x1  }
0x23: {  	v2 =	vld [tilespmem:s1+$0x0];
	_ =	sdelay $0x3  }
0x24: {  	[tilespmem:s0+$0x0] =	vst v1;
	s30 =	sadd.s32 $0x20, s0;
	v0 =	vshrl.u32 v0, $0x1  }
0x25: {  	s31 =	simm.s32 $0x80;
	[tilespmem:s30+$0xFFFFFFF0] =	vst v0;
	v63 =	vshrl.u32 v2, $0x1  }
0x26: {  	s2 =	simm.s32 $0x6400;
	s3 =	simm.s32 $0x6500;
	s24 =	simm.s32 $0x0;
	[tilespmem:s30+$0x0] =	vst v63  }
0x27: {  	s25 =	simm.s32 $0x90;
	s26 =	simm.s32 $0x110;
	s0 =	rddreg [dreg:$0x3]  }
0x28: {  	[tilespmem:s3], [sflag:$0x1] =	stream.indirect.gather [hbm4b:s0+s31], $0x80, s2, s31, $0xb8;
	[tilespmem:$0x18900] =	vst v63  }
.LBB2_4:
0x29: {  	v0 =	vld [tilespmem:s25+$0xFFFFFFF0]  }
0x2a: {  	v1 =	vld [tilespmem:s25+$0x0]  }
0x2b: {  	s0 =	sshllo.u32 s24, $0x1  }
0x2c: {  	s2 =	sshll.u32 s0, $0x7  }
0x2d: {  	[dreg:$0xa] =	wrdreg s0;
	s2 =	sand.u32 $0x3FFFFF80, s2  }
0x2e: {  	s1 =	sadd.s32 $0x20, s25;
	s0 =	simm.s32 $0x6490;
	[dreg:$0x9] =	wrdreg s2;
	v2 =	vshrl.u32 v0, $0x1  }
0x2f: {  	s2 =	simm.s32 $0x2;
	v0 =	vld [tilespmem:s1+$0xFFFFFFF0];
	v1 =	vshrl.u32 v1, $0x1;
	[tilespmem:s0+$0xFFFFFFF0] =	vst v2  }
.LBB2_5:
0x30: {  	s2 =	sadd.s32 $0x2, s2  }
0x31: {  	v2 =	vld [tilespmem:s1+$0x0];
	[tilespmem:s0+$0x0] =	vst v1;
	s0 =	sadd.s32 $0x20, s0;
	p0 =	slt.u32 s2, $0x6  }
.Ltmp1:
0x32: {  	(pc) =	sbr.rel @p0 .LBB2_5-.Ltmp1, $3  }
0x33: {  	_ =	sdelay $0x1  }
0x34: {  	s1 =	sadd.s32 $0x20, s1;
	v1 =	vshrl.u32 v0, $0x1  }
0x35: {  	v0 =	vld [tilespmem:s1+$0xFFFFFFF0];
	[tilespmem:s0+$0xFFFFFFF0] =	vst v1;
	v1 =	vshrl.u32 v2, $0x1  }
0x36: {  	v2 =	vld [tilespmem:s1+$0x0];
	_ =	sdelay $0x3  }
0x37: {  	[tilespmem:s0+$0x0] =	vst v1;
	s21 =	sadd.s32 $0x20, s0;
	v0 =	vshrl.u32 v0, $0x1  }
0x38: {  	[tilespmem:s21+$0xFFFFFFF0] =	vst v0;
	v0 =	vshrl.u32 v2, $0x1  }
0x39: {  	s22 =	simm.s32 $0x80;
	s2 =	simm.s32 $0x6480;
	s3 =	simm.s32 $0xA500;
	[tilespmem:s21+$0x0] =	vst v0  }
0x3a: {  	s30 =	sshll.u32 s24, $0x7;
	s23 =	simm.s32 $0x1;
	s0 =	rddreg [dreg:$0x3]  }
0x3b: {  	[tilespmem:s3], [sflag:$0x2] =	stream.indirect.gather [hbm4b:s0+s22], $0x80, s2, s22, $0xb8;
	[tilespmem:$0x18900] =	vst v63  }
0x3c: {  	p0 =	seq.s32 s24, $0x0;
	s28 =	smulhi.u32 $0x51EB851F, s30;
	_ =	swait.ge [sflag:s23], $0x4000  }
0x3d: {  	s29 =	sshll.u32 s24, $0x8;
	s1 =	simm.s32 @!p0 $0x3;
	[sflag:s23] =	ssyncset.done $0x0  }
0x3e: {  	s0 =	sshrl.u32 s28, $0x5;
	s2 =	sand.u32 $0x3FFFFF00, s29;
	[sflag:s23] =	ssyncadd.s32 $0xFFFFC000  }
0x3f: {  	s0 =	smul.u32 $0x64, s0;
	v0 =	vmov s2;
	_ =	swait.ge @!p0 [sflag:s1], $0x2000  }
0x40: {  	[sflag:s1] =	ssyncset.done @!p0 $0x0  }
0x41: {  	s31 =	ssub.s32 s30, s0;
	[sflag:s1] =	ssyncadd.s32 @!p0 $0xFFFFE000;
	s1 =	simm.s32 $0x0  }
.LBB2_7:
0x42: {  	s0 =	sshll.u32 s1, $0x4  }
0x43: {  	s2 =	sand.u32 $0x3FFFFFF0, s0  }
0x44: {  	v1 =	vld.idx.msk [tilespmem:v0+s2+$0x0 ss:$0x1], $0xffff;
	_ =	sdelay $0x4  }
0x45: {  	v1 =	vshll.u32 v1, $0x6  }
0x46: {  	(v2sf) =	vpush v1, $0x0  }
0x47: {  	(v2sf) =	vpush v1, $0x1  }
0x48: {  	(v2sf) =	vpush v1, $0x2  }
0x49: {  	(v2sf) =	vpush v1, $0x3  }
0x4a: {  	(v2sf) =	vpush v1, $0x4  }
0x4b: {  	(v2sf) =	vpush v1, $0x5  }
0x4c: {  	(v2sf) =	vpush v1, $0x6  }
0x4d: {  	(v2sf) =	vpush v1, $0x7  }
0x4e: {  	(v2sf) =	vpush v1, $0x8  }
0x4f: {  	s20 =	sor.u32 $0x10, s0;
	(v2sf) =	vpush v1, $0x9  }
0x50: {  	v2 =	vld.idx.msk [tilespmem:v0+s20+$0x0 ss:$0x1], $0xffff;
	(v2sf) =	vpush v1, $0xA  }
0x51: {  	(v2sf) =	vpush v1, $0xB  }
0x52: {  	(v2sf) =	vpush v1, $0xC  }
0x53: {  	(v2sf) =	vpush v1, $0xD  }
0x54: {  	(v2sf) =	vpush v1, $0xE  }
0x55: {  	s28 =	spop (v2sf);
	(v2sf) =	vpush v1, $0xF;
	v1 =	vshll.u32 v2, $0x6  }
0x56: {  	s19 =	spop (v2sf);
	(v2sf) =	vpush v1, $0x0  }
0x57: {  	s2 =	spop (v2sf)  }
0x58: {  	s12 =	spop (v2sf)  }
0x59: {  	s21 =	spop (v2sf)  }
0x5a: {  	s18 =	spop (v2sf)  }
0x5b: {  	s16 =	spop (v2sf)  }
0x5c: {  	s15 =	spop (v2sf)  }
0x5d: {  	s14 =	spop (v2sf)  }
0x5e: {  	s13 =	spop (v2sf)  }
0x5f: {  	s23 =	spop (v2sf)  }
0x60: {  	s9 =	spop (v2sf)  }
0x61: {  	s5 =	sshll.u32 s1, $0x3;
	s4 =	sshll.u32 s1, $0xB;
	s22 =	spop (v2sf)  }
0x62: {  	s3 =	sadd.s32 s31, s5;
	s0 =	sand.u32 $0x3FFFF800, s4;
	s8 =	spop (v2sf)  }
0x63: {  	s3 =	sshll.u32 s3, $0x7;
	s17 =	sshll.u32 s20, $0x7;
	s11 =	spop (v2sf)  }
0x64: {  	s3 =	sand.u32 $0x3FFFFF80, s3;
	s7 =	sand.u32 $0x40, s28;
	s10 =	spop (v2sf)  }
0x65: {  	s6 =	sor.u32 s7, s0;
	s7 =	sshrl.u32 s20, $0x1;
	s29 =	spop (v2sf)  }
0x66: {  	s17 =	sand.u32 $0x3FFFF800, s17;
	v3 =	vld [tilespmem:s3+$0x12500];
	s28 =	sadd.s32 s31, s7;
	s4 =	sand.u32 $0x40, s29  }
0x67: {  	v2 =	vld [tilespmem:s6+$0x6500];
	s29 =	sor.u32 s4, s17;
	s17 =	sshll.u32 s28, $0x7  }
0x68: {  	v4 =	vld [tilespmem:s29+$0x6500];
	s4 =	sand.u32 $0x3FFFFF80, s17  }
0x69: {  	v5 =	vld [tilespmem:s4+$0x12500];
	_ =	sdelay $0x2  }
0x6a: {  	v2 =	vadd.f32 v3, v2;
	s28 =	sshll.u32 s1, $0xA  }
0x6b: {  	s17 =	sand.u32 $0x3FFFFC00, s28  }
0x6c: {  	s20 =	sshll.u32 s20, $0x6;
	[tilespmem:s17+$0xE500] =	vst v2;
	v2 =	vadd.f32 v5, v4  }
0x6d: {  	s20 =	sand.u32 $0x3FFFFC00, s20;
	v3 =	vld [tilespmem:s6+$0x6510]  }
0x6e: {  	v56 =	vld [tilespmem:s3+$0x12510];
	[tilespmem:s20+$0xE500] =	vst v2  }
0x6f: {  	v2 =	vld [tilespmem:s29+$0x6510]  }
0x70: {  	v57 =	vld [tilespmem:s4+$0x12510];
	_ =	sdelay $0x2  }
0x71: {  	v3 =	vadd.f32 v56, v3;
	_ =	sdelay $0x1  }
0x72: {  	[tilespmem:s17+$0xE510] =	vst v3;
	v2 =	vadd.f32 v57, v2  }
0x73: {  	v3 =	vld [tilespmem:s6+$0x6520]  }
0x74: {  	v58 =	vld [tilespmem:s3+$0x12520];
	[tilespmem:s20+$0xE510] =	vst v2  }
0x75: {  	(v2sf) =	vpush v1, $0x1;
	v2 =	vld [tilespmem:s29+$0x6520]  }
0x76: {  	v59 =	vld [tilespmem:s4+$0x12520];
	_ =	sdelay $0x2  }
0x77: {  	v3 =	vadd.f32 v58, v3;
	_ =	sdelay $0x1  }
0x78: {  	[tilespmem:s17+$0xE520] =	vst v3;
	v2 =	vadd.f32 v59, v2  }
0x79: {  	v3 =	vld [tilespmem:s6+$0x6530]  }
0x7a: {  	v60 =	vld [tilespmem:s3+$0x12530];
	[tilespmem:s20+$0xE520] =	vst v2  }
0x7b: {  	v2 =	vld [tilespmem:s29+$0x6530]  }
0x7c: {  	v61 =	vld [tilespmem:s4+$0x12530];
	_ =	sdelay $0x2  }
0x7d: {  	v3 =	vadd.f32 v60, v3  }
0x7e: {  	s28 =	sand.u32 $0x40, s19  }
0x7f: {  	s6 =	sor.u32 s28, s0;
	[tilespmem:s17+$0xE530] =	vst v3;
	s29 =	spop (v2sf);
	v2 =	vadd.f32 v61, v2  }
0x80: {  	v3 =	vld [tilespmem:s6+$0x6580];
	s19 =	sand.u32 $0x40, s29  }
0x81: {  	v62 =	vld [tilespmem:s3+$0x12540];
	s19 =	sor.u32 s19, s0;
	[tilespmem:s20+$0xE530] =	vst v2  }
0x82: {  	v2 =	vld [tilespmem:s19+$0x6D80]  }
0x83: {  	v63 =	vld [tilespmem:s4+$0x12540];
	_ =	sdelay $0x2  }
0x84: {  	v3 =	vadd.f32 v62, v3;
	_ =	sdelay $0x1  }
0x85: {  	[tilespmem:s17+$0xE540] =	vst v3;
	v2 =	vadd.f32 v63, v2  }
0x86: {  	v3 =	vld [tilespmem:s6+$0x6590]  }
0x87: {  	v8 =	vld [tilespmem:s3+$0x12550];
	[tilespmem:s20+$0xE540] =	vst v2  }
0x88: {  	v2 =	vld [tilespmem:s19+$0x6D90]  }
0x89: {  	v9 =	vld [tilespmem:s4+$0x12550];
	_ =	sdelay $0x2  }
0x8a: {  	v3 =	vadd.f32 v8, v3;
	_ =	sdelay $0x1  }
0x8b: {  	[tilespmem:s17+$0xE550] =	vst v3;
	v2 =	vadd.f32 v9, v2  }
0x8c: {  	v3 =	vld [tilespmem:s6+$0x65A0]  }
0x8d: {  	v10 =	vld [tilespmem:s3+$0x12560];
	[tilespmem:s20+$0xE550] =	vst v2  }
0x8e: {  	(v2sf) =	vpush v1, $0x2;
	v2 =	vld [tilespmem:s19+$0x6DA0]  }
0x8f: {  	v11 =	vld [tilespmem:s4+$0x12560];
	_ =	sdelay $0x2  }
0x90: {  	v3 =	vadd.f32 v10, v3;
	_ =	sdelay $0x1  }
0x91: {  	[tilespmem:s17+$0xE560] =	vst v3;
	v2 =	vadd.f32 v11, v2  }
0x92: {  	v3 =	vld [tilespmem:s6+$0x65B0]  }
0x93: {  	v12 =	vld [tilespmem:s3+$0x12570];
	[tilespmem:s20+$0xE560] =	vst v2  }
0x94: {  	v2 =	vld [tilespmem:s19+$0x6DB0]  }
0x95: {  	v13 =	vld [tilespmem:s4+$0x12570];
	_ =	sdelay $0x2  }
0x96: {  	s6 =	sor.u32 $0x1, s5;
	v3 =	vadd.f32 v12, v3  }
0x97: {  	s2 =	sand.u32 $0x40, s2;
	s28 =	sor.u32 $0x1, s7;
	s4 =	sadd.s32 s31, s6  }
0x98: {  	s29 =	spop (v2sf);
	s19 =	sor.u32 s2, s0;
	[tilespmem:s17+$0xE570] =	vst v3;
	s17 =	sshll.u32 s4, $0x7;
	v2 =	vadd.f32 v13, v2  }
0x99: {  	v3 =	vld [tilespmem:s19+$0x6600];
	s3 =	sand.u32 $0x3FFFFF80, s17;
	s17 =	sand.u32 $0x40, s29;
	s29 =	sadd.s32 s31, s28  }
0x9a: {  	[tilespmem:s20+$0xE570] =	vst v2;
	v2 =	vld [tilespmem:s3+$0x12500];
	s20 =	sor.u32 s17, s0;
	s17 =	sshll.u32 s29, $0x7  }
0x9b: {  	v14 =	vld [tilespmem:s20+$0x6E00];
	s4 =	sand.u32 $0x3FFFFF80, s17  }
0x9c: {  	v15 =	vld [tilespmem:s4+$0x12500];
	_ =	sdelay $0x2  }
0x9d: {  	s29 =	sshll.u32 s6, $0x7;
	v2 =	vadd.f32 v2, v3  }
0x9e: {  	s17 =	sand.u32 $0x3FFFFC80, s29  }
0x9f: {  	s6 =	sshll.u32 s28, $0x7;
	[tilespmem:s17+$0xE500] =	vst v2;
	v2 =	vadd.f32 v15, v14  }
0xa0: {  	s2 =	sand.u32 $0x3FFFFC80, s6;
	v3 =	vld [tilespmem:s19+$0x6610]  }
0xa1: {  	v16 =	vld [tilespmem:s3+$0x12510];
	[tilespmem:s2+$0xE500] =	vst v2  }
0xa2: {  	v2 =	vld [tilespmem:s20+$0x6E10]  }
0xa3: {  	v17 =	vld [tilespmem:s4+$0x12510];
	_ =	sdelay $0x2  }
0xa4: {  	v3 =	vadd.f32 v16, v3;
	_ =	sdelay $0x1  }
0xa5: {  	[tilespmem:s17+$0xE510] =	vst v3;
	v2 =	vadd.f32 v17, v2  }
0xa6: {  	v3 =	vld [tilespmem:s19+$0x6620]  }
0xa7: {  	v18 =	vld [tilespmem:s3+$0x12520];
	[tilespmem:s2+$0xE510] =	vst v2  }
0xa8: {  	(v2sf) =	vpush v1, $0x3;
	v2 =	vld [tilespmem:s20+$0x6E20]  }
0xa9: {  	v19 =	vld [tilespmem:s4+$0x12520];
	_ =	sdelay $0x2  }
0xaa: {  	v3 =	vadd.f32 v18, v3;
	_ =	sdelay $0x1  }
0xab: {  	[tilespmem:s17+$0xE520] =	vst v3;
	v2 =	vadd.f32 v19, v2  }
0xac: {  	v3 =	vld [tilespmem:s19+$0x6630]  }
0xad: {  	v20 =	vld [tilespmem:s3+$0x12530];
	[tilespmem:s2+$0xE520] =	vst v2  }
0xae: {  	v2 =	vld [tilespmem:s20+$0x6E30]  }
0xaf: {  	v21 =	vld [tilespmem:s4+$0x12530];
	_ =	sdelay $0x2  }
0xb0: {  	v3 =	vadd.f32 v20, v3  }
0xb1: {  	s28 =	sand.u32 $0x40, s12  }
0xb2: {  	s6 =	sor.u32 s28, s0;
	s29 =	spop (v2sf);
	[tilespmem:s17+$0xE530] =	vst v3;
	v2 =	vadd.f32 v21, v2  }
0xb3: {  	s12 =	sand.u32 $0x40, s29;
	v3 =	vld [tilespmem:s6+$0x6680]  }
0xb4: {  	s12 =	sor.u32 s12, s0;
	v22 =	vld [tilespmem:s3+$0x12540];
	[tilespmem:s2+$0xE530] =	vst v2  }
0xb5: {  	v2 =	vld [tilespmem:s12+$0x6E80]  }
0xb6: {  	v23 =	vld [tilespmem:s4+$0x12540];
	_ =	sdelay $0x2  }
0xb7: {  	v3 =	vadd.f32 v22, v3;
	_ =	sdelay $0x1  }
0xb8: {  	[tilespmem:s17+$0xE540] =	vst v3;
	v2 =	vadd.f32 v23, v2  }
0xb9: {  	v3 =	vld [tilespmem:s6+$0x6690]  }
0xba: {  	v24 =	vld [tilespmem:s3+$0x12550];
	[tilespmem:s2+$0xE540] =	vst v2  }
0xbb: {  	v2 =	vld [tilespmem:s12+$0x6E90]  }
0xbc: {  	v25 =	vld [tilespmem:s4+$0x12550];
	_ =	sdelay $0x2  }
0xbd: {  	v3 =	vadd.f32 v24, v3;
	_ =	sdelay $0x1  }
0xbe: {  	[tilespmem:s17+$0xE550] =	vst v3;
	v2 =	vadd.f32 v25, v2  }
0xbf: {  	v3 =	vld [tilespmem:s6+$0x66A0]  }
0xc0: {  	(v2sf) =	vpush v1, $0x4;
	v26 =	vld [tilespmem:s3+$0x12560];
	[tilespmem:s2+$0xE550] =	vst v2  }
0xc1: {  	v2 =	vld [tilespmem:s12+$0x6EA0]  }
0xc2: {  	v27 =	vld [tilespmem:s4+$0x12560];
	_ =	sdelay $0x2  }
0xc3: {  	v3 =	vadd.f32 v26, v3;
	_ =	sdelay $0x1  }
0xc4: {  	[tilespmem:s17+$0xE560] =	vst v3;
	v2 =	vadd.f32 v27, v2  }
0xc5: {  	v3 =	vld [tilespmem:s6+$0x66B0]  }
0xc6: {  	v28 =	vld [tilespmem:s3+$0x12570];
	[tilespmem:s2+$0xE560] =	vst v2  }
0xc7: {  	v2 =	vld [tilespmem:s12+$0x6EB0]  }
0xc8: {  	v29 =	vld [tilespmem:s4+$0x12570];
	_ =	sdelay $0x2  }
0xc9: {  	s6 =	sor.u32 $0x2, s5;
	v3 =	vadd.f32 v28, v3  }
0xca: {  	s28 =	spop (v2sf);
	s4 =	sand.u32 $0x40, s21;
	s12 =	sadd.s32 s31, s6  }
0xcb: {  	s20 =	sor.u32 $0x2, s7;
	s19 =	sor.u32 s4, s0;
	[tilespmem:s17+$0xE570] =	vst v3;
	s17 =	sshll.u32 s12, $0x7;
	v2 =	vadd.f32 v29, v2  }
0xcc: {  	s29 =	sadd.s32 s31, s20;
	s4 =	sand.u32 $0x40, s28;
	v3 =	vld [tilespmem:s19+$0x6700];
	s3 =	sand.u32 $0x3FFFFF80, s17  }
0xcd: {  	s28 =	sshll.u32 s29, $0x7;
	s4 =	sor.u32 s4, s0;
	[tilespmem:s2+$0xE570] =	vst v2;
	v2 =	vld [tilespmem:s3+$0x12500]  }
0xce: {  	s29 =	sand.u32 $0x3FFFFF80, s28;
	v30 =	vld [tilespmem:s4+$0x6F00]  }
0xcf: {  	v31 =	vld [tilespmem:s29+$0x12500];
	_ =	sdelay $0x2  }
0xd0: {  	s12 =	sshll.u32 s6, $0x7;
	v2 =	vadd.f32 v2, v3  }
0xd1: {  	s21 =	sand.u32 $0x3FFFFD00, s12  }
0xd2: {  	s17 =	sshll.u32 s20, $0x7;
	[tilespmem:s21+$0xE500] =	vst v2;
	v2 =	vadd.f32 v31, v30  }
0xd3: {  	s2 =	sand.u32 $0x3FFFFD00, s17;
	v3 =	vld [tilespmem:s19+$0x6710]  }
0xd4: {  	v32 =	vld [tilespmem:s3+$0x12510];
	[tilespmem:s2+$0xE500] =	vst v2  }
0xd5: {  	v2 =	vld [tilespmem:s4+$0x6F10]  }
0xd6: {  	v33 =	vld [tilespmem:s29+$0x12510];
	_ =	sdelay $0x2  }
0xd7: {  	v3 =	vadd.f32 v32, v3;
	_ =	sdelay $0x1  }
0xd8: {  	[tilespmem:s21+$0xE510] =	vst v3;
	v2 =	vadd.f32 v33, v2  }
0xd9: {  	v3 =	vld [tilespmem:s19+$0x6720]  }
0xda: {  	v34 =	vld [tilespmem:s3+$0x12520];
	[tilespmem:s2+$0xE510] =	vst v2  }
0xdb: {  	(v2sf) =	vpush v1, $0x5;
	v2 =	vld [tilespmem:s4+$0x6F20]  }
0xdc: {  	v35 =	vld [tilespmem:s29+$0x12520];
	_ =	sdelay $0x2  }
0xdd: {  	v3 =	vadd.f32 v34, v3;
	_ =	sdelay $0x1  }
0xde: {  	[tilespmem:s21+$0xE520] =	vst v3;
	v2 =	vadd.f32 v35, v2  }
0xdf: {  	v3 =	vld [tilespmem:s19+$0x6730]  }
0xe0: {  	v36 =	vld [tilespmem:s3+$0x12530];
	[tilespmem:s2+$0xE520] =	vst v2  }
0xe1: {  	v2 =	vld [tilespmem:s4+$0x6F30]  }
0xe2: {  	v37 =	vld [tilespmem:s29+$0x12530];
	_ =	sdelay $0x2  }
0xe3: {  	v3 =	vadd.f32 v36, v3  }
0xe4: {  	s18 =	sand.u32 $0x40, s18  }
0xe5: {  	s6 =	sor.u32 s18, s0;
	s19 =	spop (v2sf);
	[tilespmem:s21+$0xE530] =	vst v3;
	v2 =	vadd.f32 v37, v2  }
0xe6: {  	s17 =	sand.u32 $0x40, s19;
	v3 =	vld [tilespmem:s6+$0x6780]  }
0xe7: {  	s17 =	sor.u32 s17, s0;
	v38 =	vld [tilespmem:s3+$0x12540];
	[tilespmem:s2+$0xE530] =	vst v2  }
0xe8: {  	v2 =	vld [tilespmem:s17+$0x6F80]  }
0xe9: {  	v39 =	vld [tilespmem:s29+$0x12540];
	_ =	sdelay $0x2  }
0xea: {  	v3 =	vadd.f32 v38, v3;
	_ =	sdelay $0x1  }
0xeb: {  	[tilespmem:s21+$0xE540] =	vst v3;
	v2 =	vadd.f32 v39, v2  }
0xec: {  	v3 =	vld [tilespmem:s6+$0x6790]  }
0xed: {  	v40 =	vld [tilespmem:s3+$0x12550];
	[tilespmem:s2+$0xE540] =	vst v2  }
0xee: {  	v2 =	vld [tilespmem:s17+$0x6F90]  }
0xef: {  	v41 =	vld [tilespmem:s29+$0x12550];
	_ =	sdelay $0x2  }
0xf0: {  	v3 =	vadd.f32 v40, v3;
	_ =	sdelay $0x1  }
0xf1: {  	[tilespmem:s21+$0xE550] =	vst v3;
	v2 =	vadd.f32 v41, v2  }
0xf2: {  	v3 =	vld [tilespmem:s6+$0x67A0]  }
0xf3: {  	v42 =	vld [tilespmem:s3+$0x12560];
	[tilespmem:s2+$0xE550] =	vst v2  }
0xf4: {  	(v2sf) =	vpush v1, $0x6;
	v2 =	vld [tilespmem:s17+$0x6FA0]  }
0xf5: {  	v43 =	vld [tilespmem:s29+$0x12560];
	_ =	sdelay $0x2  }
0xf6: {  	v3 =	vadd.f32 v42, v3;
	_ =	sdelay $0x1  }
0xf7: {  	[tilespmem:s21+$0xE560] =	vst v3;
	v2 =	vadd.f32 v43, v2  }
0xf8: {  	v3 =	vld [tilespmem:s6+$0x67B0]  }
0xf9: {  	v44 =	vld [tilespmem:s3+$0x12570];
	[tilespmem:s2+$0xE560] =	vst v2  }
0xfa: {  	v2 =	vld [tilespmem:s17+$0x6FB0]  }
0xfb: {  	v45 =	vld [tilespmem:s29+$0x12570];
	_ =	sdelay $0x2  }
0xfc: {  	s28 =	sand.u32 $0x40, s16;
	s20 =	sor.u32 $0x3, s5;
	v3 =	vadd.f32 v44, v3  }
0xfd: {  	s16 =	sor.u32 s28, s0;
	s29 =	sadd.s32 s31, s20  }
0xfe: {  	s18 =	sor.u32 $0x3, s7;
	s17 =	sshll.u32 s29, $0x7;
	[tilespmem:s21+$0xE570] =	vst v3;
	v2 =	vadd.f32 v45, v2;
	s21 =	spop (v2sf)  }
0xff: {  	s28 =	sadd.s32 s31, s18;
	s3 =	sand.u32 $0x3FFFFF80, s17;
	v3 =	vld [tilespmem:s16+$0x6800];
	s4 =	sand.u32 $0x40, s21  }
0x100: {  	[tilespmem:s2+$0xE570] =	vst v2;
	v2 =	vld [tilespmem:s3+$0x12500];
	s29 =	sor.u32 s4, s0;
	s4 =	sshll.u32 s28, $0x7  }
0x101: {  	v46 =	vld [tilespmem:s29+$0x7000];
	s12 =	sand.u32 $0x3FFFFF80, s4  }
0x102: {  	v47 =	vld [tilespmem:s12+$0x12500];
	_ =	sdelay $0x2  }
0x103: {  	s19 =	sshll.u32 s20, $0x7;
	v2 =	vadd.f32 v2, v3  }
0x104: {  	s20 =	sand.u32 $0x3FFFFD80, s19  }
0x105: {  	s21 =	sshll.u32 s18, $0x7;
	[tilespmem:s20+$0xE500] =	vst v2;
	v2 =	vadd.f32 v47, v46  }
0x106: {  	s2 =	sand.u32 $0x3FFFFD80, s21;
	v3 =	vld [tilespmem:s16+$0x6810]  }
0x107: {  	v48 =	vld [tilespmem:s3+$0x12510];
	[tilespmem:s2+$0xE500] =	vst v2  }
0x108: {  	v2 =	vld [tilespmem:s29+$0x7010]  }
0x109: {  	v49 =	vld [tilespmem:s12+$0x12510];
	_ =	sdelay $0x2  }
0x10a: {  	v3 =	vadd.f32 v48, v3;
	_ =	sdelay $0x1  }
0x10b: {  	[tilespmem:s20+$0xE510] =	vst v3;
	v2 =	vadd.f32 v49, v2  }
0x10c: {  	v3 =	vld [tilespmem:s16+$0x6820]  }
0x10d: {  	v50 =	vld [tilespmem:s3+$0x12520];
	[tilespmem:s2+$0xE510] =	vst v2  }
0x10e: {  	(v2sf) =	vpush v1, $0x7;
	v2 =	vld [tilespmem:s29+$0x7020]  }
0x10f: {  	v51 =	vld [tilespmem:s12+$0x12520];
	_ =	sdelay $0x2  }
0x110: {  	v3 =	vadd.f32 v50, v3;
	_ =	sdelay $0x1  }
0x111: {  	[tilespmem:s20+$0xE520] =	vst v3;
	v2 =	vadd.f32 v51, v2  }
0x112: {  	v3 =	vld [tilespmem:s16+$0x6830]  }
0x113: {  	v52 =	vld [tilespmem:s3+$0x12530];
	[tilespmem:s2+$0xE520] =	vst v2  }
0x114: {  	v2 =	vld [tilespmem:s29+$0x7030]  }
0x115: {  	v53 =	vld [tilespmem:s12+$0x12530];
	_ =	sdelay $0x2  }
0x116: {  	v3 =	vadd.f32 v52, v3  }
0x117: {  	s28 =	sand.u32 $0x40, s15  }
0x118: {  	s6 =	sor.u32 s28, s0;
	s29 =	spop (v2sf);
	[tilespmem:s20+$0xE530] =	vst v3;
	v2 =	vadd.f32 v53, v2  }
0x119: {  	s15 =	sand.u32 $0x40, s29;
	v3 =	vld [tilespmem:s6+$0x6880]  }
0x11a: {  	s15 =	sor.u32 s15, s0;
	v54 =	vld [tilespmem:s3+$0x12540];
	[tilespmem:s2+$0xE530] =	vst v2  }
0x11b: {  	v2 =	vld [tilespmem:s15+$0x7080]  }
0x11c: {  	v55 =	vld [tilespmem:s12+$0x12540];
	_ =	sdelay $0x2  }
0x11d: {  	v3 =	vadd.f32 v54, v3;
	_ =	sdelay $0x1  }
0x11e: {  	[tilespmem:s20+$0xE540] =	vst v3;
	v2 =	vadd.f32 v55, v2  }
0x11f: {  	v3 =	vld [tilespmem:s6+$0x6890]  }
0x120: {  	v56 =	vld [tilespmem:s3+$0x12550];
	[tilespmem:s2+$0xE540] =	vst v2  }
0x121: {  	v2 =	vld [tilespmem:s15+$0x7090]  }
0x122: {  	v57 =	vld [tilespmem:s12+$0x12550];
	_ =	sdelay $0x2  }
0x123: {  	v3 =	vadd.f32 v56, v3;
	_ =	sdelay $0x1  }
0x124: {  	[tilespmem:s20+$0xE550] =	vst v3;
	v2 =	vadd.f32 v57, v2  }
0x125: {  	v3 =	vld [tilespmem:s6+$0x68A0]  }
0x126: {  	v58 =	vld [tilespmem:s3+$0x12560];
	[tilespmem:s2+$0xE550] =	vst v2  }
0x127: {  	(v2sf) =	vpush v1, $0x8;
	v2 =	vld [tilespmem:s15+$0x70A0]  }
0x128: {  	v59 =	vld [tilespmem:s12+$0x12560];
	_ =	sdelay $0x2  }
0x129: {  	v3 =	vadd.f32 v58, v3;
	_ =	sdelay $0x1  }
0x12a: {  	[tilespmem:s20+$0xE560] =	vst v3;
	v2 =	vadd.f32 v59, v2  }
0x12b: {  	v3 =	vld [tilespmem:s6+$0x68B0]  }
0x12c: {  	v60 =	vld [tilespmem:s3+$0x12570];
	[tilespmem:s2+$0xE560] =	vst v2  }
0x12d: {  	v2 =	vld [tilespmem:s15+$0x70B0]  }
0x12e: {  	v61 =	vld [tilespmem:s12+$0x12570];
	_ =	sdelay $0x2  }
0x12f: {  	s18 =	sand.u32 $0x40, s14;
	s16 =	sor.u32 $0x4, s5;
	v3 =	vadd.f32 v60, v3  }
0x130: {  	s14 =	sor.u32 s18, s0;
	s19 =	sadd.s32 s31, s16  }
0x131: {  	s21 =	sor.u32 $0x4, s7;
	s28 =	spop (v2sf);
	[tilespmem:s20+$0xE570] =	vst v3;
	s20 =	sshll.u32 s19, $0x7;
	v2 =	vadd.f32 v61, v2  }
0x132: {  	s29 =	sadd.s32 s31, s21;
	s4 =	sand.u32 $0x40, s28;
	v3 =	vld [tilespmem:s14+$0x6900];
	s3 =	sand.u32 $0x3FFFFF80, s20  }
0x133: {  	s4 =	sor.u32 s4, s0;
	s12 =	sshll.u32 s29, $0x7;
	[tilespmem:s2+$0xE570] =	vst v2;
	v2 =	vld [tilespmem:s3+$0x12500]  }
0x134: {  	s17 =	sand.u32 $0x3FFFFF80, s12;
	v62 =	vld [tilespmem:s4+$0x7100]  }
0x135: {  	v63 =	vld [tilespmem:s17+$0x12500];
	_ =	sdelay $0x2  }
0x136: {  	s18 =	sshll.u32 s16, $0x7;
	v2 =	vadd.f32 v2, v3  }
0x137: {  	s19 =	sand.u32 $0x3FFFFE00, s18  }
0x138: {  	s20 =	sshll.u32 s21, $0x7;
	[tilespmem:s19+$0xE500] =	vst v2;
	v2 =	vadd.f32 v63, v62  }
0x139: {  	s2 =	sand.u32 $0x3FFFFE00, s20;
	v3 =	vld [tilespmem:s14+$0x6910]  }
0x13a: {  	v8 =	vld [tilespmem:s3+$0x12510];
	[tilespmem:s2+$0xE500] =	vst v2  }
0x13b: {  	v2 =	vld [tilespmem:s4+$0x7110]  }
0x13c: {  	v9 =	vld [tilespmem:s17+$0x12510];
	_ =	sdelay $0x2  }
0x13d: {  	v3 =	vadd.f32 v8, v3;
	_ =	sdelay $0x1  }
0x13e: {  	[tilespmem:s19+$0xE510] =	vst v3;
	v2 =	vadd.f32 v9, v2  }
0x13f: {  	v3 =	vld [tilespmem:s14+$0x6920]  }
0x140: {  	v10 =	vld [tilespmem:s3+$0x12520];
	[tilespmem:s2+$0xE510] =	vst v2  }
0x141: {  	(v2sf) =	vpush v1, $0x9;
	v2 =	vld [tilespmem:s4+$0x7120]  }
0x142: {  	v11 =	vld [tilespmem:s17+$0x12520];
	_ =	sdelay $0x2  }
0x143: {  	v3 =	vadd.f32 v10, v3;
	_ =	sdelay $0x1  }
0x144: {  	[tilespmem:s19+$0xE520] =	vst v3;
	v2 =	vadd.f32 v11, v2  }
0x145: {  	v3 =	vld [tilespmem:s14+$0x6930]  }
0x146: {  	v12 =	vld [tilespmem:s3+$0x12530];
	[tilespmem:s2+$0xE520] =	vst v2  }
0x147: {  	v2 =	vld [tilespmem:s4+$0x7130]  }
0x148: {  	v13 =	vld [tilespmem:s17+$0x12530];
	_ =	sdelay $0x2  }
0x149: {  	v3 =	vadd.f32 v12, v3  }
0x14a: {  	s21 =	sand.u32 $0x40, s13  }
0x14b: {  	s28 =	spop (v2sf);
	s6 =	sor.u32 s21, s0;
	[tilespmem:s19+$0xE530] =	vst v3;
	v2 =	vadd.f32 v13, v2  }
0x14c: {  	s13 =	sand.u32 $0x40, s28;
	v3 =	vld [tilespmem:s6+$0x6980]  }
0x14d: {  	s13 =	sor.u32 s13, s0;
	v14 =	vld [tilespmem:s3+$0x12540];
	[tilespmem:s2+$0xE530] =	vst v2  }
0x14e: {  	v2 =	vld [tilespmem:s13+$0x7180]  }
0x14f: {  	v15 =	vld [tilespmem:s17+$0x12540];
	_ =	sdelay $0x2  }
0x150: {  	v3 =	vadd.f32 v14, v3;
	_ =	sdelay $0x1  }
0x151: {  	[tilespmem:s19+$0xE540] =	vst v3;
	v2 =	vadd.f32 v15, v2  }
0x152: {  	v3 =	vld [tilespmem:s6+$0x6990]  }
0x153: {  	v16 =	vld [tilespmem:s3+$0x12550];
	[tilespmem:s2+$0xE540] =	vst v2  }
0x154: {  	v2 =	vld [tilespmem:s13+$0x7190]  }
0x155: {  	v17 =	vld [tilespmem:s17+$0x12550];
	_ =	sdelay $0x2  }
0x156: {  	v3 =	vadd.f32 v16, v3;
	_ =	sdelay $0x1  }
0x157: {  	[tilespmem:s19+$0xE550] =	vst v3;
	v2 =	vadd.f32 v17, v2  }
0x158: {  	v3 =	vld [tilespmem:s6+$0x69A0]  }
0x159: {  	(v2sf) =	vpush v1, $0xA;
	v18 =	vld [tilespmem:s3+$0x12560];
	[tilespmem:s2+$0xE550] =	vst v2  }
0x15a: {  	v2 =	vld [tilespmem:s13+$0x71A0]  }
0x15b: {  	v19 =	vld [tilespmem:s17+$0x12560];
	_ =	sdelay $0x2  }
0x15c: {  	v3 =	vadd.f32 v18, v3;
	_ =	sdelay $0x1  }
0x15d: {  	[tilespmem:s19+$0xE560] =	vst v3;
	v2 =	vadd.f32 v19, v2  }
0x15e: {  	v3 =	vld [tilespmem:s6+$0x69B0]  }
0x15f: {  	v20 =	vld [tilespmem:s3+$0x12570];
	[tilespmem:s2+$0xE560] =	vst v2  }
0x160: {  	v2 =	vld [tilespmem:s13+$0x71B0]  }
0x161: {  	v21 =	vld [tilespmem:s17+$0x12570];
	_ =	sdelay $0x2  }
0x162: {  	s29 =	sor.u32 $0x5, s5;
	v3 =	vadd.f32 v20, v3  }
0x163: {  	s18 =	spop (v2sf);
	s14 =	sadd.s32 s31, s29;
	s13 =	sand.u32 $0x40, s23  }
0x164: {  	s16 =	sshll.u32 s14, $0x7;
	s17 =	sor.u32 $0x5, s7;
	s15 =	sor.u32 s13, s0;
	[tilespmem:s19+$0xE570] =	vst v3;
	v2 =	vadd.f32 v21, v2  }
0x165: {  	s4 =	sand.u32 $0x40, s18;
	s3 =	sand.u32 $0x3FFFFF80, s16;
	s19 =	sadd.s32 s31, s17;
	v3 =	vld [tilespmem:s15+$0x6A00]  }
0x166: {  	s20 =	sor.u32 s4, s0;
	s21 =	sshll.u32 s19, $0x7;
	[tilespmem:s2+$0xE570] =	vst v2;
	v2 =	vld [tilespmem:s3+$0x12500]  }
0x167: {  	s23 =	sand.u32 $0x3FFFFF80, s21;
	v22 =	vld [tilespmem:s20+$0x7200]  }
0x168: {  	v23 =	vld [tilespmem:s23+$0x12500];
	_ =	sdelay $0x2  }
0x169: {  	s28 =	sshll.u32 s29, $0x7;
	v2 =	vadd.f32 v2, v3  }
0x16a: {  	s29 =	sand.u32 $0x3FFFFE80, s28  }
0x16b: {  	s6 =	sshll.u32 s17, $0x7;
	[tilespmem:s29+$0xE500] =	vst v2;
	v2 =	vadd.f32 v23, v22  }
0x16c: {  	s2 =	sand.u32 $0x3FFFFE80, s6;
	v3 =	vld [tilespmem:s15+$0x6A10]  }
0x16d: {  	v24 =	vld [tilespmem:s3+$0x12510];
	[tilespmem:s2+$0xE500] =	vst v2  }
0x16e: {  	v2 =	vld [tilespmem:s20+$0x7210]  }
0x16f: {  	v25 =	vld [tilespmem:s23+$0x12510];
	_ =	sdelay $0x2  }
0x170: {  	v3 =	vadd.f32 v24, v3;
	_ =	sdelay $0x1  }
0x171: {  	[tilespmem:s29+$0xE510] =	vst v3;
	v2 =	vadd.f32 v25, v2  }
0x172: {  	v3 =	vld [tilespmem:s15+$0x6A20]  }
0x173: {  	v26 =	vld [tilespmem:s3+$0x12520];
	[tilespmem:s2+$0xE510] =	vst v2  }
0x174: {  	(v2sf) =	vpush v1, $0xB;
	v2 =	vld [tilespmem:s20+$0x7220]  }
0x175: {  	v27 =	vld [tilespmem:s23+$0x12520];
	_ =	sdelay $0x2  }
0x176: {  	v3 =	vadd.f32 v26, v3;
	_ =	sdelay $0x1  }
0x177: {  	[tilespmem:s29+$0xE520] =	vst v3;
	v2 =	vadd.f32 v27, v2  }
0x178: {  	v3 =	vld [tilespmem:s15+$0x6A30]  }
0x179: {  	v28 =	vld [tilespmem:s3+$0x12530];
	[tilespmem:s2+$0xE520] =	vst v2  }
0x17a: {  	v2 =	vld [tilespmem:s20+$0x7230]  }
0x17b: {  	v29 =	vld [tilespmem:s23+$0x12530];
	_ =	sdelay $0x2  }
0x17c: {  	v3 =	vadd.f32 v28, v3  }
0x17d: {  	s14 =	sand.u32 $0x40, s9  }
0x17e: {  	s6 =	sor.u32 s14, s0;
	s15 =	spop (v2sf);
	[tilespmem:s29+$0xE530] =	vst v3;
	v2 =	vadd.f32 v29, v2  }
0x17f: {  	s9 =	sand.u32 $0x40, s15;
	v3 =	vld [tilespmem:s6+$0x6A80]  }
0x180: {  	s9 =	sor.u32 s9, s0;
	v30 =	vld [tilespmem:s3+$0x12540];
	[tilespmem:s2+$0xE530] =	vst v2  }
0x181: {  	v2 =	vld [tilespmem:s9+$0x7280]  }
0x182: {  	v31 =	vld [tilespmem:s23+$0x12540];
	_ =	sdelay $0x2  }
0x183: {  	v3 =	vadd.f32 v30, v3;
	_ =	sdelay $0x1  }
0x184: {  	[tilespmem:s29+$0xE540] =	vst v3;
	v2 =	vadd.f32 v31, v2  }
0x185: {  	v3 =	vld [tilespmem:s6+$0x6A90]  }
0x186: {  	v32 =	vld [tilespmem:s3+$0x12550];
	[tilespmem:s2+$0xE540] =	vst v2  }
0x187: {  	v2 =	vld [tilespmem:s9+$0x7290]  }
0x188: {  	v33 =	vld [tilespmem:s23+$0x12550];
	_ =	sdelay $0x2  }
0x189: {  	v3 =	vadd.f32 v32, v3;
	_ =	sdelay $0x1  }
0x18a: {  	[tilespmem:s29+$0xE550] =	vst v3;
	v2 =	vadd.f32 v33, v2  }
0x18b: {  	v3 =	vld [tilespmem:s6+$0x6AA0]  }
0x18c: {  	v34 =	vld [tilespmem:s3+$0x12560];
	[tilespmem:s2+$0xE550] =	vst v2  }
0x18d: {  	(v2sf) =	vpush v1, $0xC;
	v2 =	vld [tilespmem:s9+$0x72A0]  }
0x18e: {  	v35 =	vld [tilespmem:s23+$0x12560];
	_ =	sdelay $0x2  }
0x18f: {  	v3 =	vadd.f32 v34, v3;
	_ =	sdelay $0x1  }
0x190: {  	[tilespmem:s29+$0xE560] =	vst v3;
	v2 =	vadd.f32 v35, v2  }
0x191: {  	v3 =	vld [tilespmem:s6+$0x6AB0]  }
0x192: {  	v36 =	vld [tilespmem:s3+$0x12570];
	[tilespmem:s2+$0xE560] =	vst v2  }
0x193: {  	v2 =	vld [tilespmem:s9+$0x72B0]  }
0x194: {  	v37 =	vld [tilespmem:s23+$0x12570];
	_ =	sdelay $0x2  }
0x195: {  	s5 =	sor.u32 $0x6, s5;
	s16 =	sand.u32 $0x40, s22;
	v3 =	vadd.f32 v36, v3  }
0x196: {  	s18 =	sor.u32 s16, s0;
	s17 =	sadd.s32 s31, s5  }
0x197: {  	s19 =	sshll.u32 s17, $0x7;
	s20 =	sor.u32 $0x6, s7;
	s21 =	spop (v2sf);
	[tilespmem:s29+$0xE570] =	vst v3;
	v2 =	vadd.f32 v37, v2  }
0x198: {  	s22 =	sadd.s32 s31, s20;
	s4 =	sand.u32 $0x40, s21;
	s3 =	sand.u32 $0x3FFFFF80, s19;
	v3 =	vld [tilespmem:s18+$0x6B00]  }
0x199: {  	s28 =	sshll.u32 s22, $0x7;
	s23 =	sor.u32 s4, s0;
	[tilespmem:s2+$0xE570] =	vst v2;
	v2 =	vld [tilespmem:s3+$0x12500]  }
0x19a: {  	s29 =	sand.u32 $0x3FFFFF80, s28;
	v38 =	vld [tilespmem:s23+$0x7300]  }
0x19b: {  	v39 =	vld [tilespmem:s29+$0x12500];
	_ =	sdelay $0x2  }
0x19c: {  	s5 =	sshll.u32 s5, $0x7;
	v2 =	vadd.f32 v2, v3  }
0x19d: {  	s5 =	sand.u32 $0x3FFFFF00, s5  }
0x19e: {  	s12 =	sshll.u32 s20, $0x7;
	[tilespmem:s5+$0xE500] =	vst v2;
	v2 =	vadd.f32 v39, v38  }
0x19f: {  	s2 =	sand.u32 $0x3FFFFF00, s12;
	v3 =	vld [tilespmem:s18+$0x6B10]  }
0x1a0: {  	v40 =	vld [tilespmem:s3+$0x12510];
	[tilespmem:s2+$0xE500] =	vst v2  }
0x1a1: {  	v2 =	vld [tilespmem:s23+$0x7310]  }
0x1a2: {  	v41 =	vld [tilespmem:s29+$0x12510];
	_ =	sdelay $0x2  }
0x1a3: {  	v3 =	vadd.f32 v40, v3;
	_ =	sdelay $0x1  }
0x1a4: {  	[tilespmem:s5+$0xE510] =	vst v3;
	v2 =	vadd.f32 v41, v2  }
0x1a5: {  	v3 =	vld [tilespmem:s18+$0x6B20]  }
0x1a6: {  	v42 =	vld [tilespmem:s3+$0x12520];
	[tilespmem:s2+$0xE510] =	vst v2  }
0x1a7: {  	(v2sf) =	vpush v1, $0xD;
	v2 =	vld [tilespmem:s23+$0x7320]  }
0x1a8: {  	v43 =	vld [tilespmem:s29+$0x12520];
	_ =	sdelay $0x2  }
0x1a9: {  	v3 =	vadd.f32 v42, v3;
	_ =	sdelay $0x1  }
0x1aa: {  	[tilespmem:s5+$0xE520] =	vst v3;
	v2 =	vadd.f32 v43, v2  }
0x1ab: {  	v3 =	vld [tilespmem:s18+$0x6B30]  }
0x1ac: {  	v44 =	vld [tilespmem:s3+$0x12530];
	[tilespmem:s2+$0xE520] =	vst v2  }
0x1ad: {  	v2 =	vld [tilespmem:s23+$0x7330]  }
0x1ae: {  	v45 =	vld [tilespmem:s29+$0x12530];
	_ =	sdelay $0x2  }
0x1af: {  	v3 =	vadd.f32 v44, v3  }
0x1b0: {  	s13 =	sand.u32 $0x40, s8  }
0x1b1: {  	s14 =	spop (v2sf);
	s6 =	sor.u32 s13, s0;
	[tilespmem:s5+$0xE530] =	vst v3;
	v2 =	vadd.f32 v45, v2  }
0x1b2: {  	s8 =	sand.u32 $0x40, s14;
	v3 =	vld [tilespmem:s6+$0x6B80]  }
0x1b3: {  	s8 =	sor.u32 s8, s0;
	v46 =	vld [tilespmem:s3+$0x12540];
	[tilespmem:s2+$0xE530] =	vst v2  }
0x1b4: {  	v2 =	vld [tilespmem:s8+$0x7380]  }
0x1b5: {  	v47 =	vld [tilespmem:s29+$0x12540];
	_ =	sdelay $0x2  }
0x1b6: {  	v3 =	vadd.f32 v46, v3;
	_ =	sdelay $0x1  }
0x1b7: {  	[tilespmem:s5+$0xE540] =	vst v3;
	v2 =	vadd.f32 v47, v2  }
0x1b8: {  	v3 =	vld [tilespmem:s6+$0x6B90]  }
0x1b9: {  	v48 =	vld [tilespmem:s3+$0x12550];
	[tilespmem:s2+$0xE540] =	vst v2  }
0x1ba: {  	v2 =	vld [tilespmem:s8+$0x7390]  }
0x1bb: {  	v49 =	vld [tilespmem:s29+$0x12550];
	_ =	sdelay $0x2  }
0x1bc: {  	v3 =	vadd.f32 v48, v3;
	_ =	sdelay $0x1  }
0x1bd: {  	[tilespmem:s5+$0xE550] =	vst v3;
	v2 =	vadd.f32 v49, v2  }
0x1be: {  	v3 =	vld [tilespmem:s6+$0x6BA0]  }
0x1bf: {  	v50 =	vld [tilespmem:s3+$0x12560];
	[tilespmem:s2+$0xE550] =	vst v2  }
0x1c0: {  	(v2sf) =	vpush v1, $0xE;
	v2 =	vld [tilespmem:s8+$0x73A0]  }
0x1c1: {  	v51 =	vld [tilespmem:s29+$0x12560];
	_ =	sdelay $0x2  }
0x1c2: {  	v3 =	vadd.f32 v50, v3;
	_ =	sdelay $0x1  }
0x1c3: {  	[tilespmem:s5+$0xE560] =	vst v3;
	v2 =	vadd.f32 v51, v2  }
0x1c4: {  	v3 =	vld [tilespmem:s6+$0x6BB0]  }
0x1c5: {  	v52 =	vld [tilespmem:s3+$0x12570];
	[tilespmem:s2+$0xE560] =	vst v2  }
0x1c6: {  	v2 =	vld [tilespmem:s8+$0x73B0]  }
0x1c7: {  	v53 =	vld [tilespmem:s29+$0x12570];
	_ =	sdelay $0x2  }
0x1c8: {  	s15 =	sshllo.u32 s1, $0x3;
	v3 =	vadd.f32 v52, v3  }
0x1c9: {  	s16 =	sand.u32 $0x40, s11;
	s17 =	sadd.s32 s31, s15;
	s20 =	sor.u32 $0x7, s7  }
0x1ca: {  	s19 =	sshll.u32 s17, $0x7;
	s21 =	spop (v2sf);
	s18 =	sor.u32 s16, s0;
	[tilespmem:s5+$0xE570] =	vst v3;
	v2 =	vadd.f32 v53, v2  }
0x1cb: {  	s7 =	sadd.s32 s31, s20;
	s3 =	sand.u32 $0x3FFFFF80, s19;
	s6 =	sand.u32 $0x40, s21;
	v3 =	vld [tilespmem:s18+$0x6C00]  }
0x1cc: {  	s22 =	sshll.u32 s7, $0x7;
	s6 =	sor.u32 s6, s0;
	[tilespmem:s2+$0xE570] =	vst v2;
	v2 =	vld [tilespmem:s3+$0x12500]  }
0x1cd: {  	s2 =	sand.u32 $0x3FFFFF80, s22;
	v54 =	vld [tilespmem:s6+$0x7400]  }
0x1ce: {  	v55 =	vld [tilespmem:s2+$0x12500];
	_ =	sdelay $0x2  }
0x1cf: {  	s4 =	sshll.u32 s15, $0x7;
	v2 =	vadd.f32 v2, v3  }
0x1d0: {  	s4 =	sand.u32 $0x3FFFFF80, s4  }
0x1d1: {  	s5 =	sshll.u32 s20, $0x7;
	[tilespmem:s4+$0xE500] =	vst v2;
	v2 =	vadd.f32 v55, v54  }
0x1d2: {  	s5 =	sand.u32 $0x3FFFFF80, s5;
	v3 =	vld [tilespmem:s18+$0x6C10]  }
0x1d3: {  	v56 =	vld [tilespmem:s3+$0x12510];
	[tilespmem:s5+$0xE500] =	vst v2  }
0x1d4: {  	v2 =	vld [tilespmem:s6+$0x7410]  }
0x1d5: {  	v57 =	vld [tilespmem:s2+$0x12510];
	_ =	sdelay $0x2  }
0x1d6: {  	v3 =	vadd.f32 v56, v3;
	_ =	sdelay $0x1  }
0x1d7: {  	[tilespmem:s4+$0xE510] =	vst v3;
	v2 =	vadd.f32 v57, v2  }
0x1d8: {  	v3 =	vld [tilespmem:s18+$0x6C20]  }
0x1d9: {  	v58 =	vld [tilespmem:s3+$0x12520];
	[tilespmem:s5+$0xE510] =	vst v2  }
0x1da: {  	(v2sf) =	vpush v1, $0xF;
	v2 =	vld [tilespmem:s6+$0x7420]  }
0x1db: {  	v1 =	vld [tilespmem:s2+$0x12520];
	_ =	sdelay $0x2  }
0x1dc: {  	v3 =	vadd.f32 v58, v3;
	_ =	sdelay $0x1  }
0x1dd: {  	[tilespmem:s4+$0xE520] =	vst v3;
	v1 =	vadd.f32 v1, v2  }
0x1de: {  	v2 =	vld [tilespmem:s18+$0x6C30]  }
0x1df: {  	v3 =	vld [tilespmem:s3+$0x12530];
	[tilespmem:s5+$0xE520] =	vst v1  }
0x1e0: {  	v1 =	vld [tilespmem:s6+$0x7430]  }
0x1e1: {  	v59 =	vld [tilespmem:s2+$0x12530];
	_ =	sdelay $0x2  }
0x1e2: {  	v2 =	vadd.f32 v3, v2  }
0x1e3: {  	s23 =	sand.u32 $0x40, s10  }
0x1e4: {  	s28 =	spop (v2sf);
	s6 =	sor.u32 s23, s0;
	[tilespmem:s4+$0xE530] =	vst v2;
	v1 =	vadd.f32 v59, v1  }
0x1e5: {  	s7 =	sand.u32 $0x40, s28;
	v2 =	vld [tilespmem:s6+$0x6C80]  }
0x1e6: {  	s0 =	sor.u32 s7, s0;
	v3 =	vld [tilespmem:s3+$0x12540];
	[tilespmem:s5+$0xE530] =	vst v1  }
0x1e7: {  	v1 =	vld [tilespmem:s0+$0x7480]  }
0x1e8: {  	v60 =	vld [tilespmem:s2+$0x12540];
	_ =	sdelay $0x2  }
0x1e9: {  	v2 =	vadd.f32 v3, v2;
	_ =	sdelay $0x1  }
0x1ea: {  	[tilespmem:s4+$0xE540] =	vst v2;
	v1 =	vadd.f32 v60, v1  }
0x1eb: {  	v2 =	vld [tilespmem:s6+$0x6C90]  }
0x1ec: {  	v3 =	vld [tilespmem:s3+$0x12550];
	[tilespmem:s5+$0xE540] =	vst v1  }
0x1ed: {  	v1 =	vld [tilespmem:s0+$0x7490]  }
0x1ee: {  	v61 =	vld [tilespmem:s2+$0x12550];
	_ =	sdelay $0x2  }
0x1ef: {  	v2 =	vadd.f32 v3, v2;
	_ =	sdelay $0x1  }
0x1f0: {  	[tilespmem:s4+$0xE550] =	vst v2;
	v1 =	vadd.f32 v61, v1  }
0x1f1: {  	v2 =	vld [tilespmem:s6+$0x6CA0]  }
0x1f2: {  	v3 =	vld [tilespmem:s3+$0x12560];
	[tilespmem:s5+$0xE550] =	vst v1  }
0x1f3: {  	v1 =	vld [tilespmem:s0+$0x74A0]  }
0x1f4: {  	v62 =	vld [tilespmem:s2+$0x12560];
	_ =	sdelay $0x2  }
0x1f5: {  	v2 =	vadd.f32 v3, v2;
	_ =	sdelay $0x1  }
0x1f6: {  	[tilespmem:s4+$0xE560] =	vst v2;
	v1 =	vadd.f32 v62, v1  }
0x1f7: {  	v2 =	vld [tilespmem:s6+$0x6CB0]  }
0x1f8: {  	v3 =	vld [tilespmem:s3+$0x12570];
	[tilespmem:s5+$0xE560] =	vst v1  }
0x1f9: {  	v1 =	vld [tilespmem:s0+$0x74B0]  }
0x1fa: {  	v63 =	vld [tilespmem:s2+$0x12570];
	_ =	sdelay $0x1  }
0x1fb: {  	p1 =	slt.u32 s1, $0x6  }
.Ltmp2:
0x1fc: {  	_ = 	snop;
	(pc) =	sbr.rel @p1 .LBB2_7-.Ltmp2, $4  }
0x1fd: {  	v2 =	vadd.f32 v3, v2  }
0x1fe: {  	v1 =	vadd.f32 v63, v1  }
0x1ff: {  	s29 =	sadd.s32 $0x2, s1;
	[tilespmem:s4+$0xE570] =	vst v2  }
0x200: {  	s1 =	smov.u32 s29;
	[tilespmem:s5+$0xE570] =	vst v1  }
0x201: {  	p1 =	sne.s32 s24, $0x63  }
.Ltmp3:
0x202: {  	s0 =	rddreg [dreg:$0x5];
	(pc) =	sbr.rel @p1 .LBB2_9-.Ltmp3, $4  }
0x203: {  	s0 =	sadd.s32 s0, s30  }
0x204: {  	s1 =	rddreg [dreg:$0x1];
	s0 =	sshll.u32 s0, $0x4  }
0x205: {  	s31 =	simm.s32 $0x0;
	s2 =	simm.s32 $0xE500;
	s0 =	sadd.s32 s1, s0  }
0x206: {  	[hbm4b:s0+s31] =	stream.linear.scatter [tilespmem:s2], [sflag:$0x3], $0x2000, $0x38;
	[tilespmem:$0x18900] =	vst v63  }
.Ltmp4:
0x207: {  	(pc) =	sbr.rel .LBB2_12-.Ltmp4, $4  }
0x208: {  	s0 =	simm.s32 $0x2  }
0x209: {  	_ =	swait.ge [sflag:s0], $0x4000  }
0x20a: {  	[sflag:s0] =	ssyncset.done $0x0  }
0x20b: {  	[sflag:s0] =	ssyncadd.s32 $0xFFFFC000  }
.LBB2_9:
0x20c: {  	v0 =	vld [tilespmem:s26+$0xFFFFFFF0]  }
0x20d: {  	v1 =	vld [tilespmem:s26+$0x0];
	_ =	sdelay $0x3  }
0x20e: {  	s0 =	simm.s32 $0x6410;
	s1 =	sadd.s32 $0x20, s26;
	v2 =	vshrl.u32 v0, $0x1  }
0x20f: {  	s2 =	simm.s32 $0x2;
	v0 =	vld [tilespmem:s1+$0xFFFFFFF0];
	v1 =	vshrl.u32 v1, $0x1;
	[tilespmem:s0+$0xFFFFFFF0] =	vst v2  }
.LBB2_10:
0x210: {  	s2 =	sadd.s32 $0x2, s2  }
0x211: {  	v2 =	vld [tilespmem:s1+$0x0];
	[tilespmem:s0+$0x0] =	vst v1;
	s0 =	sadd.s32 $0x20, s0;
	p1 =	slt.u32 s2, $0x6  }
.Ltmp5:
0x212: {  	(pc) =	sbr.rel @p1 .LBB2_10-.Ltmp5, $3  }
0x213: {  	_ =	sdelay $0x1  }
0x214: {  	s1 =	sadd.s32 $0x20, s1;
	v1 =	vshrl.u32 v0, $0x1  }
0x215: {  	v0 =	vld [tilespmem:s1+$0xFFFFFFF0];
	[tilespmem:s0+$0xFFFFFFF0] =	vst v1;
	v1 =	vshrl.u32 v2, $0x1  }
0x216: {  	v2 =	vld [tilespmem:s1+$0x0];
	_ =	sdelay $0x3  }
0x217: {  	[tilespmem:s0+$0x0] =	vst v1;
	s29 =	sadd.s32 $0x20, s0;
	v0 =	vshrl.u32 v0, $0x1  }
0x218: {  	[tilespmem:s29+$0xFFFFFFF0] =	vst v0;
	v63 =	vshrl.u32 v2, $0x1  }
0x219: {  	s30 =	simm.s32 $0x80;
	s2 =	simm.s32 $0x6400;
	s3 =	simm.s32 $0x6500;
	[tilespmem:s29+$0x0] =	vst v63  }
.Ltmp6:
0x21a: {  	s31 =	simm.s32 $0x2;
	s0 =	rddreg [dreg:$0x3];
	(pc) =	sbr.rel @p0 .LBB2_13-.Ltmp6, $4  }
0x21b: {  	[tilespmem:s3], [sflag:$0x1] =	stream.indirect.gather [hbm4b:s0+s30], $0x80, s2, s30, $0xb8;
	[tilespmem:$0x18900] =	vst v63  }
0x21c: {  	_ =	swait.ge [sflag:s31], $0x4000  }
0x21d: {  	[sflag:s31] =	ssyncset.done $0x0  }
0x21e: {  	[sflag:s31] =	ssyncadd.s32 $0xFFFFC000  }
.LBB2_12:
0x21f: {  	s0 =	simm.s32 $0x4  }
0x220: {  	_ =	swait.ge [sflag:s0], $0x2000  }
0x221: {  	[sflag:s0] =	ssyncset.done $0x0  }
0x222: {  	[sflag:s0] =	ssyncadd.s32 $0xFFFFE000  }
.LBB2_13:
0x223: {  	s0 =	rddreg [dreg:$0xa]  }
0x224: {  	s29 =	sshll.u32 s0, $0x6  }
0x225: {  	s0 =	smulhi.u32 $0x51EB851F, s29;
	_ =	sdelay $0x1  }
0x226: {  	s31 =	rddreg [dreg:$0x9];
	s0 =	sshrl.u32 s0, $0x5  }
0x227: {  	v0 =	vmov s31;
	s0 =	smul.u32 $0x64, s0;
	_ =	sdelay $0x1  }
0x228: {  	s1 =	simm.s32 $0x0;
	s30 =	ssub.s32 s29, s0  }
.LBB2_14:
0x229: {  	s0 =	sshll.u32 s1, $0x4  }
0x22a: {  	s2 =	sand.u32 $0x3FFFFFF0, s0  }
0x22b: {  	v1 =	vld.idx.msk [tilespmem:v0+s2+$0x0 ss:$0x1], $0xffff;
	_ =	sdelay $0x4  }
0x22c: {  	v1 =	vshll.u32 v1, $0x6  }
0x22d: {  	(v2sf) =	vpush v1, $0x0  }
0x22e: {  	(v2sf) =	vpush v1, $0x1  }
0x22f: {  	(v2sf) =	vpush v1, $0x2  }
0x230: {  	(v2sf) =	vpush v1, $0x3  }
0x231: {  	(v2sf) =	vpush v1, $0x4  }
0x232: {  	(v2sf) =	vpush v1, $0x5  }
0x233: {  	(v2sf) =	vpush v1, $0x6  }
0x234: {  	(v2sf) =	vpush v1, $0x7  }
0x235: {  	(v2sf) =	vpush v1, $0x8  }
0x236: {  	s6 =	sor.u32 $0x10, s0;
	(v2sf) =	vpush v1, $0x9  }
0x237: {  	v2 =	vld.idx.msk [tilespmem:v0+s6+$0x0 ss:$0x1], $0xffff;
	(v2sf) =	vpush v1, $0xA  }
0x238: {  	(v2sf) =	vpush v1, $0xB  }
0x239: {  	(v2sf) =	vpush v1, $0xC  }
0x23a: {  	(v2sf) =	vpush v1, $0xD  }
0x23b: {  	(v2sf) =	vpush v1, $0xE  }
0x23c: {  	s28 =	spop (v2sf);
	(v2sf) =	vpush v1, $0xF;
	v1 =	vshll.u32 v2, $0x6  }
0x23d: {  	s19 =	spop (v2sf);
	(v2sf) =	vpush v1, $0x0  }
0x23e: {  	s2 =	spop (v2sf)  }
0x23f: {  	s12 =	spop (v2sf)  }
0x240: {  	s21 =	spop (v2sf)  }
0x241: {  	s18 =	spop (v2sf)  }
0x242: {  	s16 =	spop (v2sf)  }
0x243: {  	s15 =	spop (v2sf)  }
0x244: {  	s14 =	spop (v2sf)  }
0x245: {  	s13 =	spop (v2sf)  }
0x246: {  	s23 =	spop (v2sf)  }
0x247: {  	s9 =	spop (v2sf)  }
0x248: {  	s5 =	sshll.u32 s1, $0x3;
	s4 =	sshll.u32 s1, $0xB;
	s22 =	spop (v2sf)  }
0x249: {  	s3 =	sadd.s32 s30, s5;
	s0 =	sand.u32 $0x3FFFF800, s4;
	s8 =	spop (v2sf)  }
0x24a: {  	s3 =	sshll.u32 s3, $0x7;
	s17 =	sshll.u32 s6, $0x7;
	s11 =	spop (v2sf)  }
0x24b: {  	s3 =	sand.u32 $0x3FFFFF80, s3;
	s7 =	sand.u32 $0x40, s28;
	s10 =	spop (v2sf)  }
0x24c: {  	s28 =	sor.u32 s7, s0;
	s7 =	sshrl.u32 s6, $0x1;
	s31 =	spop (v2sf)  }
0x24d: {  	s17 =	sand.u32 $0x3FFFF800, s17;
	v3 =	vld [tilespmem:s3+$0x12500];
	s20 =	sadd.s32 s30, s7;
	s4 =	sand.u32 $0x40, s31  }
0x24e: {  	v2 =	vld [tilespmem:s28+$0xA500];
	s31 =	sor.u32 s4, s17;
	s17 =	sshll.u32 s20, $0x7  }
0x24f: {  	v4 =	vld [tilespmem:s31+$0xA500];
	s4 =	sand.u32 $0x3FFFFF80, s17  }
0x250: {  	v5 =	vld [tilespmem:s4+$0x12500];
	_ =	sdelay $0x2  }
0x251: {  	v2 =	vadd.f32 v3, v2;
	s20 =	sshll.u32 s1, $0xA  }
0x252: {  	s17 =	sand.u32 $0x3FFFFC00, s20  }
0x253: {  	s6 =	sshll.u32 s6, $0x6;
	[tilespmem:s17+$0x10500] =	vst v2;
	v2 =	vadd.f32 v5, v4  }
0x254: {  	s20 =	sand.u32 $0x3FFFFC00, s6;
	v3 =	vld [tilespmem:s28+$0xA510]  }
0x255: {  	v56 =	vld [tilespmem:s3+$0x12510];
	[tilespmem:s20+$0x10500] =	vst v2  }
0x256: {  	v2 =	vld [tilespmem:s31+$0xA510]  }
0x257: {  	v57 =	vld [tilespmem:s4+$0x12510];
	_ =	sdelay $0x2  }
0x258: {  	v3 =	vadd.f32 v56, v3;
	_ =	sdelay $0x1  }
0x259: {  	[tilespmem:s17+$0x10510] =	vst v3;
	v2 =	vadd.f32 v57, v2  }
0x25a: {  	v3 =	vld [tilespmem:s28+$0xA520]  }
0x25b: {  	v58 =	vld [tilespmem:s3+$0x12520];
	[tilespmem:s20+$0x10510] =	vst v2  }
0x25c: {  	(v2sf) =	vpush v1, $0x1;
	v2 =	vld [tilespmem:s31+$0xA520]  }
0x25d: {  	v59 =	vld [tilespmem:s4+$0x12520];
	_ =	sdelay $0x2  }
0x25e: {  	v3 =	vadd.f32 v58, v3;
	_ =	sdelay $0x1  }
0x25f: {  	[tilespmem:s17+$0x10520] =	vst v3;
	v2 =	vadd.f32 v59, v2  }
0x260: {  	v3 =	vld [tilespmem:s28+$0xA530]  }
0x261: {  	v60 =	vld [tilespmem:s3+$0x12530];
	[tilespmem:s20+$0x10520] =	vst v2  }
0x262: {  	v2 =	vld [tilespmem:s31+$0xA530]  }
0x263: {  	v61 =	vld [tilespmem:s4+$0x12530];
	_ =	sdelay $0x2  }
0x264: {  	v3 =	vadd.f32 v60, v3  }
0x265: {  	s28 =	sand.u32 $0x40, s19  }
0x266: {  	s6 =	sor.u32 s28, s0;
	[tilespmem:s17+$0x10530] =	vst v3;
	s31 =	spop (v2sf);
	v2 =	vadd.f32 v61, v2  }
0x267: {  	v3 =	vld [tilespmem:s6+$0xA580];
	s19 =	sand.u32 $0x40, s31  }
0x268: {  	v62 =	vld [tilespmem:s3+$0x12540];
	s19 =	sor.u32 s19, s0;
	[tilespmem:s20+$0x10530] =	vst v2  }
0x269: {  	v2 =	vld [tilespmem:s19+$0xAD80]  }
0x26a: {  	v63 =	vld [tilespmem:s4+$0x12540];
	_ =	sdelay $0x2  }
0x26b: {  	v3 =	vadd.f32 v62, v3;
	_ =	sdelay $0x1  }
0x26c: {  	[tilespmem:s17+$0x10540] =	vst v3;
	v2 =	vadd.f32 v63, v2  }
0x26d: {  	v3 =	vld [tilespmem:s6+$0xA590]  }
0x26e: {  	v8 =	vld [tilespmem:s3+$0x12550];
	[tilespmem:s20+$0x10540] =	vst v2  }
0x26f: {  	v2 =	vld [tilespmem:s19+$0xAD90]  }
0x270: {  	v9 =	vld [tilespmem:s4+$0x12550];
	_ =	sdelay $0x2  }
0x271: {  	v3 =	vadd.f32 v8, v3;
	_ =	sdelay $0x1  }
0x272: {  	[tilespmem:s17+$0x10550] =	vst v3;
	v2 =	vadd.f32 v9, v2  }
0x273: {  	v3 =	vld [tilespmem:s6+$0xA5A0]  }
0x274: {  	v10 =	vld [tilespmem:s3+$0x12560];
	[tilespmem:s20+$0x10550] =	vst v2  }
0x275: {  	(v2sf) =	vpush v1, $0x2;
	v2 =	vld [tilespmem:s19+$0xADA0]  }
0x276: {  	v11 =	vld [tilespmem:s4+$0x12560];
	_ =	sdelay $0x2  }
0x277: {  	v3 =	vadd.f32 v10, v3;
	_ =	sdelay $0x1  }
0x278: {  	[tilespmem:s17+$0x10560] =	vst v3;
	v2 =	vadd.f32 v11, v2  }
0x279: {  	v3 =	vld [tilespmem:s6+$0xA5B0]  }
0x27a: {  	v12 =	vld [tilespmem:s3+$0x12570];
	[tilespmem:s20+$0x10560] =	vst v2  }
0x27b: {  	v2 =	vld [tilespmem:s19+$0xADB0]  }
0x27c: {  	v13 =	vld [tilespmem:s4+$0x12570];
	_ =	sdelay $0x2  }
0x27d: {  	s6 =	sor.u32 $0x1, s5;
	v3 =	vadd.f32 v12, v3  }
0x27e: {  	s2 =	sand.u32 $0x40, s2;
	s28 =	sor.u32 $0x1, s7;
	s4 =	sadd.s32 s30, s6  }
0x27f: {  	s31 =	spop (v2sf);
	s19 =	sor.u32 s2, s0;
	[tilespmem:s17+$0x10570] =	vst v3;
	s17 =	sshll.u32 s4, $0x7;
	v2 =	vadd.f32 v13, v2  }
0x280: {  	v3 =	vld [tilespmem:s19+$0xA600];
	s3 =	sand.u32 $0x3FFFFF80, s17;
	s17 =	sand.u32 $0x40, s31;
	s31 =	sadd.s32 s30, s28  }
0x281: {  	[tilespmem:s20+$0x10570] =	vst v2;
	v2 =	vld [tilespmem:s3+$0x12500];
	s20 =	sor.u32 s17, s0;
	s17 =	sshll.u32 s31, $0x7  }
0x282: {  	v14 =	vld [tilespmem:s20+$0xAE00];
	s4 =	sand.u32 $0x3FFFFF80, s17  }
0x283: {  	v15 =	vld [tilespmem:s4+$0x12500];
	_ =	sdelay $0x2  }
0x284: {  	s31 =	sshll.u32 s6, $0x7;
	v2 =	vadd.f32 v2, v3  }
0x285: {  	s17 =	sand.u32 $0x3FFFFC80, s31  }
0x286: {  	s6 =	sshll.u32 s28, $0x7;
	[tilespmem:s17+$0x10500] =	vst v2;
	v2 =	vadd.f32 v15, v14  }
0x287: {  	s2 =	sand.u32 $0x3FFFFC80, s6;
	v3 =	vld [tilespmem:s19+$0xA610]  }
0x288: {  	v16 =	vld [tilespmem:s3+$0x12510];
	[tilespmem:s2+$0x10500] =	vst v2  }
0x289: {  	v2 =	vld [tilespmem:s20+$0xAE10]  }
0x28a: {  	v17 =	vld [tilespmem:s4+$0x12510];
	_ =	sdelay $0x2  }
0x28b: {  	v3 =	vadd.f32 v16, v3;
	_ =	sdelay $0x1  }
0x28c: {  	[tilespmem:s17+$0x10510] =	vst v3;
	v2 =	vadd.f32 v17, v2  }
0x28d: {  	v3 =	vld [tilespmem:s19+$0xA620]  }
0x28e: {  	v18 =	vld [tilespmem:s3+$0x12520];
	[tilespmem:s2+$0x10510] =	vst v2  }
0x28f: {  	(v2sf) =	vpush v1, $0x3;
	v2 =	vld [tilespmem:s20+$0xAE20]  }
0x290: {  	v19 =	vld [tilespmem:s4+$0x12520];
	_ =	sdelay $0x2  }
0x291: {  	v3 =	vadd.f32 v18, v3;
	_ =	sdelay $0x1  }
0x292: {  	[tilespmem:s17+$0x10520] =	vst v3;
	v2 =	vadd.f32 v19, v2  }
0x293: {  	v3 =	vld [tilespmem:s19+$0xA630]  }
0x294: {  	v20 =	vld [tilespmem:s3+$0x12530];
	[tilespmem:s2+$0x10520] =	vst v2  }
0x295: {  	v2 =	vld [tilespmem:s20+$0xAE30]  }
0x296: {  	v21 =	vld [tilespmem:s4+$0x12530];
	_ =	sdelay $0x2  }
0x297: {  	v3 =	vadd.f32 v20, v3  }
0x298: {  	s28 =	sand.u32 $0x40, s12  }
0x299: {  	s6 =	sor.u32 s28, s0;
	s31 =	spop (v2sf);
	[tilespmem:s17+$0x10530] =	vst v3;
	v2 =	vadd.f32 v21, v2  }
0x29a: {  	s12 =	sand.u32 $0x40, s31;
	v3 =	vld [tilespmem:s6+$0xA680]  }
0x29b: {  	s12 =	sor.u32 s12, s0;
	v22 =	vld [tilespmem:s3+$0x12540];
	[tilespmem:s2+$0x10530] =	vst v2  }
0x29c: {  	v2 =	vld [tilespmem:s12+$0xAE80]  }
0x29d: {  	v23 =	vld [tilespmem:s4+$0x12540];
	_ =	sdelay $0x2  }
0x29e: {  	v3 =	vadd.f32 v22, v3;
	_ =	sdelay $0x1  }
0x29f: {  	[tilespmem:s17+$0x10540] =	vst v3;
	v2 =	vadd.f32 v23, v2  }
0x2a0: {  	v3 =	vld [tilespmem:s6+$0xA690]  }
0x2a1: {  	v24 =	vld [tilespmem:s3+$0x12550];
	[tilespmem:s2+$0x10540] =	vst v2  }
0x2a2: {  	v2 =	vld [tilespmem:s12+$0xAE90]  }
0x2a3: {  	v25 =	vld [tilespmem:s4+$0x12550];
	_ =	sdelay $0x2  }
0x2a4: {  	v3 =	vadd.f32 v24, v3;
	_ =	sdelay $0x1  }
0x2a5: {  	[tilespmem:s17+$0x10550] =	vst v3;
	v2 =	vadd.f32 v25, v2  }
0x2a6: {  	v3 =	vld [tilespmem:s6+$0xA6A0]  }
0x2a7: {  	(v2sf) =	vpush v1, $0x4;
	v26 =	vld [tilespmem:s3+$0x12560];
	[tilespmem:s2+$0x10550] =	vst v2  }
0x2a8: {  	v2 =	vld [tilespmem:s12+$0xAEA0]  }
0x2a9: {  	v27 =	vld [tilespmem:s4+$0x12560];
	_ =	sdelay $0x2  }
0x2aa: {  	v3 =	vadd.f32 v26, v3;
	_ =	sdelay $0x1  }
0x2ab: {  	[tilespmem:s17+$0x10560] =	vst v3;
	v2 =	vadd.f32 v27, v2  }
0x2ac: {  	v3 =	vld [tilespmem:s6+$0xA6B0]  }
0x2ad: {  	v28 =	vld [tilespmem:s3+$0x12570];
	[tilespmem:s2+$0x10560] =	vst v2  }
0x2ae: {  	v2 =	vld [tilespmem:s12+$0xAEB0]  }
0x2af: {  	v29 =	vld [tilespmem:s4+$0x12570];
	_ =	sdelay $0x2  }
0x2b0: {  	s6 =	sor.u32 $0x2, s5;
	v3 =	vadd.f32 v28, v3  }
0x2b1: {  	s28 =	spop (v2sf);
	s4 =	sand.u32 $0x40, s21;
	s12 =	sadd.s32 s30, s6  }
0x2b2: {  	s20 =	sor.u32 $0x2, s7;
	s19 =	sor.u32 s4, s0;
	[tilespmem:s17+$0x10570] =	vst v3;
	s17 =	sshll.u32 s12, $0x7;
	v2 =	vadd.f32 v29, v2  }
0x2b3: {  	s31 =	sadd.s32 s30, s20;
	s4 =	sand.u32 $0x40, s28;
	v3 =	vld [tilespmem:s19+$0xA700];
	s3 =	sand.u32 $0x3FFFFF80, s17  }
0x2b4: {  	s28 =	sshll.u32 s31, $0x7;
	s4 =	sor.u32 s4, s0;
	[tilespmem:s2+$0x10570] =	vst v2;
	v2 =	vld [tilespmem:s3+$0x12500]  }
0x2b5: {  	s31 =	sand.u32 $0x3FFFFF80, s28;
	v30 =	vld [tilespmem:s4+$0xAF00]  }
0x2b6: {  	v31 =	vld [tilespmem:s31+$0x12500];
	_ =	sdelay $0x2  }
0x2b7: {  	s12 =	sshll.u32 s6, $0x7;
	v2 =	vadd.f32 v2, v3  }
0x2b8: {  	s21 =	sand.u32 $0x3FFFFD00, s12  }
0x2b9: {  	s17 =	sshll.u32 s20, $0x7;
	[tilespmem:s21+$0x10500] =	vst v2;
	v2 =	vadd.f32 v31, v30  }
0x2ba: {  	s2 =	sand.u32 $0x3FFFFD00, s17;
	v3 =	vld [tilespmem:s19+$0xA710]  }
0x2bb: {  	v32 =	vld [tilespmem:s3+$0x12510];
	[tilespmem:s2+$0x10500] =	vst v2  }
0x2bc: {  	v2 =	vld [tilespmem:s4+$0xAF10]  }
0x2bd: {  	v33 =	vld [tilespmem:s31+$0x12510];
	_ =	sdelay $0x2  }
0x2be: {  	v3 =	vadd.f32 v32, v3;
	_ =	sdelay $0x1  }
0x2bf: {  	[tilespmem:s21+$0x10510] =	vst v3;
	v2 =	vadd.f32 v33, v2  }
0x2c0: {  	v3 =	vld [tilespmem:s19+$0xA720]  }
0x2c1: {  	v34 =	vld [tilespmem:s3+$0x12520];
	[tilespmem:s2+$0x10510] =	vst v2  }
0x2c2: {  	(v2sf) =	vpush v1, $0x5;
	v2 =	vld [tilespmem:s4+$0xAF20]  }
0x2c3: {  	v35 =	vld [tilespmem:s31+$0x12520];
	_ =	sdelay $0x2  }
0x2c4: {  	v3 =	vadd.f32 v34, v3;
	_ =	sdelay $0x1  }
0x2c5: {  	[tilespmem:s21+$0x10520] =	vst v3;
	v2 =	vadd.f32 v35, v2  }
0x2c6: {  	v3 =	vld [tilespmem:s19+$0xA730]  }
0x2c7: {  	v36 =	vld [tilespmem:s3+$0x12530];
	[tilespmem:s2+$0x10520] =	vst v2  }
0x2c8: {  	v2 =	vld [tilespmem:s4+$0xAF30]  }
0x2c9: {  	v37 =	vld [tilespmem:s31+$0x12530];
	_ =	sdelay $0x2  }
0x2ca: {  	v3 =	vadd.f32 v36, v3  }
0x2cb: {  	s18 =	sand.u32 $0x40, s18  }
0x2cc: {  	s6 =	sor.u32 s18, s0;
	s19 =	spop (v2sf);
	[tilespmem:s21+$0x10530] =	vst v3;
	v2 =	vadd.f32 v37, v2  }
0x2cd: {  	s17 =	sand.u32 $0x40, s19;
	v3 =	vld [tilespmem:s6+$0xA780]  }
0x2ce: {  	s17 =	sor.u32 s17, s0;
	v38 =	vld [tilespmem:s3+$0x12540];
	[tilespmem:s2+$0x10530] =	vst v2  }
0x2cf: {  	v2 =	vld [tilespmem:s17+$0xAF80]  }
0x2d0: {  	v39 =	vld [tilespmem:s31+$0x12540];
	_ =	sdelay $0x2  }
0x2d1: {  	v3 =	vadd.f32 v38, v3;
	_ =	sdelay $0x1  }
0x2d2: {  	[tilespmem:s21+$0x10540] =	vst v3;
	v2 =	vadd.f32 v39, v2  }
0x2d3: {  	v3 =	vld [tilespmem:s6+$0xA790]  }
0x2d4: {  	v40 =	vld [tilespmem:s3+$0x12550];
	[tilespmem:s2+$0x10540] =	vst v2  }
0x2d5: {  	v2 =	vld [tilespmem:s17+$0xAF90]  }
0x2d6: {  	v41 =	vld [tilespmem:s31+$0x12550];
	_ =	sdelay $0x2  }
0x2d7: {  	v3 =	vadd.f32 v40, v3;
	_ =	sdelay $0x1  }
0x2d8: {  	[tilespmem:s21+$0x10550] =	vst v3;
	v2 =	vadd.f32 v41, v2  }
0x2d9: {  	v3 =	vld [tilespmem:s6+$0xA7A0]  }
0x2da: {  	v42 =	vld [tilespmem:s3+$0x12560];
	[tilespmem:s2+$0x10550] =	vst v2  }
0x2db: {  	(v2sf) =	vpush v1, $0x6;
	v2 =	vld [tilespmem:s17+$0xAFA0]  }
0x2dc: {  	v43 =	vld [tilespmem:s31+$0x12560];
	_ =	sdelay $0x2  }
0x2dd: {  	v3 =	vadd.f32 v42, v3;
	_ =	sdelay $0x1  }
0x2de: {  	[tilespmem:s21+$0x10560] =	vst v3;
	v2 =	vadd.f32 v43, v2  }
0x2df: {  	v3 =	vld [tilespmem:s6+$0xA7B0]  }
0x2e0: {  	v44 =	vld [tilespmem:s3+$0x12570];
	[tilespmem:s2+$0x10560] =	vst v2  }
0x2e1: {  	v2 =	vld [tilespmem:s17+$0xAFB0]  }
0x2e2: {  	v45 =	vld [tilespmem:s31+$0x12570];
	_ =	sdelay $0x2  }
0x2e3: {  	s28 =	sand.u32 $0x40, s16;
	s20 =	sor.u32 $0x3, s5;
	v3 =	vadd.f32 v44, v3  }
0x2e4: {  	s16 =	sor.u32 s28, s0;
	s31 =	sadd.s32 s30, s20  }
0x2e5: {  	s18 =	sor.u32 $0x3, s7;
	s17 =	sshll.u32 s31, $0x7;
	[tilespmem:s21+$0x10570] =	vst v3;
	v2 =	vadd.f32 v45, v2;
	s21 =	spop (v2sf)  }
0x2e6: {  	s28 =	sadd.s32 s30, s18;
	s3 =	sand.u32 $0x3FFFFF80, s17;
	v3 =	vld [tilespmem:s16+$0xA800];
	s4 =	sand.u32 $0x40, s21  }
0x2e7: {  	[tilespmem:s2+$0x10570] =	vst v2;
	v2 =	vld [tilespmem:s3+$0x12500];
	s31 =	sor.u32 s4, s0;
	s4 =	sshll.u32 s28, $0x7  }
0x2e8: {  	v46 =	vld [tilespmem:s31+$0xB000];
	s12 =	sand.u32 $0x3FFFFF80, s4  }
0x2e9: {  	v47 =	vld [tilespmem:s12+$0x12500];
	_ =	sdelay $0x2  }
0x2ea: {  	s19 =	sshll.u32 s20, $0x7;
	v2 =	vadd.f32 v2, v3  }
0x2eb: {  	s20 =	sand.u32 $0x3FFFFD80, s19  }
0x2ec: {  	s21 =	sshll.u32 s18, $0x7;
	[tilespmem:s20+$0x10500] =	vst v2;
	v2 =	vadd.f32 v47, v46  }
0x2ed: {  	s2 =	sand.u32 $0x3FFFFD80, s21;
	v3 =	vld [tilespmem:s16+$0xA810]  }
0x2ee: {  	v48 =	vld [tilespmem:s3+$0x12510];
	[tilespmem:s2+$0x10500] =	vst v2  }
0x2ef: {  	v2 =	vld [tilespmem:s31+$0xB010]  }
0x2f0: {  	v49 =	vld [tilespmem:s12+$0x12510];
	_ =	sdelay $0x2  }
0x2f1: {  	v3 =	vadd.f32 v48, v3;
	_ =	sdelay $0x1  }
0x2f2: {  	[tilespmem:s20+$0x10510] =	vst v3;
	v2 =	vadd.f32 v49, v2  }
0x2f3: {  	v3 =	vld [tilespmem:s16+$0xA820]  }
0x2f4: {  	v50 =	vld [tilespmem:s3+$0x12520];
	[tilespmem:s2+$0x10510] =	vst v2  }
0x2f5: {  	(v2sf) =	vpush v1, $0x7;
	v2 =	vld [tilespmem:s31+$0xB020]  }
0x2f6: {  	v51 =	vld [tilespmem:s12+$0x12520];
	_ =	sdelay $0x2  }
0x2f7: {  	v3 =	vadd.f32 v50, v3;
	_ =	sdelay $0x1  }
0x2f8: {  	[tilespmem:s20+$0x10520] =	vst v3;
	v2 =	vadd.f32 v51, v2  }
0x2f9: {  	v3 =	vld [tilespmem:s16+$0xA830]  }
0x2fa: {  	v52 =	vld [tilespmem:s3+$0x12530];
	[tilespmem:s2+$0x10520] =	vst v2  }
0x2fb: {  	v2 =	vld [tilespmem:s31+$0xB030]  }
0x2fc: {  	v53 =	vld [tilespmem:s12+$0x12530];
	_ =	sdelay $0x2  }
0x2fd: {  	v3 =	vadd.f32 v52, v3  }
0x2fe: {  	s28 =	sand.u32 $0x40, s15  }
0x2ff: {  	s6 =	sor.u32 s28, s0;
	s31 =	spop (v2sf);
	[tilespmem:s20+$0x10530] =	vst v3;
	v2 =	vadd.f32 v53, v2  }
0x300: {  	s15 =	sand.u32 $0x40, s31;
	v3 =	vld [tilespmem:s6+$0xA880]  }
0x301: {  	s15 =	sor.u32 s15, s0;
	v54 =	vld [tilespmem:s3+$0x12540];
	[tilespmem:s2+$0x10530] =	vst v2  }
0x302: {  	v2 =	vld [tilespmem:s15+$0xB080]  }
0x303: {  	v55 =	vld [tilespmem:s12+$0x12540];
	_ =	sdelay $0x2  }
0x304: {  	v3 =	vadd.f32 v54, v3;
	_ =	sdelay $0x1  }
0x305: {  	[tilespmem:s20+$0x10540] =	vst v3;
	v2 =	vadd.f32 v55, v2  }
0x306: {  	v3 =	vld [tilespmem:s6+$0xA890]  }
0x307: {  	v56 =	vld [tilespmem:s3+$0x12550];
	[tilespmem:s2+$0x10540] =	vst v2  }
0x308: {  	v2 =	vld [tilespmem:s15+$0xB090]  }
0x309: {  	v57 =	vld [tilespmem:s12+$0x12550];
	_ =	sdelay $0x2  }
0x30a: {  	v3 =	vadd.f32 v56, v3;
	_ =	sdelay $0x1  }
0x30b: {  	[tilespmem:s20+$0x10550] =	vst v3;
	v2 =	vadd.f32 v57, v2  }
0x30c: {  	v3 =	vld [tilespmem:s6+$0xA8A0]  }
0x30d: {  	v58 =	vld [tilespmem:s3+$0x12560];
	[tilespmem:s2+$0x10550] =	vst v2  }
0x30e: {  	(v2sf) =	vpush v1, $0x8;
	v2 =	vld [tilespmem:s15+$0xB0A0]  }
0x30f: {  	v59 =	vld [tilespmem:s12+$0x12560];
	_ =	sdelay $0x2  }
0x310: {  	v3 =	vadd.f32 v58, v3;
	_ =	sdelay $0x1  }
0x311: {  	[tilespmem:s20+$0x10560] =	vst v3;
	v2 =	vadd.f32 v59, v2  }
0x312: {  	v3 =	vld [tilespmem:s6+$0xA8B0]  }
0x313: {  	v60 =	vld [tilespmem:s3+$0x12570];
	[tilespmem:s2+$0x10560] =	vst v2  }
0x314: {  	v2 =	vld [tilespmem:s15+$0xB0B0]  }
0x315: {  	v61 =	vld [tilespmem:s12+$0x12570];
	_ =	sdelay $0x2  }
0x316: {  	s18 =	sand.u32 $0x40, s14;
	s16 =	sor.u32 $0x4, s5;
	v3 =	vadd.f32 v60, v3  }
0x317: {  	s14 =	sor.u32 s18, s0;
	s19 =	sadd.s32 s30, s16  }
0x318: {  	s21 =	sor.u32 $0x4, s7;
	s28 =	spop (v2sf);
	[tilespmem:s20+$0x10570] =	vst v3;
	s20 =	sshll.u32 s19, $0x7;
	v2 =	vadd.f32 v61, v2  }
0x319: {  	s31 =	sadd.s32 s30, s21;
	s4 =	sand.u32 $0x40, s28;
	v3 =	vld [tilespmem:s14+$0xA900];
	s3 =	sand.u32 $0x3FFFFF80, s20  }
0x31a: {  	s4 =	sor.u32 s4, s0;
	s12 =	sshll.u32 s31, $0x7;
	[tilespmem:s2+$0x10570] =	vst v2;
	v2 =	vld [tilespmem:s3+$0x12500]  }
0x31b: {  	s17 =	sand.u32 $0x3FFFFF80, s12;
	v62 =	vld [tilespmem:s4+$0xB100]  }
0x31c: {  	v63 =	vld [tilespmem:s17+$0x12500];
	_ =	sdelay $0x2  }
0x31d: {  	s18 =	sshll.u32 s16, $0x7;
	v2 =	vadd.f32 v2, v3  }
0x31e: {  	s19 =	sand.u32 $0x3FFFFE00, s18  }
0x31f: {  	s20 =	sshll.u32 s21, $0x7;
	[tilespmem:s19+$0x10500] =	vst v2;
	v2 =	vadd.f32 v63, v62  }
0x320: {  	s2 =	sand.u32 $0x3FFFFE00, s20;
	v3 =	vld [tilespmem:s14+$0xA910]  }
0x321: {  	v8 =	vld [tilespmem:s3+$0x12510];
	[tilespmem:s2+$0x10500] =	vst v2  }
0x322: {  	v2 =	vld [tilespmem:s4+$0xB110]  }
0x323: {  	v9 =	vld [tilespmem:s17+$0x12510];
	_ =	sdelay $0x2  }
0x324: {  	v3 =	vadd.f32 v8, v3;
	_ =	sdelay $0x1  }
0x325: {  	[tilespmem:s19+$0x10510] =	vst v3;
	v2 =	vadd.f32 v9, v2  }
0x326: {  	v3 =	vld [tilespmem:s14+$0xA920]  }
0x327: {  	v10 =	vld [tilespmem:s3+$0x12520];
	[tilespmem:s2+$0x10510] =	vst v2  }
0x328: {  	(v2sf) =	vpush v1, $0x9;
	v2 =	vld [tilespmem:s4+$0xB120]  }
0x329: {  	v11 =	vld [tilespmem:s17+$0x12520];
	_ =	sdelay $0x2  }
0x32a: {  	v3 =	vadd.f32 v10, v3;
	_ =	sdelay $0x1  }
0x32b: {  	[tilespmem:s19+$0x10520] =	vst v3;
	v2 =	vadd.f32 v11, v2  }
0x32c: {  	v3 =	vld [tilespmem:s14+$0xA930]  }
0x32d: {  	v12 =	vld [tilespmem:s3+$0x12530];
	[tilespmem:s2+$0x10520] =	vst v2  }
0x32e: {  	v2 =	vld [tilespmem:s4+$0xB130]  }
0x32f: {  	v13 =	vld [tilespmem:s17+$0x12530];
	_ =	sdelay $0x2  }
0x330: {  	v3 =	vadd.f32 v12, v3  }
0x331: {  	s21 =	sand.u32 $0x40, s13  }
0x332: {  	s28 =	spop (v2sf);
	s6 =	sor.u32 s21, s0;
	[tilespmem:s19+$0x10530] =	vst v3;
	v2 =	vadd.f32 v13, v2  }
0x333: {  	s13 =	sand.u32 $0x40, s28;
	v3 =	vld [tilespmem:s6+$0xA980]  }
0x334: {  	s13 =	sor.u32 s13, s0;
	v14 =	vld [tilespmem:s3+$0x12540];
	[tilespmem:s2+$0x10530] =	vst v2  }
0x335: {  	v2 =	vld [tilespmem:s13+$0xB180]  }
0x336: {  	v15 =	vld [tilespmem:s17+$0x12540];
	_ =	sdelay $0x2  }
0x337: {  	v3 =	vadd.f32 v14, v3;
	_ =	sdelay $0x1  }
0x338: {  	[tilespmem:s19+$0x10540] =	vst v3;
	v2 =	vadd.f32 v15, v2  }
0x339: {  	v3 =	vld [tilespmem:s6+$0xA990]  }
0x33a: {  	v16 =	vld [tilespmem:s3+$0x12550];
	[tilespmem:s2+$0x10540] =	vst v2  }
0x33b: {  	v2 =	vld [tilespmem:s13+$0xB190]  }
0x33c: {  	v17 =	vld [tilespmem:s17+$0x12550];
	_ =	sdelay $0x2  }
0x33d: {  	v3 =	vadd.f32 v16, v3;
	_ =	sdelay $0x1  }
0x33e: {  	[tilespmem:s19+$0x10550] =	vst v3;
	v2 =	vadd.f32 v17, v2  }
0x33f: {  	v3 =	vld [tilespmem:s6+$0xA9A0]  }
0x340: {  	(v2sf) =	vpush v1, $0xA;
	v18 =	vld [tilespmem:s3+$0x12560];
	[tilespmem:s2+$0x10550] =	vst v2  }
0x341: {  	v2 =	vld [tilespmem:s13+$0xB1A0]  }
0x342: {  	v19 =	vld [tilespmem:s17+$0x12560];
	_ =	sdelay $0x2  }
0x343: {  	v3 =	vadd.f32 v18, v3;
	_ =	sdelay $0x1  }
0x344: {  	[tilespmem:s19+$0x10560] =	vst v3;
	v2 =	vadd.f32 v19, v2  }
0x345: {  	v3 =	vld [tilespmem:s6+$0xA9B0]  }
0x346: {  	v20 =	vld [tilespmem:s3+$0x12570];
	[tilespmem:s2+$0x10560] =	vst v2  }
0x347: {  	v2 =	vld [tilespmem:s13+$0xB1B0]  }
0x348: {  	v21 =	vld [tilespmem:s17+$0x12570];
	_ =	sdelay $0x2  }
0x349: {  	s31 =	sor.u32 $0x5, s5;
	v3 =	vadd.f32 v20, v3  }
0x34a: {  	s18 =	spop (v2sf);
	s14 =	sadd.s32 s30, s31;
	s13 =	sand.u32 $0x40, s23  }
0x34b: {  	s16 =	sshll.u32 s14, $0x7;
	s17 =	sor.u32 $0x5, s7;
	s15 =	sor.u32 s13, s0;
	[tilespmem:s19+$0x10570] =	vst v3;
	v2 =	vadd.f32 v21, v2  }
0x34c: {  	s4 =	sand.u32 $0x40, s18;
	s3 =	sand.u32 $0x3FFFFF80, s16;
	s19 =	sadd.s32 s30, s17;
	v3 =	vld [tilespmem:s15+$0xAA00]  }
0x34d: {  	s20 =	sor.u32 s4, s0;
	s21 =	sshll.u32 s19, $0x7;
	[tilespmem:s2+$0x10570] =	vst v2;
	v2 =	vld [tilespmem:s3+$0x12500]  }
0x34e: {  	s23 =	sand.u32 $0x3FFFFF80, s21;
	v22 =	vld [tilespmem:s20+$0xB200]  }
0x34f: {  	v23 =	vld [tilespmem:s23+$0x12500];
	_ =	sdelay $0x2  }
0x350: {  	s28 =	sshll.u32 s31, $0x7;
	v2 =	vadd.f32 v2, v3  }
0x351: {  	s31 =	sand.u32 $0x3FFFFE80, s28  }
0x352: {  	s6 =	sshll.u32 s17, $0x7;
	[tilespmem:s31+$0x10500] =	vst v2;
	v2 =	vadd.f32 v23, v22  }
0x353: {  	s2 =	sand.u32 $0x3FFFFE80, s6;
	v3 =	vld [tilespmem:s15+$0xAA10]  }
0x354: {  	v24 =	vld [tilespmem:s3+$0x12510];
	[tilespmem:s2+$0x10500] =	vst v2  }
0x355: {  	v2 =	vld [tilespmem:s20+$0xB210]  }
0x356: {  	v25 =	vld [tilespmem:s23+$0x12510];
	_ =	sdelay $0x2  }
0x357: {  	v3 =	vadd.f32 v24, v3;
	_ =	sdelay $0x1  }
0x358: {  	[tilespmem:s31+$0x10510] =	vst v3;
	v2 =	vadd.f32 v25, v2  }
0x359: {  	v3 =	vld [tilespmem:s15+$0xAA20]  }
0x35a: {  	v26 =	vld [tilespmem:s3+$0x12520];
	[tilespmem:s2+$0x10510] =	vst v2  }
0x35b: {  	(v2sf) =	vpush v1, $0xB;
	v2 =	vld [tilespmem:s20+$0xB220]  }
0x35c: {  	v27 =	vld [tilespmem:s23+$0x12520];
	_ =	sdelay $0x2  }
0x35d: {  	v3 =	vadd.f32 v26, v3;
	_ =	sdelay $0x1  }
0x35e: {  	[tilespmem:s31+$0x10520] =	vst v3;
	v2 =	vadd.f32 v27, v2  }
0x35f: {  	v3 =	vld [tilespmem:s15+$0xAA30]  }
0x360: {  	v28 =	vld [tilespmem:s3+$0x12530];
	[tilespmem:s2+$0x10520] =	vst v2  }
0x361: {  	v2 =	vld [tilespmem:s20+$0xB230]  }
0x362: {  	v29 =	vld [tilespmem:s23+$0x12530];
	_ =	sdelay $0x2  }
0x363: {  	v3 =	vadd.f32 v28, v3  }
0x364: {  	s14 =	sand.u32 $0x40, s9  }
0x365: {  	s6 =	sor.u32 s14, s0;
	s15 =	spop (v2sf);
	[tilespmem:s31+$0x10530] =	vst v3;
	v2 =	vadd.f32 v29, v2  }
0x366: {  	s9 =	sand.u32 $0x40, s15;
	v3 =	vld [tilespmem:s6+$0xAA80]  }
0x367: {  	s9 =	sor.u32 s9, s0;
	v30 =	vld [tilespmem:s3+$0x12540];
	[tilespmem:s2+$0x10530] =	vst v2  }
0x368: {  	v2 =	vld [tilespmem:s9+$0xB280]  }
0x369: {  	v31 =	vld [tilespmem:s23+$0x12540];
	_ =	sdelay $0x2  }
0x36a: {  	v3 =	vadd.f32 v30, v3;
	_ =	sdelay $0x1  }
0x36b: {  	[tilespmem:s31+$0x10540] =	vst v3;
	v2 =	vadd.f32 v31, v2  }
0x36c: {  	v3 =	vld [tilespmem:s6+$0xAA90]  }
0x36d: {  	v32 =	vld [tilespmem:s3+$0x12550];
	[tilespmem:s2+$0x10540] =	vst v2  }
0x36e: {  	v2 =	vld [tilespmem:s9+$0xB290]  }
0x36f: {  	v33 =	vld [tilespmem:s23+$0x12550];
	_ =	sdelay $0x2  }
0x370: {  	v3 =	vadd.f32 v32, v3;
	_ =	sdelay $0x1  }
0x371: {  	[tilespmem:s31+$0x10550] =	vst v3;
	v2 =	vadd.f32 v33, v2  }
0x372: {  	v3 =	vld [tilespmem:s6+$0xAAA0]  }
0x373: {  	v34 =	vld [tilespmem:s3+$0x12560];
	[tilespmem:s2+$0x10550] =	vst v2  }
0x374: {  	(v2sf) =	vpush v1, $0xC;
	v2 =	vld [tilespmem:s9+$0xB2A0]  }
0x375: {  	v35 =	vld [tilespmem:s23+$0x12560];
	_ =	sdelay $0x2  }
0x376: {  	v3 =	vadd.f32 v34, v3;
	_ =	sdelay $0x1  }
0x377: {  	[tilespmem:s31+$0x10560] =	vst v3;
	v2 =	vadd.f32 v35, v2  }
0x378: {  	v3 =	vld [tilespmem:s6+$0xAAB0]  }
0x379: {  	v36 =	vld [tilespmem:s3+$0x12570];
	[tilespmem:s2+$0x10560] =	vst v2  }
0x37a: {  	v2 =	vld [tilespmem:s9+$0xB2B0]  }
0x37b: {  	v37 =	vld [tilespmem:s23+$0x12570];
	_ =	sdelay $0x2  }
0x37c: {  	s5 =	sor.u32 $0x6, s5;
	s16 =	sand.u32 $0x40, s22;
	v3 =	vadd.f32 v36, v3  }
0x37d: {  	s18 =	sor.u32 s16, s0;
	s17 =	sadd.s32 s30, s5  }
0x37e: {  	s19 =	sshll.u32 s17, $0x7;
	s20 =	sor.u32 $0x6, s7;
	s21 =	spop (v2sf);
	[tilespmem:s31+$0x10570] =	vst v3;
	v2 =	vadd.f32 v37, v2  }
0x37f: {  	s22 =	sadd.s32 s30, s20;
	s4 =	sand.u32 $0x40, s21;
	s3 =	sand.u32 $0x3FFFFF80, s19;
	v3 =	vld [tilespmem:s18+$0xAB00]  }
0x380: {  	s28 =	sshll.u32 s22, $0x7;
	s23 =	sor.u32 s4, s0;
	[tilespmem:s2+$0x10570] =	vst v2;
	v2 =	vld [tilespmem:s3+$0x12500]  }
0x381: {  	s31 =	sand.u32 $0x3FFFFF80, s28;
	v38 =	vld [tilespmem:s23+$0xB300]  }
0x382: {  	v39 =	vld [tilespmem:s31+$0x12500];
	_ =	sdelay $0x2  }
0x383: {  	s5 =	sshll.u32 s5, $0x7;
	v2 =	vadd.f32 v2, v3  }
0x384: {  	s5 =	sand.u32 $0x3FFFFF00, s5  }
0x385: {  	s12 =	sshll.u32 s20, $0x7;
	[tilespmem:s5+$0x10500] =	vst v2;
	v2 =	vadd.f32 v39, v38  }
0x386: {  	s2 =	sand.u32 $0x3FFFFF00, s12;
	v3 =	vld [tilespmem:s18+$0xAB10]  }
0x387: {  	v40 =	vld [tilespmem:s3+$0x12510];
	[tilespmem:s2+$0x10500] =	vst v2  }
0x388: {  	v2 =	vld [tilespmem:s23+$0xB310]  }
0x389: {  	v41 =	vld [tilespmem:s31+$0x12510];
	_ =	sdelay $0x2  }
0x38a: {  	v3 =	vadd.f32 v40, v3;
	_ =	sdelay $0x1  }
0x38b: {  	[tilespmem:s5+$0x10510] =	vst v3;
	v2 =	vadd.f32 v41, v2  }
0x38c: {  	v3 =	vld [tilespmem:s18+$0xAB20]  }
0x38d: {  	v42 =	vld [tilespmem:s3+$0x12520];
	[tilespmem:s2+$0x10510] =	vst v2  }
0x38e: {  	(v2sf) =	vpush v1, $0xD;
	v2 =	vld [tilespmem:s23+$0xB320]  }
0x38f: {  	v43 =	vld [tilespmem:s31+$0x12520];
	_ =	sdelay $0x2  }
0x390: {  	v3 =	vadd.f32 v42, v3;
	_ =	sdelay $0x1  }
0x391: {  	[tilespmem:s5+$0x10520] =	vst v3;
	v2 =	vadd.f32 v43, v2  }
0x392: {  	v3 =	vld [tilespmem:s18+$0xAB30]  }
0x393: {  	v44 =	vld [tilespmem:s3+$0x12530];
	[tilespmem:s2+$0x10520] =	vst v2  }
0x394: {  	v2 =	vld [tilespmem:s23+$0xB330]  }
0x395: {  	v45 =	vld [tilespmem:s31+$0x12530];
	_ =	sdelay $0x2  }
0x396: {  	v3 =	vadd.f32 v44, v3  }
0x397: {  	s13 =	sand.u32 $0x40, s8  }
0x398: {  	s14 =	spop (v2sf);
	s6 =	sor.u32 s13, s0;
	[tilespmem:s5+$0x10530] =	vst v3;
	v2 =	vadd.f32 v45, v2  }
0x399: {  	s8 =	sand.u32 $0x40, s14;
	v3 =	vld [tilespmem:s6+$0xAB80]  }
0x39a: {  	s8 =	sor.u32 s8, s0;
	v46 =	vld [tilespmem:s3+$0x12540];
	[tilespmem:s2+$0x10530] =	vst v2  }
0x39b: {  	v2 =	vld [tilespmem:s8+$0xB380]  }
0x39c: {  	v47 =	vld [tilespmem:s31+$0x12540];
	_ =	sdelay $0x2  }
0x39d: {  	v3 =	vadd.f32 v46, v3;
	_ =	sdelay $0x1  }
0x39e: {  	[tilespmem:s5+$0x10540] =	vst v3;
	v2 =	vadd.f32 v47, v2  }
0x39f: {  	v3 =	vld [tilespmem:s6+$0xAB90]  }
0x3a0: {  	v48 =	vld [tilespmem:s3+$0x12550];
	[tilespmem:s2+$0x10540] =	vst v2  }
0x3a1: {  	v2 =	vld [tilespmem:s8+$0xB390]  }
0x3a2: {  	v49 =	vld [tilespmem:s31+$0x12550];
	_ =	sdelay $0x2  }
0x3a3: {  	v3 =	vadd.f32 v48, v3;
	_ =	sdelay $0x1  }
0x3a4: {  	[tilespmem:s5+$0x10550] =	vst v3;
	v2 =	vadd.f32 v49, v2  }
0x3a5: {  	v3 =	vld [tilespmem:s6+$0xABA0]  }
0x3a6: {  	v50 =	vld [tilespmem:s3+$0x12560];
	[tilespmem:s2+$0x10550] =	vst v2  }
0x3a7: {  	(v2sf) =	vpush v1, $0xE;
	v2 =	vld [tilespmem:s8+$0xB3A0]  }
0x3a8: {  	v51 =	vld [tilespmem:s31+$0x12560];
	_ =	sdelay $0x2  }
0x3a9: {  	v3 =	vadd.f32 v50, v3;
	_ =	sdelay $0x1  }
0x3aa: {  	[tilespmem:s5+$0x10560] =	vst v3;
	v2 =	vadd.f32 v51, v2  }
0x3ab: {  	v3 =	vld [tilespmem:s6+$0xABB0]  }
0x3ac: {  	v52 =	vld [tilespmem:s3+$0x12570];
	[tilespmem:s2+$0x10560] =	vst v2  }
0x3ad: {  	v2 =	vld [tilespmem:s8+$0xB3B0]  }
0x3ae: {  	v53 =	vld [tilespmem:s31+$0x12570];
	_ =	sdelay $0x2  }
0x3af: {  	s15 =	sshllo.u32 s1, $0x3;
	v3 =	vadd.f32 v52, v3  }
0x3b0: {  	s16 =	sand.u32 $0x40, s11;
	s17 =	sadd.s32 s30, s15;
	s20 =	sor.u32 $0x7, s7  }
0x3b1: {  	s19 =	sshll.u32 s17, $0x7;
	s21 =	spop (v2sf);
	s18 =	sor.u32 s16, s0;
	[tilespmem:s5+$0x10570] =	vst v3;
	v2 =	vadd.f32 v53, v2  }
0x3b2: {  	s7 =	sadd.s32 s30, s20;
	s3 =	sand.u32 $0x3FFFFF80, s19;
	s6 =	sand.u32 $0x40, s21;
	v3 =	vld [tilespmem:s18+$0xAC00]  }
0x3b3: {  	s22 =	sshll.u32 s7, $0x7;
	s6 =	sor.u32 s6, s0;
	[tilespmem:s2+$0x10570] =	vst v2;
	v2 =	vld [tilespmem:s3+$0x12500]  }
0x3b4: {  	s2 =	sand.u32 $0x3FFFFF80, s22;
	v54 =	vld [tilespmem:s6+$0xB400]  }
0x3b5: {  	v55 =	vld [tilespmem:s2+$0x12500];
	_ =	sdelay $0x2  }
0x3b6: {  	s4 =	sshll.u32 s15, $0x7;
	v2 =	vadd.f32 v2, v3  }
0x3b7: {  	s4 =	sand.u32 $0x3FFFFF80, s4  }
0x3b8: {  	s5 =	sshll.u32 s20, $0x7;
	[tilespmem:s4+$0x10500] =	vst v2;
	v2 =	vadd.f32 v55, v54  }
0x3b9: {  	s5 =	sand.u32 $0x3FFFFF80, s5;
	v3 =	vld [tilespmem:s18+$0xAC10]  }
0x3ba: {  	v56 =	vld [tilespmem:s3+$0x12510];
	[tilespmem:s5+$0x10500] =	vst v2  }
0x3bb: {  	v2 =	vld [tilespmem:s6+$0xB410]  }
0x3bc: {  	v57 =	vld [tilespmem:s2+$0x12510];
	_ =	sdelay $0x2  }
0x3bd: {  	v3 =	vadd.f32 v56, v3;
	_ =	sdelay $0x1  }
0x3be: {  	[tilespmem:s4+$0x10510] =	vst v3;
	v2 =	vadd.f32 v57, v2  }
0x3bf: {  	v3 =	vld [tilespmem:s18+$0xAC20]  }
0x3c0: {  	v58 =	vld [tilespmem:s3+$0x12520];
	[tilespmem:s5+$0x10510] =	vst v2  }
0x3c1: {  	(v2sf) =	vpush v1, $0xF;
	v2 =	vld [tilespmem:s6+$0xB420]  }
0x3c2: {  	v1 =	vld [tilespmem:s2+$0x12520];
	_ =	sdelay $0x2  }
0x3c3: {  	v3 =	vadd.f32 v58, v3;
	_ =	sdelay $0x1  }
0x3c4: {  	[tilespmem:s4+$0x10520] =	vst v3;
	v1 =	vadd.f32 v1, v2  }
0x3c5: {  	v2 =	vld [tilespmem:s18+$0xAC30]  }
0x3c6: {  	v3 =	vld [tilespmem:s3+$0x12530];
	[tilespmem:s5+$0x10520] =	vst v1  }
0x3c7: {  	v1 =	vld [tilespmem:s6+$0xB430]  }
0x3c8: {  	v59 =	vld [tilespmem:s2+$0x12530];
	_ =	sdelay $0x2  }
0x3c9: {  	v2 =	vadd.f32 v3, v2  }
0x3ca: {  	s23 =	sand.u32 $0x40, s10  }
0x3cb: {  	s28 =	spop (v2sf);
	s6 =	sor.u32 s23, s0;
	[tilespmem:s4+$0x10530] =	vst v2;
	v1 =	vadd.f32 v59, v1  }
0x3cc: {  	s7 =	sand.u32 $0x40, s28;
	v2 =	vld [tilespmem:s6+$0xAC80]  }
0x3cd: {  	s0 =	sor.u32 s7, s0;
	v3 =	vld [tilespmem:s3+$0x12540];
	[tilespmem:s5+$0x10530] =	vst v1  }
0x3ce: {  	v1 =	vld [tilespmem:s0+$0xB480]  }
0x3cf: {  	v60 =	vld [tilespmem:s2+$0x12540];
	_ =	sdelay $0x2  }
0x3d0: {  	v2 =	vadd.f32 v3, v2;
	_ =	sdelay $0x1  }
0x3d1: {  	[tilespmem:s4+$0x10540] =	vst v2;
	v1 =	vadd.f32 v60, v1  }
0x3d2: {  	v2 =	vld [tilespmem:s6+$0xAC90]  }
0x3d3: {  	v3 =	vld [tilespmem:s3+$0x12550];
	[tilespmem:s5+$0x10540] =	vst v1  }
0x3d4: {  	v1 =	vld [tilespmem:s0+$0xB490]  }
0x3d5: {  	v61 =	vld [tilespmem:s2+$0x12550];
	_ =	sdelay $0x2  }
0x3d6: {  	v2 =	vadd.f32 v3, v2;
	_ =	sdelay $0x1  }
0x3d7: {  	[tilespmem:s4+$0x10550] =	vst v2;
	v1 =	vadd.f32 v61, v1  }
0x3d8: {  	v2 =	vld [tilespmem:s6+$0xACA0]  }
0x3d9: {  	v3 =	vld [tilespmem:s3+$0x12560];
	[tilespmem:s5+$0x10550] =	vst v1  }
0x3da: {  	v1 =	vld [tilespmem:s0+$0xB4A0]  }
0x3db: {  	v62 =	vld [tilespmem:s2+$0x12560];
	_ =	sdelay $0x2  }
0x3dc: {  	v2 =	vadd.f32 v3, v2;
	_ =	sdelay $0x1  }
0x3dd: {  	[tilespmem:s4+$0x10560] =	vst v2;
	v1 =	vadd.f32 v62, v1  }
0x3de: {  	v2 =	vld [tilespmem:s6+$0xACB0]  }
0x3df: {  	v3 =	vld [tilespmem:s3+$0x12570];
	[tilespmem:s5+$0x10560] =	vst v1  }
0x3e0: {  	v1 =	vld [tilespmem:s0+$0xB4B0]  }
0x3e1: {  	v63 =	vld [tilespmem:s2+$0x12570];
	_ =	sdelay $0x1  }
0x3e2: {  	p0 =	slt.u32 s1, $0x6  }
.Ltmp7:
0x3e3: {  	_ = 	snop;
	(pc) =	sbr.rel @p0 .LBB2_14-.Ltmp7, $4  }
0x3e4: {  	v2 =	vadd.f32 v3, v2  }
0x3e5: {  	v1 =	vadd.f32 v63, v1  }
0x3e6: {  	s31 =	sadd.s32 $0x2, s1;
	[tilespmem:s4+$0x10570] =	vst v2  }
0x3e7: {  	s1 =	smov.u32 s31;
	[tilespmem:s5+$0x10570] =	vst v1  }
0x3e8: {  	s24 =	sadd.s32 $0x1, s24  }
0x3e9: {  	p0 =	sne.s32 s24, $0x64  }
.Ltmp8:
0x3ea: {  	s0 =	rddreg [dreg:$0x5];
	(pc) =	sbr.rel @p0 .LBB2_4-.Ltmp8, $4  }
0x3eb: {  	s1 =	rddreg [dreg:$0x1];
	s0 =	sadd.s32 s0, s29  }
0x3ec: {  	s31 =	simm.s32 $0x0;
	s2 =	simm.s32 $0x10500;
	s0 =	sshll.u32 s0, $0x4  }
0x3ed: {  	s25 =	sadd.s32 $0x100, s25;
	s26 =	sadd.s32 $0x100, s26;
	s0 =	sadd.s32 s1, s0  }
0x3ee: {  	[hbm4b:s0+s31] =	stream.linear.scatter [tilespmem:s2], [sflag:$0x4], $0x2000, $0x38;
	[tilespmem:$0x18900] =	vst v63  }
0x3ef: {  	s0 =	simm.s32 $0x3  }
0x3f0: {  	_ =	swait.ge [sflag:s0], $0x2000  }
0x3f1: {  	[sflag:s0] =	ssyncset.done $0x0  }
0x3f2: {  	s1 =	simm.s32 $0x4;
	[sflag:s0] =	ssyncadd.s32 $0xFFFFE000  }
0x3f3: {  	_ =	swait.ge [sflag:s1], $0x2000  }
0x3f4: {  	s2 =	rddreg [dreg:$0x8]  }
0x3f5: {  	s31 =	rddreg [dreg:$0x7];
	s2 =	sadd.s32 $0x1, s2  }
0x3f6: {  	p0 =	sne.s32 s2, s31  }
.Ltmp9:
0x3f7: {  	_ = 	snop;
	(pc) =	sbr.rel @p0 .LBB2_1-.Ltmp9, $3  }
0x3f8: {  	_ =	sdelay $0x1  }
0x3f9: {  	[sflag:s1] =	ssyncset.done $0x0  }
0x3fa: {  	[sflag:s1] =	ssyncadd.s32 $0xFFFFE000  }
0x3fb: {  	_ =	sfence.sel $0x180000  }
0x3fc: {  	[bflag:$0x0] =	sbarrier.arrive $0xFFFF  }
0x3fd: {  	_ =	strace $0x90000047  }
0x3fe: {  	s0 =	stileid.u32;
	[bflag:$0x2] =	sbarrier.arrive $0xFFFF  }
0x3ff: {  	p0 =	sne.s32 s0, $0x0;
	s0 =	rddreg [dreg:$0x2]  }
0x400: {  	s0 =	sadd.s32 @!p0 $0x100000, s0  }
0x401: {  	[sflag:s0] =	ssyncadd.tile.s32 @!p0 $0x1;
	_ =	shalt  }
.Lfunc_end2:
_tile_overlayer_lowered:
.L_overlay_start_2:
0x402: {  	(tag) =	ssettag $0x2  }
0x403: {  	s0 =	rddreg [dreg:$0x0];
	s2 =	stileid.u32  }
0x404: {  	s1 =	rddreg [dreg:$0x1];
	p0 =	sne.s32 s2, $0x0  }
0x405: {  	s3 =	rddreg [dreg:$0x2];
	[bflag:$0x3] =	sbarrier.arrive $0xFFFF;
	s2 =	simm.s32 @!p0 $0x1C05  }
0x406: {  	[timem:s3], [sflag:s2] =	dma.local @!p0 [hbm:s0], s1  }
0x407: {  	s0 =	simm.s32 @!p0 $0x5  }
0x408: {  	_ =	swait.ge @!p0 [sflag:s0], s1  }
0x409: {  	s1 =	ssub.s32 @!p0 $0x0, s1;
	[sflag:s0] =	ssyncset.done @!p0 $0x0  }
0x40a: {  	[sflag:s0] =	ssyncadd.s32 @!p0 s1  }
0x40b: {  	[bflag:$0x3] =	sbarrier.arrive $0xFFFF  }
0x40c: {  	_ =	shalt  }

// kernel: sparse-core-data-format-call.cloned.1.call-start
scs
called_computation_lowered:
.L_overlay_start_0:
0x0: {  	s2 =	sld [smem:$0x3FD9]  }
0x1: {  	s3 =	sld [smem:$0x3FFE];
	_ =	sdelay $0x1  }
0x2: {  	s1 =	srdreg.scid  }
0x3: {  	s0 =	sand.u32 $0x1, s1  }
0x4: {  	s18 =	sshll.u32 s0, $0xA;
	s2 =	sadd.s32 s3, s2  }
0x5: {  	s2 =	sadd.s32 s2, s18  }
0x6: {  	[smem:$0x3FC5] =	sst s2  }
0x7: {  	_ = 	snop  }
0x8: {  	s2 =	sld [smem:$0x3FD0];
	(tm) =	ssettm $0x1  }
0x9: {  	s19 =	sld [smem:$0x3FFB];
	_ =	sdelay $0x3  }
0xa: {  	_ =	strace s19  }
0xb: {  	s3 =	sld [smem:$0x3FFC];
	_ =	sdelay $0x3  }
0xc: {  	_ =	strace s3  }
0xd: {  	s3 =	sld [smem:$0x3FFD];
	_ =	sdelay $0x3  }
0xe: {  	_ =	strace s3  }
0xf: {  	_ =	strace $0x8FFFFFFF  }
0x10: {  	s20 =	sld [smem:$0x3FDB];
	_ =	sdelay $0x1  }
0x11: {  	s4 =	simm.s32 $_scs_section_size  }
0x12: {  	s5 =	simm.s32 $_size__tile_overlayer_lowered;
	s6 =	simm.s32 $_tile_overlayer_lowered  }
0x13: {  	s23 =	simm.s32 $0x1BFF;
	s22 =	sshll.u32 s6, $0x1;
	s3 =	sadd.s32 s4, s20  }
0x14: {  	s7 =	simm.s32 $0x0;
	s21 =	sshll.u32 s5, $0x1;
	s5 =	sadd.s32 s22, s3  }
0x15: {  	[timem:s7], [sflag:s23] =	dma.local [hbm:s5], s21  }
0x16: {  	_ =	swait.ge [sflag:s23], s21  }
0x17: {  	s4 =	ssub.s32 $0x0, s21;
	[sflag:s23] =	ssyncset.done $0x0  }
0x18: {  	[sflag:s23] =	ssyncadd.s32 s4;
	_ =	sdelay $0x1  }
0x19: {  	s24 =	simm.s32 $0x1B8B  }
0x1a: {  	_ =	swait.ge [sflag:s24], $0x1  }
0x1b: {  	[sflag:s24] =	ssyncset.done $0x0  }
0x1c: {  	s26 =	simm.s32 $0x1B8E;
	s25 =	sld [smem:$0x3FFE];
	[sflag:s24] =	ssyncadd.s32 $0xFFFFFFFF  }
0x1d: {  	s27 =	simm.s32 $execute0_lowered;
	[smem:$0x3FD2] =	sst s26  }
0x1e: {  	s5 =	sshll.u32 s27, $0x1;
	_ =	strace $0x80000049;
	[dreg:$0x1] =	wrdreg $0xFFFFFFFF  }
0x1f: {  	s28 =	simm.s32 $_size_execute0_lowered;
	s3 =	sadd.s32 s3, s5;
	[dreg:$0x0] =	wrdreg $0x0  }
0x20: {  	s5 =	sshll.u32 s28, $0x1;
	[dreg:$0x2] =	wrdreg s3  }
0x21: {  	[dreg:$0x3] =	wrdreg s5  }
0x22: {  	[dreg:$0x4] =	wrdreg $0xC0  }
0x23: {  	_ =	task [dreg:s7], $0x5FFFF  }
0x24: {  	[dreg:$0x1] =	wrdreg $0xFFFFFFFF  }
0x25: {  	[dreg:$0x0] =	wrdreg $0x60  }
0x26: {  	[dreg:$0x2] =	wrdreg s25  }
0x27: {  	[dreg:$0x3] =	wrdreg s2  }
0x28: {  	[dreg:$0x4] =	wrdreg $0x9  }
0x29: {  	_ =	task.clear_ibuf [dreg:s7], $0x5FFFF;
	_ =	strace $0x90000049  }
0x2a: {  	s29 =	simm.s32 $0x9;
	_ =	strace $0x8000004B  }
0x2b: {  	_ =	swait.ge [sflag:s29], $0x1  }
0x2c: {  	[sflag:s29] =	ssyncadd.s32 $0xFFFFFFFF  }
0x2d: {  	_ =	strace $0x9000004B  }
0x2e: {  	_ =	sfence  }
0x2f: {  	s30 =	sld [smem:$0x0];
	_ =	sdelay $0x2  }
0x30: {  	s31 =	sshll.u32 s1, $0xD;
	s1 =	sshrl.u32 s1, $0x2  }
0x31: {  	s3 =	sand.u32 $0x4000, s31;
	s1 =	sadd.s32 s1, s30  }
0x32: {  	s0 =	sor.u32 s3, s0;
	s1 =	sshll.u32 s1, $0x11  }
0x33: {  	s0 =	sor.u32 s1, s0  }
0x34: {  	s0 =	sadd.s32 $0x8F2B, s0  }
0x35: {  	[sflag:s0] =	ssyncadd.remote.s32 $0x1  }
0x36: {  	_ =	sfence.sel $0xFFFF  }
0x37: {  	[dreg:$0x0] =	wrdreg $0xFFFFFFFF;
	(pc) =	sbr.abs _section_cstart, $3  }
0x38: {  	[dreg:$0x1] =	wrdreg $0xFFFFFFFF  }
0x39: {  	_ =	task.clear_ibuf [dreg:s7], $0x2FFFF;
	_ =	strace $0x9FFFFFFF  }
0x3a: {  	(tm) =	ssettm $0x7FFFFFFF  }
0x3b: {  	_ =	shalt  }
tec
execute0_lowered:
.L_overlay_start_1:
0x0: {  	(tag) =	ssettag $0x1  }
0x1: {  	s0 =	srdreg.scid  }
0x2: {  	s1 =	sshll.u32 s0, $0x4  }
0x3: {  	s0 =	stileid.u32;
	s1 =	sand.u32 $0x10, s1  }
0x4: {  	s1 =	sor.u32 s0, s1  }
0x5: {  	s6 =	rddreg [dreg:$0x0];
	s4 =	simm.s32 $0x1;
	s2 =	sshll.u32 s1, $0x7  }
0x6: {  	s7 =	simm.s32 $0x2;
	s12 =	simm.s32 $0x0;
	s1 =	ssub.s32 $0x1000, s2  }
0x7: {  	s8 =	simm.s32 $0x8000;
	s13 =	simm.s32 $0x0;
	s3 =	sand.u32 $0xF80, s1  }
0x8: {  	s9 =	simm.s32 $0x0;
	s5 =	sshrl.u32 s1, $0xC;
	p0 =	sne.s32 s3, $0x0  }
.Ltmp0:
0x9: {  	s1 =	rddreg [dreg:$0x2];
	s4 =	simm.s32 @!p0 $0x0;
	(pc) =	sbr.rel .LBB1_1-.Ltmp0, $4  }
0xa: {  	s11 =	simm.s32 $0x0;
	s3 =	rddreg [dreg:$0x1];
	s5 =	sadd.s32 s4, s5  }
0xb: {  	_ =	strace $0x8000004A;
	s4 =	simm.s32 $0x1;
	s5 =	smul.u32 $0xC8, s5  }
0xc: {  	s6 =	sadd.s32 $0xC00, s6;
	s10 =	smov.u32 s2;
	[sflag:s4] =	ssyncpa.u1 $0x0  }
0xd: {  	p0 =	por $0x0, $0x0;
	[sflag:s7] =	ssyncpa.u1 $0x0;
	s7 =	sor.u32 $0x1, s5  }
.LBB1_4:
0xe: {  	s16 =	sshll.u32 s13, $0x3;
	s17 =	sand.u32 $0x78, s13  }
0xf: {  	s30 =	sand.u32 $0x7E00, s13;
	s12 =	sshll.u32 s12, $0xF;
	s16 =	sand.u32 $0xC00, s16  }
0x10: {  	[tilespmem:s15+$0x810 ss:$0x81] =	vst.msk $0xffff, v2;
	s31 =	sand.u32 $0x7, s13;
	s16 =	sor.u32 s17, s16;
	s17 =	sadd.s32 s3, s30  }
0x11: {  	[tilespmem:s15+$0x1020 ss:$0x81] =	vst.msk $0xffff, v0;
	s13 =	sshll.u32 s31, $0x12;
	s12 =	sadd.s32 s12, s17;
	s16 =	sshrl.u32 s16, $0x3  }
0x12: {  	[tilespmem:s15+$0x0 ss:$0x81] =	vst.msk $0xffff, v1;
	s13 =	sor.u32 $0x400, s13;
	s12 =	sadd.s32 s16, s12  }
0x13: {  	[hbm4b:s12+s13] =	stream.strided.scatter [tilespmem:s14], [sflag:$0x2], $0x2000, s8, s13, $0x20;
	[tilespmem:$0x8080] =	vst v63  }
.LBB1_5:
0x14: {  	s14 =	sadd.s32 $0x1, s9  }
0x15: {  	s12 =	sadd.s32 $0x1000, s10;
	s16 =	smov.u32 s10;
	p2 =	sgt.s32 s14, $0xC7  }
0x16: {  	s16 =	smov.u32 @p2 s12  }
0x17: {  	s14 =	simm.s32 @p2 $0x0;
	p2 =	sgt.s32 s16, $0xFFF  }
0x18: {  	s16 =	smov.u32 @p2 s2;
	p2 =	sne.s32 s11, s7  }
.Ltmp1:
0x19: {  	p1 =	slt.u32 s11, $0x2;
	(pc) =	sbr.rel @!p2 .LBB1_6-.Ltmp1, $4  }
0x1a: {  	s15 =	simm.s32 @!p1 $0x2  }
0x1b: {  	s13 =	smov.u32 s10;
	p0 =	por !p0, !p0;
	_ =	swait.ge @!p1 [sflag:s15], $0x2000  }
0x1c: {  	s12 =	smov.u32 s9;
	[sflag:s15] =	ssyncset.done @!p1 $0x0;
	s9 =	smov.u32 s14  }
0x1d: {  	s11 =	sadd.s32 $0x1, s11;
	[sflag:s15] =	ssyncadd.s32 @!p1 $0xFFFFE000;
	s10 =	smov.u32 s16  }
.LBB1_1:
0x1e: {  	p1 =	sge.u32 s11, s5  }
0x1f: {  	s14 =	sand.u32 @!p1 $0x1FFFFFF, s9  }
0x20: {  	s15 =	smulhi.u32 @!p1 $0x147AE15, s14;
	_ =	sdelay $0x1  }
0x21: {  	s15 =	smul.u32 @!p1 $0xC8, s15  }
0x22: {  	s16 =	sxor.u32 @!p1 $0xFFFFFFFF, s11;
	s17 =	smul.u32 @!p1 $0xC80, s10  }
0x23: {  	s31 =	sadd.s32 $0xFFFFFFFF, s11;
	s16 =	sshll.u32 @!p1 s16, $0xD;
	s14 =	ssub.s32 @!p1 s14, s15  }
0x24: {  	s15 =	sand.u32 @!p1 $0x2000, s16;
	s16 =	sadd.s32 @!p1 s6, s17;
	s14 =	sshll.u32 @!p1 s14, $0x4  }
0x25: {  	s17 =	simm.s32 @!p1 $0x6400;
	s14 =	sadd.s32 @!p1 s14, s16;
	s16 =	simm.s32 @!p1 $0x40  }
0x26: {  	[tilespmem:s15], [sflag:$0x1] =	stream.strided.gather @!p1 [hbm4b:s14+s16], $0x2000, s17, s16, $0x38;
	[tilespmem:$0x8080] =	vst v63  }
0x27: {  	p1 =	sge.u32 s31, s5  }
.Ltmp2:
0x28: {  	_ = 	snop;
	(pc) =	sbr.rel @p1 .LBB1_5-.Ltmp2, $1  }
0x29: {  	_ =	sdelay $0x3  }
0x2a: {  	s14 =	simm.s32 $0x1  }
0x2b: {  	_ =	swait.ge [sflag:s4], $0x2000;
	s14 =	simm.s32 @!p0 $0x0  }
0x2c: {  	[sflag:s4] =	ssyncset.done $0x0;
	s15 =	sshll.u32 s14, $0xD  }
0x2d: {  	[sflag:s4] =	ssyncadd.s32 $0xFFFFE000;
	s18 =	sor.u32 $0x20, s15  }
0x2e: {  	s14 =	smul.u32 $0x8100, s14;
	v3 =	vld [tilespmem:s18+$0x10]  }
0x2f: {  	s30 =	sand.u32 $0x1, s11;
	v2 =	vld [tilespmem:s18+$0xFFFFFFF0]  }
0x30: {  	s15 =	smul.u32 $0x8100, s30;
	s14 =	sshrl.u32 s14, $0x2;
	v0 =	vld [tilespmem:s18+$0x0]  }
0x31: {  	v1 =	vld [tilespmem:s18+$0xFFFFFFE0];
	s16 =	sor.u32 $0x4000, s14  }
0x32: {  	s31 =	sshrl.u32 s15, $0x2;
	s15 =	sadd.s32 $0x0, s16  }
0x33: {  	s17 =	simm.s32 $0x4;
	s18 =	sadd.s32 $0x40, s18;
	s14 =	sor.u32 $0x4000, s31;
	[tilespmem:s15+$0x1830 ss:$0x81] =	vst.msk $0xffff, v3  }
.LBB1_3:
0x34: {  	v3 =	vld [tilespmem:s18+$0x10];
	p1 =	sne.s32 s17, $0x1FC;
	[tilespmem:s15+$0x810 ss:$0x81] =	vst.msk $0xffff, v2;
	s19 =	smov.u32 s17;
	s17 =	sadd.s32 $0x4, s17  }
.Ltmp3:
0x35: {  	v2 =	vld [tilespmem:s18+$0xFFFFFFF0];
	[tilespmem:s15+$0x1020 ss:$0x81] =	vst.msk $0xffff, v0;
	(pc) =	sbr.rel @p1 .LBB1_3-.Ltmp3, $4  }
0x36: {  	v0 =	vld [tilespmem:s18+$0x0];
	[tilespmem:s15+$0x0 ss:$0x81] =	vst.msk $0xffff, v1  }
0x37: {  	s15 =	sshra.s32 s19, $0x2;
	v1 =	vld [tilespmem:s18+$0xFFFFFFE0]  }
0x38: {  	s15 =	sadd.s32 s15, s16  }
0x39: {  	s18 =	sadd.s32 $0x40, s18;
	[tilespmem:s15+$0x1830 ss:$0x81] =	vst.msk $0xffff, v3  }
.Ltmp4:
0x3a: {  	_ = 	snop;
	(pc) =	sbr.rel .LBB1_4-.Ltmp4, $1  }
0x3b: {  	_ =	sdelay $0x3  }
.LBB1_6:
0x3c: {  	_ =	sfence.sel $0x180000  }
0x3d: {  	s2 =	simm.s32 $0x1;
	[bflag:$0x0] =	sbarrier.arrive $0xFFFF  }
0x3e: {  	s31 =	simm.s32 $0x2;
	[sflag:s2] =	ssyncpa.u1 $0x1  }
0x3f: {  	[sflag:s31] =	ssyncpa.u1 $0x1  }
0x40: {  	p0 =	sne.s32 s0, $0x0;
	_ =	strace $0x9000004A  }
0x41: {  	s0 =	sadd.s32 @!p0 $0x100000, s1;
	[bflag:$0x2] =	sbarrier.arrive $0xFFFF  }
0x42: {  	[sflag:s0] =	ssyncadd.tile.s32 @!p0 $0x1;
	_ =	shalt  }
.Lfunc_end1:
_tile_overlayer_lowered:
.L_overlay_start_2:
0x43: {  	(tag) =	ssettag $0x2  }
0x44: {  	s0 =	rddreg [dreg:$0x0];
	s2 =	stileid.u32  }
0x45: {  	s1 =	rddreg [dreg:$0x1];
	p0 =	sne.s32 s2, $0x0  }
0x46: {  	s3 =	rddreg [dreg:$0x2];
	[bflag:$0x3] =	sbarrier.arrive $0xFFFF;
	s2 =	simm.s32 @!p0 $0x1C01  }
0x47: {  	[timem:s3], [sflag:s2] =	dma.local @!p0 [hbm:s0], s1  }
0x48: {  	s0 =	simm.s32 @!p0 $0x1  }
0x49: {  	_ =	swait.ge @!p0 [sflag:s0], s1  }
0x4a: {  	s1 =	ssub.s32 @!p0 $0x0, s1;
	[sflag:s0] =	ssyncset.done @!p0 $0x0  }
0x4b: {  	[sflag:s0] =	ssyncadd.s32 @!p0 s1  }
0x4c: {  	[bflag:$0x3] =	sbarrier.arrive $0xFFFF  }
0x4d: {  	_ =	shalt  }

</sc_bundles>
